<compile_context>
chip_gen: v7x
topology: tpu7x:2x2x1
jax: 0.10.2.dev20260603
libtpu: 0.0.44.dev20260713+nightly
codegen_flags: <defaults>
</compile_context>

<pallas_src>
import functools

import numpy as np
import jax
import jax.numpy as jnp
from jax import lax
from jax.experimental import pallas as pl
from jax.experimental.pallas import tpu as pltpu
from jax.experimental.pallas import tpu_sc as plsc

B = 128
N = 32768
K_ACTIVE = 1639
NC, NS = 2, 16
NW = NC * NS
ROWS_PER_W = B // NW
NB1 = 1024
NB2 = 2048
NV = N // 16
M31 = np.int32(0x7FFFFFFF)
I32MIN = np.int32(-2147483648)


def _kwta_body(x_hbm, out_hbm, xbuf, compact, hist1, hist23, red, suf, in_sem, out_sem):
    lane = lax.iota(jnp.int32, 16)
    zeros16 = jnp.zeros((16,), jnp.int32)
    ones16 = jnp.ones((16,), jnp.int32)
    min16 = jnp.full((16,), I32MIN, jnp.int32)
    neg16 = jnp.full((16,), -1, jnp.int32)
    onef = jnp.ones((16,), jnp.float32)
    zerof = jnp.zeros((16,), jnp.float32)
    lane_h1 = lane * NB1 + 512
    lane_h2 = (lane & 1) * NB2
    mg = [(lane >> 1) == g for g in range(8)]
    wid = lax.axis_index("s") * NC + lax.axis_index("c")

    @plsc.parallel_loop(0, 16 * NB1 // 16, unroll=8)
    def _z1(i):
        hist1[pl.ds(i * 16, 16)] = zeros16

    @plsc.parallel_loop(0, 2 * NB2 // 16, unroll=8)
    def _z2(i):
        hist23[pl.ds(i * 16, 16)] = zeros16

    def level_select(hist_ref, nb, kk, reps):
        nchunks = nb // 16

        @plsc.parallel_loop(0, nchunks, unroll=8)
        def _reduce(c):
            acc = zeros16
            for l in range(reps):
                off = l * nb + c * 16
                acc = acc + hist_ref[pl.ds(off, 16)]
                hist_ref[pl.ds(off, 16)] = zeros16
            red[pl.ds(c * 16, 16)] = acc

        kk16 = jnp.full((16,), kk, jnp.int32)

        @plsc.parallel_loop(0, nchunks, unroll=4, carry=(jnp.int32(0), zeros16))
        def _suf(j, carry):
            carry_sum, cnt_acc = carry
            c = nchunks - 1 - j
            v = red[pl.ds(c * 16, 16)]
            rv = lax.rev(v, (0,))
            incl = lax.rev(plsc.cumsum(rv), (0,))
            sufc = incl - v + jnp.full((16,), carry_sum, jnp.int32)
            suf[pl.ds(c * 16, 16)] = sufc
            cnt_acc = cnt_acc + jnp.where(sufc >= kk16, ones16, zeros16)
            return carry_sum + incl[0], cnt_acc

        _, cnt_acc = _suf
        bstar = jnp.sum(cnt_acc)
        bsplat = jnp.full((16,), bstar, jnp.int32)
        cstar = jnp.max(plsc.load_gather(suf, [bsplat]))
        return bstar, cstar

    NCHK = 8
    CW = N // NCHK

    def row_body(r, carry):
        row = wid * ROWS_PER_W + r

        for j in range(NCHK):
            pltpu.async_copy(
                x_hbm.at[row, pl.ds(j * CW, CW)],
                xbuf.at[pl.ds(j * CW, CW)],
                in_sem,
            )

        for j in range(NCHK):
            pltpu.make_async_copy(
                x_hbm.at[row, pl.ds(j * CW, CW)],
                xbuf.at[pl.ds(j * CW, CW)],
                in_sem,
            ).wait()

            @plsc.parallel_loop(j * (NV // NCHK), (j + 1) * (NV // NCHK), unroll=8)
            def _pass_a(i):
                v = xbuf[pl.ds(i * 16, 16)]
                b = plsc.bitcast(v, jnp.int32)
                key = b ^ ((b >> 31) & M31)
                plsc.addupdate_scatter(hist1, [lane_h1 + (key >> 22)], ones16)

        b1, c1 = level_select(hist1, NB1, np.int32(K_ACTIVE), 16)
        kk2 = np.int32(K_ACTIVE) - c1
        b1s = jnp.full((16,), b1 - 512, jnp.int32)


        @pl.when(r > 0)
        def _drain_prev():
            for j in range(NCHK):
                pltpu.make_async_copy(
                    compact.at[pl.ds(j * CW, CW)],
                    out_hbm.at[row, pl.ds(j * CW, CW)],
                    out_sem,
                ).wait()

        @plsc.parallel_loop(0, NV, unroll=8, carry=jnp.int32(0))
        def _pass_b(i, off):
            v = xbuf[pl.ds(i * 16, 16)]
            b = plsc.bitcast(v, jnp.int32)
            key = b ^ ((b >> 31) & M31)
            sel = (key >> 22) == b1s
            plsc.store_compressed(
                compact.at[pl.ds(off, 16)], plsc.bitcast(key, jnp.float32), mask=sel
            )
            return off + plsc.all_reduce_population_count(sel)[0]

        n1 = _pass_b
        nc1 = (n1 + 15) // 16
        n1s = jnp.full((16,), n1, jnp.int32)

        @plsc.parallel_loop(0, nc1, unroll=2, carry=jnp.int32(0))
        def pass_c0(i, carry):
            kv = plsc.bitcast(compact[pl.ds(i * 16, 16)], jnp.int32)
            valid = (i * 16 + lane) < n1s
            d2 = (kv >> 11) & 0x7FF
            idx = lane_h2 + d2
            for g in range(8):
                plsc.addupdate_scatter(hist23, [idx], ones16, mask=valid & mg[g])
            return carry

        b2, c2 = level_select(hist23, NB2, kk2, 2)
        kk3 = kk2 - c2
        b2s = jnp.full((16,), b2, jnp.int32)

        @plsc.parallel_loop(0, nc1, unroll=2, carry=min16)
        def pass_c(i, mb2):
            kv = plsc.bitcast(compact[pl.ds(i * 16, 16)], jnp.int32)
            valid = (i * 16 + lane) < n1s
            d2 = (kv >> 11) & 0x7FF
            selc = valid & (d2 == b2s)
            d3 = kv & 0x7FF
            idx = lane_h2 + d3
            for g in range(8):
                plsc.addupdate_scatter(hist23, [idx], ones16, mask=selc & mg[g])
            return jnp.maximum(mb2, jnp.where(valid & (d2 < b2s), kv, min16))

        m_below2 = jnp.max(pass_c)
        b3, c3 = level_select(hist23, NB2, kk3, 2)
        b3s = jnp.full((16,), b3, jnp.int32)
        cnt_eq = jnp.max(plsc.load_gather(red, [b3s]))

        @plsc.parallel_loop(0, NB2 // 16, unroll=4, carry=neg16)
        def _mb3(c, acc):
            v = red[pl.ds(c * 16, 16)]
            binv = jnp.full((16,), c * 16, jnp.int32) + lane
            return jnp.maximum(acc, jnp.where((v > 0) & (binv < b3s), binv, neg16))

        maxbin3 = jnp.max(_mb3)

        def _scan_below():
            @plsc.parallel_loop(0, NV, unroll=8, carry=min16)
            def _mbscan(i, mb):
                v = xbuf[pl.ds(i * 16, 16)]
                b = plsc.bitcast(v, jnp.int32)
                key = b ^ ((b >> 31) & M31)
                return jnp.maximum(mb, jnp.where((key >> 22) < b1s, key, min16))

            return jnp.max(_mbscan)

        base21 = ((b1 - 512) << 22) | (b2 << 11)
        k1_key = base21 | b3
        g = c1 + c2 + c3
        need_mb = (
            (g + cnt_eq < K_ACTIVE + 1) & (maxbin3 < 0) & (m_below2 == I32MIN)
        )
        m_below = lax.cond(need_mb, _scan_below, lambda: jnp.int32(I32MIN))
        k_b3 = jnp.where(maxbin3 >= 0, base21 | maxbin3, I32MIN)
        k2_cand = jnp.maximum(jnp.maximum(m_below, m_below2), k_b3)
        k2_key = jnp.where(g + cnt_eq >= K_ACTIVE + 1, k1_key, k2_cand)

        k1_16 = jnp.full((16,), k1_key, jnp.int32)
        k2_16 = jnp.full((16,), k2_key, jnp.int32)
        v1 = plsc.bitcast(k1_16 ^ ((k1_16 >> 31) & M31), jnp.float32)
        v2 = plsc.bitcast(k2_16 ^ ((k2_16 >> 31) & M31), jnp.float32)
        thr = (v1 + v2) * jnp.float32(0.5)

        for j in range(NCHK):

            @plsc.parallel_loop(j * (NV // NCHK), (j + 1) * (NV // NCHK), unroll=8)
            def _mask(i):
                v = xbuf[pl.ds(i * 16, 16)]
                compact[pl.ds(i * 16, 16)] = jnp.where(v > thr, onef, zerof)

            pltpu.async_copy(
                compact.at[pl.ds(j * CW, CW)],
                out_hbm.at[row, pl.ds(j * CW, CW)],
                out_sem,
            )

        return carry

    lax.fori_loop(0, ROWS_PER_W, row_body, 0)
    last = wid * ROWS_PER_W + (ROWS_PER_W - 1)
    for j in range(NCHK):
        pltpu.make_async_copy(
            compact.at[pl.ds(j * CW, CW)],
            out_hbm.at[last, pl.ds(j * CW, CW)],
            out_sem,
        ).wait()


_compiled = None


def _build():
    mesh = plsc.VectorSubcoreMesh(core_axis_name="c", subcore_axis_name="s")
    return pl.kernel(
        _kwta_body,
        out_type=jax.ShapeDtypeStruct((B, N), jnp.float32),
        mesh=mesh,
        compiler_params=pltpu.CompilerParams(needs_layout_passes=False),
        scratch_types=[
            pltpu.VMEM((N,), jnp.float32),
            pltpu.VMEM((N,), jnp.float32),
            pltpu.VMEM((16 * NB1,), jnp.int32),
            pltpu.VMEM((2 * NB2,), jnp.int32),
            pltpu.VMEM((NB2,), jnp.int32),
            pltpu.VMEM((NB2,), jnp.int32),
            pltpu.SemaphoreType.DMA,
            pltpu.SemaphoreType.DMA,
        ],
    )


def kernel(x):
    global _compiled
    if _compiled is None:
        _compiled = _build()
    return _compiled(x)

# --- scband reference (transcript-rebuilt; emitter-appended) ---
"""Pipeline reference for scband-kwinners-take-all-18442589570222 (READ-ONLY COPY).

The authoritative reference and input builder live on the scoring server;
editing this copy changes nothing except your own understanding.
"""

import math
import jax, jax.numpy as jnp
import numpy as np

SPARSITY = 0.05
B = 128
N = 32768


def setup_inputs(seed: int = 0) -> dict:
    key = jax.random.key(seed)
    x = jax.random.normal(key, (B, N), dtype=jnp.float32)
    return {"x": x}


def reference(x):
    # KWinnersTakeAll.forward with with_relu=False
    sparsity = SPARSITY
    embedding_size = x.shape[1]
    k_active = math.ceil(sparsity * embedding_size)
    # torch: x.sort(dim=1, descending=True)
    x_sorted = jnp.sort(x, axis=1)[:, ::-1]
    # threshold = mean of the k_active-1 and k_active sorted values
    threshold = (x_sorted[:, k_active - 1] + x_sorted[:, k_active]) * 0.5
    mask_active = (x > threshold[:, None]).astype(jnp.float32)
    return mask_active

if __name__ == "__main__":
    import jax
    _d = setup_inputs()
    print(jax.jit(kernel)(*tuple(_d.values())))

</pallas_src>

<mosaic_0001>
#map = affine_map<(d0, d1) -> (0, 0)>
module attributes {stable_mosaic.version = 14 : i64} {
  func.func @_kwta_body(%arg0: i32, %arg1: i32, %arg2: memref<128x32768xf32, #tpu.memory_space<hbm>>, %arg3: memref<128x32768xf32, #tpu.memory_space<hbm>>, %arg4: memref<32768xf32, #tpu.memory_space<vmem>>, %arg5: memref<32768xf32, #tpu.memory_space<vmem>>, %arg6: memref<16384xi32, #tpu.memory_space<vmem>>, %arg7: memref<4096xi32, #tpu.memory_space<vmem>>, %arg8: memref<2048xi32, #tpu.memory_space<vmem>>, %arg9: memref<2048xi32, #tpu.memory_space<vmem>>, %arg10: memref<!tpu.dma_semaphore, #tpu.memory_space<semaphore_mem>>, %arg11: memref<!tpu.dma_semaphore, #tpu.memory_space<semaphore_mem>>) attributes {dimension_semantics = [#tpu.dimension_semantics<core_parallel>, #tpu.dimension_semantics<subcore_parallel>], iteration_bounds = array<i64: 2, 16>, scalar_prefetch = 0 : i64, scratch_operands = 8 : i64, tpu.core_type = #tpu.core_type<sc_vector_subcore>, window_params = [{transform_indices = #map}, {transform_indices = #map}]} {
    %iota3A = tpu.iota {dimensions = array<i32: 0>} : vector<16xi32>
    %broadcast_in_dim3A = arith.constant 0 : i32
    %broadcast_in_dim3A_0 = vector.broadcast %broadcast_in_dim3A : i32 to vector<16xi32>
    %broadcast_in_dim3A_1 = arith.constant 1 : i32
    %broadcast_in_dim3A_2 = vector.broadcast %broadcast_in_dim3A_1 : i32 to vector<16xi32>
    %broadcast_in_dim3A_3 = arith.constant -2147483648 : i32
    %broadcast_in_dim3A_4 = vector.broadcast %broadcast_in_dim3A_3 : i32 to vector<16xi32>
    %broadcast_in_dim3A_5 = arith.constant -1 : i32
    %broadcast_in_dim3A_6 = vector.broadcast %broadcast_in_dim3A_5 : i32 to vector<16xi32>
    %broadcast_in_dim3A_7 = arith.constant 1.000000e+00 : f32
    %broadcast_in_dim3A_8 = vector.broadcast %broadcast_in_dim3A_7 : f32 to vector<16xf32>
    %broadcast_in_dim3A_9 = arith.constant 0.000000e+00 : f32
    %broadcast_in_dim3A_10 = vector.broadcast %broadcast_in_dim3A_9 : f32 to vector<16xf32>
    %mul3A = arith.constant 1024 : i32
    %mul3A_11 = vector.broadcast %mul3A : i32 to vector<16xi32>
    %mul3A_12 = arith.muli %iota3A, %mul3A_11 : vector<16xi32>
    %add3A = arith.constant 512 : i32
    %add3A_13 = vector.broadcast %add3A : i32 to vector<16xi32>
    %add3A_14 = arith.addi %mul3A_12, %add3A_13 : vector<16xi32>
    %and3A = arith.constant 1 : i32
    %and3A_15 = vector.broadcast %and3A : i32 to vector<16xi32>
    %and3A_16 = arith.andi %iota3A, %and3A_15 : vector<16xi32>
    %mul3A_17 = arith.constant 2048 : i32
    %mul3A_18 = vector.broadcast %mul3A_17 : i32 to vector<16xi32>
    %mul3A_19 = arith.muli %and3A_16, %mul3A_18 : vector<16xi32>
    %shift_right_arithmetic3A = arith.constant 1 : i32
    %shift_right_arithmetic3A_20 = vector.broadcast %shift_right_arithmetic3A : i32 to vector<16xi32>
    %shift_right_arithmetic3A_21 = arith.shrsi %iota3A, %shift_right_arithmetic3A_20 : vector<16xi32>
    %eq3A = arith.constant 0 : i32
    %eq3A_22 = vector.broadcast %eq3A : i32 to vector<16xi32>
    %eq3A_23 = arith.cmpi eq, %shift_right_arithmetic3A_21, %eq3A_22 : vector<16xi32>
    %shift_right_arithmetic3A_24 = arith.constant 1 : i32
    %shift_right_arithmetic3A_25 = vector.broadcast %shift_right_arithmetic3A_24 : i32 to vector<16xi32>
    %shift_right_arithmetic3A_26 = arith.shrsi %iota3A, %shift_right_arithmetic3A_25 : vector<16xi32>
    %eq3A_27 = arith.constant 1 : i32
    %eq3A_28 = vector.broadcast %eq3A_27 : i32 to vector<16xi32>
    %eq3A_29 = arith.cmpi eq, %shift_right_arithmetic3A_26, %eq3A_28 : vector<16xi32>
    %shift_right_arithmetic3A_30 = arith.constant 1 : i32
    %shift_right_arithmetic3A_31 = vector.broadcast %shift_right_arithmetic3A_30 : i32 to vector<16xi32>
    %shift_right_arithmetic3A_32 = arith.shrsi %iota3A, %shift_right_arithmetic3A_31 : vector<16xi32>
    %eq3A_33 = arith.constant 2 : i32
    %eq3A_34 = vector.broadcast %eq3A_33 : i32 to vector<16xi32>
    %eq3A_35 = arith.cmpi eq, %shift_right_arithmetic3A_32, %eq3A_34 : vector<16xi32>
    %shift_right_arithmetic3A_36 = arith.constant 1 : i32
    %shift_right_arithmetic3A_37 = vector.broadcast %shift_right_arithmetic3A_36 : i32 to vector<16xi32>
    %shift_right_arithmetic3A_38 = arith.shrsi %iota3A, %shift_right_arithmetic3A_37 : vector<16xi32>
    %eq3A_39 = arith.constant 3 : i32
    %eq3A_40 = vector.broadcast %eq3A_39 : i32 to vector<16xi32>
    %eq3A_41 = arith.cmpi eq, %shift_right_arithmetic3A_38, %eq3A_40 : vector<16xi32>
    %shift_right_arithmetic3A_42 = arith.constant 1 : i32
    %shift_right_arithmetic3A_43 = vector.broadcast %shift_right_arithmetic3A_42 : i32 to vector<16xi32>
    %shift_right_arithmetic3A_44 = arith.shrsi %iota3A, %shift_right_arithmetic3A_43 : vector<16xi32>
    %eq3A_45 = arith.constant 4 : i32
    %eq3A_46 = vector.broadcast %eq3A_45 : i32 to vector<16xi32>
    %eq3A_47 = arith.cmpi eq, %shift_right_arithmetic3A_44, %eq3A_46 : vector<16xi32>
    %shift_right_arithmetic3A_48 = arith.constant 1 : i32
    %shift_right_arithmetic3A_49 = vector.broadcast %shift_right_arithmetic3A_48 : i32 to vector<16xi32>
    %shift_right_arithmetic3A_50 = arith.shrsi %iota3A, %shift_right_arithmetic3A_49 : vector<16xi32>
    %eq3A_51 = arith.constant 5 : i32
    %eq3A_52 = vector.broadcast %eq3A_51 : i32 to vector<16xi32>
    %eq3A_53 = arith.cmpi eq, %shift_right_arithmetic3A_50, %eq3A_52 : vector<16xi32>
    %shift_right_arithmetic3A_54 = arith.constant 1 : i32
    %shift_right_arithmetic3A_55 = vector.broadcast %shift_right_arithmetic3A_54 : i32 to vector<16xi32>
    %shift_right_arithmetic3A_56 = arith.shrsi %iota3A, %shift_right_arithmetic3A_55 : vector<16xi32>
    %eq3A_57 = arith.constant 6 : i32
    %eq3A_58 = vector.broadcast %eq3A_57 : i32 to vector<16xi32>
    %eq3A_59 = arith.cmpi eq, %shift_right_arithmetic3A_56, %eq3A_58 : vector<16xi32>
    %shift_right_arithmetic3A_60 = arith.constant 1 : i32
    %shift_right_arithmetic3A_61 = vector.broadcast %shift_right_arithmetic3A_60 : i32 to vector<16xi32>
    %shift_right_arithmetic3A_62 = arith.shrsi %iota3A, %shift_right_arithmetic3A_61 : vector<16xi32>
    %eq3A_63 = arith.constant 7 : i32
    %eq3A_64 = vector.broadcast %eq3A_63 : i32 to vector<16xi32>
    %eq3A_65 = arith.cmpi eq, %shift_right_arithmetic3A_62, %eq3A_64 : vector<16xi32>
    %mul3A_66 = arith.constant 2 : i32
    %mul3A_67 = arith.muli %arg1, %mul3A_66 : i32
    %add3A_68 = arith.addi %mul3A_67, %arg0 : i32
    %parallel_loop3A = arith.constant 0 : i32
    %parallel_loop3A_69 = arith.constant 1024 : i32
    %parallel_loop3A_70 = arith.constant 1 : i32
    scf.for %parallel_loop3A_162 = %parallel_loop3A to %parallel_loop3A_69 step %parallel_loop3A_70  : i32 {
      %parallel_loop3A_163 = arith.constant 16 : i32
      %parallel_loop3A_164 = arith.muli %parallel_loop3A_162, %parallel_loop3A_163 : i32
      %parallel_loop3A_165 = arith.index_cast %parallel_loop3A_164 : i32 to index
      %parallel_loop3A_166 = tpu.vector_load %arg6[%parallel_loop3A_165] {strides = array<i32>} : memref<16384xi32, #tpu.memory_space<vmem>>, vector<16xi32>,
      tpu.vector_store %arg6[%parallel_loop3A_165], %broadcast_in_dim3A_0 {strides = array<i32>} : memref<16384xi32, #tpu.memory_space<vmem>>, vector<16xi32>,
    } {sc.loop_unroll_factor = 8 : i64, sc.parallel_access}
    %parallel_loop3A_71 = arith.constant 0 : i32
    %parallel_loop3A_72 = arith.constant 256 : i32
    %parallel_loop3A_73 = arith.constant 1 : i32
    scf.for %parallel_loop3A_162 = %parallel_loop3A_71 to %parallel_loop3A_72 step %parallel_loop3A_73  : i32 {
      %parallel_loop3A_163 = arith.constant 16 : i32
      %parallel_loop3A_164 = arith.muli %parallel_loop3A_162, %parallel_loop3A_163 : i32
      %parallel_loop3A_165 = arith.index_cast %parallel_loop3A_164 : i32 to index
      %parallel_loop3A_166 = tpu.vector_load %arg7[%parallel_loop3A_165] {strides = array<i32>} : memref<4096xi32, #tpu.memory_space<vmem>>, vector<16xi32>,
      tpu.vector_store %arg7[%parallel_loop3A_165], %broadcast_in_dim3A_0 {strides = array<i32>} : memref<4096xi32, #tpu.memory_space<vmem>>, vector<16xi32>,
    } {sc.loop_unroll_factor = 8 : i64, sc.parallel_access}
    %scan3A = arith.constant 0 : i32
    %scan3A_74 = arith.constant 0 : i32
    %scan3A_75 = arith.constant 4 : i32
    %scan3A_76 = arith.addi %scan3A_74, %scan3A_75 : i32
    %scan3A_77 = arith.constant 1 : i32
    scf.for %scan3A_162 = %scan3A_74 to %scan3A_76 step %scan3A_77  : i32 {
      %mul3A_163 = arith.constant 4 : i32
      %mul3A_164 = arith.muli %add3A_68, %mul3A_163 : i32
      %add3A_165 = arith.addi %mul3A_164, %scan3A_162 : i32
      %dma_start3A = arith.constant 0 : i32
      %dma_start3A_166 = tpu.memref_slice %arg4[%dma_start3A] : memref<32768xf32, #tpu.memory_space<vmem>> -> memref<4096xf32, #tpu.memory_space<vmem>>
      %dma_start3A_167 = arith.constant 0 : i32
      %dma_start3A_168 = tpu.memref_slice %arg2[%add3A_165, %dma_start3A_167] : memref<128x32768xf32, #tpu.memory_space<hbm>> -> memref<1x4096xf32, #tpu.memory_space<hbm>>
      %dma_start3A_169 = tpu.memref_squeeze %dma_start3A_168 : memref<1x4096xf32, #tpu.memory_space<hbm>> -> memref<4096xf32, #tpu.memory_space<hbm>>
      %dma_start3A_170 = arith.constant 0 : i32
      %dma_start3A_171 = tpu.memref_slice %arg4[%dma_start3A_170] : memref<32768xf32, #tpu.memory_space<vmem>> -> memref<4096xf32, #tpu.memory_space<vmem>>
      %dma_start3A_172 = arith.constant 0 : i32
      %dma_start3A_173 = tpu.memref_slice %arg2[%add3A_165, %dma_start3A_172] : memref<128x32768xf32, #tpu.memory_space<hbm>> -> memref<1x4096xf32, #tpu.memory_space<hbm>>
      %dma_start3A_174 = tpu.memref_squeeze %dma_start3A_173 : memref<1x4096xf32, #tpu.memory_space<hbm>> -> memref<4096xf32, #tpu.memory_space<hbm>>
      tpu.enqueue_dma source(%dma_start3A_174 : memref<4096xf32, #tpu.memory_space<hbm>>) target(%dma_start3A_171 : memref<4096xf32, #tpu.memory_space<vmem>>) target_semaphore(%arg10 : memref<!tpu.dma_semaphore, #tpu.memory_space<semaphore_mem>>)
      %dma_start3A_175 = arith.constant 4096 : i32
      %dma_start3A_176 = tpu.memref_slice %arg4[%dma_start3A_175] : memref<32768xf32, #tpu.memory_space<vmem>> -> memref<4096xf32, #tpu.memory_space<vmem>>
      %dma_start3A_177 = arith.constant 4096 : i32
      %dma_start3A_178 = tpu.memref_slice %arg2[%add3A_165, %dma_start3A_177] : memref<128x32768xf32, #tpu.memory_space<hbm>> -> memref<1x4096xf32, #tpu.memory_space<hbm>>
      %dma_start3A_179 = tpu.memref_squeeze %dma_start3A_178 : memref<1x4096xf32, #tpu.memory_space<hbm>> -> memref<4096xf32, #tpu.memory_space<hbm>>
      %dma_start3A_180 = arith.constant 4096 : i32
      %dma_start3A_181 = tpu.memref_slice %arg4[%dma_start3A_180] : memref<32768xf32, #tpu.memory_space<vmem>> -> memref<4096xf32, #tpu.memory_space<vmem>>
      %dma_start3A_182 = arith.constant 4096 : i32
      %dma_start3A_183 = tpu.memref_slice %arg2[%add3A_165, %dma_start3A_182] : memref<128x32768xf32, #tpu.memory_space<hbm>> -> memref<1x4096xf32, #tpu.memory_space<hbm>>
      %dma_start3A_184 = tpu.memref_squeeze %dma_start3A_183 : memref<1x4096xf32, #tpu.memory_space<hbm>> -> memref<4096xf32, #tpu.memory_space<hbm>>
      tpu.enqueue_dma source(%dma_start3A_184 : memref<4096xf32, #tpu.memory_space<hbm>>) target(%dma_start3A_181 : memref<4096xf32, #tpu.memory_space<vmem>>) target_semaphore(%arg10 : memref<!tpu.dma_semaphore, #tpu.memory_space<semaphore_mem>>)
      %dma_start3A_185 = arith.constant 8192 : i32
      %dma_start3A_186 = tpu.memref_slice %arg4[%dma_start3A_185] : memref<32768xf32, #tpu.memory_space<vmem>> -> memref<4096xf32, #tpu.memory_space<vmem>>
      %dma_start3A_187 = arith.constant 8192 : i32
      %dma_start3A_188 = tpu.memref_slice %arg2[%add3A_165, %dma_start3A_187] : memref<128x32768xf32, #tpu.memory_space<hbm>> -> memref<1x4096xf32, #tpu.memory_space<hbm>>
      %dma_start3A_189 = tpu.memref_squeeze %dma_start3A_188 : memref<1x4096xf32, #tpu.memory_space<hbm>> -> memref<4096xf32, #tpu.memory_space<hbm>>
      %dma_start3A_190 = arith.constant 8192 : i32
      %dma_start3A_191 = tpu.memref_slice %arg4[%dma_start3A_190] : memref<32768xf32, #tpu.memory_space<vmem>> -> memref<4096xf32, #tpu.memory_space<vmem>>
      %dma_start3A_192 = arith.constant 8192 : i32
      %dma_start3A_193 = tpu.memref_slice %arg2[%add3A_165, %dma_start3A_192] : memref<128x32768xf32, #tpu.memory_space<hbm>> -> memref<1x4096xf32, #tpu.memory_space<hbm>>
      %dma_start3A_194 = tpu.memref_squeeze %dma_start3A_193 : memref<1x4096xf32, #tpu.memory_space<hbm>> -> memref<4096xf32, #tpu.memory_space<hbm>>
      tpu.enqueue_dma source(%dma_start3A_194 : memref<4096xf32, #tpu.memory_space<hbm>>) target(%dma_start3A_191 : memref<4096xf32, #tpu.memory_space<vmem>>) target_semaphore(%arg10 : memref<!tpu.dma_semaphore, #tpu.memory_space<semaphore_mem>>)
      %dma_start3A_195 = arith.constant 12288 : i32
      %dma_start3A_196 = tpu.memref_slice %arg4[%dma_start3A_195] : memref<32768xf32, #tpu.memory_space<vmem>> -> memref<4096xf32, #tpu.memory_space<vmem>>
      %dma_start3A_197 = arith.constant 12288 : i32
      %dma_start3A_198 = tpu.memref_slice %arg2[%add3A_165, %dma_start3A_197] : memref<128x32768xf32, #tpu.memory_space<hbm>> -> memref<1x4096xf32, #tpu.memory_space<hbm>>
      %dma_start3A_199 = tpu.memref_squeeze %dma_start3A_198 : memref<1x4096xf32, #tpu.memory_space<hbm>> -> memref<4096xf32, #tpu.memory_space<hbm>>
      %dma_start3A_200 = arith.constant 12288 : i32
      %dma_start3A_201 = tpu.memref_slice %arg4[%dma_start3A_200] : memref<32768xf32, #tpu.memory_space<vmem>> -> memref<4096xf32, #tpu.memory_space<vmem>>
      %dma_start3A_202 = arith.constant 12288 : i32
      %dma_start3A_203 = tpu.memref_slice %arg2[%add3A_165, %dma_start3A_202] : memref<128x32768xf32, #tpu.memory_space<hbm>> -> memref<1x4096xf32, #tpu.memory_space<hbm>>
      %dma_start3A_204 = tpu.memref_squeeze %dma_start3A_203 : memref<1x4096xf32, #tpu.memory_space<hbm>> -> memref<4096xf32, #tpu.memory_space<hbm>>
      tpu.enqueue_dma source(%dma_start3A_204 : memref<4096xf32, #tpu.memory_space<hbm>>) target(%dma_start3A_201 : memref<4096xf32, #tpu.memory_space<vmem>>) target_semaphore(%arg10 : memref<!tpu.dma_semaphore, #tpu.memory_space<semaphore_mem>>)
      %dma_start3A_205 = arith.constant 16384 : i32
      %dma_start3A_206 = tpu.memref_slice %arg4[%dma_start3A_205] : memref<32768xf32, #tpu.memory_space<vmem>> -> memref<4096xf32, #tpu.memory_space<vmem>>
      %dma_start3A_207 = arith.constant 16384 : i32
      %dma_start3A_208 = tpu.memref_slice %arg2[%add3A_165, %dma_start3A_207] : memref<128x32768xf32, #tpu.memory_space<hbm>> -> memref<1x4096xf32, #tpu.memory_space<hbm>>
      %dma_start3A_209 = tpu.memref_squeeze %dma_start3A_208 : memref<1x4096xf32, #tpu.memory_space<hbm>> -> memref<4096xf32, #tpu.memory_space<hbm>>
      %dma_start3A_210 = arith.constant 16384 : i32
      %dma_start3A_211 = tpu.memref_slice %arg4[%dma_start3A_210] : memref<32768xf32, #tpu.memory_space<vmem>> -> memref<4096xf32, #tpu.memory_space<vmem>>
      %dma_start3A_212 = arith.constant 16384 : i32
      %dma_start3A_213 = tpu.memref_slice %arg2[%add3A_165, %dma_start3A_212] : memref<128x32768xf32, #tpu.memory_space<hbm>> -> memref<1x4096xf32, #tpu.memory_space<hbm>>
      %dma_start3A_214 = tpu.memref_squeeze %dma_start3A_213 : memref<1x4096xf32, #tpu.memory_space<hbm>> -> memref<4096xf32, #tpu.memory_space<hbm>>
      tpu.enqueue_dma source(%dma_start3A_214 : memref<4096xf32, #tpu.memory_space<hbm>>) target(%dma_start3A_211 : memref<4096xf32, #tpu.memory_space<vmem>>) target_semaphore(%arg10 : memref<!tpu.dma_semaphore, #tpu.memory_space<semaphore_mem>>)
      %dma_start3A_215 = arith.constant 20480 : i32
      %dma_start3A_216 = tpu.memref_slice %arg4[%dma_start3A_215] : memref<32768xf32, #tpu.memory_space<vmem>> -> memref<4096xf32, #tpu.memory_space<vmem>>
      %dma_start3A_217 = arith.constant 20480 : i32
      %dma_start3A_218 = tpu.memref_slice %arg2[%add3A_165, %dma_start3A_217] : memref<128x32768xf32, #tpu.memory_space<hbm>> -> memref<1x4096xf32, #tpu.memory_space<hbm>>
      %dma_start3A_219 = tpu.memref_squeeze %dma_start3A_218 : memref<1x4096xf32, #tpu.memory_space<hbm>> -> memref<4096xf32, #tpu.memory_space<hbm>>
      %dma_start3A_220 = arith.constant 20480 : i32
      %dma_start3A_221 = tpu.memref_slice %arg4[%dma_start3A_220] : memref<32768xf32, #tpu.memory_space<vmem>> -> memref<4096xf32, #tpu.memory_space<vmem>>
      %dma_start3A_222 = arith.constant 20480 : i32
      %dma_start3A_223 = tpu.memref_slice %arg2[%add3A_165, %dma_start3A_222] : memref<128x32768xf32, #tpu.memory_space<hbm>> -> memref<1x4096xf32, #tpu.memory_space<hbm>>
      %dma_start3A_224 = tpu.memref_squeeze %dma_start3A_223 : memref<1x4096xf32, #tpu.memory_space<hbm>> -> memref<4096xf32, #tpu.memory_space<hbm>>
      tpu.enqueue_dma source(%dma_start3A_224 : memref<4096xf32, #tpu.memory_space<hbm>>) target(%dma_start3A_221 : memref<4096xf32, #tpu.memory_space<vmem>>) target_semaphore(%arg10 : memref<!tpu.dma_semaphore, #tpu.memory_space<semaphore_mem>>)
      %dma_start3A_225 = arith.constant 24576 : i32
      %dma_start3A_226 = tpu.memref_slice %arg4[%dma_start3A_225] : memref<32768xf32, #tpu.memory_space<vmem>> -> memref<4096xf32, #tpu.memory_space<vmem>>
      %dma_start3A_227 = arith.constant 24576 : i32
      %dma_start3A_228 = tpu.memref_slice %arg2[%add3A_165, %dma_start3A_227] : memref<128x32768xf32, #tpu.memory_space<hbm>> -> memref<1x4096xf32, #tpu.memory_space<hbm>>
      %dma_start3A_229 = tpu.memref_squeeze %dma_start3A_228 : memref<1x4096xf32, #tpu.memory_space<hbm>> -> memref<4096xf32, #tpu.memory_space<hbm>>
      %dma_start3A_230 = arith.constant 24576 : i32
      %dma_start3A_231 = tpu.memref_slice %arg4[%dma_start3A_230] : memref<32768xf32, #tpu.memory_space<vmem>> -> memref<4096xf32, #tpu.memory_space<vmem>>
      %dma_start3A_232 = arith.constant 24576 : i32
      %dma_start3A_233 = tpu.memref_slice %arg2[%add3A_165, %dma_start3A_232] : memref<128x32768xf32, #tpu.memory_space<hbm>> -> memref<1x4096xf32, #tpu.memory_space<hbm>>
      %dma_start3A_234 = tpu.memref_squeeze %dma_start3A_233 : memref<1x4096xf32, #tpu.memory_space<hbm>> -> memref<4096xf32, #tpu.memory_space<hbm>>
      tpu.enqueue_dma source(%dma_start3A_234 : memref<4096xf32, #tpu.memory_space<hbm>>) target(%dma_start3A_231 : memref<4096xf32, #tpu.memory_space<vmem>>) target_semaphore(%arg10 : memref<!tpu.dma_semaphore, #tpu.memory_space<semaphore_mem>>)
      %dma_start3A_235 = arith.constant 28672 : i32
      %dma_start3A_236 = tpu.memref_slice %arg4[%dma_start3A_235] : memref<32768xf32, #tpu.memory_space<vmem>> -> memref<4096xf32, #tpu.memory_space<vmem>>
      %dma_start3A_237 = arith.constant 28672 : i32
      %dma_start3A_238 = tpu.memref_slice %arg2[%add3A_165, %dma_start3A_237] : memref<128x32768xf32, #tpu.memory_space<hbm>> -> memref<1x4096xf32, #tpu.memory_space<hbm>>
      %dma_start3A_239 = tpu.memref_squeeze %dma_start3A_238 : memref<1x4096xf32, #tpu.memory_space<hbm>> -> memref<4096xf32, #tpu.memory_space<hbm>>
      %dma_start3A_240 = arith.constant 28672 : i32
      %dma_start3A_241 = tpu.memref_slice %arg4[%dma_start3A_240] : memref<32768xf32, #tpu.memory_space<vmem>> -> memref<4096xf32, #tpu.memory_space<vmem>>
      %dma_start3A_242 = arith.constant 28672 : i32
      %dma_start3A_243 = tpu.memref_slice %arg2[%add3A_165, %dma_start3A_242] : memref<128x32768xf32, #tpu.memory_space<hbm>> -> memref<1x4096xf32, #tpu.memory_space<hbm>>
      %dma_start3A_244 = tpu.memref_squeeze %dma_start3A_243 : memref<1x4096xf32, #tpu.memory_space<hbm>> -> memref<4096xf32, #tpu.memory_space<hbm>>
      tpu.enqueue_dma source(%dma_start3A_244 : memref<4096xf32, #tpu.memory_space<hbm>>) target(%dma_start3A_241 : memref<4096xf32, #tpu.memory_space<vmem>>) target_semaphore(%arg10 : memref<!tpu.dma_semaphore, #tpu.memory_space<semaphore_mem>>)
      %dma_wait3A_245 = arith.constant 0 : i32
      %dma_wait3A_246 = tpu.memref_slice %arg4[%dma_wait3A_245] : memref<32768xf32, #tpu.memory_space<vmem>> -> memref<4096xf32, #tpu.memory_space<vmem>>
      %dma_wait3A_247 = arith.constant 0 : i32
      %dma_wait3A_248 = tpu.memref_slice %arg2[%add3A_165, %dma_wait3A_247] : memref<128x32768xf32, #tpu.memory_space<hbm>> -> memref<1x4096xf32, #tpu.memory_space<hbm>>
      %dma_wait3A_249 = tpu.memref_squeeze %dma_wait3A_248 : memref<1x4096xf32, #tpu.memory_space<hbm>> -> memref<4096xf32, #tpu.memory_space<hbm>>
      %dma_wait3A_250 = arith.constant 0 : i32
      %dma_wait3A_251 = tpu.memref_slice %arg4[%dma_wait3A_250] : memref<32768xf32, #tpu.memory_space<vmem>> -> memref<4096xf32, #tpu.memory_space<vmem>>
      %dma_wait3A_252 = arith.constant 0 : i32
      %dma_wait3A_253 = tpu.memref_slice %arg2[%add3A_165, %dma_wait3A_252] : memref<128x32768xf32, #tpu.memory_space<hbm>> -> memref<1x4096xf32, #tpu.memory_space<hbm>>
      %dma_wait3A_254 = tpu.memref_squeeze %dma_wait3A_253 : memref<1x4096xf32, #tpu.memory_space<hbm>> -> memref<4096xf32, #tpu.memory_space<hbm>>
      tpu.wait_dma2 semaphore(%arg10 : memref<!tpu.dma_semaphore, #tpu.memory_space<semaphore_mem>>) src(%dma_wait3A_254 : memref<4096xf32, #tpu.memory_space<hbm>>) dst(%dma_wait3A_251 : memref<4096xf32, #tpu.memory_space<vmem>>)
      %parallel_loop3A_255 = arith.constant 0 : i32
      %parallel_loop3A_256 = arith.constant 256 : i32
      %parallel_loop3A_257 = arith.constant 1 : i32
      scf.for %parallel_loop3A_640 = %parallel_loop3A_255 to %parallel_loop3A_256 step %parallel_loop3A_257  : i32 {
        %parallel_loop3A_641 = arith.constant 16 : i32
        %parallel_loop3A_642 = arith.muli %parallel_loop3A_640, %parallel_loop3A_641 : i32
        %parallel_loop3A_643 = arith.index_cast %parallel_loop3A_642 : i32 to index
        %parallel_loop3A_644 = tpu.vector_load %arg4[%parallel_loop3A_643] {strides = array<i32>} : memref<32768xf32, #tpu.memory_space<vmem>>, vector<16xf32>,
        %parallel_loop3A_645 = vector.bitcast %parallel_loop3A_644 : vector<16xf32> to vector<16xi32>
        %parallel_loop3A_646 = arith.constant 31 : i32
        %parallel_loop3A_647 = vector.broadcast %parallel_loop3A_646 : i32 to vector<16xi32>
        %parallel_loop3A_648 = arith.shrsi %parallel_loop3A_645, %parallel_loop3A_647 : vector<16xi32>
        %parallel_loop3A_649 = arith.constant 2147483647 : i32
        %parallel_loop3A_650 = vector.broadcast %parallel_loop3A_649 : i32 to vector<16xi32>
        %parallel_loop3A_651 = arith.andi %parallel_loop3A_648, %parallel_loop3A_650 : vector<16xi32>
        %parallel_loop3A_652 = arith.xori %parallel_loop3A_645, %parallel_loop3A_651 : vector<16xi32>
        %parallel_loop3A_653 = arith.constant 22 : i32
        %parallel_loop3A_654 = vector.broadcast %parallel_loop3A_653 : i32 to vector<16xi32>
        %parallel_loop3A_655 = arith.shrsi %parallel_loop3A_652, %parallel_loop3A_654 : vector<16xi32>
        %parallel_loop3A_656 = arith.addi %add3A_14, %parallel_loop3A_655 : vector<16xi32>
        tpu.vector_store_idx %arg6[%parallel_loop3A_656], %broadcast_in_dim3A_2 {add = true} : memref<16384xi32, #tpu.memory_space<vmem>>[vector<16xi32>], vector<16xi32>,
      } {sc.loop_unroll_factor = 8 : i64, sc.parallel_access}
      %dma_wait3A_258 = arith.constant 4096 : i32
      %dma_wait3A_259 = tpu.memref_slice %arg4[%dma_wait3A_258] : memref<32768xf32, #tpu.memory_space<vmem>> -> memref<4096xf32, #tpu.memory_space<vmem>>
      %dma_wait3A_260 = arith.constant 4096 : i32
      %dma_wait3A_261 = tpu.memref_slice %arg2[%add3A_165, %dma_wait3A_260] : memref<128x32768xf32, #tpu.memory_space<hbm>> -> memref<1x4096xf32, #tpu.memory_space<hbm>>
      %dma_wait3A_262 = tpu.memref_squeeze %dma_wait3A_261 : memref<1x4096xf32, #tpu.memory_space<hbm>> -> memref<4096xf32, #tpu.memory_space<hbm>>
      %dma_wait3A_263 = arith.constant 4096 : i32
      %dma_wait3A_264 = tpu.memref_slice %arg4[%dma_wait3A_263] : memref<32768xf32, #tpu.memory_space<vmem>> -> memref<4096xf32, #tpu.memory_space<vmem>>
      %dma_wait3A_265 = arith.constant 4096 : i32
      %dma_wait3A_266 = tpu.memref_slice %arg2[%add3A_165, %dma_wait3A_265] : memref<128x32768xf32, #tpu.memory_space<hbm>> -> memref<1x4096xf32, #tpu.memory_space<hbm>>
      %dma_wait3A_267 = tpu.memref_squeeze %dma_wait3A_266 : memref<1x4096xf32, #tpu.memory_space<hbm>> -> memref<4096xf32, #tpu.memory_space<hbm>>
      tpu.wait_dma2 semaphore(%arg10 : memref<!tpu.dma_semaphore, #tpu.memory_space<semaphore_mem>>) src(%dma_wait3A_267 : memref<4096xf32, #tpu.memory_space<hbm>>) dst(%dma_wait3A_264 : memref<4096xf32, #tpu.memory_space<vmem>>)
      %parallel_loop3A_268 = arith.constant 256 : i32
      %parallel_loop3A_269 = arith.constant 512 : i32
      %parallel_loop3A_270 = arith.constant 1 : i32
      scf.for %parallel_loop3A_640 = %parallel_loop3A_268 to %parallel_loop3A_269 step %parallel_loop3A_270  : i32 {
        %parallel_loop3A_641 = arith.constant 16 : i32
        %parallel_loop3A_642 = arith.muli %parallel_loop3A_640, %parallel_loop3A_641 : i32
        %parallel_loop3A_643 = arith.index_cast %parallel_loop3A_642 : i32 to index
        %parallel_loop3A_644 = tpu.vector_load %arg4[%parallel_loop3A_643] {strides = array<i32>} : memref<32768xf32, #tpu.memory_space<vmem>>, vector<16xf32>,
        %parallel_loop3A_645 = vector.bitcast %parallel_loop3A_644 : vector<16xf32> to vector<16xi32>
        %parallel_loop3A_646 = arith.constant 31 : i32
        %parallel_loop3A_647 = vector.broadcast %parallel_loop3A_646 : i32 to vector<16xi32>
        %parallel_loop3A_648 = arith.shrsi %parallel_loop3A_645, %parallel_loop3A_647 : vector<16xi32>
        %parallel_loop3A_649 = arith.constant 2147483647 : i32
        %parallel_loop3A_650 = vector.broadcast %parallel_loop3A_649 : i32 to vector<16xi32>
        %parallel_loop3A_651 = arith.andi %parallel_loop3A_648, %parallel_loop3A_650 : vector<16xi32>
        %parallel_loop3A_652 = arith.xori %parallel_loop3A_645, %parallel_loop3A_651 : vector<16xi32>
        %parallel_loop3A_653 = arith.constant 22 : i32
        %parallel_loop3A_654 = vector.broadcast %parallel_loop3A_653 : i32 to vector<16xi32>
        %parallel_loop3A_655 = arith.shrsi %parallel_loop3A_652, %parallel_loop3A_654 : vector<16xi32>
        %parallel_loop3A_656 = arith.addi %add3A_14, %parallel_loop3A_655 : vector<16xi32>
        tpu.vector_store_idx %arg6[%parallel_loop3A_656], %broadcast_in_dim3A_2 {add = true} : memref<16384xi32, #tpu.memory_space<vmem>>[vector<16xi32>], vector<16xi32>,
      } {sc.loop_unroll_factor = 8 : i64, sc.parallel_access}
      %dma_wait3A_271 = arith.constant 8192 : i32
      %dma_wait3A_272 = tpu.memref_slice %arg4[%dma_wait3A_271] : memref<32768xf32, #tpu.memory_space<vmem>> -> memref<4096xf32, #tpu.memory_space<vmem>>
      %dma_wait3A_273 = arith.constant 8192 : i32
      %dma_wait3A_274 = tpu.memref_slice %arg2[%add3A_165, %dma_wait3A_273] : memref<128x32768xf32, #tpu.memory_space<hbm>> -> memref<1x4096xf32, #tpu.memory_space<hbm>>
      %dma_wait3A_275 = tpu.memref_squeeze %dma_wait3A_274 : memref<1x4096xf32, #tpu.memory_space<hbm>> -> memref<4096xf32, #tpu.memory_space<hbm>>
      %dma_wait3A_276 = arith.constant 8192 : i32
      %dma_wait3A_277 = tpu.memref_slice %arg4[%dma_wait3A_276] : memref<32768xf32, #tpu.memory_space<vmem>> -> memref<4096xf32, #tpu.memory_space<vmem>>
      %dma_wait3A_278 = arith.constant 8192 : i32
      %dma_wait3A_279 = tpu.memref_slice %arg2[%add3A_165, %dma_wait3A_278] : memref<128x32768xf32, #tpu.memory_space<hbm>> -> memref<1x4096xf32, #tpu.memory_space<hbm>>
      %dma_wait3A_280 = tpu.memref_squeeze %dma_wait3A_279 : memref<1x4096xf32, #tpu.memory_space<hbm>> -> memref<4096xf32, #tpu.memory_space<hbm>>
      tpu.wait_dma2 semaphore(%arg10 : memref<!tpu.dma_semaphore, #tpu.memory_space<semaphore_mem>>) src(%dma_wait3A_280 : memref<4096xf32, #tpu.memory_space<hbm>>) dst(%dma_wait3A_277 : memref<4096xf32, #tpu.memory_space<vmem>>)
      %parallel_loop3A_281 = arith.constant 512 : i32
      %parallel_loop3A_282 = arith.constant 768 : i32
      %parallel_loop3A_283 = arith.constant 1 : i32
      scf.for %parallel_loop3A_640 = %parallel_loop3A_281 to %parallel_loop3A_282 step %parallel_loop3A_283  : i32 {
        %parallel_loop3A_641 = arith.constant 16 : i32
        %parallel_loop3A_642 = arith.muli %parallel_loop3A_640, %parallel_loop3A_641 : i32
        %parallel_loop3A_643 = arith.index_cast %parallel_loop3A_642 : i32 to index
        %parallel_loop3A_644 = tpu.vector_load %arg4[%parallel_loop3A_643] {strides = array<i32>} : memref<32768xf32, #tpu.memory_space<vmem>>, vector<16xf32>,
        %parallel_loop3A_645 = vector.bitcast %parallel_loop3A_644 : vector<16xf32> to vector<16xi32>
        %parallel_loop3A_646 = arith.constant 31 : i32
        %parallel_loop3A_647 = vector.broadcast %parallel_loop3A_646 : i32 to vector<16xi32>
        %parallel_loop3A_648 = arith.shrsi %parallel_loop3A_645, %parallel_loop3A_647 : vector<16xi32>
        %parallel_loop3A_649 = arith.constant 2147483647 : i32
        %parallel_loop3A_650 = vector.broadcast %parallel_loop3A_649 : i32 to vector<16xi32>
        %parallel_loop3A_651 = arith.andi %parallel_loop3A_648, %parallel_loop3A_650 : vector<16xi32>
        %parallel_loop3A_652 = arith.xori %parallel_loop3A_645, %parallel_loop3A_651 : vector<16xi32>
        %parallel_loop3A_653 = arith.constant 22 : i32
        %parallel_loop3A_654 = vector.broadcast %parallel_loop3A_653 : i32 to vector<16xi32>
        %parallel_loop3A_655 = arith.shrsi %parallel_loop3A_652, %parallel_loop3A_654 : vector<16xi32>
        %parallel_loop3A_656 = arith.addi %add3A_14, %parallel_loop3A_655 : vector<16xi32>
        tpu.vector_store_idx %arg6[%parallel_loop3A_656], %broadcast_in_dim3A_2 {add = true} : memref<16384xi32, #tpu.memory_space<vmem>>[vector<16xi32>], vector<16xi32>,
      } {sc.loop_unroll_factor = 8 : i64, sc.parallel_access}
      %dma_wait3A_284 = arith.constant 12288 : i32
      %dma_wait3A_285 = tpu.memref_slice %arg4[%dma_wait3A_284] : memref<32768xf32, #tpu.memory_space<vmem>> -> memref<4096xf32, #tpu.memory_space<vmem>>
      %dma_wait3A_286 = arith.constant 12288 : i32
      %dma_wait3A_287 = tpu.memref_slice %arg2[%add3A_165, %dma_wait3A_286] : memref<128x32768xf32, #tpu.memory_space<hbm>> -> memref<1x4096xf32, #tpu.memory_space<hbm>>
      %dma_wait3A_288 = tpu.memref_squeeze %dma_wait3A_287 : memref<1x4096xf32, #tpu.memory_space<hbm>> -> memref<4096xf32, #tpu.memory_space<hbm>>
      %dma_wait3A_289 = arith.constant 12288 : i32
      %dma_wait3A_290 = tpu.memref_slice %arg4[%dma_wait3A_289] : memref<32768xf32, #tpu.memory_space<vmem>> -> memref<4096xf32, #tpu.memory_space<vmem>>
      %dma_wait3A_291 = arith.constant 12288 : i32
      %dma_wait3A_292 = tpu.memref_slice %arg2[%add3A_165, %dma_wait3A_291] : memref<128x32768xf32, #tpu.memory_space<hbm>> -> memref<1x4096xf32, #tpu.memory_space<hbm>>
      %dma_wait3A_293 = tpu.memref_squeeze %dma_wait3A_292 : memref<1x4096xf32, #tpu.memory_space<hbm>> -> memref<4096xf32, #tpu.memory_space<hbm>>
      tpu.wait_dma2 semaphore(%arg10 : memref<!tpu.dma_semaphore, #tpu.memory_space<semaphore_mem>>) src(%dma_wait3A_293 : memref<4096xf32, #tpu.memory_space<hbm>>) dst(%dma_wait3A_290 : memref<4096xf32, #tpu.memory_space<vmem>>)
      %parallel_loop3A_294 = arith.constant 768 : i32
      %parallel_loop3A_295 = arith.constant 1024 : i32
      %parallel_loop3A_296 = arith.constant 1 : i32
      scf.for %parallel_loop3A_640 = %parallel_loop3A_294 to %parallel_loop3A_295 step %parallel_loop3A_296  : i32 {
        %parallel_loop3A_641 = arith.constant 16 : i32
        %parallel_loop3A_642 = arith.muli %parallel_loop3A_640, %parallel_loop3A_641 : i32
        %parallel_loop3A_643 = arith.index_cast %parallel_loop3A_642 : i32 to index
        %parallel_loop3A_644 = tpu.vector_load %arg4[%parallel_loop3A_643] {strides = array<i32>} : memref<32768xf32, #tpu.memory_space<vmem>>, vector<16xf32>,
        %parallel_loop3A_645 = vector.bitcast %parallel_loop3A_644 : vector<16xf32> to vector<16xi32>
        %parallel_loop3A_646 = arith.constant 31 : i32
        %parallel_loop3A_647 = vector.broadcast %parallel_loop3A_646 : i32 to vector<16xi32>
        %parallel_loop3A_648 = arith.shrsi %parallel_loop3A_645, %parallel_loop3A_647 : vector<16xi32>
        %parallel_loop3A_649 = arith.constant 2147483647 : i32
        %parallel_loop3A_650 = vector.broadcast %parallel_loop3A_649 : i32 to vector<16xi32>
        %parallel_loop3A_651 = arith.andi %parallel_loop3A_648, %parallel_loop3A_650 : vector<16xi32>
        %parallel_loop3A_652 = arith.xori %parallel_loop3A_645, %parallel_loop3A_651 : vector<16xi32>
        %parallel_loop3A_653 = arith.constant 22 : i32
        %parallel_loop3A_654 = vector.broadcast %parallel_loop3A_653 : i32 to vector<16xi32>
        %parallel_loop3A_655 = arith.shrsi %parallel_loop3A_652, %parallel_loop3A_654 : vector<16xi32>
        %parallel_loop3A_656 = arith.addi %add3A_14, %parallel_loop3A_655 : vector<16xi32>
        tpu.vector_store_idx %arg6[%parallel_loop3A_656], %broadcast_in_dim3A_2 {add = true} : memref<16384xi32, #tpu.memory_space<vmem>>[vector<16xi32>], vector<16xi32>,
      } {sc.loop_unroll_factor = 8 : i64, sc.parallel_access}
      %dma_wait3A_297 = arith.constant 16384 : i32
      %dma_wait3A_298 = tpu.memref_slice %arg4[%dma_wait3A_297] : memref<32768xf32, #tpu.memory_space<vmem>> -> memref<4096xf32, #tpu.memory_space<vmem>>
      %dma_wait3A_299 = arith.constant 16384 : i32
      %dma_wait3A_300 = tpu.memref_slice %arg2[%add3A_165, %dma_wait3A_299] : memref<128x32768xf32, #tpu.memory_space<hbm>> -> memref<1x4096xf32, #tpu.memory_space<hbm>>
      %dma_wait3A_301 = tpu.memref_squeeze %dma_wait3A_300 : memref<1x4096xf32, #tpu.memory_space<hbm>> -> memref<4096xf32, #tpu.memory_space<hbm>>
      %dma_wait3A_302 = arith.constant 16384 : i32
      %dma_wait3A_303 = tpu.memref_slice %arg4[%dma_wait3A_302] : memref<32768xf32, #tpu.memory_space<vmem>> -> memref<4096xf32, #tpu.memory_space<vmem>>
      %dma_wait3A_304 = arith.constant 16384 : i32
      %dma_wait3A_305 = tpu.memref_slice %arg2[%add3A_165, %dma_wait3A_304] : memref<128x32768xf32, #tpu.memory_space<hbm>> -> memref<1x4096xf32, #tpu.memory_space<hbm>>
      %dma_wait3A_306 = tpu.memref_squeeze %dma_wait3A_305 : memref<1x4096xf32, #tpu.memory_space<hbm>> -> memref<4096xf32, #tpu.memory_space<hbm>>
      tpu.wait_dma2 semaphore(%arg10 : memref<!tpu.dma_semaphore, #tpu.memory_space<semaphore_mem>>) src(%dma_wait3A_306 : memref<4096xf32, #tpu.memory_space<hbm>>) dst(%dma_wait3A_303 : memref<4096xf32, #tpu.memory_space<vmem>>)
      %parallel_loop3A_307 = arith.constant 1024 : i32
      %parallel_loop3A_308 = arith.constant 1280 : i32
      %parallel_loop3A_309 = arith.constant 1 : i32
      scf.for %parallel_loop3A_640 = %parallel_loop3A_307 to %parallel_loop3A_308 step %parallel_loop3A_309  : i32 {
        %parallel_loop3A_641 = arith.constant 16 : i32
        %parallel_loop3A_642 = arith.muli %parallel_loop3A_640, %parallel_loop3A_641 : i32
        %parallel_loop3A_643 = arith.index_cast %parallel_loop3A_642 : i32 to index
        %parallel_loop3A_644 = tpu.vector_load %arg4[%parallel_loop3A_643] {strides = array<i32>} : memref<32768xf32, #tpu.memory_space<vmem>>, vector<16xf32>,
        %parallel_loop3A_645 = vector.bitcast %parallel_loop3A_644 : vector<16xf32> to vector<16xi32>
        %parallel_loop3A_646 = arith.constant 31 : i32
        %parallel_loop3A_647 = vector.broadcast %parallel_loop3A_646 : i32 to vector<16xi32>
        %parallel_loop3A_648 = arith.shrsi %parallel_loop3A_645, %parallel_loop3A_647 : vector<16xi32>
        %parallel_loop3A_649 = arith.constant 2147483647 : i32
        %parallel_loop3A_650 = vector.broadcast %parallel_loop3A_649 : i32 to vector<16xi32>
        %parallel_loop3A_651 = arith.andi %parallel_loop3A_648, %parallel_loop3A_650 : vector<16xi32>
        %parallel_loop3A_652 = arith.xori %parallel_loop3A_645, %parallel_loop3A_651 : vector<16xi32>
        %parallel_loop3A_653 = arith.constant 22 : i32
        %parallel_loop3A_654 = vector.broadcast %parallel_loop3A_653 : i32 to vector<16xi32>
        %parallel_loop3A_655 = arith.shrsi %parallel_loop3A_652, %parallel_loop3A_654 : vector<16xi32>
        %parallel_loop3A_656 = arith.addi %add3A_14, %parallel_loop3A_655 : vector<16xi32>
        tpu.vector_store_idx %arg6[%parallel_loop3A_656], %broadcast_in_dim3A_2 {add = true} : memref<16384xi32, #tpu.memory_space<vmem>>[vector<16xi32>], vector<16xi32>,
      } {sc.loop_unroll_factor = 8 : i64, sc.parallel_access}
      %dma_wait3A_310 = arith.constant 20480 : i32
      %dma_wait3A_311 = tpu.memref_slice %arg4[%dma_wait3A_310] : memref<32768xf32, #tpu.memory_space<vmem>> -> memref<4096xf32, #tpu.memory_space<vmem>>
      %dma_wait3A_312 = arith.constant 20480 : i32
      %dma_wait3A_313 = tpu.memref_slice %arg2[%add3A_165, %dma_wait3A_312] : memref<128x32768xf32, #tpu.memory_space<hbm>> -> memref<1x4096xf32, #tpu.memory_space<hbm>>
      %dma_wait3A_314 = tpu.memref_squeeze %dma_wait3A_313 : memref<1x4096xf32, #tpu.memory_space<hbm>> -> memref<4096xf32, #tpu.memory_space<hbm>>
      %dma_wait3A_315 = arith.constant 20480 : i32
      %dma_wait3A_316 = tpu.memref_slice %arg4[%dma_wait3A_315] : memref<32768xf32, #tpu.memory_space<vmem>> -> memref<4096xf32, #tpu.memory_space<vmem>>
      %dma_wait3A_317 = arith.constant 20480 : i32
      %dma_wait3A_318 = tpu.memref_slice %arg2[%add3A_165, %dma_wait3A_317] : memref<128x32768xf32, #tpu.memory_space<hbm>> -> memref<1x4096xf32, #tpu.memory_space<hbm>>
      %dma_wait3A_319 = tpu.memref_squeeze %dma_wait3A_318 : memref<1x4096xf32, #tpu.memory_space<hbm>> -> memref<4096xf32, #tpu.memory_space<hbm>>
      tpu.wait_dma2 semaphore(%arg10 : memref<!tpu.dma_semaphore, #tpu.memory_space<semaphore_mem>>) src(%dma_wait3A_319 : memref<4096xf32, #tpu.memory_space<hbm>>) dst(%dma_wait3A_316 : memref<4096xf32, #tpu.memory_space<vmem>>)
      %parallel_loop3A_320 = arith.constant 1280 : i32
      %parallel_loop3A_321 = arith.constant 1536 : i32
      %parallel_loop3A_322 = arith.constant 1 : i32
      scf.for %parallel_loop3A_640 = %parallel_loop3A_320 to %parallel_loop3A_321 step %parallel_loop3A_322  : i32 {
        %parallel_loop3A_641 = arith.constant 16 : i32
        %parallel_loop3A_642 = arith.muli %parallel_loop3A_640, %parallel_loop3A_641 : i32
        %parallel_loop3A_643 = arith.index_cast %parallel_loop3A_642 : i32 to index
        %parallel_loop3A_644 = tpu.vector_load %arg4[%parallel_loop3A_643] {strides = array<i32>} : memref<32768xf32, #tpu.memory_space<vmem>>, vector<16xf32>,
        %parallel_loop3A_645 = vector.bitcast %parallel_loop3A_644 : vector<16xf32> to vector<16xi32>
        %parallel_loop3A_646 = arith.constant 31 : i32
        %parallel_loop3A_647 = vector.broadcast %parallel_loop3A_646 : i32 to vector<16xi32>
        %parallel_loop3A_648 = arith.shrsi %parallel_loop3A_645, %parallel_loop3A_647 : vector<16xi32>
        %parallel_loop3A_649 = arith.constant 2147483647 : i32
        %parallel_loop3A_650 = vector.broadcast %parallel_loop3A_649 : i32 to vector<16xi32>
        %parallel_loop3A_651 = arith.andi %parallel_loop3A_648, %parallel_loop3A_650 : vector<16xi32>
        %parallel_loop3A_652 = arith.xori %parallel_loop3A_645, %parallel_loop3A_651 : vector<16xi32>
        %parallel_loop3A_653 = arith.constant 22 : i32
        %parallel_loop3A_654 = vector.broadcast %parallel_loop3A_653 : i32 to vector<16xi32>
        %parallel_loop3A_655 = arith.shrsi %parallel_loop3A_652, %parallel_loop3A_654 : vector<16xi32>
        %parallel_loop3A_656 = arith.addi %add3A_14, %parallel_loop3A_655 : vector<16xi32>
        tpu.vector_store_idx %arg6[%parallel_loop3A_656], %broadcast_in_dim3A_2 {add = true} : memref<16384xi32, #tpu.memory_space<vmem>>[vector<16xi32>], vector<16xi32>,
      } {sc.loop_unroll_factor = 8 : i64, sc.parallel_access}
      %dma_wait3A_323 = arith.constant 24576 : i32
      %dma_wait3A_324 = tpu.memref_slice %arg4[%dma_wait3A_323] : memref<32768xf32, #tpu.memory_space<vmem>> -> memref<4096xf32, #tpu.memory_space<vmem>>
      %dma_wait3A_325 = arith.constant 24576 : i32
      %dma_wait3A_326 = tpu.memref_slice %arg2[%add3A_165, %dma_wait3A_325] : memref<128x32768xf32, #tpu.memory_space<hbm>> -> memref<1x4096xf32, #tpu.memory_space<hbm>>
      %dma_wait3A_327 = tpu.memref_squeeze %dma_wait3A_326 : memref<1x4096xf32, #tpu.memory_space<hbm>> -> memref<4096xf32, #tpu.memory_space<hbm>>
      %dma_wait3A_328 = arith.constant 24576 : i32
      %dma_wait3A_329 = tpu.memref_slice %arg4[%dma_wait3A_328] : memref<32768xf32, #tpu.memory_space<vmem>> -> memref<4096xf32, #tpu.memory_space<vmem>>
      %dma_wait3A_330 = arith.constant 24576 : i32
      %dma_wait3A_331 = tpu.memref_slice %arg2[%add3A_165, %dma_wait3A_330] : memref<128x32768xf32, #tpu.memory_space<hbm>> -> memref<1x4096xf32, #tpu.memory_space<hbm>>
      %dma_wait3A_332 = tpu.memref_squeeze %dma_wait3A_331 : memref<1x4096xf32, #tpu.memory_space<hbm>> -> memref<4096xf32, #tpu.memory_space<hbm>>
      tpu.wait_dma2 semaphore(%arg10 : memref<!tpu.dma_semaphore, #tpu.memory_space<semaphore_mem>>) src(%dma_wait3A_332 : memref<4096xf32, #tpu.memory_space<hbm>>) dst(%dma_wait3A_329 : memref<4096xf32, #tpu.memory_space<vmem>>)
      %parallel_loop3A_333 = arith.constant 1536 : i32
      %parallel_loop3A_334 = arith.constant 1792 : i32
      %parallel_loop3A_335 = arith.constant 1 : i32
      scf.for %parallel_loop3A_640 = %parallel_loop3A_333 to %parallel_loop3A_334 step %parallel_loop3A_335  : i32 {
        %parallel_loop3A_641 = arith.constant 16 : i32
        %parallel_loop3A_642 = arith.muli %parallel_loop3A_640, %parallel_loop3A_641 : i32
        %parallel_loop3A_643 = arith.index_cast %parallel_loop3A_642 : i32 to index
        %parallel_loop3A_644 = tpu.vector_load %arg4[%parallel_loop3A_643] {strides = array<i32>} : memref<32768xf32, #tpu.memory_space<vmem>>, vector<16xf32>,
        %parallel_loop3A_645 = vector.bitcast %parallel_loop3A_644 : vector<16xf32> to vector<16xi32>
        %parallel_loop3A_646 = arith.constant 31 : i32
        %parallel_loop3A_647 = vector.broadcast %parallel_loop3A_646 : i32 to vector<16xi32>
        %parallel_loop3A_648 = arith.shrsi %parallel_loop3A_645, %parallel_loop3A_647 : vector<16xi32>
        %parallel_loop3A_649 = arith.constant 2147483647 : i32
        %parallel_loop3A_650 = vector.broadcast %parallel_loop3A_649 : i32 to vector<16xi32>
        %parallel_loop3A_651 = arith.andi %parallel_loop3A_648, %parallel_loop3A_650 : vector<16xi32>
        %parallel_loop3A_652 = arith.xori %parallel_loop3A_645, %parallel_loop3A_651 : vector<16xi32>
        %parallel_loop3A_653 = arith.constant 22 : i32
        %parallel_loop3A_654 = vector.broadcast %parallel_loop3A_653 : i32 to vector<16xi32>
        %parallel_loop3A_655 = arith.shrsi %parallel_loop3A_652, %parallel_loop3A_654 : vector<16xi32>
        %parallel_loop3A_656 = arith.addi %add3A_14, %parallel_loop3A_655 : vector<16xi32>
        tpu.vector_store_idx %arg6[%parallel_loop3A_656], %broadcast_in_dim3A_2 {add = true} : memref<16384xi32, #tpu.memory_space<vmem>>[vector<16xi32>], vector<16xi32>,
      } {sc.loop_unroll_factor = 8 : i64, sc.parallel_access}
      %dma_wait3A_336 = arith.constant 28672 : i32
      %dma_wait3A_337 = tpu.memref_slice %arg4[%dma_wait3A_336] : memref<32768xf32, #tpu.memory_space<vmem>> -> memref<4096xf32, #tpu.memory_space<vmem>>
      %dma_wait3A_338 = arith.constant 28672 : i32
      %dma_wait3A_339 = tpu.memref_slice %arg2[%add3A_165, %dma_wait3A_338] : memref<128x32768xf32, #tpu.memory_space<hbm>> -> memref<1x4096xf32, #tpu.memory_space<hbm>>
      %dma_wait3A_340 = tpu.memref_squeeze %dma_wait3A_339 : memref<1x4096xf32, #tpu.memory_space<hbm>> -> memref<4096xf32, #tpu.memory_space<hbm>>
      %dma_wait3A_341 = arith.constant 28672 : i32
      %dma_wait3A_342 = tpu.memref_slice %arg4[%dma_wait3A_341] : memref<32768xf32, #tpu.memory_space<vmem>> -> memref<4096xf32, #tpu.memory_space<vmem>>
      %dma_wait3A_343 = arith.constant 28672 : i32
      %dma_wait3A_344 = tpu.memref_slice %arg2[%add3A_165, %dma_wait3A_343] : memref<128x32768xf32, #tpu.memory_space<hbm>> -> memref<1x4096xf32, #tpu.memory_space<hbm>>
      %dma_wait3A_345 = tpu.memref_squeeze %dma_wait3A_344 : memref<1x4096xf32, #tpu.memory_space<hbm>> -> memref<4096xf32, #tpu.memory_space<hbm>>
      tpu.wait_dma2 semaphore(%arg10 : memref<!tpu.dma_semaphore, #tpu.memory_space<semaphore_mem>>) src(%dma_wait3A_345 : memref<4096xf32, #tpu.memory_space<hbm>>) dst(%dma_wait3A_342 : memref<4096xf32, #tpu.memory_space<vmem>>)
      %parallel_loop3A_346 = arith.constant 1792 : i32
      %parallel_loop3A_347 = arith.constant 2048 : i32
      %parallel_loop3A_348 = arith.constant 1 : i32
      scf.for %parallel_loop3A_640 = %parallel_loop3A_346 to %parallel_loop3A_347 step %parallel_loop3A_348  : i32 {
        %parallel_loop3A_641 = arith.constant 16 : i32
        %parallel_loop3A_642 = arith.muli %parallel_loop3A_640, %parallel_loop3A_641 : i32
        %parallel_loop3A_643 = arith.index_cast %parallel_loop3A_642 : i32 to index
        %parallel_loop3A_644 = tpu.vector_load %arg4[%parallel_loop3A_643] {strides = array<i32>} : memref<32768xf32, #tpu.memory_space<vmem>>, vector<16xf32>,
        %parallel_loop3A_645 = vector.bitcast %parallel_loop3A_644 : vector<16xf32> to vector<16xi32>
        %parallel_loop3A_646 = arith.constant 31 : i32
        %parallel_loop3A_647 = vector.broadcast %parallel_loop3A_646 : i32 to vector<16xi32>
        %parallel_loop3A_648 = arith.shrsi %parallel_loop3A_645, %parallel_loop3A_647 : vector<16xi32>
        %parallel_loop3A_649 = arith.constant 2147483647 : i32
        %parallel_loop3A_650 = vector.broadcast %parallel_loop3A_649 : i32 to vector<16xi32>
        %parallel_loop3A_651 = arith.andi %parallel_loop3A_648, %parallel_loop3A_650 : vector<16xi32>
        %parallel_loop3A_652 = arith.xori %parallel_loop3A_645, %parallel_loop3A_651 : vector<16xi32>
        %parallel_loop3A_653 = arith.constant 22 : i32
        %parallel_loop3A_654 = vector.broadcast %parallel_loop3A_653 : i32 to vector<16xi32>
        %parallel_loop3A_655 = arith.shrsi %parallel_loop3A_652, %parallel_loop3A_654 : vector<16xi32>
        %parallel_loop3A_656 = arith.addi %add3A_14, %parallel_loop3A_655 : vector<16xi32>
        tpu.vector_store_idx %arg6[%parallel_loop3A_656], %broadcast_in_dim3A_2 {add = true} : memref<16384xi32, #tpu.memory_space<vmem>>[vector<16xi32>], vector<16xi32>,
      } {sc.loop_unroll_factor = 8 : i64, sc.parallel_access}
      %parallel_loop3A_349 = arith.constant 0 : i32
      %parallel_loop3A_350 = arith.constant 64 : i32
      %parallel_loop3A_351 = arith.constant 1 : i32
      scf.for %parallel_loop3A_640 = %parallel_loop3A_349 to %parallel_loop3A_350 step %parallel_loop3A_351  : i32 {
        %parallel_loop3A_641 = arith.constant 16 : i32
        %parallel_loop3A_642 = arith.muli %parallel_loop3A_640, %parallel_loop3A_641 : i32
        %parallel_loop3A_643 = arith.constant 0 : i32
        %parallel_loop3A_644 = arith.addi %parallel_loop3A_643, %parallel_loop3A_642 : i32
        %parallel_loop3A_645 = arith.index_cast %parallel_loop3A_644 : i32 to index
        %parallel_loop3A_646 = tpu.vector_load %arg6[%parallel_loop3A_645] {strides = array<i32>} : memref<16384xi32, #tpu.memory_space<vmem>>, vector<16xi32>,
        %parallel_loop3A_647 = arith.addi %broadcast_in_dim3A_0, %parallel_loop3A_646 : vector<16xi32>
        %parallel_loop3A_648 = arith.index_cast %parallel_loop3A_644 : i32 to index
        %parallel_loop3A_649 = tpu.vector_load %arg6[%parallel_loop3A_648] {strides = array<i32>} : memref<16384xi32, #tpu.memory_space<vmem>>, vector<16xi32>,
        tpu.vector_store %arg6[%parallel_loop3A_648], %broadcast_in_dim3A_0 {strides = array<i32>} : memref<16384xi32, #tpu.memory_space<vmem>>, vector<16xi32>,
        %parallel_loop3A_650 = arith.constant 16 : i32
        %parallel_loop3A_651 = arith.muli %parallel_loop3A_640, %parallel_loop3A_650 : i32
        %parallel_loop3A_652 = arith.constant 1024 : i32
        %parallel_loop3A_653 = arith.addi %parallel_loop3A_652, %parallel_loop3A_651 : i32
        %parallel_loop3A_654 = arith.index_cast %parallel_loop3A_653 : i32 to index
        %parallel_loop3A_655 = tpu.vector_load %arg6[%parallel_loop3A_654] {strides = array<i32>} : memref<16384xi32, #tpu.memory_space<vmem>>, vector<16xi32>,
        %parallel_loop3A_656 = arith.addi %parallel_loop3A_647, %parallel_loop3A_655 : vector<16xi32>
        %parallel_loop3A_657 = arith.index_cast %parallel_loop3A_653 : i32 to index
        %parallel_loop3A_658 = tpu.vector_load %arg6[%parallel_loop3A_657] {strides = array<i32>} : memref<16384xi32, #tpu.memory_space<vmem>>, vector<16xi32>,
        tpu.vector_store %arg6[%parallel_loop3A_657], %broadcast_in_dim3A_0 {strides = array<i32>} : memref<16384xi32, #tpu.memory_space<vmem>>, vector<16xi32>,
        %parallel_loop3A_659 = arith.constant 16 : i32
        %parallel_loop3A_660 = arith.muli %parallel_loop3A_640, %parallel_loop3A_659 : i32
        %parallel_loop3A_661 = arith.constant 2048 : i32
        %parallel_loop3A_662 = arith.addi %parallel_loop3A_661, %parallel_loop3A_660 : i32
        %parallel_loop3A_663 = arith.index_cast %parallel_loop3A_662 : i32 to index
        %parallel_loop3A_664 = tpu.vector_load %arg6[%parallel_loop3A_663] {strides = array<i32>} : memref<16384xi32, #tpu.memory_space<vmem>>, vector<16xi32>,
        %parallel_loop3A_665 = arith.addi %parallel_loop3A_656, %parallel_loop3A_664 : vector<16xi32>
        %parallel_loop3A_666 = arith.index_cast %parallel_loop3A_662 : i32 to index
        %parallel_loop3A_667 = tpu.vector_load %arg6[%parallel_loop3A_666] {strides = array<i32>} : memref<16384xi32, #tpu.memory_space<vmem>>, vector<16xi32>,
        tpu.vector_store %arg6[%parallel_loop3A_666], %broadcast_in_dim3A_0 {strides = array<i32>} : memref<16384xi32, #tpu.memory_space<vmem>>, vector<16xi32>,
        %parallel_loop3A_668 = arith.constant 16 : i32
        %parallel_loop3A_669 = arith.muli %parallel_loop3A_640, %parallel_loop3A_668 : i32
        %parallel_loop3A_670 = arith.constant 3072 : i32
        %parallel_loop3A_671 = arith.addi %parallel_loop3A_670, %parallel_loop3A_669 : i32
        %parallel_loop3A_672 = arith.index_cast %parallel_loop3A_671 : i32 to index
        %parallel_loop3A_673 = tpu.vector_load %arg6[%parallel_loop3A_672] {strides = array<i32>} : memref<16384xi32, #tpu.memory_space<vmem>>, vector<16xi32>,
        %parallel_loop3A_674 = arith.addi %parallel_loop3A_665, %parallel_loop3A_673 : vector<16xi32>
        %parallel_loop3A_675 = arith.index_cast %parallel_loop3A_671 : i32 to index
        %parallel_loop3A_676 = tpu.vector_load %arg6[%parallel_loop3A_675] {strides = array<i32>} : memref<16384xi32, #tpu.memory_space<vmem>>, vector<16xi32>,
        tpu.vector_store %arg6[%parallel_loop3A_675], %broadcast_in_dim3A_0 {strides = array<i32>} : memref<16384xi32, #tpu.memory_space<vmem>>, vector<16xi32>,
        %parallel_loop3A_677 = arith.constant 16 : i32
        %parallel_loop3A_678 = arith.muli %parallel_loop3A_640, %parallel_loop3A_677 : i32
        %parallel_loop3A_679 = arith.constant 4096 : i32
        %parallel_loop3A_680 = arith.addi %parallel_loop3A_679, %parallel_loop3A_678 : i32
        %parallel_loop3A_681 = arith.index_cast %parallel_loop3A_680 : i32 to index
        %parallel_loop3A_682 = tpu.vector_load %arg6[%parallel_loop3A_681] {strides = array<i32>} : memref<16384xi32, #tpu.memory_space<vmem>>, vector<16xi32>,
        %parallel_loop3A_683 = arith.addi %parallel_loop3A_674, %parallel_loop3A_682 : vector<16xi32>
        %parallel_loop3A_684 = arith.index_cast %parallel_loop3A_680 : i32 to index
        %parallel_loop3A_685 = tpu.vector_load %arg6[%parallel_loop3A_684] {strides = array<i32>} : memref<16384xi32, #tpu.memory_space<vmem>>, vector<16xi32>,
        tpu.vector_store %arg6[%parallel_loop3A_684], %broadcast_in_dim3A_0 {strides = array<i32>} : memref<16384xi32, #tpu.memory_space<vmem>>, vector<16xi32>,
        %parallel_loop3A_686 = arith.constant 16 : i32
        %parallel_loop3A_687 = arith.muli %parallel_loop3A_640, %parallel_loop3A_686 : i32
        %parallel_loop3A_688 = arith.constant 5120 : i32
        %parallel_loop3A_689 = arith.addi %parallel_loop3A_688, %parallel_loop3A_687 : i32
        %parallel_loop3A_690 = arith.index_cast %parallel_loop3A_689 : i32 to index
        %parallel_loop3A_691 = tpu.vector_load %arg6[%parallel_loop3A_690] {strides = array<i32>} : memref<16384xi32, #tpu.memory_space<vmem>>, vector<16xi32>,
        %parallel_loop3A_692 = arith.addi %parallel_loop3A_683, %parallel_loop3A_691 : vector<16xi32>
        %parallel_loop3A_693 = arith.index_cast %parallel_loop3A_689 : i32 to index
        %parallel_loop3A_694 = tpu.vector_load %arg6[%parallel_loop3A_693] {strides = array<i32>} : memref<16384xi32, #tpu.memory_space<vmem>>, vector<16xi32>,
        tpu.vector_store %arg6[%parallel_loop3A_693], %broadcast_in_dim3A_0 {strides = array<i32>} : memref<16384xi32, #tpu.memory_space<vmem>>, vector<16xi32>,
        %parallel_loop3A_695 = arith.constant 16 : i32
        %parallel_loop3A_696 = arith.muli %parallel_loop3A_640, %parallel_loop3A_695 : i32
        %parallel_loop3A_697 = arith.constant 6144 : i32
        %parallel_loop3A_698 = arith.addi %parallel_loop3A_697, %parallel_loop3A_696 : i32
        %parallel_loop3A_699 = arith.index_cast %parallel_loop3A_698 : i32 to index
        %parallel_loop3A_700 = tpu.vector_load %arg6[%parallel_loop3A_699] {strides = array<i32>} : memref<16384xi32, #tpu.memory_space<vmem>>, vector<16xi32>,
        %parallel_loop3A_701 = arith.addi %parallel_loop3A_692, %parallel_loop3A_700 : vector<16xi32>
        %parallel_loop3A_702 = arith.index_cast %parallel_loop3A_698 : i32 to index
        %parallel_loop3A_703 = tpu.vector_load %arg6[%parallel_loop3A_702] {strides = array<i32>} : memref<16384xi32, #tpu.memory_space<vmem>>, vector<16xi32>,
        tpu.vector_store %arg6[%parallel_loop3A_702], %broadcast_in_dim3A_0 {strides = array<i32>} : memref<16384xi32, #tpu.memory_space<vmem>>, vector<16xi32>,
        %parallel_loop3A_704 = arith.constant 16 : i32
        %parallel_loop3A_705 = arith.muli %parallel_loop3A_640, %parallel_loop3A_704 : i32
        %parallel_loop3A_706 = arith.constant 7168 : i32
        %parallel_loop3A_707 = arith.addi %parallel_loop3A_706, %parallel_loop3A_705 : i32
        %parallel_loop3A_708 = arith.index_cast %parallel_loop3A_707 : i32 to index
        %parallel_loop3A_709 = tpu.vector_load %arg6[%parallel_loop3A_708] {strides = array<i32>} : memref<16384xi32, #tpu.memory_space<vmem>>, vector<16xi32>,
        %parallel_loop3A_710 = arith.addi %parallel_loop3A_701, %parallel_loop3A_709 : vector<16xi32>
        %parallel_loop3A_711 = arith.index_cast %parallel_loop3A_707 : i32 to index
        %parallel_loop3A_712 = tpu.vector_load %arg6[%parallel_loop3A_711] {strides = array<i32>} : memref<16384xi32, #tpu.memory_space<vmem>>, vector<16xi32>,
        tpu.vector_store %arg6[%parallel_loop3A_711], %broadcast_in_dim3A_0 {strides = array<i32>} : memref<16384xi32, #tpu.memory_space<vmem>>, vector<16xi32>,
        %parallel_loop3A_713 = arith.constant 16 : i32
        %parallel_loop3A_714 = arith.muli %parallel_loop3A_640, %parallel_loop3A_713 : i32
        %parallel_loop3A_715 = arith.constant 8192 : i32
        %parallel_loop3A_716 = arith.addi %parallel_loop3A_715, %parallel_loop3A_714 : i32
        %parallel_loop3A_717 = arith.index_cast %parallel_loop3A_716 : i32 to index
        %parallel_loop3A_718 = tpu.vector_load %arg6[%parallel_loop3A_717] {strides = array<i32>} : memref<16384xi32, #tpu.memory_space<vmem>>, vector<16xi32>,
        %parallel_loop3A_719 = arith.addi %parallel_loop3A_710, %parallel_loop3A_718 : vector<16xi32>
        %parallel_loop3A_720 = arith.index_cast %parallel_loop3A_716 : i32 to index
        %parallel_loop3A_721 = tpu.vector_load %arg6[%parallel_loop3A_720] {strides = array<i32>} : memref<16384xi32, #tpu.memory_space<vmem>>, vector<16xi32>,
        tpu.vector_store %arg6[%parallel_loop3A_720], %broadcast_in_dim3A_0 {strides = array<i32>} : memref<16384xi32, #tpu.memory_space<vmem>>, vector<16xi32>,
        %parallel_loop3A_722 = arith.constant 16 : i32
        %parallel_loop3A_723 = arith.muli %parallel_loop3A_640, %parallel_loop3A_722 : i32
        %parallel_loop3A_724 = arith.constant 9216 : i32
        %parallel_loop3A_725 = arith.addi %parallel_loop3A_724, %parallel_loop3A_723 : i32
        %parallel_loop3A_726 = arith.index_cast %parallel_loop3A_725 : i32 to index
        %parallel_loop3A_727 = tpu.vector_load %arg6[%parallel_loop3A_726] {strides = array<i32>} : memref<16384xi32, #tpu.memory_space<vmem>>, vector<16xi32>,
        %parallel_loop3A_728 = arith.addi %parallel_loop3A_719, %parallel_loop3A_727 : vector<16xi32>
        %parallel_loop3A_729 = arith.index_cast %parallel_loop3A_725 : i32 to index
        %parallel_loop3A_730 = tpu.vector_load %arg6[%parallel_loop3A_729] {strides = array<i32>} : memref<16384xi32, #tpu.memory_space<vmem>>, vector<16xi32>,
        tpu.vector_store %arg6[%parallel_loop3A_729], %broadcast_in_dim3A_0 {strides = array<i32>} : memref<16384xi32, #tpu.memory_space<vmem>>, vector<16xi32>,
        %parallel_loop3A_731 = arith.constant 16 : i32
        %parallel_loop3A_732 = arith.muli %parallel_loop3A_640, %parallel_loop3A_731 : i32
        %parallel_loop3A_733 = arith.constant 10240 : i32
        %parallel_loop3A_734 = arith.addi %parallel_loop3A_733, %parallel_loop3A_732 : i32
        %parallel_loop3A_735 = arith.index_cast %parallel_loop3A_734 : i32 to index
        %parallel_loop3A_736 = tpu.vector_load %arg6[%parallel_loop3A_735] {strides = array<i32>} : memref<16384xi32, #tpu.memory_space<vmem>>, vector<16xi32>,
        %parallel_loop3A_737 = arith.addi %parallel_loop3A_728, %parallel_loop3A_736 : vector<16xi32>
        %parallel_loop3A_738 = arith.index_cast %parallel_loop3A_734 : i32 to index
        %parallel_loop3A_739 = tpu.vector_load %arg6[%parallel_loop3A_738] {strides = array<i32>} : memref<16384xi32, #tpu.memory_space<vmem>>, vector<16xi32>,
        tpu.vector_store %arg6[%parallel_loop3A_738], %broadcast_in_dim3A_0 {strides = array<i32>} : memref<16384xi32, #tpu.memory_space<vmem>>, vector<16xi32>,
        %parallel_loop3A_740 = arith.constant 16 : i32
        %parallel_loop3A_741 = arith.muli %parallel_loop3A_640, %parallel_loop3A_740 : i32
        %parallel_loop3A_742 = arith.constant 11264 : i32
        %parallel_loop3A_743 = arith.addi %parallel_loop3A_742, %parallel_loop3A_741 : i32
        %parallel_loop3A_744 = arith.index_cast %parallel_loop3A_743 : i32 to index
        %parallel_loop3A_745 = tpu.vector_load %arg6[%parallel_loop3A_744] {strides = array<i32>} : memref<16384xi32, #tpu.memory_space<vmem>>, vector<16xi32>,
        %parallel_loop3A_746 = arith.addi %parallel_loop3A_737, %parallel_loop3A_745 : vector<16xi32>
        %parallel_loop3A_747 = arith.index_cast %parallel_loop3A_743 : i32 to index
        %parallel_loop3A_748 = tpu.vector_load %arg6[%parallel_loop3A_747] {strides = array<i32>} : memref<16384xi32, #tpu.memory_space<vmem>>, vector<16xi32>,
        tpu.vector_store %arg6[%parallel_loop3A_747], %broadcast_in_dim3A_0 {strides = array<i32>} : memref<16384xi32, #tpu.memory_space<vmem>>, vector<16xi32>,
        %parallel_loop3A_749 = arith.constant 16 : i32
        %parallel_loop3A_750 = arith.muli %parallel_loop3A_640, %parallel_loop3A_749 : i32
        %parallel_loop3A_751 = arith.constant 12288 : i32
        %parallel_loop3A_752 = arith.addi %parallel_loop3A_751, %parallel_loop3A_750 : i32
        %parallel_loop3A_753 = arith.index_cast %parallel_loop3A_752 : i32 to index
        %parallel_loop3A_754 = tpu.vector_load %arg6[%parallel_loop3A_753] {strides = array<i32>} : memref<16384xi32, #tpu.memory_space<vmem>>, vector<16xi32>,
        %parallel_loop3A_755 = arith.addi %parallel_loop3A_746, %parallel_loop3A_754 : vector<16xi32>
        %parallel_loop3A_756 = arith.index_cast %parallel_loop3A_752 : i32 to index
        %parallel_loop3A_757 = tpu.vector_load %arg6[%parallel_loop3A_756] {strides = array<i32>} : memref<16384xi32, #tpu.memory_space<vmem>>, vector<16xi32>,
        tpu.vector_store %arg6[%parallel_loop3A_756], %broadcast_in_dim3A_0 {strides = array<i32>} : memref<16384xi32, #tpu.memory_space<vmem>>, vector<16xi32>,
        %parallel_loop3A_758 = arith.constant 16 : i32
        %parallel_loop3A_759 = arith.muli %parallel_loop3A_640, %parallel_loop3A_758 : i32
        %parallel_loop3A_760 = arith.constant 13312 : i32
        %parallel_loop3A_761 = arith.addi %parallel_loop3A_760, %parallel_loop3A_759 : i32
        %parallel_loop3A_762 = arith.index_cast %parallel_loop3A_761 : i32 to index
        %parallel_loop3A_763 = tpu.vector_load %arg6[%parallel_loop3A_762] {strides = array<i32>} : memref<16384xi32, #tpu.memory_space<vmem>>, vector<16xi32>,
        %parallel_loop3A_764 = arith.addi %parallel_loop3A_755, %parallel_loop3A_763 : vector<16xi32>
        %parallel_loop3A_765 = arith.index_cast %parallel_loop3A_761 : i32 to index
        %parallel_loop3A_766 = tpu.vector_load %arg6[%parallel_loop3A_765] {strides = array<i32>} : memref<16384xi32, #tpu.memory_space<vmem>>, vector<16xi32>,
        tpu.vector_store %arg6[%parallel_loop3A_765], %broadcast_in_dim3A_0 {strides = array<i32>} : memref<16384xi32, #tpu.memory_space<vmem>>, vector<16xi32>,
        %parallel_loop3A_767 = arith.constant 16 : i32
        %parallel_loop3A_768 = arith.muli %parallel_loop3A_640, %parallel_loop3A_767 : i32
        %parallel_loop3A_769 = arith.constant 14336 : i32
        %parallel_loop3A_770 = arith.addi %parallel_loop3A_769, %parallel_loop3A_768 : i32
        %parallel_loop3A_771 = arith.index_cast %parallel_loop3A_770 : i32 to index
        %parallel_loop3A_772 = tpu.vector_load %arg6[%parallel_loop3A_771] {strides = array<i32>} : memref<16384xi32, #tpu.memory_space<vmem>>, vector<16xi32>,
        %parallel_loop3A_773 = arith.addi %parallel_loop3A_764, %parallel_loop3A_772 : vector<16xi32>
        %parallel_loop3A_774 = arith.index_cast %parallel_loop3A_770 : i32 to index
        %parallel_loop3A_775 = tpu.vector_load %arg6[%parallel_loop3A_774] {strides = array<i32>} : memref<16384xi32, #tpu.memory_space<vmem>>, vector<16xi32>,
        tpu.vector_store %arg6[%parallel_loop3A_774], %broadcast_in_dim3A_0 {strides = array<i32>} : memref<16384xi32, #tpu.memory_space<vmem>>, vector<16xi32>,
        %parallel_loop3A_776 = arith.constant 16 : i32
        %parallel_loop3A_777 = arith.muli %parallel_loop3A_640, %parallel_loop3A_776 : i32
        %parallel_loop3A_778 = arith.constant 15360 : i32
        %parallel_loop3A_779 = arith.addi %parallel_loop3A_778, %parallel_loop3A_777 : i32
        %parallel_loop3A_780 = arith.index_cast %parallel_loop3A_779 : i32 to index
        %parallel_loop3A_781 = tpu.vector_load %arg6[%parallel_loop3A_780] {strides = array<i32>} : memref<16384xi32, #tpu.memory_space<vmem>>, vector<16xi32>,
        %parallel_loop3A_782 = arith.addi %parallel_loop3A_773, %parallel_loop3A_781 : vector<16xi32>
        %parallel_loop3A_783 = arith.index_cast %parallel_loop3A_779 : i32 to index
        %parallel_loop3A_784 = tpu.vector_load %arg6[%parallel_loop3A_783] {strides = array<i32>} : memref<16384xi32, #tpu.memory_space<vmem>>, vector<16xi32>,
        tpu.vector_store %arg6[%parallel_loop3A_783], %broadcast_in_dim3A_0 {strides = array<i32>} : memref<16384xi32, #tpu.memory_space<vmem>>, vector<16xi32>,
        %parallel_loop3A_785 = arith.constant 16 : i32
        %parallel_loop3A_786 = arith.muli %parallel_loop3A_640, %parallel_loop3A_785 : i32
        %parallel_loop3A_787 = arith.index_cast %parallel_loop3A_786 : i32 to index
        %parallel_loop3A_788 = tpu.vector_load %arg8[%parallel_loop3A_787] {strides = array<i32>} : memref<2048xi32, #tpu.memory_space<vmem>>, vector<16xi32>,
        tpu.vector_store %arg8[%parallel_loop3A_787], %parallel_loop3A_782 {strides = array<i32>} : memref<2048xi32, #tpu.memory_space<vmem>>, vector<16xi32>,
      } {sc.loop_unroll_factor = 8 : i64, sc.parallel_access}
      %broadcast_in_dim3A_352 = arith.constant 1639 : i32
      %broadcast_in_dim3A_353 = vector.broadcast %broadcast_in_dim3A_352 : i32 to vector<16xi32>
      %parallel_loop3A_354 = arith.constant 0 : i32
      %parallel_loop3A_355 = arith.constant 64 : i32
      %parallel_loop3A_356 = arith.constant 1 : i32
      %parallel_loop3A_357 = arith.constant 0 : i32
      %parallel_loop3A_358:2 = scf.for %parallel_loop3A_640 = %parallel_loop3A_354 to %parallel_loop3A_355 step %parallel_loop3A_356 iter_args(%parallel_loop3A_641 = %parallel_loop3A_357, %parallel_loop3A_642 = %broadcast_in_dim3A_0) -> (i32, vector<16xi32>)  : i32 {
        %parallel_loop3A_643 = arith.constant 63 : i32
        %parallel_loop3A_644 = arith.subi %parallel_loop3A_643, %parallel_loop3A_640 : i32
        %parallel_loop3A_645 = arith.constant 16 : i32
        %parallel_loop3A_646 = arith.muli %parallel_loop3A_644, %parallel_loop3A_645 : i32
        %parallel_loop3A_647 = arith.index_cast %parallel_loop3A_646 : i32 to index
        %parallel_loop3A_648 = tpu.vector_load %arg8[%parallel_loop3A_647] {strides = array<i32>} : memref<2048xi32, #tpu.memory_space<vmem>>, vector<16xi32>,
        %parallel_loop3A_649 = arith.constant 15 : i32
        %parallel_loop3A_650 = vector.broadcast %parallel_loop3A_649 : i32 to vector<16xi32>
        %parallel_loop3A_651 = tpu.iota {dimensions = array<i32: 0>} : vector<16xi32>
        %parallel_loop3A_652 = arith.subi %parallel_loop3A_650, %parallel_loop3A_651 : vector<16xi32>
        %parallel_loop3A_653 = tpu.dynamic_gather %parallel_loop3A_648[%parallel_loop3A_652] in [0] : vector<16xi32>, vector<16xi32> -> vector<16xi32>
        %parallel_loop3A_654 = arith.constant true
        %parallel_loop3A_655 = vector.broadcast %parallel_loop3A_654 : i1 to vector<16xi1>
        %parallel_loop3A_656 = tpu.scan <sum>, %parallel_loop3A_653 masked %parallel_loop3A_655 : vector<16xi32>, vector<16xi1> -> vector<16xi32>
        %parallel_loop3A_657 = arith.constant 15 : i32
        %parallel_loop3A_658 = vector.broadcast %parallel_loop3A_657 : i32 to vector<16xi32>
        %parallel_loop3A_659 = tpu.iota {dimensions = array<i32: 0>} : vector<16xi32>
        %parallel_loop3A_660 = arith.subi %parallel_loop3A_658, %parallel_loop3A_659 : vector<16xi32>
        %parallel_loop3A_661 = tpu.dynamic_gather %parallel_loop3A_656[%parallel_loop3A_660] in [0] : vector<16xi32>, vector<16xi32> -> vector<16xi32>
        %parallel_loop3A_662 = arith.subi %parallel_loop3A_661, %parallel_loop3A_648 : vector<16xi32>
        %parallel_loop3A_663 = vector.broadcast %parallel_loop3A_641 : i32 to vector<16xi32>
        %parallel_loop3A_664 = arith.addi %parallel_loop3A_662, %parallel_loop3A_663 : vector<16xi32>
        %parallel_loop3A_665 = arith.constant 16 : i32
        %parallel_loop3A_666 = arith.muli %parallel_loop3A_644, %parallel_loop3A_665 : i32
        %parallel_loop3A_667 = arith.index_cast %parallel_loop3A_666 : i32 to index
        %parallel_loop3A_668 = tpu.vector_load %arg9[%parallel_loop3A_667] {strides = array<i32>} : memref<2048xi32, #tpu.memory_space<vmem>>, vector<16xi32>,
        tpu.vector_store %arg9[%parallel_loop3A_667], %parallel_loop3A_664 {strides = array<i32>} : memref<2048xi32, #tpu.memory_space<vmem>>, vector<16xi32>,
        %parallel_loop3A_669 = arith.cmpi sge, %parallel_loop3A_664, %broadcast_in_dim3A_353 : vector<16xi32>
        %parallel_loop3A_670 = arith.select %parallel_loop3A_669, %broadcast_in_dim3A_2, %broadcast_in_dim3A_0 : vector<16xi1>, vector<16xi32>
        %parallel_loop3A_671 = arith.addi %parallel_loop3A_642, %parallel_loop3A_670 : vector<16xi32>
        %parallel_loop3A_672 = vector.extract_strided_slice %parallel_loop3A_661 {offsets = [0], sizes = [1], strides = [1]} : vector<16xi32> to vector<1xi32>
        %parallel_loop3A_673 = vector.extract %parallel_loop3A_672[0] : i32 from vector<1xi32>
        %parallel_loop3A_674 = arith.addi %parallel_loop3A_641, %parallel_loop3A_673 : i32
        scf.yield %parallel_loop3A_674, %parallel_loop3A_671 : i32, vector<16xi32>
      } {sc.loop_unroll_factor = 4 : i64, sc.parallel_access}
      %reduce_sum3A = arith.constant true
      %reduce_sum3A_359 = vector.broadcast %reduce_sum3A : i1 to vector<16xi1>
      %reduce_sum3A_360 = tpu.scan <sum>, %parallel_loop3A_358#1 masked %reduce_sum3A_359 : vector<16xi32>, vector<16xi1> -> vector<16xi32>
      %reduce_sum3A_361 = vector.extract %reduce_sum3A_360[15] : i32 from vector<16xi32>
      %broadcast_in_dim3A_362 = vector.broadcast %reduce_sum3A_361 : i32 to vector<16xi32>
      %gather3A = tpu.vector_load_idx %arg9[%broadcast_in_dim3A_362] : memref<2048xi32, #tpu.memory_space<vmem>>[vector<16xi32>], vector<16xi32>,
      %reduce_max3A = arith.constant true
      %reduce_max3A_363 = vector.broadcast %reduce_max3A : i1 to vector<16xi1>
      %reduce_max3A_364 = arith.constant -2147483648 : i32
      %reduce_max3A_365 = vector.broadcast %reduce_max3A_364 : i32 to vector<16xi32>
      %reduce_max3A_366 = arith.xori %gather3A, %reduce_max3A_365 : vector<16xi32>
      %reduce_max3A_367 = tpu.scan <max>, %reduce_max3A_366 masked %reduce_max3A_363 : vector<16xi32>, vector<16xi1> -> vector<16xi32>
      %reduce_max3A_368 = arith.xori %reduce_max3A_367, %reduce_max3A_365 : vector<16xi32>
      %reduce_max3A_369 = vector.extract %reduce_max3A_368[15] : i32 from vector<16xi32>
      %sub3A = arith.constant 1639 : i32
      %sub3A_370 = arith.subi %sub3A, %reduce_max3A_369 : i32
      %sub3A_371 = arith.constant 512 : i32
      %sub3A_372 = arith.subi %reduce_sum3A_361, %sub3A_371 : i32
      %broadcast_in_dim3A_373 = vector.broadcast %sub3A_372 : i32 to vector<16xi32>
      %gt3A = arith.constant 0 : i32
      %gt3A_374 = arith.cmpi sgt, %scan3A_162, %gt3A : i32
      %convert_element_type3A = arith.extui %gt3A_374 : i1 to i32
      %cond3A = arith.constant 0 : i32
      %cond3A_375 = arith.cmpi ne, %convert_element_type3A, %cond3A : i32
      scf.if %cond3A_375 {
        %dma_wait3A_640 = arith.constant 0 : i32
        %dma_wait3A_641 = tpu.memref_slice %arg5[%dma_wait3A_640] : memref<32768xf32, #tpu.memory_space<vmem>> -> memref<4096xf32, #tpu.memory_space<vmem>>
        %dma_wait3A_642 = arith.constant 0 : i32
        %dma_wait3A_643 = tpu.memref_slice %arg3[%add3A_165, %dma_wait3A_642] : memref<128x32768xf32, #tpu.memory_space<hbm>> -> memref<1x4096xf32, #tpu.memory_space<hbm>>
        %dma_wait3A_644 = tpu.memref_squeeze %dma_wait3A_643 : memref<1x4096xf32, #tpu.memory_space<hbm>> -> memref<4096xf32, #tpu.memory_space<hbm>>
        %dma_wait3A_645 = arith.constant 0 : i32
        %dma_wait3A_646 = tpu.memref_slice %arg3[%add3A_165, %dma_wait3A_645] : memref<128x32768xf32, #tpu.memory_space<hbm>> -> memref<1x4096xf32, #tpu.memory_space<hbm>>
        %dma_wait3A_647 = tpu.memref_squeeze %dma_wait3A_646 : memref<1x4096xf32, #tpu.memory_space<hbm>> -> memref<4096xf32, #tpu.memory_space<hbm>>
        %dma_wait3A_648 = arith.constant 0 : i32
        %dma_wait3A_649 = tpu.memref_slice %arg5[%dma_wait3A_648] : memref<32768xf32, #tpu.memory_space<vmem>> -> memref<4096xf32, #tpu.memory_space<vmem>>
        tpu.wait_dma2 semaphore(%arg11 : memref<!tpu.dma_semaphore, #tpu.memory_space<semaphore_mem>>) src(%dma_wait3A_649 : memref<4096xf32, #tpu.memory_space<vmem>>) dst(%dma_wait3A_647 : memref<4096xf32, #tpu.memory_space<hbm>>)
        %dma_wait3A_650 = arith.constant 4096 : i32
        %dma_wait3A_651 = tpu.memref_slice %arg5[%dma_wait3A_650] : memref<32768xf32, #tpu.memory_space<vmem>> -> memref<4096xf32, #tpu.memory_space<vmem>>
        %dma_wait3A_652 = arith.constant 4096 : i32
        %dma_wait3A_653 = tpu.memref_slice %arg3[%add3A_165, %dma_wait3A_652] : memref<128x32768xf32, #tpu.memory_space<hbm>> -> memref<1x4096xf32, #tpu.memory_space<hbm>>
        %dma_wait3A_654 = tpu.memref_squeeze %dma_wait3A_653 : memref<1x4096xf32, #tpu.memory_space<hbm>> -> memref<4096xf32, #tpu.memory_space<hbm>>
        %dma_wait3A_655 = arith.constant 4096 : i32
        %dma_wait3A_656 = tpu.memref_slice %arg3[%add3A_165, %dma_wait3A_655] : memref<128x32768xf32, #tpu.memory_space<hbm>> -> memref<1x4096xf32, #tpu.memory_space<hbm>>
        %dma_wait3A_657 = tpu.memref_squeeze %dma_wait3A_656 : memref<1x4096xf32, #tpu.memory_space<hbm>> -> memref<4096xf32, #tpu.memory_space<hbm>>
        %dma_wait3A_658 = arith.constant 4096 : i32
        %dma_wait3A_659 = tpu.memref_slice %arg5[%dma_wait3A_658] : memref<32768xf32, #tpu.memory_space<vmem>> -> memref<4096xf32, #tpu.memory_space<vmem>>
        tpu.wait_dma2 semaphore(%arg11 : memref<!tpu.dma_semaphore, #tpu.memory_space<semaphore_mem>>) src(%dma_wait3A_659 : memref<4096xf32, #tpu.memory_space<vmem>>) dst(%dma_wait3A_657 : memref<4096xf32, #tpu.memory_space<hbm>>)
        %dma_wait3A_660 = arith.constant 8192 : i32
        %dma_wait3A_661 = tpu.memref_slice %arg5[%dma_wait3A_660] : memref<32768xf32, #tpu.memory_space<vmem>> -> memref<4096xf32, #tpu.memory_space<vmem>>
        %dma_wait3A_662 = arith.constant 8192 : i32
        %dma_wait3A_663 = tpu.memref_slice %arg3[%add3A_165, %dma_wait3A_662] : memref<128x32768xf32, #tpu.memory_space<hbm>> -> memref<1x4096xf32, #tpu.memory_space<hbm>>
        %dma_wait3A_664 = tpu.memref_squeeze %dma_wait3A_663 : memref<1x4096xf32, #tpu.memory_space<hbm>> -> memref<4096xf32, #tpu.memory_space<hbm>>
        %dma_wait3A_665 = arith.constant 8192 : i32
        %dma_wait3A_666 = tpu.memref_slice %arg3[%add3A_165, %dma_wait3A_665] : memref<128x32768xf32, #tpu.memory_space<hbm>> -> memref<1x4096xf32, #tpu.memory_space<hbm>>
        %dma_wait3A_667 = tpu.memref_squeeze %dma_wait3A_666 : memref<1x4096xf32, #tpu.memory_space<hbm>> -> memref<4096xf32, #tpu.memory_space<hbm>>
        %dma_wait3A_668 = arith.constant 8192 : i32
        %dma_wait3A_669 = tpu.memref_slice %arg5[%dma_wait3A_668] : memref<32768xf32, #tpu.memory_space<vmem>> -> memref<4096xf32, #tpu.memory_space<vmem>>
        tpu.wait_dma2 semaphore(%arg11 : memref<!tpu.dma_semaphore, #tpu.memory_space<semaphore_mem>>) src(%dma_wait3A_669 : memref<4096xf32, #tpu.memory_space<vmem>>) dst(%dma_wait3A_667 : memref<4096xf32, #tpu.memory_space<hbm>>)
        %dma_wait3A_670 = arith.constant 12288 : i32
        %dma_wait3A_671 = tpu.memref_slice %arg5[%dma_wait3A_670] : memref<32768xf32, #tpu.memory_space<vmem>> -> memref<4096xf32, #tpu.memory_space<vmem>>
        %dma_wait3A_672 = arith.constant 12288 : i32
        %dma_wait3A_673 = tpu.memref_slice %arg3[%add3A_165, %dma_wait3A_672] : memref<128x32768xf32, #tpu.memory_space<hbm>> -> memref<1x4096xf32, #tpu.memory_space<hbm>>
        %dma_wait3A_674 = tpu.memref_squeeze %dma_wait3A_673 : memref<1x4096xf32, #tpu.memory_space<hbm>> -> memref<4096xf32, #tpu.memory_space<hbm>>
        %dma_wait3A_675 = arith.constant 12288 : i32
        %dma_wait3A_676 = tpu.memref_slice %arg3[%add3A_165, %dma_wait3A_675] : memref<128x32768xf32, #tpu.memory_space<hbm>> -> memref<1x4096xf32, #tpu.memory_space<hbm>>
        %dma_wait3A_677 = tpu.memref_squeeze %dma_wait3A_676 : memref<1x4096xf32, #tpu.memory_space<hbm>> -> memref<4096xf32, #tpu.memory_space<hbm>>
        %dma_wait3A_678 = arith.constant 12288 : i32
        %dma_wait3A_679 = tpu.memref_slice %arg5[%dma_wait3A_678] : memref<32768xf32, #tpu.memory_space<vmem>> -> memref<4096xf32, #tpu.memory_space<vmem>>
        tpu.wait_dma2 semaphore(%arg11 : memref<!tpu.dma_semaphore, #tpu.memory_space<semaphore_mem>>) src(%dma_wait3A_679 : memref<4096xf32, #tpu.memory_space<vmem>>) dst(%dma_wait3A_677 : memref<4096xf32, #tpu.memory_space<hbm>>)
        %dma_wait3A_680 = arith.constant 16384 : i32
        %dma_wait3A_681 = tpu.memref_slice %arg5[%dma_wait3A_680] : memref<32768xf32, #tpu.memory_space<vmem>> -> memref<4096xf32, #tpu.memory_space<vmem>>
        %dma_wait3A_682 = arith.constant 16384 : i32
        %dma_wait3A_683 = tpu.memref_slice %arg3[%add3A_165, %dma_wait3A_682] : memref<128x32768xf32, #tpu.memory_space<hbm>> -> memref<1x4096xf32, #tpu.memory_space<hbm>>
        %dma_wait3A_684 = tpu.memref_squeeze %dma_wait3A_683 : memref<1x4096xf32, #tpu.memory_space<hbm>> -> memref<4096xf32, #tpu.memory_space<hbm>>
        %dma_wait3A_685 = arith.constant 16384 : i32
        %dma_wait3A_686 = tpu.memref_slice %arg3[%add3A_165, %dma_wait3A_685] : memref<128x32768xf32, #tpu.memory_space<hbm>> -> memref<1x4096xf32, #tpu.memory_space<hbm>>
        %dma_wait3A_687 = tpu.memref_squeeze %dma_wait3A_686 : memref<1x4096xf32, #tpu.memory_space<hbm>> -> memref<4096xf32, #tpu.memory_space<hbm>>
        %dma_wait3A_688 = arith.constant 16384 : i32
        %dma_wait3A_689 = tpu.memref_slice %arg5[%dma_wait3A_688] : memref<32768xf32, #tpu.memory_space<vmem>> -> memref<4096xf32, #tpu.memory_space<vmem>>
        tpu.wait_dma2 semaphore(%arg11 : memref<!tpu.dma_semaphore, #tpu.memory_space<semaphore_mem>>) src(%dma_wait3A_689 : memref<4096xf32, #tpu.memory_space<vmem>>) dst(%dma_wait3A_687 : memref<4096xf32, #tpu.memory_space<hbm>>)
        %dma_wait3A_690 = arith.constant 20480 : i32
        %dma_wait3A_691 = tpu.memref_slice %arg5[%dma_wait3A_690] : memref<32768xf32, #tpu.memory_space<vmem>> -> memref<4096xf32, #tpu.memory_space<vmem>>
        %dma_wait3A_692 = arith.constant 20480 : i32
        %dma_wait3A_693 = tpu.memref_slice %arg3[%add3A_165, %dma_wait3A_692] : memref<128x32768xf32, #tpu.memory_space<hbm>> -> memref<1x4096xf32, #tpu.memory_space<hbm>>
        %dma_wait3A_694 = tpu.memref_squeeze %dma_wait3A_693 : memref<1x4096xf32, #tpu.memory_space<hbm>> -> memref<4096xf32, #tpu.memory_space<hbm>>
        %dma_wait3A_695 = arith.constant 20480 : i32
        %dma_wait3A_696 = tpu.memref_slice %arg3[%add3A_165, %dma_wait3A_695] : memref<128x32768xf32, #tpu.memory_space<hbm>> -> memref<1x4096xf32, #tpu.memory_space<hbm>>
        %dma_wait3A_697 = tpu.memref_squeeze %dma_wait3A_696 : memref<1x4096xf32, #tpu.memory_space<hbm>> -> memref<4096xf32, #tpu.memory_space<hbm>>
        %dma_wait3A_698 = arith.constant 20480 : i32
        %dma_wait3A_699 = tpu.memref_slice %arg5[%dma_wait3A_698] : memref<32768xf32, #tpu.memory_space<vmem>> -> memref<4096xf32, #tpu.memory_space<vmem>>
        tpu.wait_dma2 semaphore(%arg11 : memref<!tpu.dma_semaphore, #tpu.memory_space<semaphore_mem>>) src(%dma_wait3A_699 : memref<4096xf32, #tpu.memory_space<vmem>>) dst(%dma_wait3A_697 : memref<4096xf32, #tpu.memory_space<hbm>>)
        %dma_wait3A_700 = arith.constant 24576 : i32
        %dma_wait3A_701 = tpu.memref_slice %arg5[%dma_wait3A_700] : memref<32768xf32, #tpu.memory_space<vmem>> -> memref<4096xf32, #tpu.memory_space<vmem>>
        %dma_wait3A_702 = arith.constant 24576 : i32
        %dma_wait3A_703 = tpu.memref_slice %arg3[%add3A_165, %dma_wait3A_702] : memref<128x32768xf32, #tpu.memory_space<hbm>> -> memref<1x4096xf32, #tpu.memory_space<hbm>>
        %dma_wait3A_704 = tpu.memref_squeeze %dma_wait3A_703 : memref<1x4096xf32, #tpu.memory_space<hbm>> -> memref<4096xf32, #tpu.memory_space<hbm>>
        %dma_wait3A_705 = arith.constant 24576 : i32
        %dma_wait3A_706 = tpu.memref_slice %arg3[%add3A_165, %dma_wait3A_705] : memref<128x32768xf32, #tpu.memory_space<hbm>> -> memref<1x4096xf32, #tpu.memory_space<hbm>>
        %dma_wait3A_707 = tpu.memref_squeeze %dma_wait3A_706 : memref<1x4096xf32, #tpu.memory_space<hbm>> -> memref<4096xf32, #tpu.memory_space<hbm>>
        %dma_wait3A_708 = arith.constant 24576 : i32
        %dma_wait3A_709 = tpu.memref_slice %arg5[%dma_wait3A_708] : memref<32768xf32, #tpu.memory_space<vmem>> -> memref<4096xf32, #tpu.memory_space<vmem>>
        tpu.wait_dma2 semaphore(%arg11 : memref<!tpu.dma_semaphore, #tpu.memory_space<semaphore_mem>>) src(%dma_wait3A_709 : memref<4096xf32, #tpu.memory_space<vmem>>) dst(%dma_wait3A_707 : memref<4096xf32, #tpu.memory_space<hbm>>)
        %dma_wait3A_710 = arith.constant 28672 : i32
        %dma_wait3A_711 = tpu.memref_slice %arg5[%dma_wait3A_710] : memref<32768xf32, #tpu.memory_space<vmem>> -> memref<4096xf32, #tpu.memory_space<vmem>>
        %dma_wait3A_712 = arith.constant 28672 : i32
        %dma_wait3A_713 = tpu.memref_slice %arg3[%add3A_165, %dma_wait3A_712] : memref<128x32768xf32, #tpu.memory_space<hbm>> -> memref<1x4096xf32, #tpu.memory_space<hbm>>
        %dma_wait3A_714 = tpu.memref_squeeze %dma_wait3A_713 : memref<1x4096xf32, #tpu.memory_space<hbm>> -> memref<4096xf32, #tpu.memory_space<hbm>>
        %dma_wait3A_715 = arith.constant 28672 : i32
        %dma_wait3A_716 = tpu.memref_slice %arg3[%add3A_165, %dma_wait3A_715] : memref<128x32768xf32, #tpu.memory_space<hbm>> -> memref<1x4096xf32, #tpu.memory_space<hbm>>
        %dma_wait3A_717 = tpu.memref_squeeze %dma_wait3A_716 : memref<1x4096xf32, #tpu.memory_space<hbm>> -> memref<4096xf32, #tpu.memory_space<hbm>>
        %dma_wait3A_718 = arith.constant 28672 : i32
        %dma_wait3A_719 = tpu.memref_slice %arg5[%dma_wait3A_718] : memref<32768xf32, #tpu.memory_space<vmem>> -> memref<4096xf32, #tpu.memory_space<vmem>>
        tpu.wait_dma2 semaphore(%arg11 : memref<!tpu.dma_semaphore, #tpu.memory_space<semaphore_mem>>) src(%dma_wait3A_719 : memref<4096xf32, #tpu.memory_space<vmem>>) dst(%dma_wait3A_717 : memref<4096xf32, #tpu.memory_space<hbm>>)
      } else {
      }
      %parallel_loop3A_376 = arith.constant 0 : i32
      %parallel_loop3A_377 = arith.constant 2048 : i32
      %parallel_loop3A_378 = arith.constant 1 : i32
      %parallel_loop3A_379 = arith.constant 0 : i32
      %parallel_loop3A_380 = scf.for %parallel_loop3A_640 = %parallel_loop3A_376 to %parallel_loop3A_377 step %parallel_loop3A_378 iter_args(%parallel_loop3A_641 = %parallel_loop3A_379) -> (i32)  : i32 {
        %parallel_loop3A_642 = arith.constant 16 : i32
        %parallel_loop3A_643 = arith.muli %parallel_loop3A_640, %parallel_loop3A_642 : i32
        %parallel_loop3A_644 = arith.index_cast %parallel_loop3A_643 : i32 to index
        %parallel_loop3A_645 = tpu.vector_load %arg4[%parallel_loop3A_644] {strides = array<i32>} : memref<32768xf32, #tpu.memory_space<vmem>>, vector<16xf32>,
        %parallel_loop3A_646 = vector.bitcast %parallel_loop3A_645 : vector<16xf32> to vector<16xi32>
        %parallel_loop3A_647 = arith.constant 31 : i32
        %parallel_loop3A_648 = vector.broadcast %parallel_loop3A_647 : i32 to vector<16xi32>
        %parallel_loop3A_649 = arith.shrsi %parallel_loop3A_646, %parallel_loop3A_648 : vector<16xi32>
        %parallel_loop3A_650 = arith.constant 2147483647 : i32
        %parallel_loop3A_651 = vector.broadcast %parallel_loop3A_650 : i32 to vector<16xi32>
        %parallel_loop3A_652 = arith.andi %parallel_loop3A_649, %parallel_loop3A_651 : vector<16xi32>
        %parallel_loop3A_653 = arith.xori %parallel_loop3A_646, %parallel_loop3A_652 : vector<16xi32>
        %parallel_loop3A_654 = arith.constant 22 : i32
        %parallel_loop3A_655 = vector.broadcast %parallel_loop3A_654 : i32 to vector<16xi32>
        %parallel_loop3A_656 = arith.shrsi %parallel_loop3A_653, %parallel_loop3A_655 : vector<16xi32>
        %parallel_loop3A_657 = arith.cmpi eq, %parallel_loop3A_656, %broadcast_in_dim3A_373 : vector<16xi32>
        %parallel_loop3A_658 = vector.bitcast %parallel_loop3A_653 : vector<16xi32> to vector<16xf32>
        %parallel_loop3A_659 = arith.index_cast %parallel_loop3A_641 : i32 to index
        %parallel_loop3A_660 = tpu.vector_load %arg5[%parallel_loop3A_659] masked %parallel_loop3A_657 {strides = array<i32>} : memref<32768xf32, #tpu.memory_space<vmem>>, vector<16xf32>, vector<16xi1>
        tpu.vector_store %arg5[%parallel_loop3A_659], %parallel_loop3A_658 masked %parallel_loop3A_657 {strides = array<i32>} : memref<32768xf32, #tpu.memory_space<vmem>>, vector<16xf32>, vector<16xi1>
        %parallel_loop3A_661 = tpu.all_reduce %parallel_loop3A_657 {dim = 0 : i64, kind = #tpu.reduction_kind<sum>} : vector<16xi1> -> vector<16xi32>
        %parallel_loop3A_662 = vector.extract_strided_slice %parallel_loop3A_661 {offsets = [0], sizes = [1], strides = [1]} : vector<16xi32> to vector<1xi32>
        %parallel_loop3A_663 = vector.extract %parallel_loop3A_662[0] : i32 from vector<1xi32>
        %parallel_loop3A_664 = arith.addi %parallel_loop3A_641, %parallel_loop3A_663 : i32
        scf.yield %parallel_loop3A_664 : i32
      } {sc.loop_unroll_factor = 8 : i64, sc.parallel_access}
      %add3A_381 = arith.constant 15 : i32
      %add3A_382 = arith.addi %parallel_loop3A_380, %add3A_381 : i32
      %jit3A = arith.constant 16 : i32
      %div3A = arith.divsi %add3A_382, %jit3A : i32
      %sign3A = arith.constant 0 : i32
      %sign3A_383 = arith.cmpi sgt, %add3A_382, %sign3A : i32
      %sign3A_384 = arith.extui %sign3A_383 : i1 to i32
      %sign3A_385 = arith.constant 0 : i32
      %sign3A_386 = arith.cmpi slt, %add3A_382, %sign3A_385 : i32
      %sign3A_387 = arith.extui %sign3A_386 : i1 to i32
      %sign3A_388 = arith.subi %sign3A_384, %sign3A_387 : i32
      %sign3A_389 = arith.constant 0 : i32
      %sign3A_390 = arith.cmpi sgt, %jit3A, %sign3A_389 : i32
      %sign3A_391 = arith.extui %sign3A_390 : i1 to i32
      %sign3A_392 = arith.constant 0 : i32
      %sign3A_393 = arith.cmpi slt, %jit3A, %sign3A_392 : i32
      %sign3A_394 = arith.extui %sign3A_393 : i1 to i32
      %sign3A_395 = arith.subi %sign3A_391, %sign3A_394 : i32
      %ne3A = arith.cmpi ne, %sign3A_388, %sign3A_395 : i32
      %rem3A = arith.remsi %add3A_382, %jit3A : i32
      %ne3A_396 = arith.constant 0 : i32
      %ne3A_397 = arith.cmpi ne, %rem3A, %ne3A_396 : i32
      %and3A_398 = arith.andi %ne3A, %ne3A_397 : i1
      %sub3A_399 = arith.constant 1 : i32
      %sub3A_400 = arith.subi %div3A, %sub3A_399 : i32
      %select_n3A = arith.select %and3A_398, %sub3A_400, %div3A : i32
      %broadcast_in_dim3A_401 = vector.broadcast %parallel_loop3A_380 : i32 to vector<16xi32>
      %parallel_loop3A_402 = arith.constant 0 : i32
      %parallel_loop3A_403 = arith.constant 1 : i32
      %parallel_loop3A_404 = arith.constant 0 : i32
      %parallel_loop3A_405 = scf.for %parallel_loop3A_640 = %parallel_loop3A_402 to %select_n3A step %parallel_loop3A_403 iter_args(%parallel_loop3A_641 = %parallel_loop3A_404) -> (i32)  : i32 {
        %parallel_loop3A_642 = arith.constant 16 : i32
        %parallel_loop3A_643 = arith.muli %parallel_loop3A_640, %parallel_loop3A_642 : i32
        %parallel_loop3A_644 = arith.index_cast %parallel_loop3A_643 : i32 to index
        %parallel_loop3A_645 = tpu.vector_load %arg5[%parallel_loop3A_644] {strides = array<i32>} : memref<32768xf32, #tpu.memory_space<vmem>>, vector<16xf32>,
        %parallel_loop3A_646 = vector.bitcast %parallel_loop3A_645 : vector<16xf32> to vector<16xi32>
        %parallel_loop3A_647 = arith.constant 16 : i32
        %parallel_loop3A_648 = arith.muli %parallel_loop3A_640, %parallel_loop3A_647 : i32
        %parallel_loop3A_649 = vector.broadcast %parallel_loop3A_648 : i32 to vector<16xi32>
        %parallel_loop3A_650 = arith.addi %parallel_loop3A_649, %iota3A : vector<16xi32>
        %parallel_loop3A_651 = arith.cmpi slt, %parallel_loop3A_650, %broadcast_in_dim3A_401 : vector<16xi32>
        %parallel_loop3A_652 = arith.constant 11 : i32
        %parallel_loop3A_653 = vector.broadcast %parallel_loop3A_652 : i32 to vector<16xi32>
        %parallel_loop3A_654 = arith.shrsi %parallel_loop3A_646, %parallel_loop3A_653 : vector<16xi32>
        %parallel_loop3A_655 = arith.constant 2047 : i32
        %parallel_loop3A_656 = vector.broadcast %parallel_loop3A_655 : i32 to vector<16xi32>
        %parallel_loop3A_657 = arith.andi %parallel_loop3A_654, %parallel_loop3A_656 : vector<16xi32>
        %parallel_loop3A_658 = arith.addi %mul3A_19, %parallel_loop3A_657 : vector<16xi32>
        %parallel_loop3A_659 = arith.andi %parallel_loop3A_651, %eq3A_23 : vector<16xi1>
        tpu.vector_store_idx %arg7[%parallel_loop3A_658], %broadcast_in_dim3A_2 masked %parallel_loop3A_659 {add = true} : memref<4096xi32, #tpu.memory_space<vmem>>[vector<16xi32>], vector<16xi32>, vector<16xi1>
        %parallel_loop3A_660 = arith.andi %parallel_loop3A_651, %eq3A_29 : vector<16xi1>
        tpu.vector_store_idx %arg7[%parallel_loop3A_658], %broadcast_in_dim3A_2 masked %parallel_loop3A_660 {add = true} : memref<4096xi32, #tpu.memory_space<vmem>>[vector<16xi32>], vector<16xi32>, vector<16xi1>
        %parallel_loop3A_661 = arith.andi %parallel_loop3A_651, %eq3A_35 : vector<16xi1>
        tpu.vector_store_idx %arg7[%parallel_loop3A_658], %broadcast_in_dim3A_2 masked %parallel_loop3A_661 {add = true} : memref<4096xi32, #tpu.memory_space<vmem>>[vector<16xi32>], vector<16xi32>, vector<16xi1>
        %parallel_loop3A_662 = arith.andi %parallel_loop3A_651, %eq3A_41 : vector<16xi1>
        tpu.vector_store_idx %arg7[%parallel_loop3A_658], %broadcast_in_dim3A_2 masked %parallel_loop3A_662 {add = true} : memref<4096xi32, #tpu.memory_space<vmem>>[vector<16xi32>], vector<16xi32>, vector<16xi1>
        %parallel_loop3A_663 = arith.andi %parallel_loop3A_651, %eq3A_47 : vector<16xi1>
        tpu.vector_store_idx %arg7[%parallel_loop3A_658], %broadcast_in_dim3A_2 masked %parallel_loop3A_663 {add = true} : memref<4096xi32, #tpu.memory_space<vmem>>[vector<16xi32>], vector<16xi32>, vector<16xi1>
        %parallel_loop3A_664 = arith.andi %parallel_loop3A_651, %eq3A_53 : vector<16xi1>
        tpu.vector_store_idx %arg7[%parallel_loop3A_658], %broadcast_in_dim3A_2 masked %parallel_loop3A_664 {add = true} : memref<4096xi32, #tpu.memory_space<vmem>>[vector<16xi32>], vector<16xi32>, vector<16xi1>
        %parallel_loop3A_665 = arith.andi %parallel_loop3A_651, %eq3A_59 : vector<16xi1>
        tpu.vector_store_idx %arg7[%parallel_loop3A_658], %broadcast_in_dim3A_2 masked %parallel_loop3A_665 {add = true} : memref<4096xi32, #tpu.memory_space<vmem>>[vector<16xi32>], vector<16xi32>, vector<16xi1>
        %parallel_loop3A_666 = arith.andi %parallel_loop3A_651, %eq3A_65 : vector<16xi1>
        tpu.vector_store_idx %arg7[%parallel_loop3A_658], %broadcast_in_dim3A_2 masked %parallel_loop3A_666 {add = true} : memref<4096xi32, #tpu.memory_space<vmem>>[vector<16xi32>], vector<16xi32>, vector<16xi1>
        scf.yield %parallel_loop3A_641 : i32
      } {sc.loop_unroll_factor = 2 : i64, sc.parallel_access}
      %parallel_loop3A_406 = arith.constant 0 : i32
      %parallel_loop3A_407 = arith.constant 128 : i32
      %parallel_loop3A_408 = arith.constant 1 : i32
      scf.for %parallel_loop3A_640 = %parallel_loop3A_406 to %parallel_loop3A_407 step %parallel_loop3A_408  : i32 {
        %parallel_loop3A_641 = arith.constant 16 : i32
        %parallel_loop3A_642 = arith.muli %parallel_loop3A_640, %parallel_loop3A_641 : i32
        %parallel_loop3A_643 = arith.constant 0 : i32
        %parallel_loop3A_644 = arith.addi %parallel_loop3A_643, %parallel_loop3A_642 : i32
        %parallel_loop3A_645 = arith.index_cast %parallel_loop3A_644 : i32 to index
        %parallel_loop3A_646 = tpu.vector_load %arg7[%parallel_loop3A_645] {strides = array<i32>} : memref<4096xi32, #tpu.memory_space<vmem>>, vector<16xi32>,
        %parallel_loop3A_647 = arith.addi %broadcast_in_dim3A_0, %parallel_loop3A_646 : vector<16xi32>
        %parallel_loop3A_648 = arith.index_cast %parallel_loop3A_644 : i32 to index
        %parallel_loop3A_649 = tpu.vector_load %arg7[%parallel_loop3A_648] {strides = array<i32>} : memref<4096xi32, #tpu.memory_space<vmem>>, vector<16xi32>,
        tpu.vector_store %arg7[%parallel_loop3A_648], %broadcast_in_dim3A_0 {strides = array<i32>} : memref<4096xi32, #tpu.memory_space<vmem>>, vector<16xi32>,
        %parallel_loop3A_650 = arith.constant 16 : i32
        %parallel_loop3A_651 = arith.muli %parallel_loop3A_640, %parallel_loop3A_650 : i32
        %parallel_loop3A_652 = arith.constant 2048 : i32
        %parallel_loop3A_653 = arith.addi %parallel_loop3A_652, %parallel_loop3A_651 : i32
        %parallel_loop3A_654 = arith.index_cast %parallel_loop3A_653 : i32 to index
        %parallel_loop3A_655 = tpu.vector_load %arg7[%parallel_loop3A_654] {strides = array<i32>} : memref<4096xi32, #tpu.memory_space<vmem>>, vector<16xi32>,
        %parallel_loop3A_656 = arith.addi %parallel_loop3A_647, %parallel_loop3A_655 : vector<16xi32>
        %parallel_loop3A_657 = arith.index_cast %parallel_loop3A_653 : i32 to index
        %parallel_loop3A_658 = tpu.vector_load %arg7[%parallel_loop3A_657] {strides = array<i32>} : memref<4096xi32, #tpu.memory_space<vmem>>, vector<16xi32>,
        tpu.vector_store %arg7[%parallel_loop3A_657], %broadcast_in_dim3A_0 {strides = array<i32>} : memref<4096xi32, #tpu.memory_space<vmem>>, vector<16xi32>,
        %parallel_loop3A_659 = arith.constant 16 : i32
        %parallel_loop3A_660 = arith.muli %parallel_loop3A_640, %parallel_loop3A_659 : i32
        %parallel_loop3A_661 = arith.index_cast %parallel_loop3A_660 : i32 to index
        %parallel_loop3A_662 = tpu.vector_load %arg8[%parallel_loop3A_661] {strides = array<i32>} : memref<2048xi32, #tpu.memory_space<vmem>>, vector<16xi32>,
        tpu.vector_store %arg8[%parallel_loop3A_661], %parallel_loop3A_656 {strides = array<i32>} : memref<2048xi32, #tpu.memory_space<vmem>>, vector<16xi32>,
      } {sc.loop_unroll_factor = 8 : i64, sc.parallel_access}
      %broadcast_in_dim3A_409 = vector.broadcast %sub3A_370 : i32 to vector<16xi32>
      %parallel_loop3A_410 = arith.constant 0 : i32
      %parallel_loop3A_411 = arith.constant 128 : i32
      %parallel_loop3A_412 = arith.constant 1 : i32
      %parallel_loop3A_413 = arith.constant 0 : i32
      %parallel_loop3A_414:2 = scf.for %parallel_loop3A_640 = %parallel_loop3A_410 to %parallel_loop3A_411 step %parallel_loop3A_412 iter_args(%parallel_loop3A_641 = %parallel_loop3A_413, %parallel_loop3A_642 = %broadcast_in_dim3A_0) -> (i32, vector<16xi32>)  : i32 {
        %parallel_loop3A_643 = arith.constant 127 : i32
        %parallel_loop3A_644 = arith.subi %parallel_loop3A_643, %parallel_loop3A_640 : i32
        %parallel_loop3A_645 = arith.constant 16 : i32
        %parallel_loop3A_646 = arith.muli %parallel_loop3A_644, %parallel_loop3A_645 : i32
        %parallel_loop3A_647 = arith.index_cast %parallel_loop3A_646 : i32 to index
        %parallel_loop3A_648 = tpu.vector_load %arg8[%parallel_loop3A_647] {strides = array<i32>} : memref<2048xi32, #tpu.memory_space<vmem>>, vector<16xi32>,
        %parallel_loop3A_649 = arith.constant 15 : i32
        %parallel_loop3A_650 = vector.broadcast %parallel_loop3A_649 : i32 to vector<16xi32>
        %parallel_loop3A_651 = tpu.iota {dimensions = array<i32: 0>} : vector<16xi32>
        %parallel_loop3A_652 = arith.subi %parallel_loop3A_650, %parallel_loop3A_651 : vector<16xi32>
        %parallel_loop3A_653 = tpu.dynamic_gather %parallel_loop3A_648[%parallel_loop3A_652] in [0] : vector<16xi32>, vector<16xi32> -> vector<16xi32>
        %parallel_loop3A_654 = arith.constant true
        %parallel_loop3A_655 = vector.broadcast %parallel_loop3A_654 : i1 to vector<16xi1>
        %parallel_loop3A_656 = tpu.scan <sum>, %parallel_loop3A_653 masked %parallel_loop3A_655 : vector<16xi32>, vector<16xi1> -> vector<16xi32>
        %parallel_loop3A_657 = arith.constant 15 : i32
        %parallel_loop3A_658 = vector.broadcast %parallel_loop3A_657 : i32 to vector<16xi32>
        %parallel_loop3A_659 = tpu.iota {dimensions = array<i32: 0>} : vector<16xi32>
        %parallel_loop3A_660 = arith.subi %parallel_loop3A_658, %parallel_loop3A_659 : vector<16xi32>
        %parallel_loop3A_661 = tpu.dynamic_gather %parallel_loop3A_656[%parallel_loop3A_660] in [0] : vector<16xi32>, vector<16xi32> -> vector<16xi32>
        %parallel_loop3A_662 = arith.subi %parallel_loop3A_661, %parallel_loop3A_648 : vector<16xi32>
        %parallel_loop3A_663 = vector.broadcast %parallel_loop3A_641 : i32 to vector<16xi32>
        %parallel_loop3A_664 = arith.addi %parallel_loop3A_662, %parallel_loop3A_663 : vector<16xi32>
        %parallel_loop3A_665 = arith.constant 16 : i32
        %parallel_loop3A_666 = arith.muli %parallel_loop3A_644, %parallel_loop3A_665 : i32
        %parallel_loop3A_667 = arith.index_cast %parallel_loop3A_666 : i32 to index
        %parallel_loop3A_668 = tpu.vector_load %arg9[%parallel_loop3A_667] {strides = array<i32>} : memref<2048xi32, #tpu.memory_space<vmem>>, vector<16xi32>,
        tpu.vector_store %arg9[%parallel_loop3A_667], %parallel_loop3A_664 {strides = array<i32>} : memref<2048xi32, #tpu.memory_space<vmem>>, vector<16xi32>,
        %parallel_loop3A_669 = arith.cmpi sge, %parallel_loop3A_664, %broadcast_in_dim3A_409 : vector<16xi32>
        %parallel_loop3A_670 = arith.select %parallel_loop3A_669, %broadcast_in_dim3A_2, %broadcast_in_dim3A_0 : vector<16xi1>, vector<16xi32>
        %parallel_loop3A_671 = arith.addi %parallel_loop3A_642, %parallel_loop3A_670 : vector<16xi32>
        %parallel_loop3A_672 = vector.extract_strided_slice %parallel_loop3A_661 {offsets = [0], sizes = [1], strides = [1]} : vector<16xi32> to vector<1xi32>
        %parallel_loop3A_673 = vector.extract %parallel_loop3A_672[0] : i32 from vector<1xi32>
        %parallel_loop3A_674 = arith.addi %parallel_loop3A_641, %parallel_loop3A_673 : i32
        scf.yield %parallel_loop3A_674, %parallel_loop3A_671 : i32, vector<16xi32>
      } {sc.loop_unroll_factor = 4 : i64, sc.parallel_access}
      %reduce_sum3A_415 = arith.constant true
      %reduce_sum3A_416 = vector.broadcast %reduce_sum3A_415 : i1 to vector<16xi1>
      %reduce_sum3A_417 = tpu.scan <sum>, %parallel_loop3A_414#1 masked %reduce_sum3A_416 : vector<16xi32>, vector<16xi1> -> vector<16xi32>
      %reduce_sum3A_418 = vector.extract %reduce_sum3A_417[15] : i32 from vector<16xi32>
      %broadcast_in_dim3A_419 = vector.broadcast %reduce_sum3A_418 : i32 to vector<16xi32>
      %gather3A_420 = tpu.vector_load_idx %arg9[%broadcast_in_dim3A_419] : memref<2048xi32, #tpu.memory_space<vmem>>[vector<16xi32>], vector<16xi32>,
      %reduce_max3A_421 = arith.constant true
      %reduce_max3A_422 = vector.broadcast %reduce_max3A_421 : i1 to vector<16xi1>
      %reduce_max3A_423 = arith.constant -2147483648 : i32
      %reduce_max3A_424 = vector.broadcast %reduce_max3A_423 : i32 to vector<16xi32>
      %reduce_max3A_425 = arith.xori %gather3A_420, %reduce_max3A_424 : vector<16xi32>
      %reduce_max3A_426 = tpu.scan <max>, %reduce_max3A_425 masked %reduce_max3A_422 : vector<16xi32>, vector<16xi1> -> vector<16xi32>
      %reduce_max3A_427 = arith.xori %reduce_max3A_426, %reduce_max3A_424 : vector<16xi32>
      %reduce_max3A_428 = vector.extract %reduce_max3A_427[15] : i32 from vector<16xi32>
      %sub3A_429 = arith.subi %sub3A_370, %reduce_max3A_428 : i32
      %broadcast_in_dim3A_430 = vector.broadcast %reduce_sum3A_418 : i32 to vector<16xi32>
      %parallel_loop3A_431 = arith.constant 0 : i32
      %parallel_loop3A_432 = arith.constant 1 : i32
      %parallel_loop3A_433 = scf.for %parallel_loop3A_640 = %parallel_loop3A_431 to %select_n3A step %parallel_loop3A_432 iter_args(%parallel_loop3A_641 = %broadcast_in_dim3A_4) -> (vector<16xi32>)  : i32 {
        %parallel_loop3A_642 = arith.constant 16 : i32
        %parallel_loop3A_643 = arith.muli %parallel_loop3A_640, %parallel_loop3A_642 : i32
        %parallel_loop3A_644 = arith.index_cast %parallel_loop3A_643 : i32 to index
        %parallel_loop3A_645 = tpu.vector_load %arg5[%parallel_loop3A_644] {strides = array<i32>} : memref<32768xf32, #tpu.memory_space<vmem>>, vector<16xf32>,
        %parallel_loop3A_646 = vector.bitcast %parallel_loop3A_645 : vector<16xf32> to vector<16xi32>
        %parallel_loop3A_647 = arith.constant 16 : i32
        %parallel_loop3A_648 = arith.muli %parallel_loop3A_640, %parallel_loop3A_647 : i32
        %parallel_loop3A_649 = vector.broadcast %parallel_loop3A_648 : i32 to vector<16xi32>
        %parallel_loop3A_650 = arith.addi %parallel_loop3A_649, %iota3A : vector<16xi32>
        %parallel_loop3A_651 = arith.cmpi slt, %parallel_loop3A_650, %broadcast_in_dim3A_401 : vector<16xi32>
        %parallel_loop3A_652 = arith.constant 11 : i32
        %parallel_loop3A_653 = vector.broadcast %parallel_loop3A_652 : i32 to vector<16xi32>
        %parallel_loop3A_654 = arith.shrsi %parallel_loop3A_646, %parallel_loop3A_653 : vector<16xi32>
        %parallel_loop3A_655 = arith.constant 2047 : i32
        %parallel_loop3A_656 = vector.broadcast %parallel_loop3A_655 : i32 to vector<16xi32>
        %parallel_loop3A_657 = arith.andi %parallel_loop3A_654, %parallel_loop3A_656 : vector<16xi32>
        %parallel_loop3A_658 = arith.cmpi eq, %parallel_loop3A_657, %broadcast_in_dim3A_430 : vector<16xi32>
        %parallel_loop3A_659 = arith.andi %parallel_loop3A_651, %parallel_loop3A_658 : vector<16xi1>
        %parallel_loop3A_660 = arith.constant 2047 : i32
        %parallel_loop3A_661 = vector.broadcast %parallel_loop3A_660 : i32 to vector<16xi32>
        %parallel_loop3A_662 = arith.andi %parallel_loop3A_646, %parallel_loop3A_661 : vector<16xi32>
        %parallel_loop3A_663 = arith.addi %mul3A_19, %parallel_loop3A_662 : vector<16xi32>
        %parallel_loop3A_664 = arith.andi %parallel_loop3A_659, %eq3A_23 : vector<16xi1>
        tpu.vector_store_idx %arg7[%parallel_loop3A_663], %broadcast_in_dim3A_2 masked %parallel_loop3A_664 {add = true} : memref<4096xi32, #tpu.memory_space<vmem>>[vector<16xi32>], vector<16xi32>, vector<16xi1>
        %parallel_loop3A_665 = arith.andi %parallel_loop3A_659, %eq3A_29 : vector<16xi1>
        tpu.vector_store_idx %arg7[%parallel_loop3A_663], %broadcast_in_dim3A_2 masked %parallel_loop3A_665 {add = true} : memref<4096xi32, #tpu.memory_space<vmem>>[vector<16xi32>], vector<16xi32>, vector<16xi1>
        %parallel_loop3A_666 = arith.andi %parallel_loop3A_659, %eq3A_35 : vector<16xi1>
        tpu.vector_store_idx %arg7[%parallel_loop3A_663], %broadcast_in_dim3A_2 masked %parallel_loop3A_666 {add = true} : memref<4096xi32, #tpu.memory_space<vmem>>[vector<16xi32>], vector<16xi32>, vector<16xi1>
        %parallel_loop3A_667 = arith.andi %parallel_loop3A_659, %eq3A_41 : vector<16xi1>
        tpu.vector_store_idx %arg7[%parallel_loop3A_663], %broadcast_in_dim3A_2 masked %parallel_loop3A_667 {add = true} : memref<4096xi32, #tpu.memory_space<vmem>>[vector<16xi32>], vector<16xi32>, vector<16xi1>
        %parallel_loop3A_668 = arith.andi %parallel_loop3A_659, %eq3A_47 : vector<16xi1>
        tpu.vector_store_idx %arg7[%parallel_loop3A_663], %broadcast_in_dim3A_2 masked %parallel_loop3A_668 {add = true} : memref<4096xi32, #tpu.memory_space<vmem>>[vector<16xi32>], vector<16xi32>, vector<16xi1>
        %parallel_loop3A_669 = arith.andi %parallel_loop3A_659, %eq3A_53 : vector<16xi1>
        tpu.vector_store_idx %arg7[%parallel_loop3A_663], %broadcast_in_dim3A_2 masked %parallel_loop3A_669 {add = true} : memref<4096xi32, #tpu.memory_space<vmem>>[vector<16xi32>], vector<16xi32>, vector<16xi1>
        %parallel_loop3A_670 = arith.andi %parallel_loop3A_659, %eq3A_59 : vector<16xi1>
        tpu.vector_store_idx %arg7[%parallel_loop3A_663], %broadcast_in_dim3A_2 masked %parallel_loop3A_670 {add = true} : memref<4096xi32, #tpu.memory_space<vmem>>[vector<16xi32>], vector<16xi32>, vector<16xi1>
        %parallel_loop3A_671 = arith.andi %parallel_loop3A_659, %eq3A_65 : vector<16xi1>
        tpu.vector_store_idx %arg7[%parallel_loop3A_663], %broadcast_in_dim3A_2 masked %parallel_loop3A_671 {add = true} : memref<4096xi32, #tpu.memory_space<vmem>>[vector<16xi32>], vector<16xi32>, vector<16xi1>
        %parallel_loop3A_672 = arith.cmpi slt, %parallel_loop3A_657, %broadcast_in_dim3A_430 : vector<16xi32>
        %parallel_loop3A_673 = arith.andi %parallel_loop3A_651, %parallel_loop3A_672 : vector<16xi1>
        %parallel_loop3A_674 = arith.select %parallel_loop3A_673, %parallel_loop3A_646, %broadcast_in_dim3A_4 : vector<16xi1>, vector<16xi32>
        %parallel_loop3A_675 = arith.maxsi %parallel_loop3A_641, %parallel_loop3A_674 : vector<16xi32>
        scf.yield %parallel_loop3A_675 : vector<16xi32>
      } {sc.loop_unroll_factor = 2 : i64, sc.parallel_access}
      %reduce_max3A_434 = arith.constant true
      %reduce_max3A_435 = vector.broadcast %reduce_max3A_434 : i1 to vector<16xi1>
      %reduce_max3A_436 = arith.constant -2147483648 : i32
      %reduce_max3A_437 = vector.broadcast %reduce_max3A_436 : i32 to vector<16xi32>
      %reduce_max3A_438 = arith.xori %parallel_loop3A_433, %reduce_max3A_437 : vector<16xi32>
      %reduce_max3A_439 = tpu.scan <max>, %reduce_max3A_438 masked %reduce_max3A_435 : vector<16xi32>, vector<16xi1> -> vector<16xi32>
      %reduce_max3A_440 = arith.xori %reduce_max3A_439, %reduce_max3A_437 : vector<16xi32>
      %reduce_max3A_441 = vector.extract %reduce_max3A_440[15] : i32 from vector<16xi32>
      %parallel_loop3A_442 = arith.constant 0 : i32
      %parallel_loop3A_443 = arith.constant 128 : i32
      %parallel_loop3A_444 = arith.constant 1 : i32
      scf.for %parallel_loop3A_640 = %parallel_loop3A_442 to %parallel_loop3A_443 step %parallel_loop3A_444  : i32 {
        %parallel_loop3A_641 = arith.constant 16 : i32
        %parallel_loop3A_642 = arith.muli %parallel_loop3A_640, %parallel_loop3A_641 : i32
        %parallel_loop3A_643 = arith.constant 0 : i32
        %parallel_loop3A_644 = arith.addi %parallel_loop3A_643, %parallel_loop3A_642 : i32
        %parallel_loop3A_645 = arith.index_cast %parallel_loop3A_644 : i32 to index
        %parallel_loop3A_646 = tpu.vector_load %arg7[%parallel_loop3A_645] {strides = array<i32>} : memref<4096xi32, #tpu.memory_space<vmem>>, vector<16xi32>,
        %parallel_loop3A_647 = arith.addi %broadcast_in_dim3A_0, %parallel_loop3A_646 : vector<16xi32>
        %parallel_loop3A_648 = arith.index_cast %parallel_loop3A_644 : i32 to index
        %parallel_loop3A_649 = tpu.vector_load %arg7[%parallel_loop3A_648] {strides = array<i32>} : memref<4096xi32, #tpu.memory_space<vmem>>, vector<16xi32>,
        tpu.vector_store %arg7[%parallel_loop3A_648], %broadcast_in_dim3A_0 {strides = array<i32>} : memref<4096xi32, #tpu.memory_space<vmem>>, vector<16xi32>,
        %parallel_loop3A_650 = arith.constant 16 : i32
        %parallel_loop3A_651 = arith.muli %parallel_loop3A_640, %parallel_loop3A_650 : i32
        %parallel_loop3A_652 = arith.constant 2048 : i32
        %parallel_loop3A_653 = arith.addi %parallel_loop3A_652, %parallel_loop3A_651 : i32
        %parallel_loop3A_654 = arith.index_cast %parallel_loop3A_653 : i32 to index
        %parallel_loop3A_655 = tpu.vector_load %arg7[%parallel_loop3A_654] {strides = array<i32>} : memref<4096xi32, #tpu.memory_space<vmem>>, vector<16xi32>,
        %parallel_loop3A_656 = arith.addi %parallel_loop3A_647, %parallel_loop3A_655 : vector<16xi32>
        %parallel_loop3A_657 = arith.index_cast %parallel_loop3A_653 : i32 to index
        %parallel_loop3A_658 = tpu.vector_load %arg7[%parallel_loop3A_657] {strides = array<i32>} : memref<4096xi32, #tpu.memory_space<vmem>>, vector<16xi32>,
        tpu.vector_store %arg7[%parallel_loop3A_657], %broadcast_in_dim3A_0 {strides = array<i32>} : memref<4096xi32, #tpu.memory_space<vmem>>, vector<16xi32>,
        %parallel_loop3A_659 = arith.constant 16 : i32
        %parallel_loop3A_660 = arith.muli %parallel_loop3A_640, %parallel_loop3A_659 : i32
        %parallel_loop3A_661 = arith.index_cast %parallel_loop3A_660 : i32 to index
        %parallel_loop3A_662 = tpu.vector_load %arg8[%parallel_loop3A_661] {strides = array<i32>} : memref<2048xi32, #tpu.memory_space<vmem>>, vector<16xi32>,
        tpu.vector_store %arg8[%parallel_loop3A_661], %parallel_loop3A_656 {strides = array<i32>} : memref<2048xi32, #tpu.memory_space<vmem>>, vector<16xi32>,
      } {sc.loop_unroll_factor = 8 : i64, sc.parallel_access}
      %broadcast_in_dim3A_445 = vector.broadcast %sub3A_429 : i32 to vector<16xi32>
      %parallel_loop3A_446 = arith.constant 0 : i32
      %parallel_loop3A_447 = arith.constant 128 : i32
      %parallel_loop3A_448 = arith.constant 1 : i32
      %parallel_loop3A_449 = arith.constant 0 : i32
      %parallel_loop3A_450:2 = scf.for %parallel_loop3A_640 = %parallel_loop3A_446 to %parallel_loop3A_447 step %parallel_loop3A_448 iter_args(%parallel_loop3A_641 = %parallel_loop3A_449, %parallel_loop3A_642 = %broadcast_in_dim3A_0) -> (i32, vector<16xi32>)  : i32 {
        %parallel_loop3A_643 = arith.constant 127 : i32
        %parallel_loop3A_644 = arith.subi %parallel_loop3A_643, %parallel_loop3A_640 : i32
        %parallel_loop3A_645 = arith.constant 16 : i32
        %parallel_loop3A_646 = arith.muli %parallel_loop3A_644, %parallel_loop3A_645 : i32
        %parallel_loop3A_647 = arith.index_cast %parallel_loop3A_646 : i32 to index
        %parallel_loop3A_648 = tpu.vector_load %arg8[%parallel_loop3A_647] {strides = array<i32>} : memref<2048xi32, #tpu.memory_space<vmem>>, vector<16xi32>,
        %parallel_loop3A_649 = arith.constant 15 : i32
        %parallel_loop3A_650 = vector.broadcast %parallel_loop3A_649 : i32 to vector<16xi32>
        %parallel_loop3A_651 = tpu.iota {dimensions = array<i32: 0>} : vector<16xi32>
        %parallel_loop3A_652 = arith.subi %parallel_loop3A_650, %parallel_loop3A_651 : vector<16xi32>
        %parallel_loop3A_653 = tpu.dynamic_gather %parallel_loop3A_648[%parallel_loop3A_652] in [0] : vector<16xi32>, vector<16xi32> -> vector<16xi32>
        %parallel_loop3A_654 = arith.constant true
        %parallel_loop3A_655 = vector.broadcast %parallel_loop3A_654 : i1 to vector<16xi1>
        %parallel_loop3A_656 = tpu.scan <sum>, %parallel_loop3A_653 masked %parallel_loop3A_655 : vector<16xi32>, vector<16xi1> -> vector<16xi32>
        %parallel_loop3A_657 = arith.constant 15 : i32
        %parallel_loop3A_658 = vector.broadcast %parallel_loop3A_657 : i32 to vector<16xi32>
        %parallel_loop3A_659 = tpu.iota {dimensions = array<i32: 0>} : vector<16xi32>
        %parallel_loop3A_660 = arith.subi %parallel_loop3A_658, %parallel_loop3A_659 : vector<16xi32>
        %parallel_loop3A_661 = tpu.dynamic_gather %parallel_loop3A_656[%parallel_loop3A_660] in [0] : vector<16xi32>, vector<16xi32> -> vector<16xi32>
        %parallel_loop3A_662 = arith.subi %parallel_loop3A_661, %parallel_loop3A_648 : vector<16xi32>
        %parallel_loop3A_663 = vector.broadcast %parallel_loop3A_641 : i32 to vector<16xi32>
        %parallel_loop3A_664 = arith.addi %parallel_loop3A_662, %parallel_loop3A_663 : vector<16xi32>
        %parallel_loop3A_665 = arith.constant 16 : i32
        %parallel_loop3A_666 = arith.muli %parallel_loop3A_644, %parallel_loop3A_665 : i32
        %parallel_loop3A_667 = arith.index_cast %parallel_loop3A_666 : i32 to index
        %parallel_loop3A_668 = tpu.vector_load %arg9[%parallel_loop3A_667] {strides = array<i32>} : memref<2048xi32, #tpu.memory_space<vmem>>, vector<16xi32>,
        tpu.vector_store %arg9[%parallel_loop3A_667], %parallel_loop3A_664 {strides = array<i32>} : memref<2048xi32, #tpu.memory_space<vmem>>, vector<16xi32>,
        %parallel_loop3A_669 = arith.cmpi sge, %parallel_loop3A_664, %broadcast_in_dim3A_445 : vector<16xi32>
        %parallel_loop3A_670 = arith.select %parallel_loop3A_669, %broadcast_in_dim3A_2, %broadcast_in_dim3A_0 : vector<16xi1>, vector<16xi32>
        %parallel_loop3A_671 = arith.addi %parallel_loop3A_642, %parallel_loop3A_670 : vector<16xi32>
        %parallel_loop3A_672 = vector.extract_strided_slice %parallel_loop3A_661 {offsets = [0], sizes = [1], strides = [1]} : vector<16xi32> to vector<1xi32>
        %parallel_loop3A_673 = vector.extract %parallel_loop3A_672[0] : i32 from vector<1xi32>
        %parallel_loop3A_674 = arith.addi %parallel_loop3A_641, %parallel_loop3A_673 : i32
        scf.yield %parallel_loop3A_674, %parallel_loop3A_671 : i32, vector<16xi32>
      } {sc.loop_unroll_factor = 4 : i64, sc.parallel_access}
      %reduce_sum3A_451 = arith.constant true
      %reduce_sum3A_452 = vector.broadcast %reduce_sum3A_451 : i1 to vector<16xi1>
      %reduce_sum3A_453 = tpu.scan <sum>, %parallel_loop3A_450#1 masked %reduce_sum3A_452 : vector<16xi32>, vector<16xi1> -> vector<16xi32>
      %reduce_sum3A_454 = vector.extract %reduce_sum3A_453[15] : i32 from vector<16xi32>
      %broadcast_in_dim3A_455 = vector.broadcast %reduce_sum3A_454 : i32 to vector<16xi32>
      %gather3A_456 = tpu.vector_load_idx %arg9[%broadcast_in_dim3A_455] : memref<2048xi32, #tpu.memory_space<vmem>>[vector<16xi32>], vector<16xi32>,
      %reduce_max3A_457 = arith.constant true
      %reduce_max3A_458 = vector.broadcast %reduce_max3A_457 : i1 to vector<16xi1>
      %reduce_max3A_459 = arith.constant -2147483648 : i32
      %reduce_max3A_460 = vector.broadcast %reduce_max3A_459 : i32 to vector<16xi32>
      %reduce_max3A_461 = arith.xori %gather3A_456, %reduce_max3A_460 : vector<16xi32>
      %reduce_max3A_462 = tpu.scan <max>, %reduce_max3A_461 masked %reduce_max3A_458 : vector<16xi32>, vector<16xi1> -> vector<16xi32>
      %reduce_max3A_463 = arith.xori %reduce_max3A_462, %reduce_max3A_460 : vector<16xi32>
      %reduce_max3A_464 = vector.extract %reduce_max3A_463[15] : i32 from vector<16xi32>
      %broadcast_in_dim3A_465 = vector.broadcast %reduce_sum3A_454 : i32 to vector<16xi32>
      %gather3A_466 = tpu.vector_load_idx %arg8[%broadcast_in_dim3A_465] : memref<2048xi32, #tpu.memory_space<vmem>>[vector<16xi32>], vector<16xi32>,
      %reduce_max3A_467 = arith.constant true
      %reduce_max3A_468 = vector.broadcast %reduce_max3A_467 : i1 to vector<16xi1>
      %reduce_max3A_469 = arith.constant -2147483648 : i32
      %reduce_max3A_470 = vector.broadcast %reduce_max3A_469 : i32 to vector<16xi32>
      %reduce_max3A_471 = arith.xori %gather3A_466, %reduce_max3A_470 : vector<16xi32>
      %reduce_max3A_472 = tpu.scan <max>, %reduce_max3A_471 masked %reduce_max3A_468 : vector<16xi32>, vector<16xi1> -> vector<16xi32>
      %reduce_max3A_473 = arith.xori %reduce_max3A_472, %reduce_max3A_470 : vector<16xi32>
      %reduce_max3A_474 = vector.extract %reduce_max3A_473[15] : i32 from vector<16xi32>
      %parallel_loop3A_475 = arith.constant 0 : i32
      %parallel_loop3A_476 = arith.constant 128 : i32
      %parallel_loop3A_477 = arith.constant 1 : i32
      %parallel_loop3A_478 = scf.for %parallel_loop3A_640 = %parallel_loop3A_475 to %parallel_loop3A_476 step %parallel_loop3A_477 iter_args(%parallel_loop3A_641 = %broadcast_in_dim3A_6) -> (vector<16xi32>)  : i32 {
        %parallel_loop3A_642 = arith.constant 16 : i32
        %parallel_loop3A_643 = arith.muli %parallel_loop3A_640, %parallel_loop3A_642 : i32
        %parallel_loop3A_644 = arith.index_cast %parallel_loop3A_643 : i32 to index
        %parallel_loop3A_645 = tpu.vector_load %arg8[%parallel_loop3A_644] {strides = array<i32>} : memref<2048xi32, #tpu.memory_space<vmem>>, vector<16xi32>,
        %parallel_loop3A_646 = arith.constant 16 : i32
        %parallel_loop3A_647 = arith.muli %parallel_loop3A_640, %parallel_loop3A_646 : i32
        %parallel_loop3A_648 = vector.broadcast %parallel_loop3A_647 : i32 to vector<16xi32>
        %parallel_loop3A_649 = arith.addi %parallel_loop3A_648, %iota3A : vector<16xi32>
        %parallel_loop3A_650 = arith.constant 0 : i32
        %parallel_loop3A_651 = vector.broadcast %parallel_loop3A_650 : i32 to vector<16xi32>
        %parallel_loop3A_652 = arith.cmpi sgt, %parallel_loop3A_645, %parallel_loop3A_651 : vector<16xi32>
        %parallel_loop3A_653 = arith.cmpi slt, %parallel_loop3A_649, %broadcast_in_dim3A_465 : vector<16xi32>
        %parallel_loop3A_654 = arith.andi %parallel_loop3A_652, %parallel_loop3A_653 : vector<16xi1>
        %parallel_loop3A_655 = arith.select %parallel_loop3A_654, %parallel_loop3A_649, %broadcast_in_dim3A_6 : vector<16xi1>, vector<16xi32>
        %parallel_loop3A_656 = arith.maxsi %parallel_loop3A_641, %parallel_loop3A_655 : vector<16xi32>
        scf.yield %parallel_loop3A_656 : vector<16xi32>
      } {sc.loop_unroll_factor = 4 : i64, sc.parallel_access}
      %reduce_max3A_479 = arith.constant true
      %reduce_max3A_480 = vector.broadcast %reduce_max3A_479 : i1 to vector<16xi1>
      %reduce_max3A_481 = arith.constant -2147483648 : i32
      %reduce_max3A_482 = vector.broadcast %reduce_max3A_481 : i32 to vector<16xi32>
      %reduce_max3A_483 = arith.xori %parallel_loop3A_478, %reduce_max3A_482 : vector<16xi32>
      %reduce_max3A_484 = tpu.scan <max>, %reduce_max3A_483 masked %reduce_max3A_480 : vector<16xi32>, vector<16xi1> -> vector<16xi32>
      %reduce_max3A_485 = arith.xori %reduce_max3A_484, %reduce_max3A_482 : vector<16xi32>
      %reduce_max3A_486 = vector.extract %reduce_max3A_485[15] : i32 from vector<16xi32>
      %sub3A_487 = arith.constant 512 : i32
      %sub3A_488 = arith.subi %reduce_sum3A_361, %sub3A_487 : i32
      %shift_left3A = arith.constant 22 : i32
      %shift_left3A_489 = arith.shli %sub3A_488, %shift_left3A : i32
      %shift_left3A_490 = arith.constant 11 : i32
      %shift_left3A_491 = arith.shli %reduce_sum3A_418, %shift_left3A_490 : i32
      %or3A = arith.ori %shift_left3A_489, %shift_left3A_491 : i32
      %or3A_492 = arith.ori %or3A, %reduce_sum3A_454 : i32
      %add3A_493 = arith.addi %reduce_max3A_369, %reduce_max3A_428 : i32
      %add3A_494 = arith.addi %add3A_493, %reduce_max3A_464 : i32
      %add3A_495 = arith.addi %add3A_494, %reduce_max3A_474 : i32
      %lt3A = arith.constant 1640 : i32
      %lt3A_496 = arith.cmpi slt, %add3A_495, %lt3A : i32
      %lt3A_497 = arith.constant 0 : i32
      %lt3A_498 = arith.cmpi slt, %reduce_max3A_486, %lt3A_497 : i32
      %and3A_499 = arith.andi %lt3A_496, %lt3A_498 : i1
      %eq3A_500 = arith.constant -2147483648 : i32
      %eq3A_501 = arith.cmpi eq, %reduce_max3A_441, %eq3A_500 : i32
      %and3A_502 = arith.andi %and3A_499, %eq3A_501 : i1
      %convert_element_type3A_503 = arith.extui %and3A_502 : i1 to i32
      %cond3A_504 = arith.constant 0 : i32
      %cond3A_505 = arith.cmpi ne, %convert_element_type3A_503, %cond3A_504 : i32
      %cond3A_506 = scf.if %cond3A_505 -> (i32) {
        %parallel_loop3A_640 = arith.constant 0 : i32
        %parallel_loop3A_641 = arith.constant 2048 : i32
        %parallel_loop3A_642 = arith.constant 1 : i32
        %parallel_loop3A_643 = scf.for %parallel_loop3A_652 = %parallel_loop3A_640 to %parallel_loop3A_641 step %parallel_loop3A_642 iter_args(%parallel_loop3A_653 = %broadcast_in_dim3A_4) -> (vector<16xi32>)  : i32 {
          %parallel_loop3A_654 = arith.constant 16 : i32
          %parallel_loop3A_655 = arith.muli %parallel_loop3A_652, %parallel_loop3A_654 : i32
          %parallel_loop3A_656 = arith.index_cast %parallel_loop3A_655 : i32 to index
          %parallel_loop3A_657 = tpu.vector_load %arg4[%parallel_loop3A_656] {strides = array<i32>} : memref<32768xf32, #tpu.memory_space<vmem>>, vector<16xf32>,
          %parallel_loop3A_658 = vector.bitcast %parallel_loop3A_657 : vector<16xf32> to vector<16xi32>
          %parallel_loop3A_659 = arith.constant 31 : i32
          %parallel_loop3A_660 = vector.broadcast %parallel_loop3A_659 : i32 to vector<16xi32>
          %parallel_loop3A_661 = arith.shrsi %parallel_loop3A_658, %parallel_loop3A_660 : vector<16xi32>
          %parallel_loop3A_662 = arith.constant 2147483647 : i32
          %parallel_loop3A_663 = vector.broadcast %parallel_loop3A_662 : i32 to vector<16xi32>
          %parallel_loop3A_664 = arith.andi %parallel_loop3A_661, %parallel_loop3A_663 : vector<16xi32>
          %parallel_loop3A_665 = arith.xori %parallel_loop3A_658, %parallel_loop3A_664 : vector<16xi32>
          %parallel_loop3A_666 = arith.constant 22 : i32
          %parallel_loop3A_667 = vector.broadcast %parallel_loop3A_666 : i32 to vector<16xi32>
          %parallel_loop3A_668 = arith.shrsi %parallel_loop3A_665, %parallel_loop3A_667 : vector<16xi32>
          %parallel_loop3A_669 = arith.cmpi slt, %parallel_loop3A_668, %broadcast_in_dim3A_373 : vector<16xi32>
          %parallel_loop3A_670 = arith.select %parallel_loop3A_669, %parallel_loop3A_665, %broadcast_in_dim3A_4 : vector<16xi1>, vector<16xi32>
          %parallel_loop3A_671 = arith.maxsi %parallel_loop3A_653, %parallel_loop3A_670 : vector<16xi32>
          scf.yield %parallel_loop3A_671 : vector<16xi32>
        } {sc.loop_unroll_factor = 8 : i64, sc.parallel_access}
        %reduce_max3A_644 = arith.constant true
        %reduce_max3A_645 = vector.broadcast %reduce_max3A_644 : i1 to vector<16xi1>
        %reduce_max3A_646 = arith.constant -2147483648 : i32
        %reduce_max3A_647 = vector.broadcast %reduce_max3A_646 : i32 to vector<16xi32>
        %reduce_max3A_648 = arith.xori %parallel_loop3A_643, %reduce_max3A_647 : vector<16xi32>
        %reduce_max3A_649 = tpu.scan <max>, %reduce_max3A_648 masked %reduce_max3A_645 : vector<16xi32>, vector<16xi1> -> vector<16xi32>
        %reduce_max3A_650 = arith.xori %reduce_max3A_649, %reduce_max3A_647 : vector<16xi32>
        %reduce_max3A_651 = vector.extract %reduce_max3A_650[15] : i32 from vector<16xi32>
        scf.yield %reduce_max3A_651 : i32
      } else {
        %cond3A_640 = arith.constant -2147483648 : i32
        scf.yield %cond3A_640 : i32
      }
      %ge3A = arith.constant 0 : i32
      %ge3A_507 = arith.cmpi sge, %reduce_max3A_486, %ge3A : i32
      %or3A_508 = arith.ori %or3A, %reduce_max3A_486 : i32
      %jit3A_509 = arith.constant -2147483648 : i32
      %select_n3A_510 = arith.select %ge3A_507, %or3A_508, %jit3A_509 : i32
      %max3A = arith.maxsi %cond3A_506, %reduce_max3A_441 : i32
      %max3A_511 = arith.maxsi %max3A, %select_n3A_510 : i32
      %add3A_512 = arith.addi %add3A_494, %reduce_max3A_474 : i32
      %ge3A_513 = arith.constant 1640 : i32
      %ge3A_514 = arith.cmpi sge, %add3A_512, %ge3A_513 : i32
      %select_n3A_515 = arith.select %ge3A_514, %or3A_492, %max3A_511 : i32
      %broadcast_in_dim3A_516 = vector.broadcast %or3A_492 : i32 to vector<16xi32>
      %broadcast_in_dim3A_517 = vector.broadcast %select_n3A_515 : i32 to vector<16xi32>
      %shift_right_arithmetic3A_518 = arith.constant 31 : i32
      %shift_right_arithmetic3A_519 = vector.broadcast %shift_right_arithmetic3A_518 : i32 to vector<16xi32>
      %shift_right_arithmetic3A_520 = arith.shrsi %broadcast_in_dim3A_516, %shift_right_arithmetic3A_519 : vector<16xi32>
      %and3A_521 = arith.constant 2147483647 : i32
      %and3A_522 = vector.broadcast %and3A_521 : i32 to vector<16xi32>
      %and3A_523 = arith.andi %shift_right_arithmetic3A_520, %and3A_522 : vector<16xi32>
      %xor3A = arith.xori %broadcast_in_dim3A_516, %and3A_523 : vector<16xi32>
      %bitcast3A = vector.bitcast %xor3A : vector<16xi32> to vector<16xf32>
      %shift_right_arithmetic3A_524 = arith.constant 31 : i32
      %shift_right_arithmetic3A_525 = vector.broadcast %shift_right_arithmetic3A_524 : i32 to vector<16xi32>
      %shift_right_arithmetic3A_526 = arith.shrsi %broadcast_in_dim3A_517, %shift_right_arithmetic3A_525 : vector<16xi32>
      %and3A_527 = arith.constant 2147483647 : i32
      %and3A_528 = vector.broadcast %and3A_527 : i32 to vector<16xi32>
      %and3A_529 = arith.andi %shift_right_arithmetic3A_526, %and3A_528 : vector<16xi32>
      %xor3A_530 = arith.xori %broadcast_in_dim3A_517, %and3A_529 : vector<16xi32>
      %bitcast3A_531 = vector.bitcast %xor3A_530 : vector<16xi32> to vector<16xf32>
      %add3A_532 = arith.addf %bitcast3A, %bitcast3A_531 : vector<16xf32>
      %mul3A_533 = arith.constant 5.000000e-01 : f32
      %mul3A_534 = vector.broadcast %mul3A_533 : f32 to vector<16xf32>
      %mul3A_535 = arith.mulf %add3A_532, %mul3A_534 : vector<16xf32>
      %parallel_loop3A_536 = arith.constant 0 : i32
      %parallel_loop3A_537 = arith.constant 256 : i32
      %parallel_loop3A_538 = arith.constant 1 : i32
      scf.for %parallel_loop3A_640 = %parallel_loop3A_536 to %parallel_loop3A_537 step %parallel_loop3A_538  : i32 {
        %parallel_loop3A_641 = arith.constant 16 : i32
        %parallel_loop3A_642 = arith.muli %parallel_loop3A_640, %parallel_loop3A_641 : i32
        %parallel_loop3A_643 = arith.index_cast %parallel_loop3A_642 : i32 to index
        %parallel_loop3A_644 = tpu.vector_load %arg4[%parallel_loop3A_643] {strides = array<i32>} : memref<32768xf32, #tpu.memory_space<vmem>>, vector<16xf32>,
        %parallel_loop3A_645 = arith.cmpf ogt, %parallel_loop3A_644, %mul3A_535 : vector<16xf32>
        %parallel_loop3A_646 = arith.select %parallel_loop3A_645, %broadcast_in_dim3A_8, %broadcast_in_dim3A_10 : vector<16xi1>, vector<16xf32>
        %parallel_loop3A_647 = arith.constant 16 : i32
        %parallel_loop3A_648 = arith.muli %parallel_loop3A_640, %parallel_loop3A_647 : i32
        %parallel_loop3A_649 = arith.index_cast %parallel_loop3A_648 : i32 to index
        %parallel_loop3A_650 = tpu.vector_load %arg5[%parallel_loop3A_649] {strides = array<i32>} : memref<32768xf32, #tpu.memory_space<vmem>>, vector<16xf32>,
        tpu.vector_store %arg5[%parallel_loop3A_649], %parallel_loop3A_646 {strides = array<i32>} : memref<32768xf32, #tpu.memory_space<vmem>>, vector<16xf32>,
      } {sc.loop_unroll_factor = 8 : i64, sc.parallel_access}
      %dma_start3A_539 = arith.constant 0 : i32
      %dma_start3A_540 = tpu.memref_slice %arg5[%dma_start3A_539] : memref<32768xf32, #tpu.memory_space<vmem>> -> memref<4096xf32, #tpu.memory_space<vmem>>
      %dma_start3A_541 = arith.constant 0 : i32
      %dma_start3A_542 = tpu.memref_slice %arg3[%add3A_165, %dma_start3A_541] : memref<128x32768xf32, #tpu.memory_space<hbm>> -> memref<1x4096xf32, #tpu.memory_space<hbm>>
      %dma_start3A_543 = tpu.memref_squeeze %dma_start3A_542 : memref<1x4096xf32, #tpu.memory_space<hbm>> -> memref<4096xf32, #tpu.memory_space<hbm>>
      %dma_start3A_544 = arith.constant 0 : i32
      %dma_start3A_545 = tpu.memref_slice %arg3[%add3A_165, %dma_start3A_544] : memref<128x32768xf32, #tpu.memory_space<hbm>> -> memref<1x4096xf32, #tpu.memory_space<hbm>>
      %dma_start3A_546 = tpu.memref_squeeze %dma_start3A_545 : memref<1x4096xf32, #tpu.memory_space<hbm>> -> memref<4096xf32, #tpu.memory_space<hbm>>
      %dma_start3A_547 = arith.constant 0 : i32
      %dma_start3A_548 = tpu.memref_slice %arg5[%dma_start3A_547] : memref<32768xf32, #tpu.memory_space<vmem>> -> memref<4096xf32, #tpu.memory_space<vmem>>
      tpu.enqueue_dma source(%dma_start3A_548 : memref<4096xf32, #tpu.memory_space<vmem>>) target(%dma_start3A_546 : memref<4096xf32, #tpu.memory_space<hbm>>) target_semaphore(%arg11 : memref<!tpu.dma_semaphore, #tpu.memory_space<semaphore_mem>>)
      %parallel_loop3A_549 = arith.constant 256 : i32
      %parallel_loop3A_550 = arith.constant 512 : i32
      %parallel_loop3A_551 = arith.constant 1 : i32
      scf.for %parallel_loop3A_640 = %parallel_loop3A_549 to %parallel_loop3A_550 step %parallel_loop3A_551  : i32 {
        %parallel_loop3A_641 = arith.constant 16 : i32
        %parallel_loop3A_642 = arith.muli %parallel_loop3A_640, %parallel_loop3A_641 : i32
        %parallel_loop3A_643 = arith.index_cast %parallel_loop3A_642 : i32 to index
        %parallel_loop3A_644 = tpu.vector_load %arg4[%parallel_loop3A_643] {strides = array<i32>} : memref<32768xf32, #tpu.memory_space<vmem>>, vector<16xf32>,
        %parallel_loop3A_645 = arith.cmpf ogt, %parallel_loop3A_644, %mul3A_535 : vector<16xf32>
        %parallel_loop3A_646 = arith.select %parallel_loop3A_645, %broadcast_in_dim3A_8, %broadcast_in_dim3A_10 : vector<16xi1>, vector<16xf32>
        %parallel_loop3A_647 = arith.constant 16 : i32
        %parallel_loop3A_648 = arith.muli %parallel_loop3A_640, %parallel_loop3A_647 : i32
        %parallel_loop3A_649 = arith.index_cast %parallel_loop3A_648 : i32 to index
        %parallel_loop3A_650 = tpu.vector_load %arg5[%parallel_loop3A_649] {strides = array<i32>} : memref<32768xf32, #tpu.memory_space<vmem>>, vector<16xf32>,
        tpu.vector_store %arg5[%parallel_loop3A_649], %parallel_loop3A_646 {strides = array<i32>} : memref<32768xf32, #tpu.memory_space<vmem>>, vector<16xf32>,
      } {sc.loop_unroll_factor = 8 : i64, sc.parallel_access}
      %dma_start3A_552 = arith.constant 4096 : i32
      %dma_start3A_553 = tpu.memref_slice %arg5[%dma_start3A_552] : memref<32768xf32, #tpu.memory_space<vmem>> -> memref<4096xf32, #tpu.memory_space<vmem>>
      %dma_start3A_554 = arith.constant 4096 : i32
      %dma_start3A_555 = tpu.memref_slice %arg3[%add3A_165, %dma_start3A_554] : memref<128x32768xf32, #tpu.memory_space<hbm>> -> memref<1x4096xf32, #tpu.memory_space<hbm>>
      %dma_start3A_556 = tpu.memref_squeeze %dma_start3A_555 : memref<1x4096xf32, #tpu.memory_space<hbm>> -> memref<4096xf32, #tpu.memory_space<hbm>>
      %dma_start3A_557 = arith.constant 4096 : i32
      %dma_start3A_558 = tpu.memref_slice %arg3[%add3A_165, %dma_start3A_557] : memref<128x32768xf32, #tpu.memory_space<hbm>> -> memref<1x4096xf32, #tpu.memory_space<hbm>>
      %dma_start3A_559 = tpu.memref_squeeze %dma_start3A_558 : memref<1x4096xf32, #tpu.memory_space<hbm>> -> memref<4096xf32, #tpu.memory_space<hbm>>
      %dma_start3A_560 = arith.constant 4096 : i32
      %dma_start3A_561 = tpu.memref_slice %arg5[%dma_start3A_560] : memref<32768xf32, #tpu.memory_space<vmem>> -> memref<4096xf32, #tpu.memory_space<vmem>>
      tpu.enqueue_dma source(%dma_start3A_561 : memref<4096xf32, #tpu.memory_space<vmem>>) target(%dma_start3A_559 : memref<4096xf32, #tpu.memory_space<hbm>>) target_semaphore(%arg11 : memref<!tpu.dma_semaphore, #tpu.memory_space<semaphore_mem>>)
      %parallel_loop3A_562 = arith.constant 512 : i32
      %parallel_loop3A_563 = arith.constant 768 : i32
      %parallel_loop3A_564 = arith.constant 1 : i32
      scf.for %parallel_loop3A_640 = %parallel_loop3A_562 to %parallel_loop3A_563 step %parallel_loop3A_564  : i32 {
        %parallel_loop3A_641 = arith.constant 16 : i32
        %parallel_loop3A_642 = arith.muli %parallel_loop3A_640, %parallel_loop3A_641 : i32
        %parallel_loop3A_643 = arith.index_cast %parallel_loop3A_642 : i32 to index
        %parallel_loop3A_644 = tpu.vector_load %arg4[%parallel_loop3A_643] {strides = array<i32>} : memref<32768xf32, #tpu.memory_space<vmem>>, vector<16xf32>,
        %parallel_loop3A_645 = arith.cmpf ogt, %parallel_loop3A_644, %mul3A_535 : vector<16xf32>
        %parallel_loop3A_646 = arith.select %parallel_loop3A_645, %broadcast_in_dim3A_8, %broadcast_in_dim3A_10 : vector<16xi1>, vector<16xf32>
        %parallel_loop3A_647 = arith.constant 16 : i32
        %parallel_loop3A_648 = arith.muli %parallel_loop3A_640, %parallel_loop3A_647 : i32
        %parallel_loop3A_649 = arith.index_cast %parallel_loop3A_648 : i32 to index
        %parallel_loop3A_650 = tpu.vector_load %arg5[%parallel_loop3A_649] {strides = array<i32>} : memref<32768xf32, #tpu.memory_space<vmem>>, vector<16xf32>,
        tpu.vector_store %arg5[%parallel_loop3A_649], %parallel_loop3A_646 {strides = array<i32>} : memref<32768xf32, #tpu.memory_space<vmem>>, vector<16xf32>,
      } {sc.loop_unroll_factor = 8 : i64, sc.parallel_access}
      %dma_start3A_565 = arith.constant 8192 : i32
      %dma_start3A_566 = tpu.memref_slice %arg5[%dma_start3A_565] : memref<32768xf32, #tpu.memory_space<vmem>> -> memref<4096xf32, #tpu.memory_space<vmem>>
      %dma_start3A_567 = arith.constant 8192 : i32
      %dma_start3A_568 = tpu.memref_slice %arg3[%add3A_165, %dma_start3A_567] : memref<128x32768xf32, #tpu.memory_space<hbm>> -> memref<1x4096xf32, #tpu.memory_space<hbm>>
      %dma_start3A_569 = tpu.memref_squeeze %dma_start3A_568 : memref<1x4096xf32, #tpu.memory_space<hbm>> -> memref<4096xf32, #tpu.memory_space<hbm>>
      %dma_start3A_570 = arith.constant 8192 : i32
      %dma_start3A_571 = tpu.memref_slice %arg3[%add3A_165, %dma_start3A_570] : memref<128x32768xf32, #tpu.memory_space<hbm>> -> memref<1x4096xf32, #tpu.memory_space<hbm>>
      %dma_start3A_572 = tpu.memref_squeeze %dma_start3A_571 : memref<1x4096xf32, #tpu.memory_space<hbm>> -> memref<4096xf32, #tpu.memory_space<hbm>>
      %dma_start3A_573 = arith.constant 8192 : i32
      %dma_start3A_574 = tpu.memref_slice %arg5[%dma_start3A_573] : memref<32768xf32, #tpu.memory_space<vmem>> -> memref<4096xf32, #tpu.memory_space<vmem>>
      tpu.enqueue_dma source(%dma_start3A_574 : memref<4096xf32, #tpu.memory_space<vmem>>) target(%dma_start3A_572 : memref<4096xf32, #tpu.memory_space<hbm>>) target_semaphore(%arg11 : memref<!tpu.dma_semaphore, #tpu.memory_space<semaphore_mem>>)
      %parallel_loop3A_575 = arith.constant 768 : i32
      %parallel_loop3A_576 = arith.constant 1024 : i32
      %parallel_loop3A_577 = arith.constant 1 : i32
      scf.for %parallel_loop3A_640 = %parallel_loop3A_575 to %parallel_loop3A_576 step %parallel_loop3A_577  : i32 {
        %parallel_loop3A_641 = arith.constant 16 : i32
        %parallel_loop3A_642 = arith.muli %parallel_loop3A_640, %parallel_loop3A_641 : i32
        %parallel_loop3A_643 = arith.index_cast %parallel_loop3A_642 : i32 to index
        %parallel_loop3A_644 = tpu.vector_load %arg4[%parallel_loop3A_643] {strides = array<i32>} : memref<32768xf32, #tpu.memory_space<vmem>>, vector<16xf32>,
        %parallel_loop3A_645 = arith.cmpf ogt, %parallel_loop3A_644, %mul3A_535 : vector<16xf32>
        %parallel_loop3A_646 = arith.select %parallel_loop3A_645, %broadcast_in_dim3A_8, %broadcast_in_dim3A_10 : vector<16xi1>, vector<16xf32>
        %parallel_loop3A_647 = arith.constant 16 : i32
        %parallel_loop3A_648 = arith.muli %parallel_loop3A_640, %parallel_loop3A_647 : i32
        %parallel_loop3A_649 = arith.index_cast %parallel_loop3A_648 : i32 to index
        %parallel_loop3A_650 = tpu.vector_load %arg5[%parallel_loop3A_649] {strides = array<i32>} : memref<32768xf32, #tpu.memory_space<vmem>>, vector<16xf32>,
        tpu.vector_store %arg5[%parallel_loop3A_649], %parallel_loop3A_646 {strides = array<i32>} : memref<32768xf32, #tpu.memory_space<vmem>>, vector<16xf32>,
      } {sc.loop_unroll_factor = 8 : i64, sc.parallel_access}
      %dma_start3A_578 = arith.constant 12288 : i32
      %dma_start3A_579 = tpu.memref_slice %arg5[%dma_start3A_578] : memref<32768xf32, #tpu.memory_space<vmem>> -> memref<4096xf32, #tpu.memory_space<vmem>>
      %dma_start3A_580 = arith.constant 12288 : i32
      %dma_start3A_581 = tpu.memref_slice %arg3[%add3A_165, %dma_start3A_580] : memref<128x32768xf32, #tpu.memory_space<hbm>> -> memref<1x4096xf32, #tpu.memory_space<hbm>>
      %dma_start3A_582 = tpu.memref_squeeze %dma_start3A_581 : memref<1x4096xf32, #tpu.memory_space<hbm>> -> memref<4096xf32, #tpu.memory_space<hbm>>
      %dma_start3A_583 = arith.constant 12288 : i32
      %dma_start3A_584 = tpu.memref_slice %arg3[%add3A_165, %dma_start3A_583] : memref<128x32768xf32, #tpu.memory_space<hbm>> -> memref<1x4096xf32, #tpu.memory_space<hbm>>
      %dma_start3A_585 = tpu.memref_squeeze %dma_start3A_584 : memref<1x4096xf32, #tpu.memory_space<hbm>> -> memref<4096xf32, #tpu.memory_space<hbm>>
      %dma_start3A_586 = arith.constant 12288 : i32
      %dma_start3A_587 = tpu.memref_slice %arg5[%dma_start3A_586] : memref<32768xf32, #tpu.memory_space<vmem>> -> memref<4096xf32, #tpu.memory_space<vmem>>
      tpu.enqueue_dma source(%dma_start3A_587 : memref<4096xf32, #tpu.memory_space<vmem>>) target(%dma_start3A_585 : memref<4096xf32, #tpu.memory_space<hbm>>) target_semaphore(%arg11 : memref<!tpu.dma_semaphore, #tpu.memory_space<semaphore_mem>>)
      %parallel_loop3A_588 = arith.constant 1024 : i32
      %parallel_loop3A_589 = arith.constant 1280 : i32
      %parallel_loop3A_590 = arith.constant 1 : i32
      scf.for %parallel_loop3A_640 = %parallel_loop3A_588 to %parallel_loop3A_589 step %parallel_loop3A_590  : i32 {
        %parallel_loop3A_641 = arith.constant 16 : i32
        %parallel_loop3A_642 = arith.muli %parallel_loop3A_640, %parallel_loop3A_641 : i32
        %parallel_loop3A_643 = arith.index_cast %parallel_loop3A_642 : i32 to index
        %parallel_loop3A_644 = tpu.vector_load %arg4[%parallel_loop3A_643] {strides = array<i32>} : memref<32768xf32, #tpu.memory_space<vmem>>, vector<16xf32>,
        %parallel_loop3A_645 = arith.cmpf ogt, %parallel_loop3A_644, %mul3A_535 : vector<16xf32>
        %parallel_loop3A_646 = arith.select %parallel_loop3A_645, %broadcast_in_dim3A_8, %broadcast_in_dim3A_10 : vector<16xi1>, vector<16xf32>
        %parallel_loop3A_647 = arith.constant 16 : i32
        %parallel_loop3A_648 = arith.muli %parallel_loop3A_640, %parallel_loop3A_647 : i32
        %parallel_loop3A_649 = arith.index_cast %parallel_loop3A_648 : i32 to index
        %parallel_loop3A_650 = tpu.vector_load %arg5[%parallel_loop3A_649] {strides = array<i32>} : memref<32768xf32, #tpu.memory_space<vmem>>, vector<16xf32>,
        tpu.vector_store %arg5[%parallel_loop3A_649], %parallel_loop3A_646 {strides = array<i32>} : memref<32768xf32, #tpu.memory_space<vmem>>, vector<16xf32>,
      } {sc.loop_unroll_factor = 8 : i64, sc.parallel_access}
      %dma_start3A_591 = arith.constant 16384 : i32
      %dma_start3A_592 = tpu.memref_slice %arg5[%dma_start3A_591] : memref<32768xf32, #tpu.memory_space<vmem>> -> memref<4096xf32, #tpu.memory_space<vmem>>
      %dma_start3A_593 = arith.constant 16384 : i32
      %dma_start3A_594 = tpu.memref_slice %arg3[%add3A_165, %dma_start3A_593] : memref<128x32768xf32, #tpu.memory_space<hbm>> -> memref<1x4096xf32, #tpu.memory_space<hbm>>
      %dma_start3A_595 = tpu.memref_squeeze %dma_start3A_594 : memref<1x4096xf32, #tpu.memory_space<hbm>> -> memref<4096xf32, #tpu.memory_space<hbm>>
      %dma_start3A_596 = arith.constant 16384 : i32
      %dma_start3A_597 = tpu.memref_slice %arg3[%add3A_165, %dma_start3A_596] : memref<128x32768xf32, #tpu.memory_space<hbm>> -> memref<1x4096xf32, #tpu.memory_space<hbm>>
      %dma_start3A_598 = tpu.memref_squeeze %dma_start3A_597 : memref<1x4096xf32, #tpu.memory_space<hbm>> -> memref<4096xf32, #tpu.memory_space<hbm>>
      %dma_start3A_599 = arith.constant 16384 : i32
      %dma_start3A_600 = tpu.memref_slice %arg5[%dma_start3A_599] : memref<32768xf32, #tpu.memory_space<vmem>> -> memref<4096xf32, #tpu.memory_space<vmem>>
      tpu.enqueue_dma source(%dma_start3A_600 : memref<4096xf32, #tpu.memory_space<vmem>>) target(%dma_start3A_598 : memref<4096xf32, #tpu.memory_space<hbm>>) target_semaphore(%arg11 : memref<!tpu.dma_semaphore, #tpu.memory_space<semaphore_mem>>)
      %parallel_loop3A_601 = arith.constant 1280 : i32
      %parallel_loop3A_602 = arith.constant 1536 : i32
      %parallel_loop3A_603 = arith.constant 1 : i32
      scf.for %parallel_loop3A_640 = %parallel_loop3A_601 to %parallel_loop3A_602 step %parallel_loop3A_603  : i32 {
        %parallel_loop3A_641 = arith.constant 16 : i32
        %parallel_loop3A_642 = arith.muli %parallel_loop3A_640, %parallel_loop3A_641 : i32
        %parallel_loop3A_643 = arith.index_cast %parallel_loop3A_642 : i32 to index
        %parallel_loop3A_644 = tpu.vector_load %arg4[%parallel_loop3A_643] {strides = array<i32>} : memref<32768xf32, #tpu.memory_space<vmem>>, vector<16xf32>,
        %parallel_loop3A_645 = arith.cmpf ogt, %parallel_loop3A_644, %mul3A_535 : vector<16xf32>
        %parallel_loop3A_646 = arith.select %parallel_loop3A_645, %broadcast_in_dim3A_8, %broadcast_in_dim3A_10 : vector<16xi1>, vector<16xf32>
        %parallel_loop3A_647 = arith.constant 16 : i32
        %parallel_loop3A_648 = arith.muli %parallel_loop3A_640, %parallel_loop3A_647 : i32
        %parallel_loop3A_649 = arith.index_cast %parallel_loop3A_648 : i32 to index
        %parallel_loop3A_650 = tpu.vector_load %arg5[%parallel_loop3A_649] {strides = array<i32>} : memref<32768xf32, #tpu.memory_space<vmem>>, vector<16xf32>,
        tpu.vector_store %arg5[%parallel_loop3A_649], %parallel_loop3A_646 {strides = array<i32>} : memref<32768xf32, #tpu.memory_space<vmem>>, vector<16xf32>,
      } {sc.loop_unroll_factor = 8 : i64, sc.parallel_access}
      %dma_start3A_604 = arith.constant 20480 : i32
      %dma_start3A_605 = tpu.memref_slice %arg5[%dma_start3A_604] : memref<32768xf32, #tpu.memory_space<vmem>> -> memref<4096xf32, #tpu.memory_space<vmem>>
      %dma_start3A_606 = arith.constant 20480 : i32
      %dma_start3A_607 = tpu.memref_slice %arg3[%add3A_165, %dma_start3A_606] : memref<128x32768xf32, #tpu.memory_space<hbm>> -> memref<1x4096xf32, #tpu.memory_space<hbm>>
      %dma_start3A_608 = tpu.memref_squeeze %dma_start3A_607 : memref<1x4096xf32, #tpu.memory_space<hbm>> -> memref<4096xf32, #tpu.memory_space<hbm>>
      %dma_start3A_609 = arith.constant 20480 : i32
      %dma_start3A_610 = tpu.memref_slice %arg3[%add3A_165, %dma_start3A_609] : memref<128x32768xf32, #tpu.memory_space<hbm>> -> memref<1x4096xf32, #tpu.memory_space<hbm>>
      %dma_start3A_611 = tpu.memref_squeeze %dma_start3A_610 : memref<1x4096xf32, #tpu.memory_space<hbm>> -> memref<4096xf32, #tpu.memory_space<hbm>>
      %dma_start3A_612 = arith.constant 20480 : i32
      %dma_start3A_613 = tpu.memref_slice %arg5[%dma_start3A_612] : memref<32768xf32, #tpu.memory_space<vmem>> -> memref<4096xf32, #tpu.memory_space<vmem>>
      tpu.enqueue_dma source(%dma_start3A_613 : memref<4096xf32, #tpu.memory_space<vmem>>) target(%dma_start3A_611 : memref<4096xf32, #tpu.memory_space<hbm>>) target_semaphore(%arg11 : memref<!tpu.dma_semaphore, #tpu.memory_space<semaphore_mem>>)
      %parallel_loop3A_614 = arith.constant 1536 : i32
      %parallel_loop3A_615 = arith.constant 1792 : i32
      %parallel_loop3A_616 = arith.constant 1 : i32
      scf.for %parallel_loop3A_640 = %parallel_loop3A_614 to %parallel_loop3A_615 step %parallel_loop3A_616  : i32 {
        %parallel_loop3A_641 = arith.constant 16 : i32
        %parallel_loop3A_642 = arith.muli %parallel_loop3A_640, %parallel_loop3A_641 : i32
        %parallel_loop3A_643 = arith.index_cast %parallel_loop3A_642 : i32 to index
        %parallel_loop3A_644 = tpu.vector_load %arg4[%parallel_loop3A_643] {strides = array<i32>} : memref<32768xf32, #tpu.memory_space<vmem>>, vector<16xf32>,
        %parallel_loop3A_645 = arith.cmpf ogt, %parallel_loop3A_644, %mul3A_535 : vector<16xf32>
        %parallel_loop3A_646 = arith.select %parallel_loop3A_645, %broadcast_in_dim3A_8, %broadcast_in_dim3A_10 : vector<16xi1>, vector<16xf32>
        %parallel_loop3A_647 = arith.constant 16 : i32
        %parallel_loop3A_648 = arith.muli %parallel_loop3A_640, %parallel_loop3A_647 : i32
        %parallel_loop3A_649 = arith.index_cast %parallel_loop3A_648 : i32 to index
        %parallel_loop3A_650 = tpu.vector_load %arg5[%parallel_loop3A_649] {strides = array<i32>} : memref<32768xf32, #tpu.memory_space<vmem>>, vector<16xf32>,
        tpu.vector_store %arg5[%parallel_loop3A_649], %parallel_loop3A_646 {strides = array<i32>} : memref<32768xf32, #tpu.memory_space<vmem>>, vector<16xf32>,
      } {sc.loop_unroll_factor = 8 : i64, sc.parallel_access}
      %dma_start3A_617 = arith.constant 24576 : i32
      %dma_start3A_618 = tpu.memref_slice %arg5[%dma_start3A_617] : memref<32768xf32, #tpu.memory_space<vmem>> -> memref<4096xf32, #tpu.memory_space<vmem>>
      %dma_start3A_619 = arith.constant 24576 : i32
      %dma_start3A_620 = tpu.memref_slice %arg3[%add3A_165, %dma_start3A_619] : memref<128x32768xf32, #tpu.memory_space<hbm>> -> memref<1x4096xf32, #tpu.memory_space<hbm>>
      %dma_start3A_621 = tpu.memref_squeeze %dma_start3A_620 : memref<1x4096xf32, #tpu.memory_space<hbm>> -> memref<4096xf32, #tpu.memory_space<hbm>>
      %dma_start3A_622 = arith.constant 24576 : i32
      %dma_start3A_623 = tpu.memref_slice %arg3[%add3A_165, %dma_start3A_622] : memref<128x32768xf32, #tpu.memory_space<hbm>> -> memref<1x4096xf32, #tpu.memory_space<hbm>>
      %dma_start3A_624 = tpu.memref_squeeze %dma_start3A_623 : memref<1x4096xf32, #tpu.memory_space<hbm>> -> memref<4096xf32, #tpu.memory_space<hbm>>
      %dma_start3A_625 = arith.constant 24576 : i32
      %dma_start3A_626 = tpu.memref_slice %arg5[%dma_start3A_625] : memref<32768xf32, #tpu.memory_space<vmem>> -> memref<4096xf32, #tpu.memory_space<vmem>>
      tpu.enqueue_dma source(%dma_start3A_626 : memref<4096xf32, #tpu.memory_space<vmem>>) target(%dma_start3A_624 : memref<4096xf32, #tpu.memory_space<hbm>>) target_semaphore(%arg11 : memref<!tpu.dma_semaphore, #tpu.memory_space<semaphore_mem>>)
      %parallel_loop3A_627 = arith.constant 1792 : i32
      %parallel_loop3A_628 = arith.constant 2048 : i32
      %parallel_loop3A_629 = arith.constant 1 : i32
      scf.for %parallel_loop3A_640 = %parallel_loop3A_627 to %parallel_loop3A_628 step %parallel_loop3A_629  : i32 {
        %parallel_loop3A_641 = arith.constant 16 : i32
        %parallel_loop3A_642 = arith.muli %parallel_loop3A_640, %parallel_loop3A_641 : i32
        %parallel_loop3A_643 = arith.index_cast %parallel_loop3A_642 : i32 to index
        %parallel_loop3A_644 = tpu.vector_load %arg4[%parallel_loop3A_643] {strides = array<i32>} : memref<32768xf32, #tpu.memory_space<vmem>>, vector<16xf32>,
        %parallel_loop3A_645 = arith.cmpf ogt, %parallel_loop3A_644, %mul3A_535 : vector<16xf32>
        %parallel_loop3A_646 = arith.select %parallel_loop3A_645, %broadcast_in_dim3A_8, %broadcast_in_dim3A_10 : vector<16xi1>, vector<16xf32>
        %parallel_loop3A_647 = arith.constant 16 : i32
        %parallel_loop3A_648 = arith.muli %parallel_loop3A_640, %parallel_loop3A_647 : i32
        %parallel_loop3A_649 = arith.index_cast %parallel_loop3A_648 : i32 to index
        %parallel_loop3A_650 = tpu.vector_load %arg5[%parallel_loop3A_649] {strides = array<i32>} : memref<32768xf32, #tpu.memory_space<vmem>>, vector<16xf32>,
        tpu.vector_store %arg5[%parallel_loop3A_649], %parallel_loop3A_646 {strides = array<i32>} : memref<32768xf32, #tpu.memory_space<vmem>>, vector<16xf32>,
      } {sc.loop_unroll_factor = 8 : i64, sc.parallel_access}
      %dma_start3A_630 = arith.constant 28672 : i32
      %dma_start3A_631 = tpu.memref_slice %arg5[%dma_start3A_630] : memref<32768xf32, #tpu.memory_space<vmem>> -> memref<4096xf32, #tpu.memory_space<vmem>>
      %dma_start3A_632 = arith.constant 28672 : i32
      %dma_start3A_633 = tpu.memref_slice %arg3[%add3A_165, %dma_start3A_632] : memref<128x32768xf32, #tpu.memory_space<hbm>> -> memref<1x4096xf32, #tpu.memory_space<hbm>>
      %dma_start3A_634 = tpu.memref_squeeze %dma_start3A_633 : memref<1x4096xf32, #tpu.memory_space<hbm>> -> memref<4096xf32, #tpu.memory_space<hbm>>
      %dma_start3A_635 = arith.constant 28672 : i32
      %dma_start3A_636 = tpu.memref_slice %arg3[%add3A_165, %dma_start3A_635] : memref<128x32768xf32, #tpu.memory_space<hbm>> -> memref<1x4096xf32, #tpu.memory_space<hbm>>
      %dma_start3A_637 = tpu.memref_squeeze %dma_start3A_636 : memref<1x4096xf32, #tpu.memory_space<hbm>> -> memref<4096xf32, #tpu.memory_space<hbm>>
      %dma_start3A_638 = arith.constant 28672 : i32
      %dma_start3A_639 = tpu.memref_slice %arg5[%dma_start3A_638] : memref<32768xf32, #tpu.memory_space<vmem>> -> memref<4096xf32, #tpu.memory_space<vmem>>
      tpu.enqueue_dma source(%dma_start3A_639 : memref<4096xf32, #tpu.memory_space<vmem>>) target(%dma_start3A_637 : memref<4096xf32, #tpu.memory_space<hbm>>) target_semaphore(%arg11 : memref<!tpu.dma_semaphore, #tpu.memory_space<semaphore_mem>>)
    }
    %scan3A_78 = arith.constant 4 : i32
    %mul3A_79 = arith.constant 4 : i32
    %mul3A_80 = arith.muli %add3A_68, %mul3A_79 : i32
    %add3A_81 = arith.constant 3 : i32
    %add3A_82 = arith.addi %mul3A_80, %add3A_81 : i32
    %dma_wait3A = arith.constant 0 : i32
    %dma_wait3A_83 = tpu.memref_slice %arg5[%dma_wait3A] : memref<32768xf32, #tpu.memory_space<vmem>> -> memref<4096xf32, #tpu.memory_space<vmem>>
    %dma_wait3A_84 = arith.constant 0 : i32
    %dma_wait3A_85 = tpu.memref_slice %arg3[%add3A_82, %dma_wait3A_84] : memref<128x32768xf32, #tpu.memory_space<hbm>> -> memref<1x4096xf32, #tpu.memory_space<hbm>>
    %dma_wait3A_86 = tpu.memref_squeeze %dma_wait3A_85 : memref<1x4096xf32, #tpu.memory_space<hbm>> -> memref<4096xf32, #tpu.memory_space<hbm>>
    %dma_wait3A_87 = arith.constant 0 : i32
    %dma_wait3A_88 = tpu.memref_slice %arg3[%add3A_82, %dma_wait3A_87] : memref<128x32768xf32, #tpu.memory_space<hbm>> -> memref<1x4096xf32, #tpu.memory_space<hbm>>
    %dma_wait3A_89 = tpu.memref_squeeze %dma_wait3A_88 : memref<1x4096xf32, #tpu.memory_space<hbm>> -> memref<4096xf32, #tpu.memory_space<hbm>>
    %dma_wait3A_90 = arith.constant 0 : i32
    %dma_wait3A_91 = tpu.memref_slice %arg5[%dma_wait3A_90] : memref<32768xf32, #tpu.memory_space<vmem>> -> memref<4096xf32, #tpu.memory_space<vmem>>
    tpu.wait_dma2 semaphore(%arg11 : memref<!tpu.dma_semaphore, #tpu.memory_space<semaphore_mem>>) src(%dma_wait3A_91 : memref<4096xf32, #tpu.memory_space<vmem>>) dst(%dma_wait3A_89 : memref<4096xf32, #tpu.memory_space<hbm>>)
    %dma_wait3A_92 = arith.constant 4096 : i32
    %dma_wait3A_93 = tpu.memref_slice %arg5[%dma_wait3A_92] : memref<32768xf32, #tpu.memory_space<vmem>> -> memref<4096xf32, #tpu.memory_space<vmem>>
    %dma_wait3A_94 = arith.constant 4096 : i32
    %dma_wait3A_95 = tpu.memref_slice %arg3[%add3A_82, %dma_wait3A_94] : memref<128x32768xf32, #tpu.memory_space<hbm>> -> memref<1x4096xf32, #tpu.memory_space<hbm>>
    %dma_wait3A_96 = tpu.memref_squeeze %dma_wait3A_95 : memref<1x4096xf32, #tpu.memory_space<hbm>> -> memref<4096xf32, #tpu.memory_space<hbm>>
    %dma_wait3A_97 = arith.constant 4096 : i32
    %dma_wait3A_98 = tpu.memref_slice %arg3[%add3A_82, %dma_wait3A_97] : memref<128x32768xf32, #tpu.memory_space<hbm>> -> memref<1x4096xf32, #tpu.memory_space<hbm>>
    %dma_wait3A_99 = tpu.memref_squeeze %dma_wait3A_98 : memref<1x4096xf32, #tpu.memory_space<hbm>> -> memref<4096xf32, #tpu.memory_space<hbm>>
    %dma_wait3A_100 = arith.constant 4096 : i32
    %dma_wait3A_101 = tpu.memref_slice %arg5[%dma_wait3A_100] : memref<32768xf32, #tpu.memory_space<vmem>> -> memref<4096xf32, #tpu.memory_space<vmem>>
    tpu.wait_dma2 semaphore(%arg11 : memref<!tpu.dma_semaphore, #tpu.memory_space<semaphore_mem>>) src(%dma_wait3A_101 : memref<4096xf32, #tpu.memory_space<vmem>>) dst(%dma_wait3A_99 : memref<4096xf32, #tpu.memory_space<hbm>>)
    %dma_wait3A_102 = arith.constant 8192 : i32
    %dma_wait3A_103 = tpu.memref_slice %arg5[%dma_wait3A_102] : memref<32768xf32, #tpu.memory_space<vmem>> -> memref<4096xf32, #tpu.memory_space<vmem>>
    %dma_wait3A_104 = arith.constant 8192 : i32
    %dma_wait3A_105 = tpu.memref_slice %arg3[%add3A_82, %dma_wait3A_104] : memref<128x32768xf32, #tpu.memory_space<hbm>> -> memref<1x4096xf32, #tpu.memory_space<hbm>>
    %dma_wait3A_106 = tpu.memref_squeeze %dma_wait3A_105 : memref<1x4096xf32, #tpu.memory_space<hbm>> -> memref<4096xf32, #tpu.memory_space<hbm>>
    %dma_wait3A_107 = arith.constant 8192 : i32
    %dma_wait3A_108 = tpu.memref_slice %arg3[%add3A_82, %dma_wait3A_107] : memref<128x32768xf32, #tpu.memory_space<hbm>> -> memref<1x4096xf32, #tpu.memory_space<hbm>>
    %dma_wait3A_109 = tpu.memref_squeeze %dma_wait3A_108 : memref<1x4096xf32, #tpu.memory_space<hbm>> -> memref<4096xf32, #tpu.memory_space<hbm>>
    %dma_wait3A_110 = arith.constant 8192 : i32
    %dma_wait3A_111 = tpu.memref_slice %arg5[%dma_wait3A_110] : memref<32768xf32, #tpu.memory_space<vmem>> -> memref<4096xf32, #tpu.memory_space<vmem>>
    tpu.wait_dma2 semaphore(%arg11 : memref<!tpu.dma_semaphore, #tpu.memory_space<semaphore_mem>>) src(%dma_wait3A_111 : memref<4096xf32, #tpu.memory_space<vmem>>) dst(%dma_wait3A_109 : memref<4096xf32, #tpu.memory_space<hbm>>)
    %dma_wait3A_112 = arith.constant 12288 : i32
    %dma_wait3A_113 = tpu.memref_slice %arg5[%dma_wait3A_112] : memref<32768xf32, #tpu.memory_space<vmem>> -> memref<4096xf32, #tpu.memory_space<vmem>>
    %dma_wait3A_114 = arith.constant 12288 : i32
    %dma_wait3A_115 = tpu.memref_slice %arg3[%add3A_82, %dma_wait3A_114] : memref<128x32768xf32, #tpu.memory_space<hbm>> -> memref<1x4096xf32, #tpu.memory_space<hbm>>
    %dma_wait3A_116 = tpu.memref_squeeze %dma_wait3A_115 : memref<1x4096xf32, #tpu.memory_space<hbm>> -> memref<4096xf32, #tpu.memory_space<hbm>>
    %dma_wait3A_117 = arith.constant 12288 : i32
    %dma_wait3A_118 = tpu.memref_slice %arg3[%add3A_82, %dma_wait3A_117] : memref<128x32768xf32, #tpu.memory_space<hbm>> -> memref<1x4096xf32, #tpu.memory_space<hbm>>
    %dma_wait3A_119 = tpu.memref_squeeze %dma_wait3A_118 : memref<1x4096xf32, #tpu.memory_space<hbm>> -> memref<4096xf32, #tpu.memory_space<hbm>>
    %dma_wait3A_120 = arith.constant 12288 : i32
    %dma_wait3A_121 = tpu.memref_slice %arg5[%dma_wait3A_120] : memref<32768xf32, #tpu.memory_space<vmem>> -> memref<4096xf32, #tpu.memory_space<vmem>>
    tpu.wait_dma2 semaphore(%arg11 : memref<!tpu.dma_semaphore, #tpu.memory_space<semaphore_mem>>) src(%dma_wait3A_121 : memref<4096xf32, #tpu.memory_space<vmem>>) dst(%dma_wait3A_119 : memref<4096xf32, #tpu.memory_space<hbm>>)
    %dma_wait3A_122 = arith.constant 16384 : i32
    %dma_wait3A_123 = tpu.memref_slice %arg5[%dma_wait3A_122] : memref<32768xf32, #tpu.memory_space<vmem>> -> memref<4096xf32, #tpu.memory_space<vmem>>
    %dma_wait3A_124 = arith.constant 16384 : i32
    %dma_wait3A_125 = tpu.memref_slice %arg3[%add3A_82, %dma_wait3A_124] : memref<128x32768xf32, #tpu.memory_space<hbm>> -> memref<1x4096xf32, #tpu.memory_space<hbm>>
    %dma_wait3A_126 = tpu.memref_squeeze %dma_wait3A_125 : memref<1x4096xf32, #tpu.memory_space<hbm>> -> memref<4096xf32, #tpu.memory_space<hbm>>
    %dma_wait3A_127 = arith.constant 16384 : i32
    %dma_wait3A_128 = tpu.memref_slice %arg3[%add3A_82, %dma_wait3A_127] : memref<128x32768xf32, #tpu.memory_space<hbm>> -> memref<1x4096xf32, #tpu.memory_space<hbm>>
    %dma_wait3A_129 = tpu.memref_squeeze %dma_wait3A_128 : memref<1x4096xf32, #tpu.memory_space<hbm>> -> memref<4096xf32, #tpu.memory_space<hbm>>
    %dma_wait3A_130 = arith.constant 16384 : i32
    %dma_wait3A_131 = tpu.memref_slice %arg5[%dma_wait3A_130] : memref<32768xf32, #tpu.memory_space<vmem>> -> memref<4096xf32, #tpu.memory_space<vmem>>
    tpu.wait_dma2 semaphore(%arg11 : memref<!tpu.dma_semaphore, #tpu.memory_space<semaphore_mem>>) src(%dma_wait3A_131 : memref<4096xf32, #tpu.memory_space<vmem>>) dst(%dma_wait3A_129 : memref<4096xf32, #tpu.memory_space<hbm>>)
    %dma_wait3A_132 = arith.constant 20480 : i32
    %dma_wait3A_133 = tpu.memref_slice %arg5[%dma_wait3A_132] : memref<32768xf32, #tpu.memory_space<vmem>> -> memref<4096xf32, #tpu.memory_space<vmem>>
    %dma_wait3A_134 = arith.constant 20480 : i32
    %dma_wait3A_135 = tpu.memref_slice %arg3[%add3A_82, %dma_wait3A_134] : memref<128x32768xf32, #tpu.memory_space<hbm>> -> memref<1x4096xf32, #tpu.memory_space<hbm>>
    %dma_wait3A_136 = tpu.memref_squeeze %dma_wait3A_135 : memref<1x4096xf32, #tpu.memory_space<hbm>> -> memref<4096xf32, #tpu.memory_space<hbm>>
    %dma_wait3A_137 = arith.constant 20480 : i32
    %dma_wait3A_138 = tpu.memref_slice %arg3[%add3A_82, %dma_wait3A_137] : memref<128x32768xf32, #tpu.memory_space<hbm>> -> memref<1x4096xf32, #tpu.memory_space<hbm>>
    %dma_wait3A_139 = tpu.memref_squeeze %dma_wait3A_138 : memref<1x4096xf32, #tpu.memory_space<hbm>> -> memref<4096xf32, #tpu.memory_space<hbm>>
    %dma_wait3A_140 = arith.constant 20480 : i32
    %dma_wait3A_141 = tpu.memref_slice %arg5[%dma_wait3A_140] : memref<32768xf32, #tpu.memory_space<vmem>> -> memref<4096xf32, #tpu.memory_space<vmem>>
    tpu.wait_dma2 semaphore(%arg11 : memref<!tpu.dma_semaphore, #tpu.memory_space<semaphore_mem>>) src(%dma_wait3A_141 : memref<4096xf32, #tpu.memory_space<vmem>>) dst(%dma_wait3A_139 : memref<4096xf32, #tpu.memory_space<hbm>>)
    %dma_wait3A_142 = arith.constant 24576 : i32
    %dma_wait3A_143 = tpu.memref_slice %arg5[%dma_wait3A_142] : memref<32768xf32, #tpu.memory_space<vmem>> -> memref<4096xf32, #tpu.memory_space<vmem>>
    %dma_wait3A_144 = arith.constant 24576 : i32
    %dma_wait3A_145 = tpu.memref_slice %arg3[%add3A_82, %dma_wait3A_144] : memref<128x32768xf32, #tpu.memory_space<hbm>> -> memref<1x4096xf32, #tpu.memory_space<hbm>>
    %dma_wait3A_146 = tpu.memref_squeeze %dma_wait3A_145 : memref<1x4096xf32, #tpu.memory_space<hbm>> -> memref<4096xf32, #tpu.memory_space<hbm>>
    %dma_wait3A_147 = arith.constant 24576 : i32
    %dma_wait3A_148 = tpu.memref_slice %arg3[%add3A_82, %dma_wait3A_147] : memref<128x32768xf32, #tpu.memory_space<hbm>> -> memref<1x4096xf32, #tpu.memory_space<hbm>>
    %dma_wait3A_149 = tpu.memref_squeeze %dma_wait3A_148 : memref<1x4096xf32, #tpu.memory_space<hbm>> -> memref<4096xf32, #tpu.memory_space<hbm>>
    %dma_wait3A_150 = arith.constant 24576 : i32
    %dma_wait3A_151 = tpu.memref_slice %arg5[%dma_wait3A_150] : memref<32768xf32, #tpu.memory_space<vmem>> -> memref<4096xf32, #tpu.memory_space<vmem>>
    tpu.wait_dma2 semaphore(%arg11 : memref<!tpu.dma_semaphore, #tpu.memory_space<semaphore_mem>>) src(%dma_wait3A_151 : memref<4096xf32, #tpu.memory_space<vmem>>) dst(%dma_wait3A_149 : memref<4096xf32, #tpu.memory_space<hbm>>)
    %dma_wait3A_152 = arith.constant 28672 : i32
    %dma_wait3A_153 = tpu.memref_slice %arg5[%dma_wait3A_152] : memref<32768xf32, #tpu.memory_space<vmem>> -> memref<4096xf32, #tpu.memory_space<vmem>>
    %dma_wait3A_154 = arith.constant 28672 : i32
    %dma_wait3A_155 = tpu.memref_slice %arg3[%add3A_82, %dma_wait3A_154] : memref<128x32768xf32, #tpu.memory_space<hbm>> -> memref<1x4096xf32, #tpu.memory_space<hbm>>
    %dma_wait3A_156 = tpu.memref_squeeze %dma_wait3A_155 : memref<1x4096xf32, #tpu.memory_space<hbm>> -> memref<4096xf32, #tpu.memory_space<hbm>>
    %dma_wait3A_157 = arith.constant 28672 : i32
    %dma_wait3A_158 = tpu.memref_slice %arg3[%add3A_82, %dma_wait3A_157] : memref<128x32768xf32, #tpu.memory_space<hbm>> -> memref<1x4096xf32, #tpu.memory_space<hbm>>
    %dma_wait3A_159 = tpu.memref_squeeze %dma_wait3A_158 : memref<1x4096xf32, #tpu.memory_space<hbm>> -> memref<4096xf32, #tpu.memory_space<hbm>>
    %dma_wait3A_160 = arith.constant 28672 : i32
    %dma_wait3A_161 = tpu.memref_slice %arg5[%dma_wait3A_160] : memref<32768xf32, #tpu.memory_space<vmem>> -> memref<4096xf32, #tpu.memory_space<vmem>>
    tpu.wait_dma2 semaphore(%arg11 : memref<!tpu.dma_semaphore, #tpu.memory_space<semaphore_mem>>) src(%dma_wait3A_161 : memref<4096xf32, #tpu.memory_space<vmem>>) dst(%dma_wait3A_159 : memref<4096xf32, #tpu.memory_space<hbm>>)
    return
  }
}

</mosaic_0001>

<sc_bundles>
// kernel: kernel.3.cloned.1.call-start
scs
__scs_entry_jumppad:
0x0: {  	(pc) =	sbr.rel $0x88, $3  }
0x1: {  	(tag) =	ssettag $0x0;
	lr =	simm.s32 $0x1  }
0x2: {  	[smem:$0x3FA0] =	sst lr;
	_ =	strace $0xD0000000  }
0x3: {  	_ = 	snop  }
0x4: {  	_ = 	snop  }
0x5: {  	_ = 	snop  }
0x6: {  	_ = 	snop  }
0x7: {  	_ = 	snop  }
__scs_overlays_trampoline_lowered:
0x8: {  	[smem:$0x3FAF] =	sst s0  }
0x9: {  	[smem:$0x3FB0] =	sst s1  }
0xa: {  	[smem:$0x3FB1] =	sst s2  }
0xb: {  	[smem:$0x3FB2] =	sst s3  }
0xc: {  	[smem:$0x3FB3] =	sst s4  }
0xd: {  	[smem:$0x3FB4] =	sst s5  }
0xe: {  	[smem:$0x3FB5] =	sst s6  }
0xf: {  	[smem:$0x3FB6] =	sst s7  }
0x10: {  	[smem:$0x3FB7] =	sst s8  }
0x11: {  	[smem:$0x3FB8] =	sst s9;
	s0 =	simm.s32 @!p0 $0x0  }
0x12: {  	s1 =	sld [smem:$0x3F9E];
	s0 =	simm.s32 @p0 $0x1  }
0x13: {  	[smem:$0x3FB9] =	sst s0;
	s0 =	simm.s32 @!p1 $0x0  }
0x14: {  	s2 =	sld [smem:$0x3F9D];
	s0 =	simm.s32 @p1 $0x1  }
0x15: {  	[smem:$0x3FBA] =	sst s0;
	s0 =	simm.s32 @!p2 $0x0  }
0x16: {  	s3 =	sld [smem:$0x3FDB];
	s0 =	simm.s32 @p2 $0x1  }
0x17: {  	s4 =	simm.s32 $0x1BF5;
	[smem:$0x3FBC] =	sst s0  }
0x18: {  	s0 =	sld [smem:$0x3F9F];
	_ =	swait.ge [sflag:s4], $0x0  }
0x19: {  	s7 =	sld [smem:$0x3FA0]  }
0x1a: {  	s8 =	sadd.s32 $0xFFFFE003, lr  }
0x1b: {  	s9 =	sadd.s32 $0xFFFFFEF7, lr;
	s5 =	simm.s32 $0xFFFFFFFF;
	p2 =	slt.u32 s8, $0xFFFFF086  }
0x1c: {  	p1 =	slt.u32 s9, $0xF7A;
	s5 =	simm.s32 @!p2 $0x0  }
0x1d: {  	s5 =	simm.s32 @p1 $0x1;
	p0 =	seq.s32 s7, s2  }
0x1e: {  	s7 =	smul.u32 @!p0 $0xF7A, s2;
	p2 =	seq.s32 @!p0 s5, $0x0  }
0x1f: {  	s9 =	smul.u32 $0xF7A, s1;
	s8 =	simm.s32 @!p0 $0x1BF5;
	p2 =	por !p2, p0  }
0x20: {  	[sflag:s8] =	ssyncset.s32 @!p0 $0xFFFFF086;
	s6 =	sadd.s32 @!p0 s3, s7;
	s7 =	simm.s32 @!p0 $0x108  }
0x21: {  	s3 =	sadd.s32 s3, s9;
	s6 =	sadd.s32 @!p0 $0x88, s6;
	s7 =	simm.s32 @p2 $0x1082  }
0x22: {  	[simem:s7], [sflag:s8] =	dma.local @!p0 [hbm:s6], $0xF7A  }
0x23: {  	s9 =	sor.u32 $0xD0000000, s2;
	s6 =	simm.s32 $0x108;
	_ =	swait.ge @!p0 [sflag:s8], $0x0  }
0x24: {  	s3 =	sadd.s32 $0x88, s3;
	s6 =	simm.s32 @!p1 $0x1082;
	[sflag:s4] =	ssyncset.s32 $0xFFFFF086  }
0x25: {  	[simem:s6], [sflag:s4] =	dma.local [hbm:s3], $0xF7A  }
0x26: {  	[smem:$0x3FA0] =	sst s1;
	(tag) =	ssettag s2;
	_ =	strace s9  }
0x27: {  	s1 =	sld [smem:$0x3FB0]  }
0x28: {  	s2 =	sld [smem:$0x3FB1]  }
0x29: {  	s4 =	sld [smem:$0x3FB3]  }
0x2a: {  	p0 =	seq.s32 s5, $0x0;
	s5 =	sld [smem:$0x3FB4]  }
0x2b: {  	s6 =	sld [smem:$0x3FB5]  }
0x2c: {  	s7 =	sld [smem:$0x3FB6]  }
0x2d: {  	s3 =	simm.s32 $0x108;
	s8 =	sld [smem:$0x3FB7]  }
0x2e: {  	s3 =	simm.s32 @!p0 $0x1082;
	s9 =	sld [smem:$0x3FB8]  }
0x2f: {  	lr =	sadd.s32 s0, s3;
	s0 =	sld [smem:$0x3FAF]  }
0x30: {  	s3 =	sld [smem:$0x3FB2]  }
0x31: {  	[smem:$0x3FBB] =	sst s10  }
0x32: {  	s10 =	sld [smem:$0x3FB9];
	_ =	sdelay $0x3  }
0x33: {  	p0 =	seq.s32 s10, $0x1;
	s10 =	sld [smem:$0x3FBB];
	_ =	sdelay $0x3  }
0x34: {  	[smem:$0x3FBB] =	sst s10  }
0x35: {  	s10 =	sld [smem:$0x3FBA];
	_ =	sdelay $0x3  }
0x36: {  	p1 =	seq.s32 s10, $0x1;
	s10 =	sld [smem:$0x3FBB];
	_ =	sdelay $0x3  }
0x37: {  	[smem:$0x3FBB] =	sst s10  }
0x38: {  	s10 =	sld [smem:$0x3FBC]  }
0x39: {  	_ = 	snop;
	(pc) =	sbr.ind lr, $3  }
0x3a: {  	_ = 	snop  }
0x3b: {  	_ = 	snop  }
0x3c: {  	p2 =	seq.s32 s10, $0x1;
	s10 =	sld [smem:$0x3FBB]  }
0x3d: {  	_ =	shalt  }
0x3e: {  	_ =	shalt  }
0x3f: {  	_ =	shalt  }
0x40: {  	_ =	shalt  }
0x41: {  	_ =	shalt  }
0x42: {  	_ =	shalt  }
0x43: {  	_ =	shalt  }
0x44: {  	_ =	shalt  }
0x45: {  	_ =	shalt  }
0x46: {  	_ =	shalt  }
0x47: {  	_ =	shalt  }
0x48: {  	_ =	shalt  }
0x49: {  	_ =	shalt  }
0x4a: {  	_ =	shalt  }
0x4b: {  	_ =	shalt  }
0x4c: {  	_ =	shalt  }
0x4d: {  	_ =	shalt  }
0x4e: {  	_ =	shalt  }
0x4f: {  	_ =	shalt  }
0x50: {  	_ =	shalt  }
0x51: {  	_ =	shalt  }
0x52: {  	_ =	shalt  }
0x53: {  	_ =	shalt  }
0x54: {  	_ =	shalt  }
0x55: {  	_ =	shalt  }
0x56: {  	_ =	shalt  }
0x57: {  	_ =	shalt  }
0x58: {  	_ =	shalt  }
0x59: {  	_ =	shalt  }
0x5a: {  	_ =	shalt  }
0x5b: {  	_ =	shalt  }
0x5c: {  	_ =	shalt  }
0x5d: {  	_ =	shalt  }
0x5e: {  	_ =	shalt  }
0x5f: {  	_ =	shalt  }
0x60: {  	_ =	shalt  }
0x61: {  	_ =	shalt  }
0x62: {  	_ =	shalt  }
0x63: {  	_ =	shalt  }
0x64: {  	_ =	shalt  }
0x65: {  	_ =	shalt  }
0x66: {  	_ =	shalt  }
0x67: {  	_ =	shalt  }
0x68: {  	_ =	shalt  }
0x69: {  	_ =	shalt  }
0x6a: {  	_ =	shalt  }
0x6b: {  	_ =	shalt  }
0x6c: {  	_ =	shalt  }
0x6d: {  	_ =	shalt  }
0x6e: {  	_ =	shalt  }
0x6f: {  	_ =	shalt  }
0x70: {  	_ =	shalt  }
0x71: {  	_ =	shalt  }
0x72: {  	_ =	shalt  }
0x73: {  	_ =	shalt  }
0x74: {  	_ =	shalt  }
0x75: {  	_ =	shalt  }
0x76: {  	_ =	shalt  }
0x77: {  	_ =	shalt  }
0x78: {  	_ =	shalt  }
0x79: {  	_ =	shalt  }
0x7a: {  	_ =	shalt  }
0x7b: {  	_ =	shalt  }
0x7c: {  	_ =	shalt  }
0x7d: {  	_ =	shalt  }
0x7e: {  	_ =	shalt  }
0x7f: {  	_ =	shalt  }
0x80: {  	_ =	shalt  }
0x81: {  	_ =	shalt  }
0x82: {  	_ =	shalt  }
0x83: {  	_ =	shalt  }
0x84: {  	_ =	shalt  }
0x85: {  	_ =	shalt  }
0x86: {  	_ =	shalt  }
0x87: {  	_ =	shalt  }
.Lfunc_end0:
.L_simem_size_0:
called_computation_lowered:
.L_overlay_start_0:
0x88: {  	s2 =	sld [smem:$0x3FD9]  }
0x89: {  	s3 =	sld [smem:$0x3FFE];
	_ =	sdelay $0x1  }
0x8a: {  	s1 =	srdreg.scid  }
0x8b: {  	s0 =	sand.u32 $0x1, s1  }
0x8c: {  	s18 =	sshll.u32 s0, $0xA;
	s2 =	sadd.s32 s3, s2  }
0x8d: {  	s2 =	sadd.s32 s2, s18  }
0x8e: {  	[smem:$0x3FC7] =	sst s2  }
0x8f: {  	_ = 	snop  }
0x90: {  	s2 =	sld [smem:$0x3FC9]  }
0x91: {  	s19 =	sld [smem:$0x3FD0];
	(tm) =	ssettm $0x1  }
0x92: {  	s4 =	sld [smem:$0x3FFB];
	_ =	sdelay $0x3  }
0x93: {  	_ =	strace s4  }
0x94: {  	s4 =	sld [smem:$0x3FFC];
	_ =	sdelay $0x3  }
0x95: {  	_ =	strace s4  }
0x96: {  	s4 =	sld [smem:$0x3FFD];
	_ =	sdelay $0x3  }
0x97: {  	_ =	strace s4  }
0x98: {  	_ =	strace $0x8FFFFFFF  }
0x99: {  	s20 =	sld [smem:$0x3FDB];
	_ =	sdelay $0x1  }
0x9a: {  	s5 =	simm.s32 $_scs_section_size  }
0x9b: {  	s6 =	simm.s32 $_size__tile_overlayer_lowered;
	s7 =	simm.s32 $_tile_overlayer_lowered  }
0x9c: {  	s23 =	simm.s32 $0x1BFF;
	s22 =	sshll.u32 s7, $0x1;
	s4 =	sadd.s32 s5, s20  }
0x9d: {  	s8 =	simm.s32 $0x0;
	s21 =	sshll.u32 s6, $0x1;
	s6 =	sadd.s32 s22, s4  }
0x9e: {  	[timem:s8], [sflag:s23] =	dma.local [hbm:s6], s21  }
0x9f: {  	_ =	swait.ge [sflag:s23], s21  }
0xa0: {  	s5 =	ssub.s32 $0x0, s21;
	[sflag:s23] =	ssyncset.done $0x0  }
0xa1: {  	[sflag:s23] =	ssyncadd.s32 s5;
	_ =	sdelay $0x1  }
0xa2: {  	s24 =	simm.s32 $0x1B8B  }
0xa3: {  	_ =	swait.ge [sflag:s24], $0x1  }
0xa4: {  	[sflag:s24] =	ssyncset.done $0x0  }
0xa5: {  	s25 =	simm.s32 $0x1B8E;
	[sflag:s24] =	ssyncadd.s32 $0xFFFFFFFF  }
0xa6: {  	s26 =	simm.s32 $execute0_lowered;
	[smem:$0x3FD2] =	sst s25  }
0xa7: {  	s5 =	sshll.u32 s26, $0x1;
	_ =	strace $0x80000046;
	[dreg:$0x1] =	wrdreg $0xFFFFFFFF  }
0xa8: {  	s28 =	simm.s32 $_size_execute0_lowered;
	s4 =	sadd.s32 s4, s5;
	[dreg:$0x0] =	wrdreg $0x0  }
0xa9: {  	s5 =	sshll.u32 s28, $0x1;
	[dreg:$0x2] =	wrdreg s4  }
0xaa: {  	[dreg:$0x3] =	wrdreg s5  }
0xab: {  	[dreg:$0x4] =	wrdreg $0xC0  }
0xac: {  	_ =	task [dreg:s8], $0x5FFFF  }
0xad: {  	[dreg:$0x1] =	wrdreg $0xFFFFFFFF  }
0xae: {  	[dreg:$0x0] =	wrdreg $0x60  }
0xaf: {  	[dreg:$0x2] =	wrdreg s2  }
0xb0: {  	[dreg:$0x3] =	wrdreg s19  }
0xb1: {  	[dreg:$0x4] =	wrdreg $0x9  }
0xb2: {  	_ =	task.clear_ibuf [dreg:s8], $0x5FFFF;
	_ =	strace $0x90000046  }
0xb3: {  	s29 =	simm.s32 $0x9;
	_ =	strace $0x80000048  }
0xb4: {  	_ =	swait.ge [sflag:s29], $0x1  }
0xb5: {  	[sflag:s29] =	ssyncadd.s32 $0xFFFFFFFF  }
0xb6: {  	_ =	strace $0x90000048  }
0xb7: {  	_ =	sfence  }
0xb8: {  	s30 =	sld [smem:$0x0];
	_ =	sdelay $0x2  }
0xb9: {  	s31 =	sshll.u32 s1, $0xD;
	s1 =	sshrl.u32 s1, $0x2  }
0xba: {  	s3 =	sand.u32 $0x4000, s31;
	s1 =	sadd.s32 s1, s30  }
0xbb: {  	s0 =	sor.u32 s3, s0;
	s1 =	sshll.u32 s1, $0x11  }
0xbc: {  	s0 =	sor.u32 s1, s0  }
0xbd: {  	s0 =	sadd.s32 $0x8F2B, s0  }
0xbe: {  	[sflag:s0] =	ssyncadd.remote.s32 $0x1  }
0xbf: {  	_ =	sfence.sel $0xFFFF  }
0xc0: {  	[dreg:$0x0] =	wrdreg $0xFFFFFFFF;
	(pc) =	sbr.abs _section_cstart, $3  }
0xc1: {  	[dreg:$0x1] =	wrdreg $0xFFFFFFFF  }
0xc2: {  	_ =	task.clear_ibuf [dreg:s8], $0x2FFFF;
	_ =	strace $0x9FFFFFFF  }
0xc3: {  	(tm) =	ssettm $0x7FFFFFFF  }
tec
execute0_lowered:
.L_overlay_start_1:
0x0: {  	(tag) =	ssettag $0x1  }
0x1: {  	s1 =	rddreg [dreg:$0x0]  }
0x2: {  	s0 =	srdreg.scid;
	s2 =	rddreg [dreg:$0x1];
	s4 =	simm.s32 $0x0  }
0x3: {  	s5 =	stileid.u32;
	s7 =	simm.s32 $0x80;
	s8 =	simm.s32 $0x400  }
0x4: {  	s16 =	simm.s32 $0x1;
	s17 =	simm.s32 $0x10000;
	s0 =	sand.u32 $0x1, s0  }
.Ltmp0:
0x5: {  	s26 =	simm.s32 $0x15800;
	s3 =	ssub.s32 $0x2, s0;
	(pc) =	sbr.rel .LBB2_1-.Ltmp0, $4  }
0x6: {  	v0 =	vlaneseq.u32;
	s30 =	sshll.u32 s5, $0x3;
	s0 =	sshll.u32 s0, $0x2;
	s29 =	sshrl.u32 s3, $0x1  }
0x7: {  	[smem:$0x7FF] =	sst s4;
	v2 =	vmul.u32 $0x400, v0;
	s0 =	sor.u32 s0, s30;
	s3 =	ssub.s32 s3, s29  }
0x8: {  	v1 =	vimm.s32 $0x0;
	_ =	strace $0x80000047;
	[dreg:$0x3] =	wrdreg s0;
	s31 =	smax.u32 s3, $0x1  }
0x9: {  	s19 =	simm.s32 $0x14000;
	v3 =	vimm.s32 $0x1;
	v4 =	vimm.f32 $0.0e+00;
	s4 =	simm.s32 $0x0;
	v2 =	vor.u32 $0x200, v2;
	[dreg:$0x4] =	wrdreg s31  }
.LBB2_73:
0xa: {  	s3 =	simm.s32 $0x2  }
0xb: {  	_ =	swait.ge [sflag:s3], $0x1000  }
0xc: {  	[sflag:s3] =	ssyncset.done $0x0  }
0xd: {  	[sflag:s3] =	ssyncadd.s32 $0xFFFFF000  }
0xe: {  	_ =	swait.ge [sflag:s3], $0x1000  }
0xf: {  	[sflag:s3] =	ssyncset.done $0x0  }
0x10: {  	[sflag:s3] =	ssyncadd.s32 $0xFFFFF000  }
0x11: {  	_ =	swait.ge [sflag:s3], $0x1000  }
0x12: {  	[sflag:s3] =	ssyncset.done $0x0  }
0x13: {  	[sflag:s3] =	ssyncadd.s32 $0xFFFFF000  }
0x14: {  	_ =	swait.ge [sflag:s3], $0x1000  }
0x15: {  	[sflag:s3] =	ssyncset.done $0x0  }
0x16: {  	[sflag:s3] =	ssyncadd.s32 $0xFFFFF000  }
0x17: {  	_ =	swait.ge [sflag:s3], $0x1000  }
0x18: {  	[sflag:s3] =	ssyncset.done $0x0  }
0x19: {  	[sflag:s3] =	ssyncadd.s32 $0xFFFFF000  }
0x1a: {  	_ =	swait.ge [sflag:s3], $0x1000  }
0x1b: {  	[sflag:s3] =	ssyncset.done $0x0  }
0x1c: {  	[sflag:s3] =	ssyncadd.s32 $0xFFFFF000  }
0x1d: {  	_ =	swait.ge [sflag:s3], $0x1000  }
0x1e: {  	[sflag:s3] =	ssyncset.done $0x0  }
0x1f: {  	[sflag:s3] =	ssyncadd.s32 $0xFFFFF000  }
0x20: {  	_ =	swait.ge [sflag:s3], $0x1000  }
0x21: {  	s4 =	rddreg [dreg:$0x5]  }
0x22: {  	s0 =	rddreg [dreg:$0x4];
	s4 =	sadd.s32 $0x1, s4  }
0x23: {  	p0 =	sne.s32 s4, s0  }
.Ltmp1:
0x24: {  	_ = 	snop;
	(pc) =	sbr.rel @!p0 .LBB2_74-.Ltmp1, $3  }
0x25: {  	_ =	sdelay $0x1  }
0x26: {  	[sflag:s3] =	ssyncset.done $0x0  }
0x27: {  	[sflag:s3] =	ssyncadd.s32 $0xFFFFF000  }
.LBB2_1:
0x28: {  	[dreg:$0x5] =	wrdreg s4;
	s3 =	simm.s32 $0x10040  }
0x29: {  	[tilespmem:s3+$0xFFFFFFC0] =	vst v1  }
0x2a: {  	[tilespmem:s3+$0x30] =	vst v1  }
0x2b: {  	[tilespmem:s3+$0x20] =	vst v1  }
0x2c: {  	[tilespmem:s3+$0x10] =	vst v1  }
0x2d: {  	[tilespmem:s3+$0x0] =	vst v1  }
0x2e: {  	[tilespmem:s3+$0xFFFFFFF0] =	vst v1  }
0x2f: {  	s4 =	simm.s32 $0x0;
	[tilespmem:s3+$0xFFFFFFE0] =	vst v1  }
.LBB2_2:
0x30: {  	s4 =	sadd.s32 $0x8, s4;
	[tilespmem:s3+$0xFFFFFFD0] =	vst v1;
	s3 =	sadd.s32 $0x80, s3;
	s0 =	simm.s32 $0x14040  }
0x31: {  	[tilespmem:s3+$0xFFFFFFC0] =	vst v1;
	p0 =	slt.u32 s4, $0x3F8  }
0x32: {  	[tilespmem:s3+$0x30] =	vst v1  }
.Ltmp2:
0x33: {  	[tilespmem:s3+$0x20] =	vst v1;
	(pc) =	sbr.rel @p0 .LBB2_2-.Ltmp2, $4  }
0x34: {  	[tilespmem:s3+$0x10] =	vst v1  }
0x35: {  	[tilespmem:s3+$0x0] =	vst v1  }
0x36: {  	[tilespmem:s3+$0xFFFFFFF0] =	vst v1  }
0x37: {  	[tilespmem:s3+$0xFFFFFFE0] =	vst v1  }
0x38: {  	[tilespmem:s3+$0xFFFFFFD0] =	vst v1  }
0x39: {  	[tilespmem:s0+$0xFFFFFFC0] =	vst v1  }
0x3a: {  	[tilespmem:s0+$0x30] =	vst v1  }
0x3b: {  	[tilespmem:s0+$0x20] =	vst v1  }
0x3c: {  	[tilespmem:s0+$0x10] =	vst v1  }
0x3d: {  	[tilespmem:s0+$0x0] =	vst v1  }
0x3e: {  	[tilespmem:s0+$0xFFFFFFF0] =	vst v1  }
0x3f: {  	s3 =	simm.s32 $0x0;
	[tilespmem:s0+$0xFFFFFFE0] =	vst v1  }
.LBB2_4:
0x40: {  	s3 =	sadd.s32 $0x8, s3;
	[tilespmem:s0+$0xFFFFFFD0] =	vst v1;
	s0 =	sadd.s32 $0x80, s0  }
0x41: {  	[tilespmem:s0+$0xFFFFFFC0] =	vst v1;
	p0 =	slt.u32 s3, $0xF8  }
0x42: {  	[tilespmem:s0+$0x30] =	vst v1  }
.Ltmp3:
0x43: {  	[tilespmem:s0+$0x20] =	vst v1;
	(pc) =	sbr.rel @p0 .LBB2_4-.Ltmp3, $4  }
0x44: {  	[tilespmem:s0+$0x10] =	vst v1  }
0x45: {  	[tilespmem:s0+$0x0] =	vst v1  }
0x46: {  	[tilespmem:s0+$0xFFFFFFF0] =	vst v1  }
0x47: {  	[tilespmem:s0+$0xFFFFFFE0] =	vst v1  }
0x48: {  	[tilespmem:s0+$0xFFFFFFD0] =	vst v1;
	s0 =	simm.s32 $0x0  }
.LBB2_6:
0x49: {  	s3 =	rddreg [dreg:$0x3]  }
0x4a: {  	s3 =	sadd.s32 s3, s0  }
0x4b: {  	s12 =	sshll.u32 s3, $0xF;
	s3 =	sshll.u32 s3, $0x7  }
0x4c: {  	s4 =	sand.u32 $0x3C0000, s12;
	s3 =	sand.u32 $0x380, s3  }
0x4d: {  	s4 =	sor.u32 s3, s4  }
0x4e: {  	s5 =	simm.s32 $0x0;
	s11 =	sshrl.u32 s4, $0x3  }
0x4f: {  	s9 =	simm.s32 $0x1000;
	s4 =	sadd.s32 s1, s11;
	s10 =	sor.u32 $0x1000, s11  }
0x50: {  	[tilespmem:s5], [sflag:$0x1] =	stream.strided.gather [hbm4b:s4+s7], $0x1000, s8, s7, $0x38;
	[tilespmem:$0x16000] =	vst v63  }
0x51: {  	s14 =	simm.s32 $0x2000;
	s15 =	simm.s32 $0x3000;
	s6 =	sadd.s32 s1, s10  }
0x52: {  	[tilespmem:s9], [sflag:$0x1] =	stream.strided.gather [hbm4b:s6+s7], $0x1000, s8, s7, $0x38;
	[tilespmem:$0x16000] =	vst v63  }
0x53: {  	s20 =	simm.s32 $0x4000;
	s23 =	simm.s32 $0x5000;
	s9 =	sor.u32 $0x2000, s11  }
0x54: {  	s25 =	simm.s32 $0x6000;
	s4 =	sor.u32 $0x3000, s11;
	s13 =	sadd.s32 s1, s9  }
0x55: {  	[tilespmem:s14], [sflag:$0x1] =	stream.strided.gather [hbm4b:s13+s7], $0x1000, s8, s7, $0x38;
	[tilespmem:$0x16000] =	vst v63  }
0x56: {  	s3 =	sor.u32 s12, s3;
	s30 =	sor.u32 $0x4000, s11;
	s6 =	sadd.s32 s1, s4  }
0x57: {  	[tilespmem:s15], [sflag:$0x1] =	stream.strided.gather [hbm4b:s6+s7], $0x1000, s8, s7, $0x38;
	[tilespmem:$0x16000] =	vst v63  }
0x58: {  	s3 =	sshrl.u32 s3, $0x3;
	s21 =	sor.u32 $0x5000, s11;
	s18 =	sadd.s32 s1, s30  }
0x59: {  	[tilespmem:s20], [sflag:$0x1] =	stream.strided.gather [hbm4b:s18+s7], $0x1000, s8, s7, $0x38;
	[tilespmem:$0x16000] =	vst v63  }
0x5a: {  	s24 =	sor.u32 $0x6000, s11;
	[dreg:$0x8] =	wrdreg s21;
	s22 =	sadd.s32 s1, s21  }
0x5b: {  	[tilespmem:s23], [sflag:$0x1] =	stream.strided.gather [hbm4b:s22+s7], $0x1000, s8, s7, $0x38;
	[tilespmem:$0x16000] =	vst v63  }
0x5c: {  	s3 =	sor.u32 $0x7000, s3;
	[dreg:$0x7] =	wrdreg s24;
	s13 =	sadd.s32 s1, s24  }
0x5d: {  	[tilespmem:s25], [sflag:$0x1] =	stream.strided.gather [hbm4b:s13+s7], $0x1000, s8, s7, $0x38;
	[tilespmem:$0x16000] =	vst v63  }
0x5e: {  	s29 =	simm.s32 $0x7000;
	[dreg:$0x6] =	wrdreg s3;
	s28 =	sadd.s32 s1, s3  }
0x5f: {  	[tilespmem:s29], [sflag:$0x1] =	stream.strided.gather [hbm4b:s28+s7], $0x1000, s8, s7, $0x38;
	[tilespmem:$0x16000] =	vst v63  }
0x60: {  	_ =	swait.ge [sflag:s16], $0x1000  }
0x61: {  	[sflag:s16] =	ssyncset.done $0x0  }
0x62: {  	s31 =	simm.s32 $0x40;
	[sflag:s16] =	ssyncadd.s32 $0xFFFFF000  }
0x63: {  	v5 =	vld [tilespmem:s31+$0x30]  }
0x64: {  	v6 =	vld [tilespmem:s31+$0xFFFFFFD0]  }
0x65: {  	v7 =	vld [tilespmem:s31+$0xFFFFFFE0]  }
0x66: {  	v8 =	vld [tilespmem:s31+$0xFFFFFFF0]  }
0x67: {  	v9 =	vld [tilespmem:s31+$0x0];
	_ =	sdelay $0x1  }
0x68: {  	v10 =	vld [tilespmem:s31+$0x10]  }
0x69: {  	v13 =	vld [tilespmem:s31+$0x20]  }
0x6a: {  	v14 =	vld [tilespmem:s31+$0xFFFFFFC0];
	v11 =	vshra.s32 v5, $0x1F;
	v12 =	vshra.s32 v6, $0x1F;
	v15 =	vshra.s32 v7, $0x1F  }
0x6b: {  	v62 =	vshra.s32 v8, $0x1F;
	v16 =	vshra.s32 v9, $0x1F;
	v11 =	vand.u32 $0x7FC00000, v11  }
0x6c: {  	v12 =	vand.u32 $0x7FC00000, v12;
	v5 =	vxor.u32 v5, v11;
	v11 =	vand.u32 $0x7FC00000, v15  }
0x6d: {  	v15 =	vand.u32 $0x7FC00000, v62;
	v12 =	vxor.u32 v6, v12;
	v5 =	vshra.s32 v5, $0x16  }
0x6e: {  	v6 =	vshra.s32 v10, $0x1F;
	v63 =	vxor.u32 v7, v11;
	v17 =	vadd.s32 v2, v5  }
0x6f: {  	v7 =	vand.u32 $0x7FC00000, v6;
	v6 =	vshra.s32 v13, $0x1F;
	v11 =	vshra.s32 v14, $0x1F  }
0x70: {  	v15 =	vxor.u32 v8, v15;
	v5 =	vand.u32 $0x7FC00000, v16;
	v8 =	vand.u32 $0x7FC00000, v6  }
0x71: {  	v11 =	vand.u32 $0x7FC00000, v11;
	v6 =	vxor.u32 v9, v5;
	v5 =	vxor.u32 v10, v7  }
0x72: {  	v9 =	vxor.u32 v14, v11;
	v7 =	vshra.s32 v12, $0x16;
	v8 =	vxor.u32 v13, v8  }
0x73: {  	s12 =	simm.s32 $0x0;
	s13 =	simm.s32 $0xC0;
	v10 =	vshra.s32 v63, $0x16;
	v11 =	vshra.s32 v9, $0x16;
	v9 =	vshra.s32 v15, $0x16;
	[tilespmem:v17+s17+$0x0] =	vst.idx.add.s32.msk $0xffff, v3  }
.LBB2_7:
0x74: {  	v12 =	vld [tilespmem:s13+$0x30];
	s12 =	sadd.s32 $0x8, s12;
	v6 =	vshra.s32 v6, $0x16;
	v5 =	vshra.s32 v5, $0x16;
	v8 =	vshra.s32 v8, $0x16  }
0x75: {  	v11 =	vadd.s32 v2, v11;
	v7 =	vadd.s32 v2, v7;
	v10 =	vadd.s32 v2, v10;
	v13 =	vld [tilespmem:s13+$0xFFFFFFD0];
	p0 =	slt.u32 s12, $0xF8  }
0x76: {  	v9 =	vadd.s32 v2, v9;
	v6 =	vadd.s32 v2, v6;
	v15 =	vadd.s32 v2, v5;
	v14 =	vld [tilespmem:s13+$0xFFFFFFE0]  }
0x77: {  	v16 =	vadd.s32 v2, v8;
	v5 =	vld [tilespmem:s13+$0xFFFFFFF0]  }
0x78: {  	v8 =	vld [tilespmem:s13+$0x0]  }
0x79: {  	v17 =	vld [tilespmem:s13+$0x10];
	v18 =	vshra.s32 v12, $0x1F  }
0x7a: {  	v19 =	vshra.s32 v13, $0x1F;
	v20 =	vld [tilespmem:s13+$0x20];
	v18 =	vand.u32 $0x7FC00000, v18  }
0x7b: {  	v21 =	vld [tilespmem:s13+$0xFFFFFFC0];
	v19 =	vand.u32 $0x7FC00000, v19;
	v22 =	vshra.s32 v14, $0x1F;
	v12 =	vxor.u32 v12, v18  }
0x7c: {  	v18 =	vand.u32 $0x7FC00000, v22;
	v22 =	vshra.s32 v5, $0x1F;
	v12 =	vshra.s32 v12, $0x16;
	[tilespmem:v11+s17+$0x0] =	vst.idx.add.s32.msk $0xffff, v3  }
0x7d: {  	v11 =	vand.u32 $0x7FC00000, v22;
	v22 =	vshra.s32 v8, $0x1F;
	v12 =	vadd.s32 v2, v12;
	[tilespmem:v7+s17+$0x0] =	vst.idx.add.s32.msk $0xffff, v3  }
0x7e: {  	v7 =	vxor.u32 v13, v19;
	v13 =	vand.u32 $0x7FC00000, v22;
	v19 =	vshra.s32 v17, $0x1F;
	[tilespmem:v10+s17+$0x0] =	vst.idx.add.s32.msk $0xffff, v3  }
.Ltmp4:
0x7f: {  	v10 =	vxor.u32 v14, v18;
	v14 =	vand.u32 $0x7FC00000, v19;
	v18 =	vshra.s32 v20, $0x1F;
	[tilespmem:v9+s17+$0x0] =	vst.idx.add.s32.msk $0xffff, v3;
	(pc) =	sbr.rel @p0 .LBB2_7-.Ltmp4, $4  }
0x80: {  	v19 =	vxor.u32 v5, v11;
	v9 =	vshra.s32 v21, $0x1F;
	v11 =	vand.u32 $0x7FC00000, v18;
	[tilespmem:v6+s17+$0x0] =	vst.idx.add.s32.msk $0xffff, v3  }
0x81: {  	v6 =	vxor.u32 v8, v13;
	v5 =	vxor.u32 v17, v14;
	v9 =	vand.u32 $0x7FC00000, v9;
	[tilespmem:v15+s17+$0x0] =	vst.idx.add.s32.msk $0xffff, v3  }
0x82: {  	v7 =	vshra.s32 v7, $0x16;
	v8 =	vxor.u32 v20, v11;
	v9 =	vxor.u32 v21, v9;
	[tilespmem:v12+s17+$0x0] =	vst.idx.add.s32.msk $0xffff, v3  }
0x83: {  	s13 =	sadd.s32 $0x80, s13;
	v10 =	vshra.s32 v10, $0x16;
	v11 =	vshra.s32 v9, $0x16;
	v9 =	vshra.s32 v19, $0x16;
	[tilespmem:v16+s17+$0x0] =	vst.idx.add.s32.msk $0xffff, v3  }
0x84: {  	v11 =	vadd.s32 v2, v11  }
0x85: {  	v7 =	vadd.s32 v2, v7  }
0x86: {  	v10 =	vadd.s32 v2, v10  }
0x87: {  	v6 =	vshra.s32 v6, $0x16;
	v9 =	vadd.s32 v2, v9  }
0x88: {  	v5 =	vshra.s32 v5, $0x16;
	v6 =	vadd.s32 v2, v6  }
0x89: {  	v8 =	vshra.s32 v8, $0x16;
	v5 =	vadd.s32 v2, v5;
	[tilespmem:v11+s17+$0x0] =	vst.idx.add.s32.msk $0xffff, v3  }
0x8a: {  	v8 =	vadd.s32 v2, v8;
	[tilespmem:v7+s17+$0x0] =	vst.idx.add.s32.msk $0xffff, v3  }
0x8b: {  	[tilespmem:v10+s17+$0x0] =	vst.idx.add.s32.msk $0xffff, v3  }
0x8c: {  	[tilespmem:v9+s17+$0x0] =	vst.idx.add.s32.msk $0xffff, v3  }
0x8d: {  	[tilespmem:v6+s17+$0x0] =	vst.idx.add.s32.msk $0xffff, v3  }
0x8e: {  	[tilespmem:v5+s17+$0x0] =	vst.idx.add.s32.msk $0xffff, v3  }
0x8f: {  	[tilespmem:v8+s17+$0x0] =	vst.idx.add.s32.msk $0xffff, v3  }
0x90: {  	_ =	swait.ge [sflag:s16], $0x1000  }
0x91: {  	[sflag:s16] =	ssyncset.done $0x0  }
0x92: {  	s12 =	simm.s32 $0x1070;
	[sflag:s16] =	ssyncadd.s32 $0xFFFFF000  }
0x93: {  	v5 =	vld [tilespmem:s12+$0x0]  }
0x94: {  	v6 =	vld [tilespmem:s12+$0xFFFFFFA0]  }
0x95: {  	v7 =	vld [tilespmem:s12+$0xFFFFFFB0]  }
0x96: {  	v8 =	vld [tilespmem:s12+$0xFFFFFFC0]  }
0x97: {  	v9 =	vld [tilespmem:s12+$0xFFFFFFD0];
	_ =	sdelay $0x1  }
0x98: {  	v10 =	vld [tilespmem:s12+$0xFFFFFFE0]  }
0x99: {  	v13 =	vld [tilespmem:s12+$0xFFFFFFF0]  }
0x9a: {  	v14 =	vld [tilespmem:s12+$0xFFFFFF90];
	v11 =	vshra.s32 v5, $0x1F;
	v12 =	vshra.s32 v6, $0x1F;
	v15 =	vshra.s32 v7, $0x1F  }
0x9b: {  	v62 =	vshra.s32 v8, $0x1F;
	v16 =	vshra.s32 v9, $0x1F;
	v11 =	vand.u32 $0x7FC00000, v11  }
0x9c: {  	v12 =	vand.u32 $0x7FC00000, v12;
	v5 =	vxor.u32 v5, v11;
	v11 =	vand.u32 $0x7FC00000, v15  }
0x9d: {  	v15 =	vand.u32 $0x7FC00000, v62;
	v12 =	vxor.u32 v6, v12;
	v5 =	vshra.s32 v5, $0x16  }
0x9e: {  	v6 =	vshra.s32 v10, $0x1F;
	v63 =	vxor.u32 v7, v11;
	v17 =	vadd.s32 v2, v5  }
0x9f: {  	v7 =	vand.u32 $0x7FC00000, v6;
	v6 =	vshra.s32 v13, $0x1F;
	v11 =	vshra.s32 v14, $0x1F  }
0xa0: {  	v15 =	vxor.u32 v8, v15;
	v5 =	vand.u32 $0x7FC00000, v16;
	v8 =	vand.u32 $0x7FC00000, v6  }
0xa1: {  	v11 =	vand.u32 $0x7FC00000, v11;
	v6 =	vxor.u32 v9, v5;
	v5 =	vxor.u32 v10, v7  }
0xa2: {  	v9 =	vxor.u32 v14, v11;
	v7 =	vshra.s32 v12, $0x16;
	v8 =	vxor.u32 v13, v8  }
0xa3: {  	s13 =	simm.s32 $0x10F0;
	s12 =	simm.s32 $0x100;
	v10 =	vshra.s32 v63, $0x16;
	v11 =	vshra.s32 v9, $0x16;
	v9 =	vshra.s32 v15, $0x16;
	[tilespmem:v17+s17+$0x0] =	vst.idx.add.s32.msk $0xffff, v3  }
.LBB2_9:
0xa4: {  	v12 =	vld [tilespmem:s13+$0x0];
	s12 =	sadd.s32 $0x8, s12;
	v6 =	vshra.s32 v6, $0x16;
	v5 =	vshra.s32 v5, $0x16;
	v8 =	vshra.s32 v8, $0x16  }
0xa5: {  	v11 =	vadd.s32 v2, v11;
	v7 =	vadd.s32 v2, v7;
	v10 =	vadd.s32 v2, v10;
	v13 =	vld [tilespmem:s13+$0xFFFFFFA0];
	p0 =	slt.u32 s12, $0x1F8  }
0xa6: {  	v9 =	vadd.s32 v2, v9;
	v6 =	vadd.s32 v2, v6;
	v15 =	vadd.s32 v2, v5;
	v14 =	vld [tilespmem:s13+$0xFFFFFFB0]  }
0xa7: {  	v16 =	vadd.s32 v2, v8;
	v5 =	vld [tilespmem:s13+$0xFFFFFFC0]  }
0xa8: {  	v8 =	vld [tilespmem:s13+$0xFFFFFFD0]  }
0xa9: {  	v17 =	vld [tilespmem:s13+$0xFFFFFFE0];
	v18 =	vshra.s32 v12, $0x1F  }
0xaa: {  	v19 =	vshra.s32 v13, $0x1F;
	v20 =	vld [tilespmem:s13+$0xFFFFFFF0];
	v18 =	vand.u32 $0x7FC00000, v18  }
0xab: {  	v21 =	vld [tilespmem:s13+$0xFFFFFF90];
	v19 =	vand.u32 $0x7FC00000, v19;
	v22 =	vshra.s32 v14, $0x1F;
	v12 =	vxor.u32 v12, v18  }
0xac: {  	v18 =	vand.u32 $0x7FC00000, v22;
	v22 =	vshra.s32 v5, $0x1F;
	v12 =	vshra.s32 v12, $0x16;
	[tilespmem:v11+s17+$0x0] =	vst.idx.add.s32.msk $0xffff, v3  }
0xad: {  	v11 =	vand.u32 $0x7FC00000, v22;
	v22 =	vshra.s32 v8, $0x1F;
	v12 =	vadd.s32 v2, v12;
	[tilespmem:v7+s17+$0x0] =	vst.idx.add.s32.msk $0xffff, v3  }
0xae: {  	v7 =	vxor.u32 v13, v19;
	v13 =	vand.u32 $0x7FC00000, v22;
	v19 =	vshra.s32 v17, $0x1F;
	[tilespmem:v10+s17+$0x0] =	vst.idx.add.s32.msk $0xffff, v3  }
.Ltmp5:
0xaf: {  	v10 =	vxor.u32 v14, v18;
	v14 =	vand.u32 $0x7FC00000, v19;
	v18 =	vshra.s32 v20, $0x1F;
	[tilespmem:v9+s17+$0x0] =	vst.idx.add.s32.msk $0xffff, v3;
	(pc) =	sbr.rel @p0 .LBB2_9-.Ltmp5, $4  }
0xb0: {  	v19 =	vxor.u32 v5, v11;
	v9 =	vshra.s32 v21, $0x1F;
	v11 =	vand.u32 $0x7FC00000, v18;
	[tilespmem:v6+s17+$0x0] =	vst.idx.add.s32.msk $0xffff, v3  }
0xb1: {  	v6 =	vxor.u32 v8, v13;
	v5 =	vxor.u32 v17, v14;
	v9 =	vand.u32 $0x7FC00000, v9;
	[tilespmem:v15+s17+$0x0] =	vst.idx.add.s32.msk $0xffff, v3  }
0xb2: {  	v7 =	vshra.s32 v7, $0x16;
	v8 =	vxor.u32 v20, v11;
	v9 =	vxor.u32 v21, v9;
	[tilespmem:v12+s17+$0x0] =	vst.idx.add.s32.msk $0xffff, v3  }
0xb3: {  	s13 =	sadd.s32 $0x80, s13;
	v10 =	vshra.s32 v10, $0x16;
	v11 =	vshra.s32 v9, $0x16;
	v9 =	vshra.s32 v19, $0x16;
	[tilespmem:v16+s17+$0x0] =	vst.idx.add.s32.msk $0xffff, v3  }
0xb4: {  	v11 =	vadd.s32 v2, v11  }
0xb5: {  	v7 =	vadd.s32 v2, v7  }
0xb6: {  	v10 =	vadd.s32 v2, v10  }
0xb7: {  	v6 =	vshra.s32 v6, $0x16;
	v9 =	vadd.s32 v2, v9  }
0xb8: {  	v5 =	vshra.s32 v5, $0x16;
	v6 =	vadd.s32 v2, v6  }
0xb9: {  	v8 =	vshra.s32 v8, $0x16;
	v5 =	vadd.s32 v2, v5;
	[tilespmem:v11+s17+$0x0] =	vst.idx.add.s32.msk $0xffff, v3  }
0xba: {  	v8 =	vadd.s32 v2, v8;
	[tilespmem:v7+s17+$0x0] =	vst.idx.add.s32.msk $0xffff, v3  }
0xbb: {  	[tilespmem:v10+s17+$0x0] =	vst.idx.add.s32.msk $0xffff, v3  }
0xbc: {  	[tilespmem:v9+s17+$0x0] =	vst.idx.add.s32.msk $0xffff, v3  }
0xbd: {  	[tilespmem:v6+s17+$0x0] =	vst.idx.add.s32.msk $0xffff, v3  }
0xbe: {  	[tilespmem:v5+s17+$0x0] =	vst.idx.add.s32.msk $0xffff, v3  }
0xbf: {  	[tilespmem:v8+s17+$0x0] =	vst.idx.add.s32.msk $0xffff, v3  }
0xc0: {  	_ =	swait.ge [sflag:s16], $0x1000  }
0xc1: {  	[sflag:s16] =	ssyncset.done $0x0  }
0xc2: {  	s12 =	simm.s32 $0x2070;
	[sflag:s16] =	ssyncadd.s32 $0xFFFFF000  }
0xc3: {  	v5 =	vld [tilespmem:s12+$0x0]  }
0xc4: {  	v6 =	vld [tilespmem:s12+$0xFFFFFFA0]  }
0xc5: {  	v7 =	vld [tilespmem:s12+$0xFFFFFFB0]  }
0xc6: {  	v8 =	vld [tilespmem:s12+$0xFFFFFFC0]  }
0xc7: {  	v9 =	vld [tilespmem:s12+$0xFFFFFFD0];
	_ =	sdelay $0x1  }
0xc8: {  	v10 =	vld [tilespmem:s12+$0xFFFFFFE0]  }
0xc9: {  	v13 =	vld [tilespmem:s12+$0xFFFFFFF0]  }
0xca: {  	v14 =	vld [tilespmem:s12+$0xFFFFFF90];
	v11 =	vshra.s32 v5, $0x1F;
	v12 =	vshra.s32 v6, $0x1F;
	v15 =	vshra.s32 v7, $0x1F  }
0xcb: {  	v62 =	vshra.s32 v8, $0x1F;
	v16 =	vshra.s32 v9, $0x1F;
	v11 =	vand.u32 $0x7FC00000, v11  }
0xcc: {  	v12 =	vand.u32 $0x7FC00000, v12;
	v5 =	vxor.u32 v5, v11;
	v11 =	vand.u32 $0x7FC00000, v15  }
0xcd: {  	v15 =	vand.u32 $0x7FC00000, v62;
	v12 =	vxor.u32 v6, v12;
	v5 =	vshra.s32 v5, $0x16  }
0xce: {  	v6 =	vshra.s32 v10, $0x1F;
	v63 =	vxor.u32 v7, v11;
	v17 =	vadd.s32 v2, v5  }
0xcf: {  	v7 =	vand.u32 $0x7FC00000, v6;
	v6 =	vshra.s32 v13, $0x1F;
	v11 =	vshra.s32 v14, $0x1F  }
0xd0: {  	v15 =	vxor.u32 v8, v15;
	v5 =	vand.u32 $0x7FC00000, v16;
	v8 =	vand.u32 $0x7FC00000, v6  }
0xd1: {  	v11 =	vand.u32 $0x7FC00000, v11;
	v6 =	vxor.u32 v9, v5;
	v5 =	vxor.u32 v10, v7  }
0xd2: {  	v9 =	vxor.u32 v14, v11;
	v7 =	vshra.s32 v12, $0x16;
	v8 =	vxor.u32 v13, v8  }
0xd3: {  	s13 =	simm.s32 $0x20F0;
	s12 =	simm.s32 $0x200;
	v10 =	vshra.s32 v63, $0x16;
	v11 =	vshra.s32 v9, $0x16;
	v9 =	vshra.s32 v15, $0x16;
	[tilespmem:v17+s17+$0x0] =	vst.idx.add.s32.msk $0xffff, v3  }
.LBB2_11:
0xd4: {  	v12 =	vld [tilespmem:s13+$0x0];
	s12 =	sadd.s32 $0x8, s12;
	v6 =	vshra.s32 v6, $0x16;
	v5 =	vshra.s32 v5, $0x16;
	v8 =	vshra.s32 v8, $0x16  }
0xd5: {  	v11 =	vadd.s32 v2, v11;
	v7 =	vadd.s32 v2, v7;
	v10 =	vadd.s32 v2, v10;
	v13 =	vld [tilespmem:s13+$0xFFFFFFA0];
	p0 =	slt.u32 s12, $0x2F8  }
0xd6: {  	v9 =	vadd.s32 v2, v9;
	v6 =	vadd.s32 v2, v6;
	v15 =	vadd.s32 v2, v5;
	v14 =	vld [tilespmem:s13+$0xFFFFFFB0]  }
0xd7: {  	v16 =	vadd.s32 v2, v8;
	v5 =	vld [tilespmem:s13+$0xFFFFFFC0]  }
0xd8: {  	v8 =	vld [tilespmem:s13+$0xFFFFFFD0]  }
0xd9: {  	v17 =	vld [tilespmem:s13+$0xFFFFFFE0];
	v18 =	vshra.s32 v12, $0x1F  }
0xda: {  	v19 =	vshra.s32 v13, $0x1F;
	v20 =	vld [tilespmem:s13+$0xFFFFFFF0];
	v18 =	vand.u32 $0x7FC00000, v18  }
0xdb: {  	v21 =	vld [tilespmem:s13+$0xFFFFFF90];
	v19 =	vand.u32 $0x7FC00000, v19;
	v22 =	vshra.s32 v14, $0x1F;
	v12 =	vxor.u32 v12, v18  }
0xdc: {  	v18 =	vand.u32 $0x7FC00000, v22;
	v22 =	vshra.s32 v5, $0x1F;
	v12 =	vshra.s32 v12, $0x16;
	[tilespmem:v11+s17+$0x0] =	vst.idx.add.s32.msk $0xffff, v3  }
0xdd: {  	v11 =	vand.u32 $0x7FC00000, v22;
	v22 =	vshra.s32 v8, $0x1F;
	v12 =	vadd.s32 v2, v12;
	[tilespmem:v7+s17+$0x0] =	vst.idx.add.s32.msk $0xffff, v3  }
0xde: {  	v7 =	vxor.u32 v13, v19;
	v13 =	vand.u32 $0x7FC00000, v22;
	v19 =	vshra.s32 v17, $0x1F;
	[tilespmem:v10+s17+$0x0] =	vst.idx.add.s32.msk $0xffff, v3  }
.Ltmp6:
0xdf: {  	v10 =	vxor.u32 v14, v18;
	v14 =	vand.u32 $0x7FC00000, v19;
	v18 =	vshra.s32 v20, $0x1F;
	[tilespmem:v9+s17+$0x0] =	vst.idx.add.s32.msk $0xffff, v3;
	(pc) =	sbr.rel @p0 .LBB2_11-.Ltmp6, $4  }
0xe0: {  	v19 =	vxor.u32 v5, v11;
	v9 =	vshra.s32 v21, $0x1F;
	v11 =	vand.u32 $0x7FC00000, v18;
	[tilespmem:v6+s17+$0x0] =	vst.idx.add.s32.msk $0xffff, v3  }
0xe1: {  	v6 =	vxor.u32 v8, v13;
	v5 =	vxor.u32 v17, v14;
	v9 =	vand.u32 $0x7FC00000, v9;
	[tilespmem:v15+s17+$0x0] =	vst.idx.add.s32.msk $0xffff, v3  }
0xe2: {  	v7 =	vshra.s32 v7, $0x16;
	v8 =	vxor.u32 v20, v11;
	v9 =	vxor.u32 v21, v9;
	[tilespmem:v12+s17+$0x0] =	vst.idx.add.s32.msk $0xffff, v3  }
0xe3: {  	s13 =	sadd.s32 $0x80, s13;
	v10 =	vshra.s32 v10, $0x16;
	v11 =	vshra.s32 v9, $0x16;
	v9 =	vshra.s32 v19, $0x16;
	[tilespmem:v16+s17+$0x0] =	vst.idx.add.s32.msk $0xffff, v3  }
0xe4: {  	v11 =	vadd.s32 v2, v11  }
0xe5: {  	v7 =	vadd.s32 v2, v7  }
0xe6: {  	v10 =	vadd.s32 v2, v10  }
0xe7: {  	v6 =	vshra.s32 v6, $0x16;
	v9 =	vadd.s32 v2, v9  }
0xe8: {  	v5 =	vshra.s32 v5, $0x16;
	v6 =	vadd.s32 v2, v6  }
0xe9: {  	v8 =	vshra.s32 v8, $0x16;
	v5 =	vadd.s32 v2, v5;
	[tilespmem:v11+s17+$0x0] =	vst.idx.add.s32.msk $0xffff, v3  }
0xea: {  	v8 =	vadd.s32 v2, v8;
	[tilespmem:v7+s17+$0x0] =	vst.idx.add.s32.msk $0xffff, v3  }
0xeb: {  	[tilespmem:v10+s17+$0x0] =	vst.idx.add.s32.msk $0xffff, v3  }
0xec: {  	[tilespmem:v9+s17+$0x0] =	vst.idx.add.s32.msk $0xffff, v3  }
0xed: {  	[tilespmem:v6+s17+$0x0] =	vst.idx.add.s32.msk $0xffff, v3  }
0xee: {  	[tilespmem:v5+s17+$0x0] =	vst.idx.add.s32.msk $0xffff, v3  }
0xef: {  	[tilespmem:v8+s17+$0x0] =	vst.idx.add.s32.msk $0xffff, v3  }
0xf0: {  	_ =	swait.ge [sflag:s16], $0x1000  }
0xf1: {  	[sflag:s16] =	ssyncset.done $0x0  }
0xf2: {  	s12 =	simm.s32 $0x3070;
	[sflag:s16] =	ssyncadd.s32 $0xFFFFF000  }
0xf3: {  	v5 =	vld [tilespmem:s12+$0x0]  }
0xf4: {  	v6 =	vld [tilespmem:s12+$0xFFFFFFA0]  }
0xf5: {  	v7 =	vld [tilespmem:s12+$0xFFFFFFB0]  }
0xf6: {  	v8 =	vld [tilespmem:s12+$0xFFFFFFC0]  }
0xf7: {  	v9 =	vld [tilespmem:s12+$0xFFFFFFD0];
	_ =	sdelay $0x1  }
0xf8: {  	v10 =	vld [tilespmem:s12+$0xFFFFFFE0]  }
0xf9: {  	v13 =	vld [tilespmem:s12+$0xFFFFFFF0]  }
0xfa: {  	v14 =	vld [tilespmem:s12+$0xFFFFFF90];
	v11 =	vshra.s32 v5, $0x1F;
	v12 =	vshra.s32 v6, $0x1F;
	v15 =	vshra.s32 v7, $0x1F  }
0xfb: {  	v62 =	vshra.s32 v8, $0x1F;
	v16 =	vshra.s32 v9, $0x1F;
	v11 =	vand.u32 $0x7FC00000, v11  }
0xfc: {  	v12 =	vand.u32 $0x7FC00000, v12;
	v5 =	vxor.u32 v5, v11;
	v11 =	vand.u32 $0x7FC00000, v15  }
0xfd: {  	v15 =	vand.u32 $0x7FC00000, v62;
	v12 =	vxor.u32 v6, v12;
	v5 =	vshra.s32 v5, $0x16  }
0xfe: {  	v6 =	vshra.s32 v10, $0x1F;
	v63 =	vxor.u32 v7, v11;
	v17 =	vadd.s32 v2, v5  }
0xff: {  	v7 =	vand.u32 $0x7FC00000, v6;
	v6 =	vshra.s32 v13, $0x1F;
	v11 =	vshra.s32 v14, $0x1F  }
0x100: {  	v15 =	vxor.u32 v8, v15;
	v5 =	vand.u32 $0x7FC00000, v16;
	v8 =	vand.u32 $0x7FC00000, v6  }
0x101: {  	v11 =	vand.u32 $0x7FC00000, v11;
	v6 =	vxor.u32 v9, v5;
	v5 =	vxor.u32 v10, v7  }
0x102: {  	v9 =	vxor.u32 v14, v11;
	v7 =	vshra.s32 v12, $0x16;
	v8 =	vxor.u32 v13, v8  }
0x103: {  	s13 =	simm.s32 $0x30F0;
	s12 =	simm.s32 $0x300;
	v10 =	vshra.s32 v63, $0x16;
	v11 =	vshra.s32 v9, $0x16;
	v9 =	vshra.s32 v15, $0x16;
	[tilespmem:v17+s17+$0x0] =	vst.idx.add.s32.msk $0xffff, v3  }
.LBB2_13:
0x104: {  	v12 =	vld [tilespmem:s13+$0x0];
	s12 =	sadd.s32 $0x8, s12;
	v6 =	vshra.s32 v6, $0x16;
	v5 =	vshra.s32 v5, $0x16;
	v8 =	vshra.s32 v8, $0x16  }
0x105: {  	v11 =	vadd.s32 v2, v11;
	v7 =	vadd.s32 v2, v7;
	v10 =	vadd.s32 v2, v10;
	v13 =	vld [tilespmem:s13+$0xFFFFFFA0];
	p0 =	slt.u32 s12, $0x3F8  }
0x106: {  	v9 =	vadd.s32 v2, v9;
	v6 =	vadd.s32 v2, v6;
	v15 =	vadd.s32 v2, v5;
	v14 =	vld [tilespmem:s13+$0xFFFFFFB0]  }
0x107: {  	v16 =	vadd.s32 v2, v8;
	v5 =	vld [tilespmem:s13+$0xFFFFFFC0]  }
0x108: {  	v8 =	vld [tilespmem:s13+$0xFFFFFFD0]  }
0x109: {  	v17 =	vld [tilespmem:s13+$0xFFFFFFE0];
	v18 =	vshra.s32 v12, $0x1F  }
0x10a: {  	v19 =	vshra.s32 v13, $0x1F;
	v20 =	vld [tilespmem:s13+$0xFFFFFFF0];
	v18 =	vand.u32 $0x7FC00000, v18  }
0x10b: {  	v21 =	vld [tilespmem:s13+$0xFFFFFF90];
	v19 =	vand.u32 $0x7FC00000, v19;
	v22 =	vshra.s32 v14, $0x1F;
	v12 =	vxor.u32 v12, v18  }
0x10c: {  	v18 =	vand.u32 $0x7FC00000, v22;
	v22 =	vshra.s32 v5, $0x1F;
	v12 =	vshra.s32 v12, $0x16;
	[tilespmem:v11+s17+$0x0] =	vst.idx.add.s32.msk $0xffff, v3  }
0x10d: {  	v11 =	vand.u32 $0x7FC00000, v22;
	v22 =	vshra.s32 v8, $0x1F;
	v12 =	vadd.s32 v2, v12;
	[tilespmem:v7+s17+$0x0] =	vst.idx.add.s32.msk $0xffff, v3  }
0x10e: {  	v7 =	vxor.u32 v13, v19;
	v13 =	vand.u32 $0x7FC00000, v22;
	v19 =	vshra.s32 v17, $0x1F;
	[tilespmem:v10+s17+$0x0] =	vst.idx.add.s32.msk $0xffff, v3  }
.Ltmp7:
0x10f: {  	v10 =	vxor.u32 v14, v18;
	v14 =	vand.u32 $0x7FC00000, v19;
	v18 =	vshra.s32 v20, $0x1F;
	[tilespmem:v9+s17+$0x0] =	vst.idx.add.s32.msk $0xffff, v3;
	(pc) =	sbr.rel @p0 .LBB2_13-.Ltmp7, $4  }
0x110: {  	v19 =	vxor.u32 v5, v11;
	v9 =	vshra.s32 v21, $0x1F;
	v11 =	vand.u32 $0x7FC00000, v18;
	[tilespmem:v6+s17+$0x0] =	vst.idx.add.s32.msk $0xffff, v3  }
0x111: {  	v6 =	vxor.u32 v8, v13;
	v5 =	vxor.u32 v17, v14;
	v9 =	vand.u32 $0x7FC00000, v9;
	[tilespmem:v15+s17+$0x0] =	vst.idx.add.s32.msk $0xffff, v3  }
0x112: {  	v7 =	vshra.s32 v7, $0x16;
	v8 =	vxor.u32 v20, v11;
	v9 =	vxor.u32 v21, v9;
	[tilespmem:v12+s17+$0x0] =	vst.idx.add.s32.msk $0xffff, v3  }
0x113: {  	s13 =	sadd.s32 $0x80, s13;
	v10 =	vshra.s32 v10, $0x16;
	v11 =	vshra.s32 v9, $0x16;
	v9 =	vshra.s32 v19, $0x16;
	[tilespmem:v16+s17+$0x0] =	vst.idx.add.s32.msk $0xffff, v3  }
0x114: {  	v11 =	vadd.s32 v2, v11  }
0x115: {  	v7 =	vadd.s32 v2, v7  }
0x116: {  	v10 =	vadd.s32 v2, v10  }
0x117: {  	v6 =	vshra.s32 v6, $0x16;
	v9 =	vadd.s32 v2, v9  }
0x118: {  	v5 =	vshra.s32 v5, $0x16;
	v6 =	vadd.s32 v2, v6  }
0x119: {  	v8 =	vshra.s32 v8, $0x16;
	v5 =	vadd.s32 v2, v5;
	[tilespmem:v11+s17+$0x0] =	vst.idx.add.s32.msk $0xffff, v3  }
0x11a: {  	v8 =	vadd.s32 v2, v8;
	[tilespmem:v7+s17+$0x0] =	vst.idx.add.s32.msk $0xffff, v3  }
0x11b: {  	[tilespmem:v10+s17+$0x0] =	vst.idx.add.s32.msk $0xffff, v3  }
0x11c: {  	[tilespmem:v9+s17+$0x0] =	vst.idx.add.s32.msk $0xffff, v3  }
0x11d: {  	[tilespmem:v6+s17+$0x0] =	vst.idx.add.s32.msk $0xffff, v3  }
0x11e: {  	[tilespmem:v5+s17+$0x0] =	vst.idx.add.s32.msk $0xffff, v3  }
0x11f: {  	[tilespmem:v8+s17+$0x0] =	vst.idx.add.s32.msk $0xffff, v3  }
0x120: {  	_ =	swait.ge [sflag:s16], $0x1000  }
0x121: {  	[sflag:s16] =	ssyncset.done $0x0  }
0x122: {  	s12 =	simm.s32 $0x4070;
	[sflag:s16] =	ssyncadd.s32 $0xFFFFF000  }
0x123: {  	v5 =	vld [tilespmem:s12+$0x0]  }
0x124: {  	v6 =	vld [tilespmem:s12+$0xFFFFFFA0]  }
0x125: {  	v7 =	vld [tilespmem:s12+$0xFFFFFFB0]  }
0x126: {  	v8 =	vld [tilespmem:s12+$0xFFFFFFC0]  }
0x127: {  	v9 =	vld [tilespmem:s12+$0xFFFFFFD0];
	_ =	sdelay $0x1  }
0x128: {  	v10 =	vld [tilespmem:s12+$0xFFFFFFE0]  }
0x129: {  	v13 =	vld [tilespmem:s12+$0xFFFFFFF0]  }
0x12a: {  	v14 =	vld [tilespmem:s12+$0xFFFFFF90];
	v11 =	vshra.s32 v5, $0x1F;
	v12 =	vshra.s32 v6, $0x1F;
	v15 =	vshra.s32 v7, $0x1F  }
0x12b: {  	v62 =	vshra.s32 v8, $0x1F;
	v16 =	vshra.s32 v9, $0x1F;
	v11 =	vand.u32 $0x7FC00000, v11  }
0x12c: {  	v12 =	vand.u32 $0x7FC00000, v12;
	v5 =	vxor.u32 v5, v11;
	v11 =	vand.u32 $0x7FC00000, v15  }
0x12d: {  	v15 =	vand.u32 $0x7FC00000, v62;
	v12 =	vxor.u32 v6, v12;
	v5 =	vshra.s32 v5, $0x16  }
0x12e: {  	v6 =	vshra.s32 v10, $0x1F;
	v63 =	vxor.u32 v7, v11;
	v17 =	vadd.s32 v2, v5  }
0x12f: {  	v7 =	vand.u32 $0x7FC00000, v6;
	v6 =	vshra.s32 v13, $0x1F;
	v11 =	vshra.s32 v14, $0x1F  }
0x130: {  	v15 =	vxor.u32 v8, v15;
	v5 =	vand.u32 $0x7FC00000, v16;
	v8 =	vand.u32 $0x7FC00000, v6  }
0x131: {  	v11 =	vand.u32 $0x7FC00000, v11;
	v6 =	vxor.u32 v9, v5;
	v5 =	vxor.u32 v10, v7  }
0x132: {  	v9 =	vxor.u32 v14, v11;
	v7 =	vshra.s32 v12, $0x16;
	v8 =	vxor.u32 v13, v8  }
0x133: {  	s13 =	simm.s32 $0x40F0;
	s12 =	simm.s32 $0x400;
	v10 =	vshra.s32 v63, $0x16;
	v11 =	vshra.s32 v9, $0x16;
	v9 =	vshra.s32 v15, $0x16;
	[tilespmem:v17+s17+$0x0] =	vst.idx.add.s32.msk $0xffff, v3  }
.LBB2_15:
0x134: {  	v12 =	vld [tilespmem:s13+$0x0];
	s12 =	sadd.s32 $0x8, s12;
	v6 =	vshra.s32 v6, $0x16;
	v5 =	vshra.s32 v5, $0x16;
	v8 =	vshra.s32 v8, $0x16  }
0x135: {  	v11 =	vadd.s32 v2, v11;
	v7 =	vadd.s32 v2, v7;
	v10 =	vadd.s32 v2, v10;
	v13 =	vld [tilespmem:s13+$0xFFFFFFA0];
	p0 =	slt.u32 s12, $0x4F8  }
0x136: {  	v9 =	vadd.s32 v2, v9;
	v6 =	vadd.s32 v2, v6;
	v15 =	vadd.s32 v2, v5;
	v14 =	vld [tilespmem:s13+$0xFFFFFFB0]  }
0x137: {  	v16 =	vadd.s32 v2, v8;
	v5 =	vld [tilespmem:s13+$0xFFFFFFC0]  }
0x138: {  	v8 =	vld [tilespmem:s13+$0xFFFFFFD0]  }
0x139: {  	v17 =	vld [tilespmem:s13+$0xFFFFFFE0];
	v18 =	vshra.s32 v12, $0x1F  }
0x13a: {  	v19 =	vshra.s32 v13, $0x1F;
	v20 =	vld [tilespmem:s13+$0xFFFFFFF0];
	v18 =	vand.u32 $0x7FC00000, v18  }
0x13b: {  	v21 =	vld [tilespmem:s13+$0xFFFFFF90];
	v19 =	vand.u32 $0x7FC00000, v19;
	v22 =	vshra.s32 v14, $0x1F;
	v12 =	vxor.u32 v12, v18  }
0x13c: {  	v18 =	vand.u32 $0x7FC00000, v22;
	v22 =	vshra.s32 v5, $0x1F;
	v12 =	vshra.s32 v12, $0x16;
	[tilespmem:v11+s17+$0x0] =	vst.idx.add.s32.msk $0xffff, v3  }
0x13d: {  	v11 =	vand.u32 $0x7FC00000, v22;
	v22 =	vshra.s32 v8, $0x1F;
	v12 =	vadd.s32 v2, v12;
	[tilespmem:v7+s17+$0x0] =	vst.idx.add.s32.msk $0xffff, v3  }
0x13e: {  	v7 =	vxor.u32 v13, v19;
	v13 =	vand.u32 $0x7FC00000, v22;
	v19 =	vshra.s32 v17, $0x1F;
	[tilespmem:v10+s17+$0x0] =	vst.idx.add.s32.msk $0xffff, v3  }
.Ltmp8:
0x13f: {  	v10 =	vxor.u32 v14, v18;
	v14 =	vand.u32 $0x7FC00000, v19;
	v18 =	vshra.s32 v20, $0x1F;
	[tilespmem:v9+s17+$0x0] =	vst.idx.add.s32.msk $0xffff, v3;
	(pc) =	sbr.rel @p0 .LBB2_15-.Ltmp8, $4  }
0x140: {  	v19 =	vxor.u32 v5, v11;
	v9 =	vshra.s32 v21, $0x1F;
	v11 =	vand.u32 $0x7FC00000, v18;
	[tilespmem:v6+s17+$0x0] =	vst.idx.add.s32.msk $0xffff, v3  }
0x141: {  	v6 =	vxor.u32 v8, v13;
	v5 =	vxor.u32 v17, v14;
	v9 =	vand.u32 $0x7FC00000, v9;
	[tilespmem:v15+s17+$0x0] =	vst.idx.add.s32.msk $0xffff, v3  }
0x142: {  	v7 =	vshra.s32 v7, $0x16;
	v8 =	vxor.u32 v20, v11;
	v9 =	vxor.u32 v21, v9;
	[tilespmem:v12+s17+$0x0] =	vst.idx.add.s32.msk $0xffff, v3  }
0x143: {  	s13 =	sadd.s32 $0x80, s13;
	v10 =	vshra.s32 v10, $0x16;
	v11 =	vshra.s32 v9, $0x16;
	v9 =	vshra.s32 v19, $0x16;
	[tilespmem:v16+s17+$0x0] =	vst.idx.add.s32.msk $0xffff, v3  }
0x144: {  	v11 =	vadd.s32 v2, v11  }
0x145: {  	v7 =	vadd.s32 v2, v7  }
0x146: {  	v10 =	vadd.s32 v2, v10  }
0x147: {  	v6 =	vshra.s32 v6, $0x16;
	v9 =	vadd.s32 v2, v9  }
0x148: {  	v5 =	vshra.s32 v5, $0x16;
	v6 =	vadd.s32 v2, v6  }
0x149: {  	v8 =	vshra.s32 v8, $0x16;
	v5 =	vadd.s32 v2, v5;
	[tilespmem:v11+s17+$0x0] =	vst.idx.add.s32.msk $0xffff, v3  }
0x14a: {  	v8 =	vadd.s32 v2, v8;
	[tilespmem:v7+s17+$0x0] =	vst.idx.add.s32.msk $0xffff, v3  }
0x14b: {  	[tilespmem:v10+s17+$0x0] =	vst.idx.add.s32.msk $0xffff, v3  }
0x14c: {  	[tilespmem:v9+s17+$0x0] =	vst.idx.add.s32.msk $0xffff, v3  }
0x14d: {  	[tilespmem:v6+s17+$0x0] =	vst.idx.add.s32.msk $0xffff, v3  }
0x14e: {  	[tilespmem:v5+s17+$0x0] =	vst.idx.add.s32.msk $0xffff, v3  }
0x14f: {  	[tilespmem:v8+s17+$0x0] =	vst.idx.add.s32.msk $0xffff, v3  }
0x150: {  	_ =	swait.ge [sflag:s16], $0x1000  }
0x151: {  	[sflag:s16] =	ssyncset.done $0x0  }
0x152: {  	s12 =	simm.s32 $0x5070;
	[sflag:s16] =	ssyncadd.s32 $0xFFFFF000  }
0x153: {  	v5 =	vld [tilespmem:s12+$0x0]  }
0x154: {  	v6 =	vld [tilespmem:s12+$0xFFFFFFA0]  }
0x155: {  	v7 =	vld [tilespmem:s12+$0xFFFFFFB0]  }
0x156: {  	v8 =	vld [tilespmem:s12+$0xFFFFFFC0]  }
0x157: {  	v9 =	vld [tilespmem:s12+$0xFFFFFFD0];
	_ =	sdelay $0x1  }
0x158: {  	v10 =	vld [tilespmem:s12+$0xFFFFFFE0]  }
0x159: {  	v13 =	vld [tilespmem:s12+$0xFFFFFFF0]  }
0x15a: {  	v14 =	vld [tilespmem:s12+$0xFFFFFF90];
	v11 =	vshra.s32 v5, $0x1F;
	v12 =	vshra.s32 v6, $0x1F;
	v15 =	vshra.s32 v7, $0x1F  }
0x15b: {  	v62 =	vshra.s32 v8, $0x1F;
	v16 =	vshra.s32 v9, $0x1F;
	v11 =	vand.u32 $0x7FC00000, v11  }
0x15c: {  	v12 =	vand.u32 $0x7FC00000, v12;
	v5 =	vxor.u32 v5, v11;
	v11 =	vand.u32 $0x7FC00000, v15  }
0x15d: {  	v15 =	vand.u32 $0x7FC00000, v62;
	v12 =	vxor.u32 v6, v12;
	v5 =	vshra.s32 v5, $0x16  }
0x15e: {  	v6 =	vshra.s32 v10, $0x1F;
	v63 =	vxor.u32 v7, v11;
	v17 =	vadd.s32 v2, v5  }
0x15f: {  	v7 =	vand.u32 $0x7FC00000, v6;
	v6 =	vshra.s32 v13, $0x1F;
	v11 =	vshra.s32 v14, $0x1F  }
0x160: {  	v15 =	vxor.u32 v8, v15;
	v5 =	vand.u32 $0x7FC00000, v16;
	v8 =	vand.u32 $0x7FC00000, v6  }
0x161: {  	v11 =	vand.u32 $0x7FC00000, v11;
	v6 =	vxor.u32 v9, v5;
	v5 =	vxor.u32 v10, v7  }
0x162: {  	v9 =	vxor.u32 v14, v11;
	v7 =	vshra.s32 v12, $0x16;
	v8 =	vxor.u32 v13, v8  }
0x163: {  	s13 =	simm.s32 $0x50F0;
	s12 =	simm.s32 $0x500;
	v10 =	vshra.s32 v63, $0x16;
	v11 =	vshra.s32 v9, $0x16;
	v9 =	vshra.s32 v15, $0x16;
	[tilespmem:v17+s17+$0x0] =	vst.idx.add.s32.msk $0xffff, v3  }
.LBB2_17:
0x164: {  	v12 =	vld [tilespmem:s13+$0x0];
	s12 =	sadd.s32 $0x8, s12;
	v6 =	vshra.s32 v6, $0x16;
	v5 =	vshra.s32 v5, $0x16;
	v8 =	vshra.s32 v8, $0x16  }
0x165: {  	v11 =	vadd.s32 v2, v11;
	v7 =	vadd.s32 v2, v7;
	v10 =	vadd.s32 v2, v10;
	v13 =	vld [tilespmem:s13+$0xFFFFFFA0];
	p0 =	slt.u32 s12, $0x5F8  }
0x166: {  	v9 =	vadd.s32 v2, v9;
	v6 =	vadd.s32 v2, v6;
	v15 =	vadd.s32 v2, v5;
	v14 =	vld [tilespmem:s13+$0xFFFFFFB0]  }
0x167: {  	v16 =	vadd.s32 v2, v8;
	v5 =	vld [tilespmem:s13+$0xFFFFFFC0]  }
0x168: {  	v8 =	vld [tilespmem:s13+$0xFFFFFFD0]  }
0x169: {  	v17 =	vld [tilespmem:s13+$0xFFFFFFE0];
	v18 =	vshra.s32 v12, $0x1F  }
0x16a: {  	v19 =	vshra.s32 v13, $0x1F;
	v20 =	vld [tilespmem:s13+$0xFFFFFFF0];
	v18 =	vand.u32 $0x7FC00000, v18  }
0x16b: {  	v21 =	vld [tilespmem:s13+$0xFFFFFF90];
	v19 =	vand.u32 $0x7FC00000, v19;
	v22 =	vshra.s32 v14, $0x1F;
	v12 =	vxor.u32 v12, v18  }
0x16c: {  	v18 =	vand.u32 $0x7FC00000, v22;
	v22 =	vshra.s32 v5, $0x1F;
	v12 =	vshra.s32 v12, $0x16;
	[tilespmem:v11+s17+$0x0] =	vst.idx.add.s32.msk $0xffff, v3  }
0x16d: {  	v11 =	vand.u32 $0x7FC00000, v22;
	v22 =	vshra.s32 v8, $0x1F;
	v12 =	vadd.s32 v2, v12;
	[tilespmem:v7+s17+$0x0] =	vst.idx.add.s32.msk $0xffff, v3  }
0x16e: {  	v7 =	vxor.u32 v13, v19;
	v13 =	vand.u32 $0x7FC00000, v22;
	v19 =	vshra.s32 v17, $0x1F;
	[tilespmem:v10+s17+$0x0] =	vst.idx.add.s32.msk $0xffff, v3  }
.Ltmp9:
0x16f: {  	v10 =	vxor.u32 v14, v18;
	v14 =	vand.u32 $0x7FC00000, v19;
	v18 =	vshra.s32 v20, $0x1F;
	[tilespmem:v9+s17+$0x0] =	vst.idx.add.s32.msk $0xffff, v3;
	(pc) =	sbr.rel @p0 .LBB2_17-.Ltmp9, $4  }
0x170: {  	v19 =	vxor.u32 v5, v11;
	v9 =	vshra.s32 v21, $0x1F;
	v11 =	vand.u32 $0x7FC00000, v18;
	[tilespmem:v6+s17+$0x0] =	vst.idx.add.s32.msk $0xffff, v3  }
0x171: {  	v6 =	vxor.u32 v8, v13;
	v5 =	vxor.u32 v17, v14;
	v9 =	vand.u32 $0x7FC00000, v9;
	[tilespmem:v15+s17+$0x0] =	vst.idx.add.s32.msk $0xffff, v3  }
0x172: {  	v7 =	vshra.s32 v7, $0x16;
	v8 =	vxor.u32 v20, v11;
	v9 =	vxor.u32 v21, v9;
	[tilespmem:v12+s17+$0x0] =	vst.idx.add.s32.msk $0xffff, v3  }
0x173: {  	s13 =	sadd.s32 $0x80, s13;
	v10 =	vshra.s32 v10, $0x16;
	v11 =	vshra.s32 v9, $0x16;
	v9 =	vshra.s32 v19, $0x16;
	[tilespmem:v16+s17+$0x0] =	vst.idx.add.s32.msk $0xffff, v3  }
0x174: {  	v11 =	vadd.s32 v2, v11  }
0x175: {  	v7 =	vadd.s32 v2, v7  }
0x176: {  	v10 =	vadd.s32 v2, v10  }
0x177: {  	v6 =	vshra.s32 v6, $0x16;
	v9 =	vadd.s32 v2, v9  }
0x178: {  	v5 =	vshra.s32 v5, $0x16;
	v6 =	vadd.s32 v2, v6  }
0x179: {  	v8 =	vshra.s32 v8, $0x16;
	v5 =	vadd.s32 v2, v5;
	[tilespmem:v11+s17+$0x0] =	vst.idx.add.s32.msk $0xffff, v3  }
0x17a: {  	v8 =	vadd.s32 v2, v8;
	[tilespmem:v7+s17+$0x0] =	vst.idx.add.s32.msk $0xffff, v3  }
0x17b: {  	[tilespmem:v10+s17+$0x0] =	vst.idx.add.s32.msk $0xffff, v3  }
0x17c: {  	[tilespmem:v9+s17+$0x0] =	vst.idx.add.s32.msk $0xffff, v3  }
0x17d: {  	[tilespmem:v6+s17+$0x0] =	vst.idx.add.s32.msk $0xffff, v3  }
0x17e: {  	[tilespmem:v5+s17+$0x0] =	vst.idx.add.s32.msk $0xffff, v3  }
0x17f: {  	[tilespmem:v8+s17+$0x0] =	vst.idx.add.s32.msk $0xffff, v3  }
0x180: {  	_ =	swait.ge [sflag:s16], $0x1000  }
0x181: {  	[sflag:s16] =	ssyncset.done $0x0  }
0x182: {  	s12 =	simm.s32 $0x6070;
	[sflag:s16] =	ssyncadd.s32 $0xFFFFF000  }
0x183: {  	v5 =	vld [tilespmem:s12+$0x0]  }
0x184: {  	v6 =	vld [tilespmem:s12+$0xFFFFFFA0]  }
0x185: {  	v7 =	vld [tilespmem:s12+$0xFFFFFFB0]  }
0x186: {  	v8 =	vld [tilespmem:s12+$0xFFFFFFC0]  }
0x187: {  	v9 =	vld [tilespmem:s12+$0xFFFFFFD0];
	_ =	sdelay $0x1  }
0x188: {  	v10 =	vld [tilespmem:s12+$0xFFFFFFE0]  }
0x189: {  	v13 =	vld [tilespmem:s12+$0xFFFFFFF0]  }
0x18a: {  	v14 =	vld [tilespmem:s12+$0xFFFFFF90];
	v11 =	vshra.s32 v5, $0x1F;
	v12 =	vshra.s32 v6, $0x1F;
	v15 =	vshra.s32 v7, $0x1F  }
0x18b: {  	v62 =	vshra.s32 v8, $0x1F;
	v16 =	vshra.s32 v9, $0x1F;
	v11 =	vand.u32 $0x7FC00000, v11  }
0x18c: {  	v12 =	vand.u32 $0x7FC00000, v12;
	v5 =	vxor.u32 v5, v11;
	v11 =	vand.u32 $0x7FC00000, v15  }
0x18d: {  	v15 =	vand.u32 $0x7FC00000, v62;
	v12 =	vxor.u32 v6, v12;
	v5 =	vshra.s32 v5, $0x16  }
0x18e: {  	v6 =	vshra.s32 v10, $0x1F;
	v63 =	vxor.u32 v7, v11;
	v17 =	vadd.s32 v2, v5  }
0x18f: {  	v7 =	vand.u32 $0x7FC00000, v6;
	v6 =	vshra.s32 v13, $0x1F;
	v11 =	vshra.s32 v14, $0x1F  }
0x190: {  	v15 =	vxor.u32 v8, v15;
	v5 =	vand.u32 $0x7FC00000, v16;
	v8 =	vand.u32 $0x7FC00000, v6  }
0x191: {  	v11 =	vand.u32 $0x7FC00000, v11;
	v6 =	vxor.u32 v9, v5;
	v5 =	vxor.u32 v10, v7  }
0x192: {  	v9 =	vxor.u32 v14, v11;
	v7 =	vshra.s32 v12, $0x16;
	v8 =	vxor.u32 v13, v8  }
0x193: {  	s13 =	simm.s32 $0x60F0;
	s12 =	simm.s32 $0x600;
	v10 =	vshra.s32 v63, $0x16;
	v11 =	vshra.s32 v9, $0x16;
	v9 =	vshra.s32 v15, $0x16;
	[tilespmem:v17+s17+$0x0] =	vst.idx.add.s32.msk $0xffff, v3  }
.LBB2_19:
0x194: {  	v12 =	vld [tilespmem:s13+$0x0];
	s12 =	sadd.s32 $0x8, s12;
	v6 =	vshra.s32 v6, $0x16;
	v5 =	vshra.s32 v5, $0x16;
	v8 =	vshra.s32 v8, $0x16  }
0x195: {  	v11 =	vadd.s32 v2, v11;
	v7 =	vadd.s32 v2, v7;
	v10 =	vadd.s32 v2, v10;
	v13 =	vld [tilespmem:s13+$0xFFFFFFA0];
	p0 =	slt.u32 s12, $0x6F8  }
0x196: {  	v9 =	vadd.s32 v2, v9;
	v6 =	vadd.s32 v2, v6;
	v15 =	vadd.s32 v2, v5;
	v14 =	vld [tilespmem:s13+$0xFFFFFFB0]  }
0x197: {  	v16 =	vadd.s32 v2, v8;
	v5 =	vld [tilespmem:s13+$0xFFFFFFC0]  }
0x198: {  	v8 =	vld [tilespmem:s13+$0xFFFFFFD0]  }
0x199: {  	v17 =	vld [tilespmem:s13+$0xFFFFFFE0];
	v18 =	vshra.s32 v12, $0x1F  }
0x19a: {  	v19 =	vshra.s32 v13, $0x1F;
	v20 =	vld [tilespmem:s13+$0xFFFFFFF0];
	v18 =	vand.u32 $0x7FC00000, v18  }
0x19b: {  	v21 =	vld [tilespmem:s13+$0xFFFFFF90];
	v19 =	vand.u32 $0x7FC00000, v19;
	v22 =	vshra.s32 v14, $0x1F;
	v12 =	vxor.u32 v12, v18  }
0x19c: {  	v18 =	vand.u32 $0x7FC00000, v22;
	v22 =	vshra.s32 v5, $0x1F;
	v12 =	vshra.s32 v12, $0x16;
	[tilespmem:v11+s17+$0x0] =	vst.idx.add.s32.msk $0xffff, v3  }
0x19d: {  	v11 =	vand.u32 $0x7FC00000, v22;
	v22 =	vshra.s32 v8, $0x1F;
	v12 =	vadd.s32 v2, v12;
	[tilespmem:v7+s17+$0x0] =	vst.idx.add.s32.msk $0xffff, v3  }
0x19e: {  	v7 =	vxor.u32 v13, v19;
	v13 =	vand.u32 $0x7FC00000, v22;
	v19 =	vshra.s32 v17, $0x1F;
	[tilespmem:v10+s17+$0x0] =	vst.idx.add.s32.msk $0xffff, v3  }
.Ltmp10:
0x19f: {  	v10 =	vxor.u32 v14, v18;
	v14 =	vand.u32 $0x7FC00000, v19;
	v18 =	vshra.s32 v20, $0x1F;
	[tilespmem:v9+s17+$0x0] =	vst.idx.add.s32.msk $0xffff, v3;
	(pc) =	sbr.rel @p0 .LBB2_19-.Ltmp10, $4  }
0x1a0: {  	v19 =	vxor.u32 v5, v11;
	v9 =	vshra.s32 v21, $0x1F;
	v11 =	vand.u32 $0x7FC00000, v18;
	[tilespmem:v6+s17+$0x0] =	vst.idx.add.s32.msk $0xffff, v3  }
0x1a1: {  	v6 =	vxor.u32 v8, v13;
	v5 =	vxor.u32 v17, v14;
	v9 =	vand.u32 $0x7FC00000, v9;
	[tilespmem:v15+s17+$0x0] =	vst.idx.add.s32.msk $0xffff, v3  }
0x1a2: {  	v7 =	vshra.s32 v7, $0x16;
	v8 =	vxor.u32 v20, v11;
	v9 =	vxor.u32 v21, v9;
	[tilespmem:v12+s17+$0x0] =	vst.idx.add.s32.msk $0xffff, v3  }
0x1a3: {  	s13 =	sadd.s32 $0x80, s13;
	v10 =	vshra.s32 v10, $0x16;
	v11 =	vshra.s32 v9, $0x16;
	v9 =	vshra.s32 v19, $0x16;
	[tilespmem:v16+s17+$0x0] =	vst.idx.add.s32.msk $0xffff, v3  }
0x1a4: {  	v11 =	vadd.s32 v2, v11  }
0x1a5: {  	v7 =	vadd.s32 v2, v7  }
0x1a6: {  	v10 =	vadd.s32 v2, v10  }
0x1a7: {  	v6 =	vshra.s32 v6, $0x16;
	v9 =	vadd.s32 v2, v9  }
0x1a8: {  	v5 =	vshra.s32 v5, $0x16;
	v6 =	vadd.s32 v2, v6  }
0x1a9: {  	v8 =	vshra.s32 v8, $0x16;
	v5 =	vadd.s32 v2, v5;
	[tilespmem:v11+s17+$0x0] =	vst.idx.add.s32.msk $0xffff, v3  }
0x1aa: {  	v8 =	vadd.s32 v2, v8;
	[tilespmem:v7+s17+$0x0] =	vst.idx.add.s32.msk $0xffff, v3  }
0x1ab: {  	[tilespmem:v10+s17+$0x0] =	vst.idx.add.s32.msk $0xffff, v3  }
0x1ac: {  	[tilespmem:v9+s17+$0x0] =	vst.idx.add.s32.msk $0xffff, v3  }
0x1ad: {  	[tilespmem:v6+s17+$0x0] =	vst.idx.add.s32.msk $0xffff, v3  }
0x1ae: {  	[tilespmem:v5+s17+$0x0] =	vst.idx.add.s32.msk $0xffff, v3  }
0x1af: {  	[tilespmem:v8+s17+$0x0] =	vst.idx.add.s32.msk $0xffff, v3  }
0x1b0: {  	_ =	swait.ge [sflag:s16], $0x1000  }
0x1b1: {  	[sflag:s16] =	ssyncset.done $0x0  }
0x1b2: {  	s12 =	simm.s32 $0x7070;
	[sflag:s16] =	ssyncadd.s32 $0xFFFFF000  }
0x1b3: {  	v5 =	vld [tilespmem:s12+$0x0]  }
0x1b4: {  	v6 =	vld [tilespmem:s12+$0xFFFFFFA0]  }
0x1b5: {  	v7 =	vld [tilespmem:s12+$0xFFFFFFB0]  }
0x1b6: {  	v8 =	vld [tilespmem:s12+$0xFFFFFFC0]  }
0x1b7: {  	v9 =	vld [tilespmem:s12+$0xFFFFFFD0];
	_ =	sdelay $0x1  }
0x1b8: {  	v10 =	vld [tilespmem:s12+$0xFFFFFFE0]  }
0x1b9: {  	v13 =	vld [tilespmem:s12+$0xFFFFFFF0]  }
0x1ba: {  	v14 =	vld [tilespmem:s12+$0xFFFFFF90];
	v11 =	vshra.s32 v5, $0x1F;
	v12 =	vshra.s32 v6, $0x1F;
	v15 =	vshra.s32 v7, $0x1F  }
0x1bb: {  	v62 =	vshra.s32 v8, $0x1F;
	v16 =	vshra.s32 v9, $0x1F;
	v11 =	vand.u32 $0x7FC00000, v11  }
0x1bc: {  	v12 =	vand.u32 $0x7FC00000, v12;
	v5 =	vxor.u32 v5, v11;
	v11 =	vand.u32 $0x7FC00000, v15  }
0x1bd: {  	v15 =	vand.u32 $0x7FC00000, v62;
	v12 =	vxor.u32 v6, v12;
	v5 =	vshra.s32 v5, $0x16  }
0x1be: {  	v6 =	vshra.s32 v10, $0x1F;
	v63 =	vxor.u32 v7, v11;
	v17 =	vadd.s32 v2, v5  }
0x1bf: {  	v7 =	vand.u32 $0x7FC00000, v6;
	v6 =	vshra.s32 v13, $0x1F;
	v11 =	vshra.s32 v14, $0x1F  }
0x1c0: {  	v15 =	vxor.u32 v8, v15;
	v5 =	vand.u32 $0x7FC00000, v16;
	v8 =	vand.u32 $0x7FC00000, v6  }
0x1c1: {  	v11 =	vand.u32 $0x7FC00000, v11;
	v6 =	vxor.u32 v9, v5;
	v5 =	vxor.u32 v10, v7  }
0x1c2: {  	v9 =	vxor.u32 v14, v11;
	v7 =	vshra.s32 v12, $0x16;
	v8 =	vxor.u32 v13, v8  }
0x1c3: {  	s13 =	simm.s32 $0x700;
	s14 =	simm.s32 $0x70F0;
	v10 =	vshra.s32 v63, $0x16;
	v11 =	vshra.s32 v9, $0x16;
	v9 =	vshra.s32 v15, $0x16;
	[tilespmem:v17+s17+$0x0] =	vst.idx.add.s32.msk $0xffff, v3  }
.LBB2_21:
0x1c4: {  	v12 =	vld [tilespmem:s14+$0x0];
	s13 =	sadd.s32 $0x8, s13;
	v6 =	vshra.s32 v6, $0x16;
	v5 =	vshra.s32 v5, $0x16;
	v8 =	vshra.s32 v8, $0x16  }
0x1c5: {  	v11 =	vadd.s32 v2, v11;
	v7 =	vadd.s32 v2, v7;
	v10 =	vadd.s32 v2, v10;
	v13 =	vld [tilespmem:s14+$0xFFFFFFA0];
	p0 =	slt.u32 s13, $0x7F8  }
0x1c6: {  	v9 =	vadd.s32 v2, v9;
	v6 =	vadd.s32 v2, v6;
	v15 =	vadd.s32 v2, v5;
	v14 =	vld [tilespmem:s14+$0xFFFFFFB0]  }
0x1c7: {  	v16 =	vadd.s32 v2, v8;
	v5 =	vld [tilespmem:s14+$0xFFFFFFC0]  }
0x1c8: {  	v8 =	vld [tilespmem:s14+$0xFFFFFFD0]  }
0x1c9: {  	v17 =	vld [tilespmem:s14+$0xFFFFFFE0];
	v18 =	vshra.s32 v12, $0x1F  }
0x1ca: {  	v19 =	vshra.s32 v13, $0x1F;
	v20 =	vld [tilespmem:s14+$0xFFFFFFF0];
	v18 =	vand.u32 $0x7FC00000, v18  }
0x1cb: {  	v21 =	vld [tilespmem:s14+$0xFFFFFF90];
	v19 =	vand.u32 $0x7FC00000, v19;
	v22 =	vshra.s32 v14, $0x1F;
	v12 =	vxor.u32 v12, v18  }
0x1cc: {  	v18 =	vand.u32 $0x7FC00000, v22;
	v22 =	vshra.s32 v5, $0x1F;
	v12 =	vshra.s32 v12, $0x16;
	[tilespmem:v11+s17+$0x0] =	vst.idx.add.s32.msk $0xffff, v3  }
0x1cd: {  	v11 =	vand.u32 $0x7FC00000, v22;
	v22 =	vshra.s32 v8, $0x1F;
	v12 =	vadd.s32 v2, v12;
	[tilespmem:v7+s17+$0x0] =	vst.idx.add.s32.msk $0xffff, v3  }
0x1ce: {  	v7 =	vxor.u32 v13, v19;
	v13 =	vand.u32 $0x7FC00000, v22;
	v19 =	vshra.s32 v17, $0x1F;
	[tilespmem:v10+s17+$0x0] =	vst.idx.add.s32.msk $0xffff, v3  }
.Ltmp11:
0x1cf: {  	v10 =	vxor.u32 v14, v18;
	v14 =	vand.u32 $0x7FC00000, v19;
	v18 =	vshra.s32 v20, $0x1F;
	[tilespmem:v9+s17+$0x0] =	vst.idx.add.s32.msk $0xffff, v3;
	(pc) =	sbr.rel @p0 .LBB2_21-.Ltmp11, $4  }
0x1d0: {  	v19 =	vxor.u32 v5, v11;
	v9 =	vshra.s32 v21, $0x1F;
	v11 =	vand.u32 $0x7FC00000, v18;
	[tilespmem:v6+s17+$0x0] =	vst.idx.add.s32.msk $0xffff, v3  }
0x1d1: {  	v6 =	vxor.u32 v8, v13;
	v5 =	vxor.u32 v17, v14;
	v9 =	vand.u32 $0x7FC00000, v9;
	[tilespmem:v15+s17+$0x0] =	vst.idx.add.s32.msk $0xffff, v3  }
0x1d2: {  	s12 =	simm.s32 $0x0;
	v7 =	vshra.s32 v7, $0x16;
	v8 =	vxor.u32 v20, v11;
	v9 =	vxor.u32 v21, v9;
	[tilespmem:v12+s17+$0x0] =	vst.idx.add.s32.msk $0xffff, v3  }
0x1d3: {  	s14 =	sadd.s32 $0x80, s14;
	v10 =	vshra.s32 v10, $0x16;
	v11 =	vshra.s32 v9, $0x16;
	v9 =	vshra.s32 v19, $0x16;
	[tilespmem:v16+s17+$0x0] =	vst.idx.add.s32.msk $0xffff, v3  }
0x1d4: {  	v11 =	vadd.s32 v2, v11  }
0x1d5: {  	v7 =	vadd.s32 v2, v7  }
0x1d6: {  	v10 =	vadd.s32 v2, v10  }
0x1d7: {  	v6 =	vshra.s32 v6, $0x16;
	v9 =	vadd.s32 v2, v9  }
0x1d8: {  	v5 =	vshra.s32 v5, $0x16;
	v6 =	vadd.s32 v2, v6  }
0x1d9: {  	v8 =	vshra.s32 v8, $0x16;
	v5 =	vadd.s32 v2, v5;
	[tilespmem:v11+s17+$0x0] =	vst.idx.add.s32.msk $0xffff, v3  }
0x1da: {  	v8 =	vadd.s32 v2, v8;
	[tilespmem:v7+s17+$0x0] =	vst.idx.add.s32.msk $0xffff, v3  }
0x1db: {  	[tilespmem:v10+s17+$0x0] =	vst.idx.add.s32.msk $0xffff, v3  }
0x1dc: {  	[tilespmem:v9+s17+$0x0] =	vst.idx.add.s32.msk $0xffff, v3  }
0x1dd: {  	[tilespmem:v6+s17+$0x0] =	vst.idx.add.s32.msk $0xffff, v3  }
0x1de: {  	[tilespmem:v5+s17+$0x0] =	vst.idx.add.s32.msk $0xffff, v3  }
0x1df: {  	s13 =	simm.s32 $0x0;
	[tilespmem:v8+s17+$0x0] =	vst.idx.add.s32.msk $0xffff, v3  }
.LBB2_23:
0x1e0: {  	s14 =	sshll.u32 s13, $0x4  }
0x1e1: {  	v6 =	vld [tilespmem:s14+$0x10000]  }
0x1e2: {  	v7 =	vld [tilespmem:s14+$0x10400]  }
0x1e3: {  	v8 =	vld [tilespmem:s14+$0x10800]  }
0x1e4: {  	v9 =	vld [tilespmem:s14+$0x10C00]  }
0x1e5: {  	v10 =	vld [tilespmem:s14+$0x11000]  }
0x1e6: {  	v11 =	vld [tilespmem:s14+$0x11400]  }
0x1e7: {  	v24 =	vld [tilespmem:s14+$0x11C00]  }
0x1e8: {  	v25 =	vld [tilespmem:s14+$0x12000]  }
0x1e9: {  	v26 =	vld [tilespmem:s14+$0x12400]  }
0x1ea: {  	v27 =	vld [tilespmem:s14+$0x12800]  }
0x1eb: {  	v5 =	vimm.s32 $0x0;
	v28 =	vld [tilespmem:s14+$0x13000]  }
0x1ec: {  	[tilespmem:s14+$0x10000] =	vst v5;
	v29 =	vld [tilespmem:s14+$0x13400]  }
0x1ed: {  	[tilespmem:s14+$0x10400] =	vst v5;
	v6 =	vadd.s32 v6, v7;
	v7 =	vld [tilespmem:s14+$0x11800]  }
0x1ee: {  	[tilespmem:s14+$0x10800] =	vst v5;
	v30 =	vld [tilespmem:s14+$0x13800];
	v6 =	vadd.s32 v8, v6  }
0x1ef: {  	[tilespmem:s14+$0x10C00] =	vst v5;
	v31 =	vld [tilespmem:s14+$0x13C00];
	v6 =	vadd.s32 v9, v6  }
0x1f0: {  	[tilespmem:s14+$0x11000] =	vst v5;
	v32 =	vld [tilespmem:s14+$0x10410];
	v6 =	vadd.s32 v10, v6  }
0x1f1: {  	[tilespmem:s14+$0x11400] =	vst v5;
	v33 =	vld [tilespmem:s14+$0x10810];
	v6 =	vadd.s32 v11, v6  }
0x1f2: {  	[tilespmem:s14+$0x11C00] =	vst v5;
	v6 =	vadd.s32 v7, v6;
	v7 =	vld [tilespmem:s14+$0x12C00]  }
0x1f3: {  	[tilespmem:s14+$0x12000] =	vst v5;
	v34 =	vld [tilespmem:s14+$0x10C10];
	v6 =	vadd.s32 v24, v6  }
0x1f4: {  	[tilespmem:s14+$0x12400] =	vst v5;
	v35 =	vld [tilespmem:s14+$0x11410];
	v6 =	vadd.s32 v25, v6  }
0x1f5: {  	[tilespmem:s14+$0x12800] =	vst v5;
	v36 =	vld [tilespmem:s14+$0x11810];
	v6 =	vadd.s32 v26, v6  }
0x1f6: {  	[tilespmem:s14+$0x13000] =	vst v5;
	v37 =	vld [tilespmem:s14+$0x11C10];
	v6 =	vadd.s32 v27, v6  }
0x1f7: {  	[tilespmem:s14+$0x13400] =	vst v5;
	v38 =	vld [tilespmem:s14+$0x12010];
	v6 =	vadd.s32 v7, v6  }
0x1f8: {  	[tilespmem:s14+$0x13800] =	vst v5;
	v39 =	vld [tilespmem:s14+$0x12810];
	v6 =	vadd.s32 v28, v6  }
0x1f9: {  	[tilespmem:s14+$0x13C00] =	vst v5;
	v7 =	vld [tilespmem:s14+$0x10010];
	v6 =	vadd.s32 v29, v6  }
0x1fa: {  	[tilespmem:s14+$0x10410] =	vst v5;
	v40 =	vld [tilespmem:s14+$0x12C10];
	v6 =	vadd.s32 v30, v6  }
0x1fb: {  	[tilespmem:s14+$0x10810] =	vst v5;
	v41 =	vld [tilespmem:s14+$0x13010];
	v6 =	vadd.s32 v31, v6  }
0x1fc: {  	[tilespmem:s14+$0x15000] =	vst v6;
	v6 =	vld [tilespmem:s14+$0x11010]  }
0x1fd: {  	[tilespmem:s14+$0x10C10] =	vst v5;
	v42 =	vld [tilespmem:s14+$0x13410]  }
0x1fe: {  	[tilespmem:s14+$0x11410] =	vst v5;
	v43 =	vld [tilespmem:s14+$0x13C10];
	v7 =	vadd.s32 v7, v32  }
0x1ff: {  	[tilespmem:s14+$0x11810] =	vst v5;
	v44 =	vld [tilespmem:s14+$0x10020];
	v7 =	vadd.s32 v33, v7  }
0x200: {  	[tilespmem:s14+$0x11C10] =	vst v5;
	v45 =	vld [tilespmem:s14+$0x10420];
	v7 =	vadd.s32 v34, v7  }
0x201: {  	[tilespmem:s14+$0x12010] =	vst v5;
	v6 =	vadd.s32 v6, v7;
	v7 =	vld [tilespmem:s14+$0x12410]  }
0x202: {  	[tilespmem:s14+$0x12810] =	vst v5;
	v46 =	vld [tilespmem:s14+$0x10C20];
	v6 =	vadd.s32 v35, v6  }
0x203: {  	[tilespmem:s14+$0x12C10] =	vst v5;
	v47 =	vld [tilespmem:s14+$0x11420];
	v6 =	vadd.s32 v36, v6  }
0x204: {  	[tilespmem:s14+$0x13010] =	vst v5;
	v48 =	vld [tilespmem:s14+$0x11820];
	v6 =	vadd.s32 v37, v6  }
0x205: {  	[tilespmem:s14+$0x13410] =	vst v5;
	v49 =	vld [tilespmem:s14+$0x11C20];
	v6 =	vadd.s32 v38, v6  }
0x206: {  	[tilespmem:s14+$0x13C10] =	vst v5;
	v6 =	vadd.s32 v7, v6;
	v7 =	vld [tilespmem:s14+$0x13810]  }
0x207: {  	[tilespmem:s14+$0x10020] =	vst v5;
	v50 =	vld [tilespmem:s14+$0x12020];
	v6 =	vadd.s32 v39, v6  }
0x208: {  	[tilespmem:s14+$0x10420] =	vst v5;
	v51 =	vld [tilespmem:s14+$0x12820];
	v6 =	vadd.s32 v40, v6  }
0x209: {  	[tilespmem:s14+$0x10C20] =	vst v5;
	v52 =	vld [tilespmem:s14+$0x12C20];
	v6 =	vadd.s32 v41, v6  }
0x20a: {  	[tilespmem:s14+$0x11420] =	vst v5;
	v53 =	vld [tilespmem:s14+$0x13020];
	v6 =	vadd.s32 v42, v6  }
0x20b: {  	[tilespmem:s14+$0x11820] =	vst v5;
	v6 =	vadd.s32 v7, v6;
	v7 =	vld [tilespmem:s14+$0x10820]  }
0x20c: {  	[tilespmem:s14+$0x11C20] =	vst v5;
	v54 =	vld [tilespmem:s14+$0x13420];
	v6 =	vadd.s32 v43, v6  }
0x20d: {  	[tilespmem:s14+$0x15010] =	vst v6;
	v6 =	vld [tilespmem:s14+$0x11020]  }
0x20e: {  	[tilespmem:s14+$0x12020] =	vst v5;
	v55 =	vld [tilespmem:s14+$0x13C20]  }
0x20f: {  	[tilespmem:s14+$0x12820] =	vst v5;
	v56 =	vld [tilespmem:s14+$0x10030];
	v8 =	vadd.s32 v44, v45  }
0x210: {  	[tilespmem:s14+$0x12C20] =	vst v5;
	v57 =	vld [tilespmem:s14+$0x10430];
	v7 =	vadd.s32 v7, v8  }
0x211: {  	[tilespmem:s14+$0x13020] =	vst v5;
	v58 =	vld [tilespmem:s14+$0x10C30];
	v7 =	vadd.s32 v46, v7  }
0x212: {  	[tilespmem:s14+$0x13420] =	vst v5;
	v6 =	vadd.s32 v6, v7;
	v7 =	vld [tilespmem:s14+$0x12420]  }
0x213: {  	[tilespmem:s14+$0x13C20] =	vst v5;
	v59 =	vld [tilespmem:s14+$0x11430];
	v6 =	vadd.s32 v47, v6  }
0x214: {  	[tilespmem:s14+$0x10030] =	vst v5;
	v60 =	vld [tilespmem:s14+$0x11830];
	v6 =	vadd.s32 v48, v6  }
0x215: {  	[tilespmem:s14+$0x10430] =	vst v5;
	v61 =	vld [tilespmem:s14+$0x11C30];
	v6 =	vadd.s32 v49, v6  }
0x216: {  	[tilespmem:s14+$0x10C30] =	vst v5;
	v62 =	vld [tilespmem:s14+$0x12030];
	v6 =	vadd.s32 v50, v6  }
0x217: {  	[tilespmem:s14+$0x11430] =	vst v5;
	v6 =	vadd.s32 v7, v6;
	v7 =	vld [tilespmem:s14+$0x13820]  }
0x218: {  	v63 =	vld [tilespmem:s14+$0x12830];
	[tilespmem:s14+$0x11830] =	vst v5;
	v6 =	vadd.s32 v51, v6  }
0x219: {  	v12 =	vld [tilespmem:s14+$0x12C30];
	[tilespmem:s14+$0x11C30] =	vst v5;
	v6 =	vadd.s32 v52, v6  }
0x21a: {  	v13 =	vld [tilespmem:s14+$0x13030];
	[tilespmem:s14+$0x12030] =	vst v5;
	v6 =	vadd.s32 v53, v6  }
0x21b: {  	v14 =	vld [tilespmem:s14+$0x13430];
	[tilespmem:s14+$0x12830] =	vst v5;
	v6 =	vadd.s32 v54, v6  }
0x21c: {  	[tilespmem:s14+$0x12C30] =	vst v5;
	v6 =	vadd.s32 v7, v6;
	v7 =	vld [tilespmem:s14+$0x10830]  }
0x21d: {  	v15 =	vld [tilespmem:s14+$0x13C30];
	[tilespmem:s14+$0x13030] =	vst v5;
	v6 =	vadd.s32 v55, v6  }
0x21e: {  	[tilespmem:s14+$0x15020] =	vst v6;
	v6 =	vld [tilespmem:s14+$0x11030]  }
0x21f: {  	v16 =	vld [tilespmem:s14+$0x10040];
	[tilespmem:s14+$0x13430] =	vst v5  }
0x220: {  	v17 =	vld [tilespmem:s14+$0x10440];
	[tilespmem:s14+$0x13C30] =	vst v5;
	v8 =	vadd.s32 v56, v57  }
0x221: {  	v18 =	vld [tilespmem:s14+$0x10C40];
	[tilespmem:s14+$0x10040] =	vst v5;
	v7 =	vadd.s32 v7, v8  }
0x222: {  	v19 =	vld [tilespmem:s14+$0x11440];
	[tilespmem:s14+$0x10440] =	vst v5;
	v7 =	vadd.s32 v58, v7  }
0x223: {  	[tilespmem:s14+$0x10C40] =	vst v5;
	v6 =	vadd.s32 v6, v7;
	v7 =	vld [tilespmem:s14+$0x12430]  }
0x224: {  	v20 =	vld [tilespmem:s14+$0x11840];
	[tilespmem:s14+$0x11440] =	vst v5;
	v6 =	vadd.s32 v59, v6  }
0x225: {  	v21 =	vld [tilespmem:s14+$0x11C40];
	[tilespmem:s14+$0x11840] =	vst v5;
	v6 =	vadd.s32 v60, v6  }
0x226: {  	v22 =	vld [tilespmem:s14+$0x12040];
	[tilespmem:s14+$0x11C40] =	vst v5;
	v6 =	vadd.s32 v61, v6  }
0x227: {  	v23 =	vld [tilespmem:s14+$0x12840];
	[tilespmem:s14+$0x12040] =	vst v5;
	v6 =	vadd.s32 v62, v6  }
0x228: {  	[tilespmem:s14+$0x12840] =	vst v5;
	v6 =	vadd.s32 v7, v6;
	v7 =	vld [tilespmem:s14+$0x13830]  }
0x229: {  	[tilespmem:s14+$0x11800] =	vst v5;
	v6 =	vadd.s32 v63, v6  }
0x22a: {  	v44 =	vld [tilespmem:s14+$0x11860];
	[tilespmem:s14+$0x11860] =	vst v5;
	v6 =	vadd.s32 v12, v6  }
0x22b: {  	v45 =	vld [tilespmem:s14+$0x11C60];
	[tilespmem:s14+$0x11C60] =	vst v5;
	v6 =	vadd.s32 v13, v6  }
0x22c: {  	[tilespmem:s14+$0x12C00] =	vst v5;
	v24 =	vld [tilespmem:s14+$0x12C40];
	v6 =	vadd.s32 v14, v6  }
0x22d: {  	[tilespmem:s14+$0x12C40] =	vst v5;
	v6 =	vadd.s32 v7, v6;
	v7 =	vld [tilespmem:s14+$0x10840]  }
0x22e: {  	v25 =	vld [tilespmem:s14+$0x13040];
	[tilespmem:s14+$0x13040] =	vst v5;
	v6 =	vadd.s32 v15, v6  }
0x22f: {  	[tilespmem:s14+$0x15030] =	vst v6;
	v6 =	vld [tilespmem:s14+$0x11040]  }
0x230: {  	v26 =	vld [tilespmem:s14+$0x13440];
	[tilespmem:s14+$0x13440] =	vst v5  }
0x231: {  	v27 =	vld [tilespmem:s14+$0x13C40];
	[tilespmem:s14+$0x13C40] =	vst v5;
	v8 =	vadd.s32 v16, v17  }
0x232: {  	[tilespmem:s14+$0x10010] =	vst v5;
	v28 =	vld [tilespmem:s14+$0x10050];
	v7 =	vadd.s32 v7, v8  }
0x233: {  	[tilespmem:s14+$0x10050] =	vst v5;
	v29 =	vld [tilespmem:s14+$0x10450];
	v7 =	vadd.s32 v18, v7  }
0x234: {  	[tilespmem:s14+$0x10450] =	vst v5;
	v6 =	vadd.s32 v6, v7;
	v7 =	vld [tilespmem:s14+$0x12440]  }
0x235: {  	v30 =	vld [tilespmem:s14+$0x10C50];
	[tilespmem:s14+$0x10C50] =	vst v5;
	v6 =	vadd.s32 v19, v6  }
0x236: {  	v31 =	vld [tilespmem:s14+$0x11450];
	[tilespmem:s14+$0x11450] =	vst v5;
	v6 =	vadd.s32 v20, v6  }
0x237: {  	[tilespmem:s14+$0x11010] =	vst v5;
	v32 =	vld [tilespmem:s14+$0x11850];
	v6 =	vadd.s32 v21, v6  }
0x238: {  	[tilespmem:s14+$0x11850] =	vst v5;
	v33 =	vld [tilespmem:s14+$0x11C50];
	v6 =	vadd.s32 v22, v6  }
0x239: {  	[tilespmem:s14+$0x11C50] =	vst v5;
	v6 =	vadd.s32 v7, v6;
	v7 =	vld [tilespmem:s14+$0x13840]  }
0x23a: {  	v34 =	vld [tilespmem:s14+$0x12050];
	[tilespmem:s14+$0x12050] =	vst v5;
	v6 =	vadd.s32 v23, v6  }
0x23b: {  	[tilespmem:s14+$0x12410] =	vst v5;
	v35 =	vld [tilespmem:s14+$0x12850];
	v6 =	vadd.s32 v24, v6  }
0x23c: {  	[tilespmem:s14+$0x12850] =	vst v5;
	v36 =	vld [tilespmem:s14+$0x12C50];
	v6 =	vadd.s32 v25, v6  }
0x23d: {  	[tilespmem:s14+$0x12C50] =	vst v5;
	v37 =	vld [tilespmem:s14+$0x13050];
	v6 =	vadd.s32 v26, v6  }
0x23e: {  	[tilespmem:s14+$0x13050] =	vst v5;
	v6 =	vadd.s32 v7, v6;
	v7 =	vld [tilespmem:s14+$0x10850]  }
0x23f: {  	v38 =	vld [tilespmem:s14+$0x13450];
	[tilespmem:s14+$0x13450] =	vst v5;
	v6 =	vadd.s32 v27, v6  }
0x240: {  	[tilespmem:s14+$0x15040] =	vst v6;
	v6 =	vld [tilespmem:s14+$0x11050]  }
0x241: {  	[tilespmem:s14+$0x13810] =	vst v5;
	v39 =	vld [tilespmem:s14+$0x13C50]  }
0x242: {  	[tilespmem:s14+$0x13C50] =	vst v5;
	v40 =	vld [tilespmem:s14+$0x10060];
	v8 =	vadd.s32 v28, v29  }
0x243: {  	[tilespmem:s14+$0x10060] =	vst v5;
	v41 =	vld [tilespmem:s14+$0x10460];
	v7 =	vadd.s32 v7, v8  }
0x244: {  	[tilespmem:s14+$0x10460] =	vst v5;
	v42 =	vld [tilespmem:s14+$0x10C60];
	v7 =	vadd.s32 v30, v7  }
0x245: {  	[tilespmem:s14+$0x10C60] =	vst v5;
	v6 =	vadd.s32 v6, v7;
	v7 =	vld [tilespmem:s14+$0x12450]  }
0x246: {  	[tilespmem:s14+$0x10820] =	vst v5;
	v6 =	vadd.s32 v31, v6  }
0x247: {  	v43 =	vld [tilespmem:s14+$0x11460];
	[tilespmem:s14+$0x11460] =	vst v5;
	v6 =	vadd.s32 v32, v6  }
0x248: {  	[tilespmem:s14+$0x11020] =	vst v5;
	v56 =	vld [tilespmem:s14+$0x11870];
	v6 =	vadd.s32 v33, v6  }
0x249: {  	v57 =	vld [tilespmem:s14+$0x11C70];
	[tilespmem:s14+$0x11870] =	vst v5;
	v6 =	vadd.s32 v34, v6  }
0x24a: {  	[tilespmem:s14+$0x11C70] =	vst v5;
	v6 =	vadd.s32 v7, v6;
	v7 =	vld [tilespmem:s14+$0x13850]  }
0x24b: {  	v46 =	vld [tilespmem:s14+$0x12060];
	[tilespmem:s14+$0x12060] =	vst v5;
	v6 =	vadd.s32 v35, v6  }
0x24c: {  	[tilespmem:s14+$0x12420] =	vst v5;
	v47 =	vld [tilespmem:s14+$0x12860];
	v6 =	vadd.s32 v36, v6  }
0x24d: {  	[tilespmem:s14+$0x12860] =	vst v5;
	v48 =	vld [tilespmem:s14+$0x12C60];
	v6 =	vadd.s32 v37, v6  }
0x24e: {  	[tilespmem:s14+$0x12C60] =	vst v5;
	v49 =	vld [tilespmem:s14+$0x13060];
	v6 =	vadd.s32 v38, v6  }
0x24f: {  	[tilespmem:s14+$0x13060] =	vst v5;
	v6 =	vadd.s32 v7, v6;
	v7 =	vld [tilespmem:s14+$0x10860]  }
0x250: {  	v50 =	vld [tilespmem:s14+$0x13460];
	[tilespmem:s14+$0x13460] =	vst v5;
	v6 =	vadd.s32 v39, v6  }
0x251: {  	[tilespmem:s14+$0x15050] =	vst v6;
	v6 =	vld [tilespmem:s14+$0x11060]  }
0x252: {  	[tilespmem:s14+$0x13820] =	vst v5;
	v51 =	vld [tilespmem:s14+$0x13C60]  }
0x253: {  	[tilespmem:s14+$0x13C60] =	vst v5;
	v52 =	vld [tilespmem:s14+$0x10070];
	v8 =	vadd.s32 v40, v41  }
0x254: {  	[tilespmem:s14+$0x10070] =	vst v5;
	v53 =	vld [tilespmem:s14+$0x10470];
	v7 =	vadd.s32 v7, v8  }
0x255: {  	[tilespmem:s14+$0x10470] =	vst v5;
	v54 =	vld [tilespmem:s14+$0x10C70];
	v7 =	vadd.s32 v42, v7  }
0x256: {  	[tilespmem:s14+$0x10C70] =	vst v5;
	v6 =	vadd.s32 v6, v7;
	v7 =	vld [tilespmem:s14+$0x12460]  }
0x257: {  	[tilespmem:s14+$0x10830] =	vst v5;
	v6 =	vadd.s32 v43, v6  }
0x258: {  	v55 =	vld [tilespmem:s14+$0x11470];
	[tilespmem:s14+$0x11470] =	vst v5;
	v6 =	vadd.s32 v44, v6  }
0x259: {  	[tilespmem:s14+$0x11030] =	vst v5;
	v6 =	vadd.s32 v45, v6  }
0x25a: {  	v58 =	vld [tilespmem:s14+$0x12070];
	[tilespmem:s14+$0x12070] =	vst v5;
	v6 =	vadd.s32 v46, v6  }
0x25b: {  	[tilespmem:s14+$0x12430] =	vst v5;
	v6 =	vadd.s32 v7, v6;
	v7 =	vld [tilespmem:s14+$0x13860]  }
0x25c: {  	v59 =	vld [tilespmem:s14+$0x12870];
	[tilespmem:s14+$0x12870] =	vst v5;
	v6 =	vadd.s32 v47, v6  }
0x25d: {  	v60 =	vld [tilespmem:s14+$0x12C70];
	[tilespmem:s14+$0x12C70] =	vst v5;
	v6 =	vadd.s32 v48, v6  }
0x25e: {  	v61 =	vld [tilespmem:s14+$0x13070];
	[tilespmem:s14+$0x13070] =	vst v5;
	v6 =	vadd.s32 v49, v6  }
0x25f: {  	v62 =	vld [tilespmem:s14+$0x13470];
	[tilespmem:s14+$0x13470] =	vst v5;
	v6 =	vadd.s32 v50, v6  }
0x260: {  	[tilespmem:s14+$0x13830] =	vst v5;
	v6 =	vadd.s32 v7, v6;
	v7 =	vld [tilespmem:s14+$0x10870]  }
0x261: {  	v63 =	vld [tilespmem:s14+$0x13C70];
	[tilespmem:s14+$0x13C70] =	vst v5;
	v6 =	vadd.s32 v51, v6  }
0x262: {  	[tilespmem:s14+$0x15060] =	vst v6;
	v6 =	vld [tilespmem:s14+$0x11070]  }
0x263: {  	[tilespmem:s14+$0x10840] =	vst v5  }
0x264: {  	[tilespmem:s14+$0x11040] =	vst v5;
	v8 =	vadd.s32 v52, v53  }
0x265: {  	[tilespmem:s14+$0x12440] =	vst v5;
	v7 =	vadd.s32 v7, v8  }
0x266: {  	[tilespmem:s14+$0x13840] =	vst v5;
	v7 =	vadd.s32 v54, v7  }
0x267: {  	[tilespmem:s14+$0x10850] =	vst v5;
	v6 =	vadd.s32 v6, v7;
	v7 =	vld [tilespmem:s14+$0x12470]  }
0x268: {  	[tilespmem:s14+$0x11050] =	vst v5;
	v6 =	vadd.s32 v55, v6  }
0x269: {  	[tilespmem:s14+$0x12450] =	vst v5;
	v6 =	vadd.s32 v56, v6  }
0x26a: {  	[tilespmem:s14+$0x13850] =	vst v5;
	v6 =	vadd.s32 v57, v6  }
0x26b: {  	[tilespmem:s14+$0x10860] =	vst v5;
	v6 =	vadd.s32 v58, v6  }
0x26c: {  	[tilespmem:s14+$0x11060] =	vst v5;
	v6 =	vadd.s32 v7, v6;
	v7 =	vld [tilespmem:s14+$0x13870]  }
0x26d: {  	[tilespmem:s14+$0x12460] =	vst v5;
	v6 =	vadd.s32 v59, v6  }
0x26e: {  	p0 =	slt.u32 s13, $0x38;
	[tilespmem:s14+$0x13860] =	vst v5;
	v6 =	vadd.s32 v60, v6  }
.Ltmp12:
0x26f: {  	[tilespmem:s14+$0x10870] =	vst v5;
	v6 =	vadd.s32 v61, v6;
	(pc) =	sbr.rel @p0 .LBB2_23-.Ltmp12, $4  }
0x270: {  	[tilespmem:s14+$0x11070] =	vst v5;
	v6 =	vadd.s32 v62, v6  }
0x271: {  	[tilespmem:s14+$0x12470] =	vst v5;
	v6 =	vadd.s32 v7, v6  }
0x272: {  	s20 =	sadd.s32 $0x8, s13;
	[tilespmem:s14+$0x13870] =	vst v5;
	v6 =	vadd.s32 v63, v6  }
0x273: {  	s15 =	simm.s32 $0x153F0;
	s13 =	smov.u32 s20;
	[tilespmem:s14+$0x15070] =	vst v6;
	s14 =	simm.s32 $0x15BF0  }
0x274: {  	v9 =	vld [tilespmem:s15+$0x0]  }
0x275: {  	v10 =	vld [tilespmem:s15+$0xFFFFFFD0]  }
0x276: {  	v6 =	vmul.u32 $0xFFFFFFFF, v0;
	v11 =	vld [tilespmem:s15+$0xFFFFFFF0]  }
0x277: {  	v12 =	vld [tilespmem:s15+$0xFFFFFFE0]  }
0x278: {  	v6 =	vadd.s32 $0xF, v6  }
0x279: {  	v7 =	vperm.xlane v9, v6  }
0x27a: {  	v8 =	vperm.xlane v10, v6  }
0x27b: {  	v13 =	vperm.xlane v11, v6;
	(xrf0) =	vadd.scan.msk.s32 $0xffff, v7  }
0x27c: {  	v7 =	vperm.xlane v12, v6;
	(xrf0) =	vadd.scan.msk.s32 $0xffff, v8  }
0x27d: {  	s13 =	simm.s32 $0x153B0;
	(xrf0) =	vadd.scan.msk.s32 $0xffff, v13  }
0x27e: {  	v13 =	vld [tilespmem:s13+$0x0];
	(xrf0) =	vadd.scan.msk.s32 $0xffff, v7  }
0x27f: {  	v14 =	vld [tilespmem:s13+$0xFFFFFFD0]  }
0x280: {  	v15 =	vld [tilespmem:s13+$0xFFFFFFF0]  }
0x281: {  	v17 =	vld [tilespmem:s13+$0xFFFFFFE0];
	v7, _, _ =	vpop (xrf0)  }
0x282: {  	v16 =	vperm.xlane v7, v6;
	v7, _, _ =	vpop (xrf0)  }
0x283: {  	v8 =	vperm.xlane v13, v6;
	v18 =	vperm.xlane v7, v6;
	v7, _, _ =	vpop (xrf0)  }
0x284: {  	v20 =	vperm.xlane v14, v6;
	(v2sf) =	vpush v16, $0x0;
	v19 =	vperm.xlane v7, v6;
	v7, _, _ =	vpop (xrf0)  }
0x285: {  	(xrf0) =	vadd.scan.msk.s32 $0xffff, v8;
	v21 =	vperm.xlane v7, v6;
	(v2sf) =	vpush v18, $0x0;
	v7 =	vperm.xlane v15, v6  }
0x286: {  	s21 =	simm.s32 $0x15370;
	v8 =	vperm.xlane v17, v6;
	(xrf0) =	vadd.scan.msk.s32 $0xffff, v20;
	(v2sf) =	vpush v19, $0x0  }
0x287: {  	v22 =	vld [tilespmem:s21+$0x0];
	(v2sf) =	vpush v21, $0x0;
	(xrf0) =	vadd.scan.msk.s32 $0xffff, v7  }
0x288: {  	v23 =	vld [tilespmem:s21+$0xFFFFFFF0];
	(xrf0) =	vadd.scan.msk.s32 $0xffff, v8  }
0x289: {  	v7 =	vld [tilespmem:s21+$0xFFFFFFD0];
	_ =	sdelay $0x1  }
0x28a: {  	v8, _, _ =	vpop (xrf0)  }
0x28b: {  	v26 =	vperm.xlane v22, v6;
	v20 =	vperm.xlane v8, v6;
	v24, _, _ =	vpop (xrf0);
	v8 =	vld [tilespmem:s21+$0xFFFFFFE0]  }
0x28c: {  	v54 =	vperm.xlane v23, v6;
	v24 =	vperm.xlane v24, v6;
	v25, _, _ =	vpop (xrf0)  }
0x28d: {  	v28 =	vperm.xlane v7, v6;
	(v2sf) =	vpush v20, $0x0;
	v25 =	vperm.xlane v25, v6;
	v27, _, _ =	vpop (xrf0)  }
0x28e: {  	s20 =	simm.s32 $0x15330;
	v9 =	vsub.s32 v16, v9;
	(xrf0) =	vadd.scan.msk.s32 $0xffff, v26;
	(v2sf) =	vpush v24, $0x0;
	v27 =	vperm.xlane v27, v6  }
0x28f: {  	v11 =	vsub.s32 v19, v11;
	v19 =	vadd.s32 s12, v9;
	v9 =	vld [tilespmem:s20+$0x0];
	(xrf0) =	vadd.scan.msk.s32 $0xffff, v28;
	(v2sf) =	vpush v25, $0x0  }
0x290: {  	v16 =	vperm.xlane v8, v6;
	(v2sf) =	vpush v27, $0x0  }
0x291: {  	vm0 =	vgt.s32 v19, $0x666;
	(xrf0) =	vadd.scan.msk.s32 $0xffff, v54  }
0x292: {  	(xrf0) =	vadd.scan.msk.s32 $0xffff, v16;
	v16 =	vsel vm0, $0x1, v1;
	s22 =	spop (v2sf)  }
0x293: {  	v18 =	vsub.s32 v18, v10;
	v21 =	vsub.s32 v21, v12;
	s24 =	spop (v2sf)  }
0x294: {  	v58 =	vperm.xlane v9, v6;
	v20 =	vsub.s32 v20, v13;
	v12 =	vsub.s32 v24, v14;
	v13, _, _ =	vpop (xrf0);
	s23 =	sadd.s32 $0x0, s22;
	s25 =	spop (v2sf)  }
0x295: {  	v10 =	vld [tilespmem:s20+$0xFFFFFFD0];
	v55 =	vadd.s32 s23, v11;
	v11 =	vsub.s32 v27, v17;
	v17 =	vadd.s32 v16, v5;
	v16, _, _ =	vpop (xrf0);
	s15 =	sadd.s32 s23, s25;
	s28 =	spop (v2sf)  }
0x296: {  	v25 =	vsub.s32 v25, v15;
	vm13 =	vgt.s32 v55, $0x666;
	v16 =	vperm.xlane v16, v6;
	s12 =	sadd.s32 s15, s28  }
0x297: {  	[tilespmem:s14+$0x0] =	vst v19;
	v5 =	vld [tilespmem:s20+$0xFFFFFFF0];
	v19, _, _ =	vpop (xrf0);
	v21 =	vadd.s32 s15, v21;
	v14 =	vadd.s32 s12, v18;
	v18 =	vperm.xlane v13, v6  }
0x298: {  	v57 =	vsel vm13, $0x1, v1;
	v59 =	vperm.xlane v19, v6;
	v13 =	vld [tilespmem:s20+$0xFFFFFFE0];
	vm15 =	vgt.s32 v21, $0x666  }
0x299: {  	(xrf0) =	vadd.scan.msk.s32 $0xffff, v58;
	s13 =	sadd.s32 s12, s24;
	v19, _, _ =	vpop (xrf0);
	v62 =	vadd.s32 v57, v17;
	vm1 =	vgt.s32 v14, $0x666;
	(v2sf) =	vpush v18, $0x0  }
0x29a: {  	v56 =	vadd.s32 s13, v20;
	[tilespmem:s14+$0xFFFFFFD0] =	vst v14;
	v14 =	vperm.xlane v10, v6;
	v20 =	vperm.xlane v19, v6  }
0x29b: {  	[tilespmem:s14+$0xFFFFFFF0] =	vst v55;
	v63 =	vsel vm15, $0x1, v1;
	v17 =	vsub.s32 v59, v23;
	(v2sf) =	vpush v16, $0x0  }
0x29c: {  	[tilespmem:s14+$0xFFFFFFE0] =	vst v21;
	v15 =	vsel vm1, $0x1, v1;
	v60 =	vperm.xlane v5, v6;
	(v2sf) =	vpush v59, $0x0;
	s29 =	spop (v2sf)  }
0x29d: {  	s12 =	simm.s32 $0x15BB0;
	vm14 =	vgt.s32 v56, $0x666;
	(xrf0) =	vadd.scan.msk.s32 $0xffff, v14;
	v61 =	vperm.xlane v13, v6;
	(v2sf) =	vpush v20, $0x0;
	s13 =	sadd.s32 s13, s29;
	s21 =	spop (v2sf)  }
0x29e: {  	s20 =	simm.s32 $0x152F0;
	s14 =	simm.s32 $0xC;
	[tilespmem:s12+$0x0] =	vst v56;
	v21 =	vsub.s32 v18, v22;
	(xrf0) =	vadd.scan.msk.s32 $0xffff, v60;
	v14 =	vadd.s32 s13, v25;
	s31 =	spop (v2sf)  }
0x29f: {  	v22 =	vadd.s32 v63, v62;
	v19 =	vsel vm14, $0x1, v1;
	v18 =	vmovc v6;
	vm7 =	vgt.s32 v14, $0x666;
	(xrf0) =	vadd.scan.msk.s32 $0xffff, v61;
	s15 =	sadd.s32 s13, s31;
	s22 =	spop (v2sf);
	s13 =	simm.s32 $0x15BB0  }
.LBB2_25:
0x2a0: {  	v23 =	vsub.s32 v20, v8;
	v16 =	vsub.s32 v16, v7  }
0x2a1: {  	s14 =	sadd.s32 $0x4, s14;
	[tilespmem:s12+$0xFFFFFFF0] =	vst v14;
	s22 =	sadd.s32 s15, s22;
	v14 =	vadd.s32 v15, v22;
	v22 =	vmovc v9;
	v9 =	vld [tilespmem:s20+$0x0];
	v7 =	vmovc v10;
	v24 =	vmov v5;
	v8 =	vmov v13  }
0x2a2: {  	v10 =	vld [tilespmem:s20+$0xFFFFFFD0];
	p0 =	slt.u32 s14, $0x3C;
	v13, _, _ =	vpop (xrf0);
	v25 =	vadd.s32 v19, v14;
	v15 =	vadd.s32 s22, v12;
	s21 =	sadd.s32 s22, s21;
	v12 =	vmov v16  }
0x2a3: {  	v5 =	vld [tilespmem:s20+$0xFFFFFFF0];
	v26 =	vperm.xlane v13, v18;
	[tilespmem:s12+$0xFFFFFFD0] =	vst v15;
	vm0 =	vgt.s32 v15, $0x666  }
0x2a4: {  	v19 =	vadd.s32 s21, v21;
	v21 =	vsel vm7, $0x1, v1;
	s12 =	sadd.s32 $0xFFFFFFC0, s12;
	v13 =	vld [tilespmem:s20+$0xFFFFFFE0];
	v14, _, _ =	vpop (xrf0);
	v15 =	vsel vm0, $0x1, v1  }
0x2a5: {  	v16 =	vperm.xlane v14, v18;
	(v2sf) =	vpush v26, $0x0;
	v14, _, _ =	vpop (xrf0);
	[tilespmem:s12+$0x0] =	vst v19  }
0x2a6: {  	vm0 =	vgt.s32 v19, $0x666;
	v27 =	vperm.xlane v9, v6;
	v28 =	vperm.xlane v14, v18;
	v14, _, _ =	vpop (xrf0)  }
0x2a7: {  	v29 =	vperm.xlane v10, v6;
	v20 =	vperm.xlane v14, v18;
	(v2sf) =	vpush v16, $0x0;
	v18 =	vmovc v6  }
.Ltmp13:
0x2a8: {  	v19 =	vsel vm0, $0x1, v1;
	v30 =	vperm.xlane v5, v18;
	(xrf0) =	vadd.scan.msk.s32 $0xffff, v27;
	(v2sf) =	vpush v28, $0x0;
	s22 =	spop (v2sf);
	(pc) =	sbr.rel @p0 .LBB2_25-.Ltmp13, $4  }
0x2a9: {  	v31 =	vadd.s32 s15, v11;
	v11 =	vmovc v23;
	v27 =	vperm.xlane v13, v18;
	(v2sf) =	vpush v20, $0x0;
	s22 =	sadd.s32 s21, s22  }
0x2aa: {  	vm0 =	vgt.s32 v31, $0x666;
	(xrf0) =	vadd.scan.msk.s32 $0xffff, v29;
	v14 =	vadd.s32 s22, v17;
	s21 =	spop (v2sf);
	[tilespmem:s13+$0xFFFFFFE0] =	vst v31;
	s13 =	smov.u32 s12  }
0x2ab: {  	v23 =	vadd.s32 v21, v25;
	v25 =	vsel vm0, $0x1, v1;
	(xrf0) =	vadd.scan.msk.s32 $0xffff, v30;
	vm7 =	vgt.s32 v14, $0x666;
	s15 =	spop (v2sf)  }
0x2ac: {  	s20 =	sadd.s32 $0xFFFFFFC0, s20;
	v21 =	vsub.s32 v26, v22;
	v22 =	vadd.s32 v25, v23;
	v17 =	vsub.s32 v28, v24;
	(xrf0) =	vadd.scan.msk.s32 $0xffff, v27;
	s15 =	sadd.s32 s22, s15;
	s22 =	spop (v2sf)  }
0x2ad: {  	_ =	sdelay $0x1  }
0x2ae: {  	v23, _, _ =	vpop (xrf0)  }
0x2af: {  	v23 =	vperm.xlane v23, v18;
	v24, _, _ =	vpop (xrf0)  }
0x2b0: {  	v24 =	vperm.xlane v24, v18;
	v25, _, _ =	vpop (xrf0)  }
0x2b1: {  	(v2sf) =	vpush v23, $0x0;
	v25 =	vperm.xlane v25, v18;
	v26, _, _ =	vpop (xrf0)  }
0x2b2: {  	v18 =	vperm.xlane v26, v18;
	(v2sf) =	vpush v24, $0x0  }
0x2b3: {  	(v2sf) =	vpush v25, $0x0  }
0x2b4: {  	(v2sf) =	vpush v18, $0x0;
	_ =	sdelay $0x1  }
0x2b5: {  	v8 =	vsub.s32 v20, v8;
	s14 =	sadd.s32 s15, s22  }
0x2b6: {  	v15 =	vadd.s32 v15, v22;
	v7 =	vsub.s32 v16, v7;
	v12 =	vadd.s32 s14, v12;
	s14 =	sadd.s32 s14, s21  }
0x2b7: {  	v11 =	vadd.s32 s15, v11;
	vm0 =	vgt.s32 v12, $0x666;
	v16 =	vadd.s32 s14, v21  }
0x2b8: {  	v15 =	vadd.s32 v19, v15;
	v20 =	vsel vm0, $0x1, v1;
	vm0 =	vgt.s32 v16, $0x666  }
0x2b9: {  	v19 =	vsel vm7, $0x1, v1;
	v21 =	vsel vm0, $0x1, v1;
	vm0 =	vgt.s32 v11, $0x666  }
0x2ba: {  	v15 =	vadd.s32 v19, v15;
	v19 =	vsel vm0, $0x1, v1;
	s20 =	spop (v2sf)  }
0x2bb: {  	v9 =	vsub.s32 v23, v9;
	v15 =	vadd.s32 v19, v15;
	s14 =	sadd.s32 s14, s20;
	s3 =	spop (v2sf)  }
0x2bc: {  	v10 =	vsub.s32 v24, v10;
	v5 =	vsub.s32 v25, v5;
	v17 =	vadd.s32 s14, v17;
	s5 =	spop (v2sf)  }
0x2bd: {  	v15 =	vadd.s32 v20, v15;
	v13 =	vsub.s32 v18, v13;
	vm1 =	vgt.s32 v17, $0x666;
	s14 =	sadd.s32 s14, s5;
	s6 =	spop (v2sf)  }
0x2be: {  	v15 =	vadd.s32 v21, v15;
	v18 =	vsel vm1, $0x1, v1;
	s20 =	sadd.s32 s14, s6;
	v8 =	vadd.s32 s14, v8  }
0x2bf: {  	v15 =	vadd.s32 v18, v15;
	v7 =	vadd.s32 s20, v7;
	s15 =	sadd.s32 s20, s3;
	vm1 =	vgt.s32 v8, $0x666;
	s18 =	spop (v2sf)  }
0x2c0: {  	vm0 =	vgt.s32 v7, $0x666;
	v9 =	vadd.s32 s15, v9;
	v18 =	vsel vm1, $0x1, v1;
	s21 =	spop (v2sf)  }
0x2c1: {  	v19 =	vsel vm0, $0x1, v1;
	vm0 =	vgt.s32 v9, $0x666;
	v15 =	vadd.s32 v18, v15;
	s14 =	sadd.s32 s15, s18;
	s22 =	spop (v2sf)  }
0x2c2: {  	v18 =	vsel vm0, $0x1, v1;
	v15 =	vadd.s32 v19, v15;
	v5 =	vadd.s32 s14, v5;
	s14 =	sadd.s32 s14, s22;
	s23 =	spop (v2sf)  }
0x2c3: {  	v15 =	vadd.s32 v18, v15;
	vm0 =	vgt.s32 v5, $0x666;
	s15 =	sadd.s32 s14, s23;
	v13 =	vadd.s32 s14, v13  }
0x2c4: {  	v18 =	vsel vm0, $0x1, v1;
	v10 =	vadd.s32 s15, v10;
	vm0 =	vgt.s32 v13, $0x666  }
0x2c5: {  	v15 =	vadd.s32 v18, v15;
	vm1 =	vgt.s32 v10, $0x666;
	v18 =	vsel vm0, $0x1, v1  }
0x2c6: {  	v19 =	vsel vm1, $0x1, v1;
	v15 =	vadd.s32 v18, v15  }
0x2c7: {  	v15 =	vadd.s32 v19, v15  }
0x2c8: {  	(xrf0) =	vadd.scan.msk.s32 $0xffff, v15;
	_ =	sdelay $0x1  }
0x2c9: {  	[tilespmem:s12+$0xFFFFFFF0] =	vst v14  }
0x2ca: {  	[tilespmem:s13+$0xFFFFFFE0] =	vst v11  }
0x2cb: {  	s24 =	sadd.s32 $0xFFFFFFC0, s12;
	[tilespmem:s12+$0xFFFFFFD0] =	vst v12  }
0x2cc: {  	[tilespmem:s24+$0x0] =	vst v16  }
0x2cd: {  	[tilespmem:s24+$0xFFFFFFF0] =	vst v17;
	v11, _, _ =	vpop (xrf0)  }
0x2ce: {  	[tilespmem:s24+$0xFFFFFFD0] =	vst v7;
	v7 =	vbroadcast v11, $0xF  }
0x2cf: {  	s25 =	sadd.s32 $0xFFFFFFC0, s24;
	[tilespmem:s24+$0xFFFFFFE0] =	vst v8  }
0x2d0: {  	[tilespmem:s25+$0x0] =	vst v9  }
0x2d1: {  	[tilespmem:s25+$0xFFFFFFF0] =	vst v5  }
0x2d2: {  	[tilespmem:s25+$0xFFFFFFE0] =	vst v13  }
0x2d3: {  	[tilespmem:s25+$0xFFFFFFD0] =	vst v10  }
0x2d4: {  	v5 =	vld.idx.msk [tilespmem:v7+s26+$0x0], $0xffff;
	_ =	sdelay $0x4  }
0x2d5: {  	v5 =	vxor.u32 $0x80000000, v5  }
0x2d6: {  	(xrf0) =	vmax.scan.msk.u32 $0xffff, v5;
	_ =	sdelay $0x5  }
0x2d7: {  	(v2sf) =	vpush v11, $0xF;
	v5, _, _ =	vpop (xrf0)  }
0x2d8: {  	(v2sf) =	vpush v5, $0xF;
	_ =	sdelay $0xd  }
0x2d9: {  	p0 =	seq.s32 s0, $0x0;
	s26 =	spop (v2sf)  }
0x2da: {  	s14 =	simm.s32 @!p0 $0x2;
	s28 =	spop (v2sf)  }
0x2db: {  	_ =	swait.ge @!p0 [sflag:s14], $0x1000  }
0x2dc: {  	[sflag:s14] =	ssyncset.done @!p0 $0x0  }
0x2dd: {  	[sflag:s14] =	ssyncadd.s32 @!p0 $0xFFFFF000  }
0x2de: {  	_ =	swait.ge @!p0 [sflag:s14], $0x1000  }
0x2df: {  	[sflag:s14] =	ssyncset.done @!p0 $0x0  }
0x2e0: {  	[sflag:s14] =	ssyncadd.s32 @!p0 $0xFFFFF000  }
0x2e1: {  	_ =	swait.ge @!p0 [sflag:s14], $0x1000  }
0x2e2: {  	[sflag:s14] =	ssyncset.done @!p0 $0x0  }
0x2e3: {  	[sflag:s14] =	ssyncadd.s32 @!p0 $0xFFFFF000  }
0x2e4: {  	_ =	swait.ge @!p0 [sflag:s14], $0x1000  }
0x2e5: {  	[sflag:s14] =	ssyncset.done @!p0 $0x0  }
0x2e6: {  	[sflag:s14] =	ssyncadd.s32 @!p0 $0xFFFFF000  }
0x2e7: {  	_ =	swait.ge @!p0 [sflag:s14], $0x1000  }
0x2e8: {  	[sflag:s14] =	ssyncset.done @!p0 $0x0  }
0x2e9: {  	[sflag:s14] =	ssyncadd.s32 @!p0 $0xFFFFF000  }
0x2ea: {  	_ =	swait.ge @!p0 [sflag:s14], $0x1000  }
0x2eb: {  	[sflag:s14] =	ssyncset.done @!p0 $0x0  }
0x2ec: {  	[sflag:s14] =	ssyncadd.s32 @!p0 $0xFFFFF000  }
0x2ed: {  	_ =	swait.ge @!p0 [sflag:s14], $0x1000  }
0x2ee: {  	[sflag:s14] =	ssyncset.done @!p0 $0x0  }
0x2ef: {  	[sflag:s14] =	ssyncadd.s32 @!p0 $0xFFFFF000  }
0x2f0: {  	_ =	swait.ge @!p0 [sflag:s14], $0x1000  }
0x2f1: {  	[sflag:s14] =	ssyncset.done @!p0 $0x0  }
0x2f2: {  	s29 =	simm.s32 $0x40;
	[sflag:s14] =	ssyncadd.s32 @!p0 $0xFFFFF000  }
0x2f3: {  	v7 =	vld [tilespmem:s29+$0x30]  }
0x2f4: {  	v8 =	vld [tilespmem:s29+$0x20]  }
0x2f5: {  	v9 =	vld [tilespmem:s29+$0x10]  }
0x2f6: {  	v10 =	vld [tilespmem:s29+$0x0]  }
0x2f7: {  	v11 =	vld [tilespmem:s29+$0xFFFFFFF0]  }
0x2f8: {  	v12 =	vld [tilespmem:s29+$0xFFFFFFE0]  }
0x2f9: {  	v13 =	vld [tilespmem:s29+$0xFFFFFFD0]  }
0x2fa: {  	v14 =	vld [tilespmem:s29+$0xFFFFFFC0]  }
0x2fb: {  	s12 =	sadd.s32 $0xFFFFFE00, s26  }
0x2fc: {  	v5 =	vmov s12;
	v15 =	vshra.s32 v8, $0x1F  }
0x2fd: {  	v16 =	vshra.s32 v7, $0x1F;
	v17 =	vshra.s32 v10, $0x1F;
	v18 =	vshra.s32 v9, $0x1F  }
0x2fe: {  	v19 =	vshra.s32 v13, $0x1F;
	v20 =	vshra.s32 v12, $0x1F;
	v21 =	vshra.s32 v11, $0x1F  }
0x2ff: {  	v22 =	vshra.s32 v14, $0x1F;
	v15 =	vand.u32 $0x7FFFFFFF, v15;
	v16 =	vand.u32 $0x7FFFFFFF, v16  }
0x300: {  	v21 =	vand.u32 $0x7FFFFFFF, v21;
	v17 =	vand.u32 $0x7FFFFFFF, v17;
	v18 =	vand.u32 $0x7FFFFFFF, v18  }
0x301: {  	v22 =	vand.u32 $0x7FFFFFFF, v22;
	v19 =	vand.u32 $0x7FFFFFFF, v19;
	v20 =	vand.u32 $0x7FFFFFFF, v20  }
0x302: {  	v9 =	vxor.u32 v9, v18;
	v8 =	vxor.u32 v8, v15;
	v7 =	vxor.u32 v7, v16  }
0x303: {  	v12 =	vxor.u32 v12, v20;
	v11 =	vxor.u32 v11, v21;
	v10 =	vxor.u32 v10, v17  }
0x304: {  	v23 =	vxor.u32 v14, v22;
	v13 =	vxor.u32 v13, v19;
	v14 =	vshra.s32 v7, $0x16  }
0x305: {  	v15 =	vshra.s32 v23, $0x16;
	v16 =	vshra.s32 v9, $0x16;
	v17 =	vshra.s32 v8, $0x16  }
0x306: {  	s31 =	simm.s32 $0xC0;
	v18 =	vshra.s32 v10, $0x16;
	vm0 =	veq.s32 v15, v5;
	v15 =	vshra.s32 v13, $0x16  }
0x307: {  	v24 =	vld [tilespmem:s31+$0x10];
	v20 =	vmpcnt.ones.xlane vm0;
	vm7 =	veq.s32 v15, v5;
	v15 =	vshra.s32 v12, $0x16  }
0x308: {  	v26 =	vld [tilespmem:s31+$0x0];
	v22 =	vmpcnt.ones.xlane vm7;
	vm8 =	veq.s32 v15, v5;
	v15 =	vshra.s32 v11, $0x16  }
0x309: {  	v19 =	vld [tilespmem:s31+$0x30];
	v25 =	vmpcnt.ones.xlane vm8;
	vm9 =	veq.s32 v15, v5;
	(v2sf) =	vpush v20, $0x0  }
0x30a: {  	v21 =	vld [tilespmem:s31+$0x20];
	vm10 =	veq.s32 v18, v5;
	v15 =	vmpcnt.ones.xlane vm9;
	(v2sf) =	vpush v22, $0x0  }
0x30b: {  	v18 =	vld [tilespmem:s31+$0xFFFFFFE0];
	vm11 =	veq.s32 v16, v5;
	v20 =	vmpcnt.ones.xlane vm10;
	(v2sf) =	vpush v25, $0x0  }
0x30c: {  	vm12 =	veq.s32 v17, v5;
	v16 =	vmpcnt.ones.xlane vm11;
	v22 =	vld [tilespmem:s31+$0xFFFFFFD0];
	(v2sf) =	vpush v15, $0x0  }
0x30d: {  	v17 =	vld [tilespmem:s31+$0xFFFFFFF0];
	vm13 =	veq.s32 v14, v5;
	v15 =	vmpcnt.ones.xlane vm12;
	(v2sf) =	vpush v20, $0x0  }
0x30e: {  	v14 =	vmpcnt.ones.xlane vm13;
	v25 =	vld [tilespmem:s31+$0xFFFFFFC0];
	(v2sf) =	vpush v16, $0x0  }
0x30f: {  	v28 =	vshra.s32 v26, $0x1F;
	v27 =	vshra.s32 v19, $0x1F;
	(v2sf) =	vpush v15, $0x0  }
0x310: {  	v29 =	vshra.s32 v18, $0x1F;
	v15 =	vshra.s32 v24, $0x1F;
	(v2sf) =	vpush v14, $0x0  }
0x311: {  	v20 =	vshra.s32 v21, $0x1F;
	v14 =	vshra.s32 v22, $0x1F;
	v15 =	vand.u32 $0x7FFFFFFF, v15  }
0x312: {  	v16 =	vxor.u32 v24, v15;
	v24 =	vshra.s32 v17, $0x1F;
	v15 =	vand.u32 $0x7FFFFFFF, v20  }
0x313: {  	v20 =	vshra.s32 v25, $0x1F;
	v30 =	vand.u32 $0x7FFFFFFF, v14;
	v15 =	vxor.u32 v21, v15  }
0x314: {  	v21 =	vand.u32 $0x7FFFFFFF, v27;
	v24 =	vand.u32 $0x7FFFFFFF, v24;
	v27 =	vand.u32 $0x7FFFFFFF, v28  }
0x315: {  	v63 =	vand.u32 $0x7FFFFFFF, v20;
	v20 =	vand.u32 $0x7FFFFFFF, v29;
	v14 =	vxor.u32 v19, v21  }
0x316: {  	v20 =	vxor.u32 v18, v20;
	v19 =	vxor.u32 v17, v24;
	v18 =	vxor.u32 v26, v27  }
0x317: {  	s20 =	simm.s32 $0x140;
	s21 =	simm.s32 $0x0;
	s13 =	sxor.u32 $0x80000000, s28;
	v17 =	vxor.u32 v25, v63;
	v21 =	vxor.u32 v22, v30;
	v24 =	vshra.s32 v16, $0x16  }
0x318: {  	s15 =	simm.s32 $0x8;
	s14 =	ssub.s32 $0x667, s13;
	[tilespmem:s21+$0x8000] =	vst.msk vm0, v23;
	v23 =	vshra.s32 v15, $0x16;
	v22 =	vshra.s32 v14, $0x16;
	v25 =	vshra.s32 v17, $0x16;
	s22 =	spop (v2sf)  }
.LBB2_27:
0x319: {  	v26 =	vld [tilespmem:s20+$0x30];
	vm0 =	veq.s32 v25, v5;
	v25 =	vshra.s32 v21, $0x16;
	v27 =	vshra.s32 v18, $0x16;
	s21 =	sadd.s32 s21, s22;
	s22 =	spop (v2sf)  }
0x31a: {  	v30 =	vshra.s32 v20, $0x16;
	v28 =	vld [tilespmem:s20+$0x20];
	v29 =	vmpcnt.ones.xlane vm0;
	[tilespmem:s21+$0x8000] =	vst.msk vm7, v13;
	vm7 =	veq.s32 v25, v5;
	s21 =	sadd.s32 s21, s22;
	s22 =	spop (v2sf);
	v13 =	vmovc v21  }
0x31b: {  	v31 =	vshra.s32 v19, $0x16;
	v21 =	vld [tilespmem:s20+$0x10];
	v25 =	vmpcnt.ones.xlane vm7;
	[tilespmem:s21+$0x8000] =	vst.msk vm8, v12;
	vm8 =	veq.s32 v30, v5;
	s21 =	sadd.s32 s21, s22;
	s22 =	spop (v2sf);
	v12 =	vmovc v20  }
0x31c: {  	v30 =	vld [tilespmem:s20+$0x0];
	v20 =	vmpcnt.ones.xlane vm8;
	(v2sf) =	vpush v29, $0x0;
	[tilespmem:s21+$0x8000] =	vst.msk vm9, v11;
	vm9 =	veq.s32 v31, v5;
	s21 =	sadd.s32 s21, s22;
	s22 =	spop (v2sf);
	v11 =	vmovc v19  }
0x31d: {  	v19 =	vld [tilespmem:s20+$0xFFFFFFF0];
	v29 =	vmpcnt.ones.xlane vm9;
	(v2sf) =	vpush v25, $0x0;
	[tilespmem:s21+$0x8000] =	vst.msk vm10, v10;
	vm10 =	veq.s32 v27, v5;
	s21 =	sadd.s32 s21, s22;
	s22 =	spop (v2sf);
	v10 =	vmovc v18  }
0x31e: {  	v18 =	vld [tilespmem:s20+$0xFFFFFFE0];
	v25 =	vmpcnt.ones.xlane vm10;
	(v2sf) =	vpush v20, $0x0;
	[tilespmem:s21+$0x8000] =	vst.msk vm11, v9;
	vm11 =	veq.s32 v24, v5;
	s21 =	sadd.s32 s21, s22;
	s22 =	spop (v2sf);
	v9 =	vmovc v16  }
0x31f: {  	v24 =	vld [tilespmem:s20+$0xFFFFFFD0];
	v16 =	vmpcnt.ones.xlane vm11;
	(v2sf) =	vpush v29, $0x0;
	[tilespmem:s21+$0x8000] =	vst.msk vm12, v8;
	vm12 =	veq.s32 v23, v5;
	s21 =	sadd.s32 s21, s22;
	s22 =	spop (v2sf);
	v8 =	vmovc v15  }
0x320: {  	v23 =	vld [tilespmem:s20+$0xFFFFFFC0];
	v15 =	vmpcnt.ones.xlane vm12;
	(v2sf) =	vpush v25, $0x0;
	[tilespmem:s21+$0x8000] =	vst.msk vm13, v7;
	vm13 =	veq.s32 v22, v5;
	s21 =	sadd.s32 s21, s22;
	v7 =	vmovc v14  }
0x321: {  	[tilespmem:s21+$0x8000] =	vst.msk vm0, v17;
	v14 =	vmpcnt.ones.xlane vm13;
	(v2sf) =	vpush v16, $0x0  }
0x322: {  	v16 =	vshra.s32 v28, $0x1F;
	v17 =	vshra.s32 v26, $0x1F;
	(v2sf) =	vpush v15, $0x0  }
0x323: {  	s15 =	sadd.s32 $0x8, s15;
	v20 =	vshra.s32 v21, $0x1F;
	v15 =	vshra.s32 v30, $0x1F;
	(v2sf) =	vpush v14, $0x0  }
0x324: {  	p0 =	slt.u32 s15, $0x7F8;
	v25 =	vshra.s32 v19, $0x1F;
	v22 =	vshra.s32 v18, $0x1F;
	v14 =	vshra.s32 v24, $0x1F  }
0x325: {  	v29 =	vand.u32 $0x7FFFFFFF, v16;
	v17 =	vand.u32 $0x7FFFFFFF, v17;
	v27 =	vshra.s32 v23, $0x1F  }
0x326: {  	v25 =	vand.u32 $0x7FFFFFFF, v25;
	v31 =	vand.u32 $0x7FFFFFFF, v15;
	v15 =	vand.u32 $0x7FFFFFFF, v20  }
.Ltmp14:
0x327: {  	v20 =	vand.u32 $0x7FFFFFFF, v22;
	v32 =	vand.u32 $0x7FFFFFFF, v14;
	v27 =	vand.u32 $0x7FFFFFFF, v27;
	(pc) =	sbr.rel @p0 .LBB2_27-.Ltmp14, $4  }
0x328: {  	v16 =	vxor.u32 v21, v15;
	v15 =	vxor.u32 v28, v29;
	v14 =	vxor.u32 v26, v17  }
0x329: {  	v19 =	vxor.u32 v19, v25;
	v20 =	vxor.u32 v18, v20;
	v18 =	vxor.u32 v30, v31  }
0x32a: {  	v21 =	vxor.u32 v24, v32;
	v22 =	vshra.s32 v14, $0x16;
	v17 =	vxor.u32 v23, v27  }
0x32b: {  	s20 =	sadd.s32 $0x80, s20;
	v24 =	vshra.s32 v16, $0x16;
	v23 =	vshra.s32 v15, $0x16;
	v25 =	vshra.s32 v17, $0x16;
	s22 =	spop (v2sf)  }
0x32c: {  	vm5 =	veq.s32 v25, v5;
	v57 =	vshra.s32 v21, $0x16;
	v58 =	vshra.s32 v20, $0x16  }
0x32d: {  	v27 =	vshra.s32 v19, $0x16;
	v26 =	vmpcnt.ones.xlane vm5;
	vm2 =	veq.s32 v57, v5  }
0x32e: {  	v60 =	vshra.s32 v18, $0x16;
	vm3 =	veq.s32 v58, v5;
	v59 =	vmpcnt.ones.xlane vm2  }
0x32f: {  	vm4 =	veq.s32 v27, v5;
	v61 =	vmpcnt.ones.xlane vm3;
	(v2sf) =	vpush v26, $0x0  }
0x330: {  	vm15 =	veq.s32 v60, v5;
	v62 =	vmpcnt.ones.xlane vm4;
	(v2sf) =	vpush v59, $0x0  }
0x331: {  	vm14 =	veq.s32 v24, v5;
	v63 =	vmpcnt.ones.xlane vm15;
	(v2sf) =	vpush v61, $0x0  }
0x332: {  	vm1 =	veq.s32 v23, v5;
	v24 =	vmpcnt.ones.xlane vm14;
	(v2sf) =	vpush v62, $0x0  }
0x333: {  	vm0 =	veq.s32 v22, v5;
	v23 =	vmpcnt.ones.xlane vm1;
	(v2sf) =	vpush v63, $0x0  }
0x334: {  	v22 =	vmpcnt.ones.xlane vm0;
	(v2sf) =	vpush v24, $0x0  }
0x335: {  	(v2sf) =	vpush v23, $0x0  }
0x336: {  	(v2sf) =	vpush v22, $0x0  }
0x337: {  	s15 =	spop (v2sf);
	s20 =	sadd.s32 s21, s22  }
0x338: {  	s28 =	spop (v2sf);
	s15 =	sadd.s32 s20, s15  }
0x339: {  	s29 =	spop (v2sf);
	s21 =	sadd.s32 s15, s28  }
0x33a: {  	s23 =	spop (v2sf);
	s22 =	sadd.s32 s21, s29  }
0x33b: {  	s24 =	spop (v2sf);
	s23 =	sadd.s32 s22, s23  }
0x33c: {  	s25 =	spop (v2sf);
	s24 =	sadd.s32 s23, s24  }
0x33d: {  	s26 =	spop (v2sf);
	s25 =	sadd.s32 s24, s25  }
0x33e: {  	s26 =	sadd.s32 s25, s26;
	s28 =	spop (v2sf)  }
0x33f: {  	s28 =	sadd.s32 s26, s28;
	s29 =	spop (v2sf)  }
0x340: {  	s29 =	sadd.s32 s28, s29;
	s5 =	spop (v2sf)  }
0x341: {  	s5 =	sadd.s32 s29, s5;
	s18 =	spop (v2sf)  }
0x342: {  	s18 =	sadd.s32 s5, s18;
	s3 =	spop (v2sf)  }
0x343: {  	s3 =	sadd.s32 s18, s3;
	s6 =	spop (v2sf)  }
0x344: {  	s6 =	sadd.s32 s3, s6;
	s31 =	spop (v2sf)  }
0x345: {  	[tilespmem:s20+$0x8000] =	vst.msk vm7, v13;
	s31 =	sadd.s32 s6, s31;
	s20 =	spop (v2sf)  }
0x346: {  	[tilespmem:s21+$0x8000] =	vst.msk vm9, v11;
	s21 =	sadd.s32 s31, s20  }
0x347: {  	[tilespmem:s15+$0x8000] =	vst.msk vm8, v12;
	s15 =	sadd.s32 $0xF, s21  }
0x348: {  	[tilespmem:s23+$0x8000] =	vst.msk vm11, v9;
	s23 =	sand.u32 $0xF, s15  }
0x349: {  	[tilespmem:s24+$0x8000] =	vst.msk vm12, v8;
	s24 =	sshra.s32 s15, $0x1F;
	p1 =	slt.s32 s15, $0x1;
	p0 =	sne.s32 s23, $0x0  }
0x34a: {  	s20 =	sshrl.u32 s24, $0x1C;
	p0 =	por !p1, !p0  }
0x34b: {  	s15 =	sadd.s32 s20, s15;
	s20 =	simm.s32 $0x1;
	p0 =	por !p0, !p0  }
0x34c: {  	s15 =	sshra.s32 s15, $0x4;
	s20 =	simm.s32 @!p0 $0x0  }
0x34d: {  	[tilespmem:s22+$0x8000] =	vst.msk vm10, v10;
	s15 =	ssub.s32 s15, s20  }
0x34e: {  	[tilespmem:s29+$0x8000] =	vst.msk vm3, v20;
	s29 =	sshrl.u32 s15, $0x1F  }
0x34f: {  	[tilespmem:s5+$0x8000] =	vst.msk vm4, v19;
	s5 =	sadd.s32 s29, s15  }
0x350: {  	[tilespmem:s25+$0x8000] =	vst.msk vm13, v7;
	s20 =	sand.u32 $0xFFFFFFFE, s5  }
0x351: {  	[tilespmem:s26+$0x8000] =	vst.msk vm5, v17;
	p0 =	slt.s32 s20, $0x1  }
.Ltmp15:
0x352: {  	[tilespmem:s28+$0x8000] =	vst.msk vm2, v21;
	(pc) =	sbr.rel @p0 .LBB2_32-.Ltmp15, $4  }
0x353: {  	[tilespmem:s18+$0x8000] =	vst.msk vm15, v18  }
0x354: {  	[tilespmem:s3+$0x8000] =	vst.msk vm14, v16  }
0x355: {  	[tilespmem:s6+$0x8000] =	vst.msk vm1, v15  }
0x356: {  	vm15 =	vcmask $0x1710;
	vm14 =	vcmask $0x2720;
	[tilespmem:s31+$0x8000] =	vst.msk vm0, v14;
	v7 =	vmov s21  }
0x357: {  	s22 =	simm.s32 $0x8010  }
0x358: {  	v8 =	vld [tilespmem:s22+$0x0]  }
0x359: {  	s21 =	simm.s32 $0x10;
	vm3 =	vcmask $0xF08;
	vm1 =	vmmov $0x3  }
0x35a: {  	v9 =	vand.u32 $0x1, v0;
	s3 =	simm.s32 $0x0;
	vm12 =	vcmask $0x2F28;
	v10 =	vld [tilespmem:s22+$0xFFFFFFF0];
	v11 =	vor.u32 s21, v0  }
0x35b: {  	v9 =	vmul.u32 $0x800, v9;
	vm0 =	vlt.s32 v11, v7;
	v11 =	vor.u32 s3, v0  }
0x35c: {  	p1 =	sgt.s32 s20, $0x2;
	vm11 =	vmand vm0, vm1;
	vm13 =	vmand vm0, vm3;
	vm10 =	vlt.s32 v11, v7  }
.Ltmp16:
0x35d: {  	vm2 =	vmand vm0, vm15;
	v11 =	vimm.s32 $0x0;
	v8 =	vshrl.u32 v8, $0xB;
	(pc) =	sbr.rel @!p1 .LBB2_31-.Ltmp16, $4  }
0x35e: {  	vm6 =	vmand vm0, vm14;
	v11 =	vsel vm1, $0xFFFFFFFF, v11;
	v8 =	vand.u32 $0x7FF, v8  }
0x35f: {  	vm8 =	vmand vm10, vm1;
	v12 =	vshrl.u32 v10, $0xB;
	v10 =	vor.u32 v9, v8  }
0x360: {  	vm1 =	vcmask $0x1F18;
	vm9 =	vmand vm10, vm3;
	v8 =	vand.u32 $0x7FF, v12  }
0x361: {  	s23 =	simm.s32 $0x8030;
	s22 =	simm.s32 $0x2;
	vm5 =	vmand vm10, vm15;
	[tilespmem:$0x1FFF0] =	vst v11;
	vm4 =	vmand vm0, vm1;
	v8 =	vor.u32 v9, v8  }
.LBB2_30:
0x362: {  	_ = 	snop  }
0x363: {  	v11 =	vld [tilespmem:s23+$0x0]  }
0x364: {  	vm15 =	vmand vm10, vm14;
	vm7 =	vmand vm0, vm12;
	vm1 =	vcmask $0x3730;
	[tilespmem:v10+s19+$0x0] =	vst.idx.add.s32.msk vm11, v3  }
0x365: {  	vm14 =	vmand vm10, vm12;
	v12 =	vimm.s32 $0x0;
	vm12 =	vmand vm10, vm1;
	[tilespmem:v10+s19+$0x0] =	vst.idx.add.s32.msk vm13, v3  }
0x366: {  	vm11 =	vmand vm0, vm1;
	vm1 =	vcmask $0x3F38;
	v12 =	vsel vm12, $0xFFFFFFFF, v12;
	[tilespmem:v10+s19+$0x0] =	vst.idx.add.s32.msk vm2, v3  }
0x367: {  	v13 =	vld [tilespmem:$0x1FFF0];
	vm0 =	vmand vm0, vm1;
	[tilespmem:$0x1FFE0] =	vst v12  }
0x368: {  	[tilespmem:v10+s19+$0x0] =	vst.idx.add.s32.msk vm4, v3  }
0x369: {  	[tilespmem:v10+s19+$0x0] =	vst.idx.add.s32.msk vm6, v3  }
0x36a: {  	v63 =	vld [tilespmem:$0x1FFE0]  }
0x36b: {  	vm3 =	vcmask $0x1F18;
	s21 =	sadd.s32 $0x20, s21;
	[tilespmem:v10+s19+$0x0] =	vst.idx.add.s32.msk vm7, v3  }
0x36c: {  	vm3 =	vmand vm10, vm3;
	s3 =	sadd.s32 $0xFFFFFFF0, s21;
	[tilespmem:v10+s19+$0x0] =	vst.idx.add.s32.msk vm11, v3  }
0x36d: {  	v60 =	vor.u32 s21, v0;
	vm12 =	vmand vm10, vm1;
	v61 =	vor.u32 s3, v0;
	[tilespmem:v10+s19+$0x0] =	vst.idx.add.s32.msk vm0, v3  }
0x36e: {  	vm10 =	vlt.s32 v61, v7;
	vm1 =	vnez.u8 v13;
	v10 =	vld [tilespmem:s23+$0xFFFFFFF0];
	vm0 =	vlt.s32 v60, v7  }
0x36f: {  	[tilespmem:v8+s19+$0x0] =	vst.idx.add.s32.msk vm8, v3;
	vm8 =	vmand vm10, vm1;
	vm11 =	vmand vm0, vm1;
	vm1 =	vcmask $0x1F18  }
0x370: {  	vm4 =	vmand vm0, vm1;
	vm1 =	vnez.u8 v63  }
0x371: {  	s22 =	sadd.s32 $0x2, s22;
	[tilespmem:v8+s19+$0x0] =	vst.idx.add.s32.msk vm9, v3  }
0x372: {  	p1 =	slt.s32 s22, s20;
	v11 =	vshrl.u32 v11, $0xB;
	[tilespmem:v8+s19+$0x0] =	vst.idx.add.s32.msk vm5, v3  }
.Ltmp17:
0x373: {  	v11 =	vand.u32 $0x7FF, v11;
	[tilespmem:v8+s19+$0x0] =	vst.idx.add.s32.msk vm3, v3;
	vm3 =	vcmask $0xF08;
	(pc) =	sbr.rel @p1 .LBB2_30-.Ltmp17, $4  }
0x374: {  	vm13 =	vmand vm0, vm3;
	[tilespmem:v8+s19+$0x0] =	vst.idx.add.s32.msk vm15, v3;
	vm15 =	vcmask $0x1710;
	v62 =	vshrl.u32 v10, $0xB  }
0x375: {  	vm9 =	vmand vm10, vm3;
	v10 =	vor.u32 v9, v11;
	[tilespmem:v8+s19+$0x0] =	vst.idx.add.s32.msk vm14, v3;
	v11 =	vand.u32 $0x7FF, v62  }
0x376: {  	vm2 =	vmand vm0, vm15;
	vm14 =	vcmask $0x2720;
	v11 =	vor.u32 v9, v11;
	[tilespmem:v8+s19+$0x0] =	vst.idx.add.s32.msk vm1, v3  }
0x377: {  	s23 =	sadd.s32 $0x20, s23;
	vm5 =	vmand vm10, vm15;
	vm6 =	vmand vm0, vm14;
	[tilespmem:v8+s19+$0x0] =	vst.idx.add.s32.msk vm12, v3;
	vm12 =	vcmask $0x2F28;
	v8 =	vmovc v11  }
.LBB2_31:
0x378: {  	_ =	sdelay $0x4  }
0x379: {  	vm3 =	vmand vm0, vm12;
	[tilespmem:v10+s19+$0x0] =	vst.idx.add.s32.msk vm11, v3;
	vm11 =	vcmask $0x3730  }
0x37a: {  	vm7 =	vcmask $0x3F38;
	vm1 =	vmand vm0, vm11  }
0x37b: {  	[tilespmem:v10+s19+$0x0] =	vst.idx.add.s32.msk vm13, v3;
	vm0 =	vmand vm0, vm7  }
0x37c: {  	[tilespmem:v10+s19+$0x0] =	vst.idx.add.s32.msk vm2, v3  }
0x37d: {  	[tilespmem:v10+s19+$0x0] =	vst.idx.add.s32.msk vm4, v3  }
0x37e: {  	[tilespmem:v10+s19+$0x0] =	vst.idx.add.s32.msk vm6, v3;
	vm6 =	vcmask $0x1F18  }
0x37f: {  	vm2 =	vmand vm10, vm6;
	[tilespmem:v10+s19+$0x0] =	vst.idx.add.s32.msk vm3, v3  }
0x380: {  	vm3 =	vmand vm10, vm14;
	[tilespmem:v10+s19+$0x0] =	vst.idx.add.s32.msk vm1, v3  }
0x381: {  	[tilespmem:v10+s19+$0x0] =	vst.idx.add.s32.msk vm0, v3;
	vm0 =	vmand vm10, vm12  }
0x382: {  	[tilespmem:v8+s19+$0x0] =	vst.idx.add.s32.msk vm8, v3;
	vm8 =	vmand vm10, vm11  }
0x383: {  	[tilespmem:v8+s19+$0x0] =	vst.idx.add.s32.msk vm9, v3;
	vm11 =	vmand vm10, vm7  }
0x384: {  	[tilespmem:v8+s19+$0x0] =	vst.idx.add.s32.msk vm5, v3  }
0x385: {  	[tilespmem:v8+s19+$0x0] =	vst.idx.add.s32.msk vm2, v3  }
0x386: {  	[tilespmem:v8+s19+$0x0] =	vst.idx.add.s32.msk vm3, v3  }
0x387: {  	[tilespmem:v8+s19+$0x0] =	vst.idx.add.s32.msk vm0, v3  }
0x388: {  	[tilespmem:v8+s19+$0x0] =	vst.idx.add.s32.msk vm8, v3  }
0x389: {  	[tilespmem:v8+s19+$0x0] =	vst.idx.add.s32.msk vm11, v3  }
.LBB2_32:
0x38a: {  	s21 =	ssub.s32 s15, s20  }
0x38b: {  	p1 =	sgt.s32 s21, $0x0  }
0x38c: {  	s3 =	sshll.u32 @p1 s20, $0x4  }
0x38d: {  	v8 =	vld @p1 [tilespmem:s3+$0x8000];
	_ =	sdelay $0x2  }
0x38e: {  	v9 =	vlaneseq.u32 @p1  }
0x38f: {  	vm1 =	vmmov @p1 $0x3;
	v10 =	vor.u32 @p1 s3, v9;
	v9 =	vand.u32 @p1 $0x1, v9  }
0x390: {  	vm0 =	vlt.s32 @p1 v10, v7;
	v9 =	vmul.u32 @p1 $0x800, v9;
	v8 =	vshrl.u32 @p1 v8, $0xB  }
0x391: {  	vm2 =	vcmask @p1 $0xF08;
	vm1 =	vmand @p1 vm0, vm1;
	v8 =	vand.u32 @p1 $0x7FF, v8  }
0x392: {  	vm3 =	vcmask @p1 $0x1710;
	vm2 =	vmand @p1 vm0, vm2;
	v8 =	vor.u32 @p1 v9, v8  }
0x393: {  	vm4 =	vcmask @p1 $0x1F18;
	vm3 =	vmand @p1 vm0, vm3  }
0x394: {  	vm5 =	vcmask @p1 $0x2720;
	vm4 =	vmand @p1 vm0, vm4  }
0x395: {  	vm6 =	vcmask @p1 $0x2F28;
	vm5 =	vmand @p1 vm0, vm5  }
0x396: {  	vm7 =	vcmask @p1 $0x3730;
	s3 =	simm.s32 @p1 $0x14000;
	vm6 =	vmand @p1 vm0, vm6;
	v9 =	vimm.s32 @p1 $0x1  }
0x397: {  	[tilespmem:v8+s3+$0x0] =	vst.idx.add.s32.msk @p1 vm1, v9;
	vm1 =	vmand @p1 vm0, vm7;
	vm7 =	vcmask @p1 $0x3F38  }
0x398: {  	[tilespmem:v8+s3+$0x0] =	vst.idx.add.s32.msk @p1 vm2, v9;
	vm0 =	vmand @p1 vm0, vm7  }
0x399: {  	[tilespmem:v8+s3+$0x0] =	vst.idx.add.s32.msk @p1 vm3, v9  }
0x39a: {  	[tilespmem:v8+s3+$0x0] =	vst.idx.add.s32.msk @p1 vm4, v9  }
0x39b: {  	[tilespmem:v8+s3+$0x0] =	vst.idx.add.s32.msk @p1 vm5, v9  }
0x39c: {  	[tilespmem:v8+s3+$0x0] =	vst.idx.add.s32.msk @p1 vm6, v9  }
0x39d: {  	[tilespmem:v8+s3+$0x0] =	vst.idx.add.s32.msk @p1 vm1, v9  }
0x39e: {  	s22 =	simm.s32 $0x14800;
	[tilespmem:v8+s3+$0x0] =	vst.idx.add.s32.msk @p1 vm0, v9  }
0x39f: {  	v8 =	vld [tilespmem:s22+$0xFFFFF800]  }
0x3a0: {  	v9 =	vld [tilespmem:s22+$0xFFFFF870];
	[tilespmem:s22+$0xFFFFF800] =	vst v1  }
0x3a1: {  	v10 =	vld [tilespmem:s22+$0x70];
	[tilespmem:s22+$0xFFFFF870] =	vst v1  }
0x3a2: {  	v11 =	vld [tilespmem:s22+$0x60];
	[tilespmem:s22+$0x70] =	vst v1  }
0x3a3: {  	v12 =	vld [tilespmem:s22+$0xFFFFF860];
	[tilespmem:s22+$0x60] =	vst v1  }
0x3a4: {  	v13 =	vld [tilespmem:s22+$0xFFFFF840];
	[tilespmem:s22+$0xFFFFF860] =	vst v1  }
0x3a5: {  	v14 =	vld [tilespmem:s22+$0x0];
	[tilespmem:s22+$0xFFFFF840] =	vst v1  }
0x3a6: {  	v15 =	vld [tilespmem:s22+$0xFFFFF810];
	[tilespmem:s22+$0x0] =	vst v1  }
0x3a7: {  	v16 =	vld [tilespmem:s22+$0x10];
	[tilespmem:s22+$0xFFFFF810] =	vst v1  }
0x3a8: {  	v17 =	vld [tilespmem:s22+$0x50];
	[tilespmem:s22+$0x10] =	vst v1  }
0x3a9: {  	v18 =	vld [tilespmem:s22+$0x40];
	[tilespmem:s22+$0x50] =	vst v1  }
0x3aa: {  	v19 =	vld [tilespmem:s22+$0x20];
	[tilespmem:s22+$0x20] =	vst v1  }
0x3ab: {  	[tilespmem:s22+$0x40] =	vst v1  }
0x3ac: {  	v61 =	vld [tilespmem:s22+$0x30];
	[tilespmem:s22+$0x30] =	vst v1  }
0x3ad: {  	v62 =	vld [tilespmem:s22+$0xFFFFF820];
	[tilespmem:s22+$0xFFFFF820] =	vst v1  }
0x3ae: {  	s15 =	simm.s32 $0x15040;
	v63 =	vld [tilespmem:s22+$0xFFFFF830];
	[tilespmem:s22+$0xFFFFF830] =	vst v1;
	v8 =	vadd.s32 v8, v14  }
0x3af: {  	v13 =	vadd.s32 v13, v18;
	[tilespmem:s15+$0xFFFFFFC0] =	vst v8;
	v8 =	vld [tilespmem:s22+$0xFFFFF850]  }
0x3b0: {  	[tilespmem:s15+$0x0] =	vst v13  }
0x3b1: {  	v11 =	vadd.s32 v12, v11;
	[tilespmem:s22+$0xFFFFF850] =	vst v1  }
0x3b2: {  	v9 =	vadd.s32 v9, v10;
	[tilespmem:s15+$0x20] =	vst v11  }
0x3b3: {  	v11 =	vadd.s32 v62, v19;
	[tilespmem:s15+$0x30] =	vst v9  }
0x3b4: {  	[tilespmem:s15+$0xFFFFFFE0] =	vst v11;
	v8 =	vadd.s32 v8, v17  }
0x3b5: {  	[tilespmem:s15+$0x10] =	vst v8;
	v8 =	vadd.s32 v63, v61  }
0x3b6: {  	vm12 =	vcmask $0x1F18;
	s23 =	simm.s32 $0x14880;
	s26 =	simm.s32 $0x15800;
	vm7 =	vcmask $0xF08;
	s22 =	simm.s32 $0x0;
	[tilespmem:s15+$0xFFFFFFF0] =	vst v8;
	v8 =	vadd.s32 v15, v16  }
.LBB2_33:
0x3b7: {  	v9 =	vld [tilespmem:s23+$0xFFFFF800];
	s22 =	sadd.s32 $0x8, s22;
	[tilespmem:s15+$0xFFFFFFD0] =	vst v8;
	s15 =	sadd.s32 $0x80, s15  }
0x3b8: {  	[tilespmem:s23+$0xFFFFF800] =	vst v1;
	v8 =	vld [tilespmem:s23+$0xFFFFF870];
	p1 =	slt.u32 s22, $0x78  }
0x3b9: {  	[tilespmem:s23+$0xFFFFF870] =	vst v1;
	v10 =	vld [tilespmem:s23+$0x70]  }
0x3ba: {  	v11 =	vld [tilespmem:s23+$0x60];
	[tilespmem:s23+$0x70] =	vst v1  }
0x3bb: {  	v12 =	vld [tilespmem:s23+$0xFFFFF860];
	[tilespmem:s23+$0x60] =	vst v1  }
0x3bc: {  	v13 =	vld [tilespmem:s23+$0xFFFFF840];
	[tilespmem:s23+$0xFFFFF860] =	vst v1  }
0x3bd: {  	v14 =	vld [tilespmem:s23+$0x0];
	[tilespmem:s23+$0xFFFFF840] =	vst v1  }
0x3be: {  	[tilespmem:s23+$0x0] =	vst v1;
	v15 =	vld [tilespmem:s23+$0xFFFFF810];
	v10 =	vadd.s32 v8, v10  }
0x3bf: {  	[tilespmem:s23+$0xFFFFF810] =	vst v1;
	v8 =	vld [tilespmem:s23+$0x10]  }
0x3c0: {  	[tilespmem:s23+$0x10] =	vst v1;
	v16 =	vld [tilespmem:s23+$0x50];
	v11 =	vadd.s32 v12, v11  }
0x3c1: {  	v12 =	vld [tilespmem:s23+$0x20];
	[tilespmem:s23+$0x50] =	vst v1  }
0x3c2: {  	v9 =	vadd.s32 v9, v14;
	[tilespmem:s23+$0x20] =	vst v1;
	v14 =	vld [tilespmem:s23+$0x40]  }
0x3c3: {  	v17 =	vld [tilespmem:s23+$0x30];
	[tilespmem:s23+$0x40] =	vst v1  }
0x3c4: {  	[tilespmem:s15+$0xFFFFFFC0] =	vst v9;
	v8 =	vadd.s32 v15, v8;
	v9 =	vld [tilespmem:s23+$0xFFFFF850]  }
0x3c5: {  	v15 =	vld [tilespmem:s23+$0xFFFFF820];
	[tilespmem:s23+$0x30] =	vst v1  }
0x3c6: {  	[tilespmem:s23+$0xFFFFF820] =	vst v1;
	v18 =	vld [tilespmem:s23+$0xFFFFF830]  }
0x3c7: {  	v13 =	vadd.s32 v13, v14;
	[tilespmem:s23+$0xFFFFF850] =	vst v1  }
0x3c8: {  	[tilespmem:s15+$0x0] =	vst v13  }
0x3c9: {  	v9 =	vadd.s32 v9, v16;
	[tilespmem:s15+$0x20] =	vst v11  }
.Ltmp18:
0x3ca: {  	v11 =	vadd.s32 v15, v12;
	[tilespmem:s15+$0x10] =	vst v9;
	(pc) =	sbr.rel @p1 .LBB2_33-.Ltmp18, $4  }
0x3cb: {  	[tilespmem:s23+$0xFFFFF830] =	vst v1;
	v9 =	vadd.s32 v18, v17  }
0x3cc: {  	[tilespmem:s15+$0xFFFFFFF0] =	vst v9  }
0x3cd: {  	[tilespmem:s15+$0xFFFFFFE0] =	vst v11  }
0x3ce: {  	s23 =	sadd.s32 $0x80, s23;
	[tilespmem:s15+$0x30] =	vst v10  }
0x3cf: {  	[tilespmem:s15+$0xFFFFFFD0] =	vst v8;
	s3 =	simm.s32 $0x157F0  }
0x3d0: {  	v11 =	vld [tilespmem:s3+$0xFFFFFFF0]  }
0x3d1: {  	v14 =	vld [tilespmem:s3+$0xFFFFFFE0]  }
0x3d2: {  	v12 =	vld [tilespmem:s3+$0x0];
	_ =	sdelay $0x2  }
0x3d3: {  	v8 =	vperm.xlane v11, v6  }
0x3d4: {  	v9 =	vperm.xlane v14, v6  }
0x3d5: {  	v10 =	vperm.xlane v12, v6;
	(xrf0) =	vadd.scan.msk.s32 $0xffff, v8  }
0x3d6: {  	(xrf0) =	vadd.scan.msk.s32 $0xffff, v9  }
0x3d7: {  	s23 =	simm.s32 $0x157B0;
	v19 =	vld [tilespmem:s3+$0xFFFFFFD0];
	(xrf0) =	vadd.scan.msk.s32 $0xffff, v10  }
0x3d8: {  	v17 =	vld [tilespmem:s23+$0xFFFFFFF0];
	_ =	sdelay $0x1  }
0x3d9: {  	v18 =	vld [tilespmem:s23+$0xFFFFFFE0]  }
0x3da: {  	v21 =	vld [tilespmem:s23+$0x0];
	v8, _, _ =	vpop (xrf0)  }
0x3db: {  	v9 =	vperm.xlane v19, v6;
	v10 =	vld [tilespmem:s23+$0xFFFFFFD0];
	v20 =	vperm.xlane v8, v6;
	v8, _, _ =	vpop (xrf0)  }
0x3dc: {  	v13 =	vperm.xlane v17, v6;
	v23 =	vperm.xlane v8, v6;
	v8, _, _ =	vpop (xrf0)  }
0x3dd: {  	(xrf0) =	vadd.scan.msk.s32 $0xffff, v9;
	(v2sf) =	vpush v20, $0x0;
	v24 =	vperm.xlane v8, v6  }
0x3de: {  	(xrf0) =	vadd.scan.msk.s32 $0xffff, v13;
	v8 =	vperm.xlane v18, v6;
	(v2sf) =	vpush v23, $0x0  }
0x3df: {  	s24 =	simm.s32 $0x15770;
	v9 =	vperm.xlane v21, v6;
	(v2sf) =	vpush v24, $0x0  }
0x3e0: {  	v15 =	vld [tilespmem:s24+$0xFFFFFFF0];
	(xrf0) =	vadd.scan.msk.s32 $0xffff, v8;
	v8 =	vperm.xlane v10, v6  }
0x3e1: {  	(xrf0) =	vadd.scan.msk.s32 $0xffff, v9  }
0x3e2: {  	v16 =	vld [tilespmem:s24+$0xFFFFFFE0]  }
0x3e3: {  	v22 =	vld [tilespmem:s24+$0x0];
	v13, _, _ =	vpop (xrf0)  }
0x3e4: {  	v25 =	vperm.xlane v13, v6;
	v9 =	vld [tilespmem:s24+$0xFFFFFFD0];
	(xrf0) =	vadd.scan.msk.s32 $0xffff, v8;
	v8, _, _ =	vpop (xrf0)  }
0x3e5: {  	v13 =	vperm.xlane v15, v6;
	v26 =	vperm.xlane v8, v6  }
0x3e6: {  	(v2sf) =	vpush v25, $0x0;
	v27, _, _ =	vpop (xrf0)  }
0x3e7: {  	v28 =	vperm.xlane v16, v6;
	(v2sf) =	vpush v26, $0x0;
	v27 =	vperm.xlane v27, v6;
	v29, _, _ =	vpop (xrf0);
	(xrf0) =	vadd.scan.msk.s32 $0xffff, v13  }
0x3e8: {  	v31 =	vperm.xlane v22, v6;
	v29 =	vperm.xlane v29, v6  }
0x3e9: {  	(xrf0) =	vadd.scan.msk.s32 $0xffff, v28;
	v28 =	vsub.s32 v20, v11;
	v20 =	vperm.xlane v9, v6;
	(v2sf) =	vpush v27, $0x0  }
0x3ea: {  	v30 =	vimm.s32 $0x0;
	(xrf0) =	vadd.scan.msk.s32 $0xffff, v31  }
0x3eb: {  	s25 =	simm.s32 $0x15730;
	s5 =	simm.s32 $0x0;
	v61 =	vsub.s32 v23, v14;
	v24 =	vsub.s32 v24, v12;
	v13, _, _ =	vpop (xrf0);
	(v2sf) =	vpush v29, $0x0  }
0x3ec: {  	v12 =	vld [tilespmem:s25+$0xFFFFFFF0];
	v24 =	vadd.s32 s5, v24;
	v8 =	vmov s14;
	v13 =	vperm.xlane v13, v6;
	s6 =	spop (v2sf)  }
0x3ed: {  	v19 =	vsub.s32 v25, v19;
	vm0 =	vge.s32 v24, v8;
	(xrf0) =	vadd.scan.msk.s32 $0xffff, v20;
	v23 =	vsub.s32 v29, v21;
	v20, _, _ =	vpop (xrf0);
	s28 =	spop (v2sf)  }
0x3ee: {  	v11 =	vld [tilespmem:s25+$0xFFFFFFE0];
	v21 =	vsel vm0, $0x1, v1;
	(v2sf) =	vpush v13, $0x0;
	v20 =	vperm.xlane v20, v6;
	s29 =	spop (v2sf)  }
0x3ef: {  	v14 =	vld [tilespmem:s25+$0x0];
	v17 =	vsub.s32 v26, v17;
	v18 =	vsub.s32 v27, v18;
	v26 =	vadd.s32 v21, v30;
	v25, _, _ =	vpop (xrf0);
	s18 =	sadd.s32 $0x0, s29  }
0x3f0: {  	s15 =	simm.s32 $0x15FF0;
	v21 =	vperm.xlane v25, v6;
	v25, _, _ =	vpop (xrf0);
	(v2sf) =	vpush v20, $0x0;
	v27 =	vadd.s32 s18, v28;
	s6 =	sadd.s32 s18, s6  }
0x3f1: {  	v25 =	vperm.xlane v25, v6;
	vm0 =	vge.s32 v27, v8;
	[tilespmem:s15+$0xFFFFFFF0] =	vst v27;
	v27 =	vperm.xlane v12, v6;
	s5 =	sadd.s32 s6, s28  }
0x3f2: {  	(v2sf) =	vpush v21, $0x0;
	v63 =	vadd.s32 s5, v19;
	v19 =	vld [tilespmem:s25+$0xFFFFFFD0]  }
0x3f3: {  	[tilespmem:s15+$0x0] =	vst v24;
	v28 =	vperm.xlane v11, v6;
	v24 =	vadd.s32 s6, v61;
	(v2sf) =	vpush v25, $0x0  }
0x3f4: {  	v29 =	vperm.xlane v14, v6;
	[tilespmem:s15+$0xFFFFFFE0] =	vst v24;
	v62 =	vsel vm0, $0x1, v1;
	(xrf0) =	vadd.scan.msk.s32 $0xffff, v27  }
0x3f5: {  	s22 =	simm.s32 $0xC;
	s31 =	spop (v2sf);
	vm0 =	vge.s32 v24, v8;
	v26 =	vadd.s32 v62, v26;
	[tilespmem:s15+$0xFFFFFFD0] =	vst v63;
	(xrf0) =	vadd.scan.msk.s32 $0xffff, v28;
	v27, _, _ =	vpop (xrf0)  }
0x3f6: {  	s24 =	simm.s32 $0x156F0;
	s23 =	sadd.s32 s5, s31;
	(xrf0) =	vadd.scan.msk.s32 $0xffff, v29;
	s25 =	spop (v2sf);
	v24 =	vperm.xlane v27, v6;
	v27 =	vsel vm0, $0x1, v1;
	vm0 =	vge.s32 v63, v8  }
.LBB2_35:
0x3f7: {  	v29 =	vperm.xlane v19, v6;
	v23 =	vadd.s32 s23, v23;
	v30 =	vsel vm0, $0x1, v1;
	v31 =	vmovc v14;
	v32 =	vmovc v17  }
0x3f8: {  	v28 =	vld [tilespmem:s24+$0xFFFFFFF0];
	s22 =	sadd.s32 $0x4, s22;
	s3 =	spop (v2sf);
	s15 =	sadd.s32 $0xFFFFFFC0, s15;
	v33 =	vmovc v18;
	v34 =	vmovc v10;
	v10 =	vmov v9;
	v9 =	vmov v19;
	v19 =	vmov v13  }
0x3f9: {  	v18 =	vadd.s32 v27, v26;
	v13 =	vmovc v24;
	v35 =	vld [tilespmem:s24+$0xFFFFFFE0];
	p1 =	slt.u32 s22, $0x7C;
	(v2sf) =	vpush v24, $0x0;
	[tilespmem:s15+$0x0] =	vst v23;
	vm0 =	vge.s32 v23, v8  }
0x3fa: {  	v17 =	vsub.s32 v20, v15;
	v23 =	vsub.s32 v25, v22;
	v15 =	vadd.s32 v30, v18;
	v14 =	vld [tilespmem:s24+$0x0];
	(xrf0) =	vadd.scan.msk.s32 $0xffff, v29;
	s5 =	spop (v2sf)  }
0x3fb: {  	v18 =	vsub.s32 v21, v16;
	v22 =	vsub.s32 v19, v34;
	v24 =	vsel vm0, $0x1, v1;
	v20, _, _ =	vpop (xrf0);
	s5 =	sadd.s32 s23, s5  }
0x3fc: {  	v26 =	vadd.s32 v24, v15;
	v20 =	vperm.xlane v20, v6;
	v19, _, _ =	vpop (xrf0);
	v25 =	vadd.s32 s5, v32;
	s5 =	sadd.s32 s5, s25  }
0x3fd: {  	v21 =	vperm.xlane v19, v6;
	v16, _, _ =	vpop (xrf0);
	[tilespmem:s15+$0xFFFFFFF0] =	vst v25;
	vm0 =	vge.s32 v25, v8;
	v24 =	vadd.s32 s5, v33;
	s3 =	sadd.s32 s5, s3;
	s5 =	spop (v2sf)  }
.Ltmp19:
0x3fe: {  	v15 =	vmovc v12;
	v27 =	vperm.xlane v28, v6;
	v29 =	vperm.xlane v35, v6;
	v19 =	vld [tilespmem:s24+$0xFFFFFFD0];
	(v2sf) =	vpush v20, $0x0;
	[tilespmem:s15+$0xFFFFFFE0] =	vst v24;
	s23 =	sadd.s32 s3, s5;
	(pc) =	sbr.rel @p1 .LBB2_35-.Ltmp19, $4  }
0x3ff: {  	v12 =	vmovc v28;
	v25 =	vperm.xlane v16, v6;
	v16 =	vmovc v11;
	v30 =	vperm.xlane v14, v6;
	(v2sf) =	vpush v21, $0x0  }
0x400: {  	v28 =	vadd.s32 s3, v22;
	(xrf0) =	vadd.scan.msk.s32 $0xffff, v27;
	v11, _, _ =	vpop (xrf0);
	v27 =	vsel vm0, $0x1, v1;
	vm0 =	vge.s32 v24, v8  }
0x401: {  	(xrf0) =	vadd.scan.msk.s32 $0xffff, v29;
	v24 =	vperm.xlane v11, v6;
	(v2sf) =	vpush v25, $0x0;
	v26 =	vadd.s32 v27, v26;
	v11 =	vmovc v35  }
0x402: {  	s24 =	sadd.s32 $0xFFFFFFC0, s24;
	v22 =	vmovc v31;
	v27 =	vsel vm0, $0x1, v1;
	vm0 =	vge.s32 v28, v8;
	(xrf0) =	vadd.scan.msk.s32 $0xffff, v30;
	s25 =	spop (v2sf);
	[tilespmem:s15+$0xFFFFFFD0] =	vst v28  }
0x403: {  	_ =	sdelay $0x2  }
0x404: {  	v28, _, _ =	vpop (xrf0)  }
0x405: {  	v28 =	vperm.xlane v28, v6;
	v29, _, _ =	vpop (xrf0)  }
0x406: {  	(v2sf) =	vpush v24, $0x0;
	v29 =	vperm.xlane v29, v6;
	v30, _, _ =	vpop (xrf0)  }
0x407: {  	(v2sf) =	vpush v28, $0x0;
	v30 =	vperm.xlane v30, v6  }
0x408: {  	(v2sf) =	vpush v29, $0x0  }
0x409: {  	(v2sf) =	vpush v30, $0x0  }
0x40a: {  	v31 =	vperm.xlane v19, v6;
	v26 =	vadd.s32 v27, v26;
	s3 =	spop (v2sf)  }
0x40b: {  	v22 =	vsub.s32 v25, v22;
	v23 =	vadd.s32 s23, v23;
	v47 =	vsel vm0, $0x1, v1;
	s5 =	spop (v2sf)  }
0x40c: {  	v15 =	vsub.s32 v20, v15;
	v16 =	vsub.s32 v21, v16;
	v10 =	vsub.s32 v13, v10;
	s5 =	sadd.s32 s23, s5  }
0x40d: {  	v9 =	vsub.s32 v24, v9;
	vm9 =	vge.s32 v23, v8;
	(xrf0) =	vadd.scan.msk.s32 $0xffff, v31;
	v17 =	vadd.s32 s5, v17  }
0x40e: {  	v48 =	vadd.s32 v47, v26;
	v49 =	vsel vm9, $0x1, v1;
	s5 =	sadd.s32 s5, s25;
	vm10 =	vge.s32 v17, v8  }
0x40f: {  	v51 =	vadd.s32 v49, v48;
	v50 =	vadd.s32 s5, v18;
	s3 =	sadd.s32 s5, s3;
	s6 =	spop (v2sf);
	v53 =	vsel vm10, $0x1, v1  }
0x410: {  	vm11 =	vge.s32 v50, v8;
	v10 =	vadd.s32 s3, v10;
	s5 =	sadd.s32 s3, s6;
	v18 =	vadd.s32 v53, v51;
	s6 =	spop (v2sf)  }
0x411: {  	v54 =	vsel vm11, $0x1, v1;
	vm9 =	vge.s32 v10, v8;
	v12 =	vsub.s32 v28, v12;
	s22 =	spop (v2sf)  }
0x412: {  	v22 =	vadd.s32 s5, v22;
	v55 =	vsel vm9, $0x1, v1;
	v18 =	vadd.s32 v54, v18;
	s18 =	spop (v2sf)  }
0x413: {  	v11 =	vsub.s32 v29, v11;
	vm10 =	vge.s32 v22, v8;
	v18 =	vadd.s32 v55, v18;
	v52, _, _ =	vpop (xrf0);
	s5 =	sadd.s32 s5, s18  }
0x414: {  	v56 =	vsel vm10, $0x1, v1;
	v20 =	vperm.xlane v52, v6;
	v15 =	vadd.s32 s5, v15  }
0x415: {  	v14 =	vsub.s32 v30, v14;
	v18 =	vadd.s32 v56, v18;
	s3 =	sadd.s32 s5, s6;
	s23 =	spop (v2sf);
	vm11 =	vge.s32 v15, v8  }
0x416: {  	v61 =	vsub.s32 v20, v19;
	v16 =	vadd.s32 s3, v16;
	s3 =	sadd.s32 s3, s22;
	v57 =	vsel vm11, $0x1, v1;
	s24 =	spop (v2sf)  }
0x417: {  	vm9 =	vge.s32 v16, v8;
	v9 =	vadd.s32 s3, v9;
	s3 =	sadd.s32 s3, s23;
	v18 =	vadd.s32 v57, v18;
	s25 =	spop (v2sf)  }
0x418: {  	v58 =	vsel vm9, $0x1, v1;
	vm10 =	vge.s32 v9, v8;
	v14 =	vadd.s32 s3, v14;
	s28 =	spop (v2sf)  }
0x419: {  	v59 =	vsel vm10, $0x1, v1;
	v18 =	vadd.s32 v58, v18;
	vm11 =	vge.s32 v14, v8;
	s3 =	sadd.s32 s3, s28  }
0x41a: {  	v18 =	vadd.s32 v59, v18;
	v60 =	vsel vm11, $0x1, v1;
	v12 =	vadd.s32 s3, v12;
	s3 =	sadd.s32 s3, s24  }
0x41b: {  	v18 =	vadd.s32 v60, v18;
	vm9 =	vge.s32 v12, v8;
	v11 =	vadd.s32 s3, v11;
	s3 =	sadd.s32 s3, s25  }
0x41c: {  	v62 =	vsel vm9, $0x1, v1;
	vm10 =	vge.s32 v11, v8;
	v19 =	vadd.s32 s3, v61  }
0x41d: {  	v18 =	vadd.s32 v62, v18;
	v63 =	vsel vm10, $0x1, v1;
	vm11 =	vge.s32 v19, v8  }
0x41e: {  	v8 =	vsel vm11, $0x1, v1;
	v18 =	vadd.s32 v63, v18  }
0x41f: {  	v8 =	vadd.s32 v8, v18  }
0x420: {  	s29 =	sadd.s32 $0xFFFFFFC0, s15;
	(xrf0) =	vadd.scan.msk.s32 $0xffff, v8  }
0x421: {  	[tilespmem:s29+$0x0] =	vst v23  }
0x422: {  	[tilespmem:s29+$0xFFFFFFF0] =	vst v17  }
0x423: {  	[tilespmem:s29+$0xFFFFFFE0] =	vst v50  }
0x424: {  	[tilespmem:s29+$0xFFFFFFD0] =	vst v10;
	s3 =	sadd.s32 $0xFFFFFFC0, s29  }
0x425: {  	[tilespmem:s3+$0x0] =	vst v22  }
0x426: {  	[tilespmem:s3+$0xFFFFFFF0] =	vst v15;
	v10, _, _ =	vpop (xrf0)  }
0x427: {  	[tilespmem:s3+$0xFFFFFFE0] =	vst v16;
	v8 =	vbroadcast v10, $0xF  }
0x428: {  	[tilespmem:s3+$0xFFFFFFD0] =	vst v9;
	s3 =	sadd.s32 $0xFFFFFFC0, s3  }
0x429: {  	[tilespmem:s3+$0x0] =	vst v14  }
0x42a: {  	[tilespmem:s3+$0xFFFFFFF0] =	vst v12  }
0x42b: {  	[tilespmem:s3+$0xFFFFFFE0] =	vst v11  }
0x42c: {  	[tilespmem:s3+$0xFFFFFFD0] =	vst v19  }
0x42d: {  	v9 =	vld.idx.msk [tilespmem:v8+s26+$0x0], $0xffff;
	_ =	sdelay $0x4  }
0x42e: {  	v9 =	vxor.u32 $0x80000000, v9  }
0x42f: {  	(xrf0) =	vmax.scan.msk.u32 $0xffff, v9;
	_ =	sdelay $0x4  }
0x430: {  	(v2sf) =	vpush v20, $0x0  }
0x431: {  	(v2sf) =	vpush v10, $0xF;
	v9, _, _ =	vpop (xrf0)  }
0x432: {  	(v2sf) =	vpush v9, $0xF;
	_ =	sdelay $0xa  }
.Ltmp20:
0x433: {  	_ = 	snop;
	(pc) =	sbr.rel @p0 .LBB2_37-.Ltmp20, $4  }
0x434: {  	_ = 	snop  }
0x435: {  	s31 =	spop (v2sf)  }
0x436: {  	s15 =	spop (v2sf)  }
0x437: {  	s22 =	spop (v2sf)  }
0x438: {  	s24 =	simm.s32 $0x8010  }
0x439: {  	v16 =	vld [tilespmem:s24+$0xFFFFFFF0]  }
0x43a: {  	p1 =	sgt.s32 s20, $0x2  }
.Ltmp21:
0x43b: {  	_ = 	snop;
	(pc) =	sbr.rel @!p1 .LBB2_49-.Ltmp21, $4  }
0x43c: {  	_ = 	snop  }
0x43d: {  	v10 =	vimm.s32 $0x80000000  }
0x43e: {  	v11 =	vand.u32 $0x1, v0;
	vm6 =	vmmov $0x3;
	vm0 =	vgt.s32 v10, v16  }
0x43f: {  	s23 =	simm.s32 $0x10;
	p0 =	por $0x0, $0x0;
	v9 =	vld [tilespmem:s24+$0x0];
	v11 =	vmul.u32 $0x800, v11;
	v15 =	vand.u32 $0x7FF, v16;
	v12 =	vsel vm0, v10, v16  }
0x440: {  	s3 =	simm.s32 $0x0;
	v13 =	vor.u32 s23, v0;
	v14 =	vshrl.u32 v16, $0xB  }
0x441: {  	v16 =	vor.u32 s3, v0;
	v14 =	vand.u32 $0x7FF, v14;
	vm3 =	vlt.s32 v13, v7  }
0x442: {  	v13 =	vimm.s32 $0x0;
	vm0 =	vlt.s32 v16, v7;
	vm1 =	veq.s32 v14, v8  }
0x443: {  	v13 =	vsel vm6, $0xFFFFFFFF, v13;
	vm2 =	vmand vm0, vm1  }
0x444: {  	vm1 =	vlt.s32 v14, v8;
	[tilespmem:$0x1FFD0] =	vst v13;
	v13 =	vor.u32 v11, v15;
	v17 =	vshrl.u32 v9, $0xB  }
0x445: {  	vm5 =	vmand vm2, vm6;
	vm0 =	vmand vm0, vm1;
	v17 =	vand.u32 $0x7FF, v17  }
0x446: {  	v10 =	vsel vm0, v12, v10;
	vm0 =	vmand vm2, vm7;
	vm4 =	veq.s32 v17, v8  }
0x447: {  	s24 =	simm.s32 $0x8030;
	v16 =	vand.u32 $0x7FF, v9;
	vm10 =	vmand vm2, vm15;
	vm4 =	vmand vm3, vm4  }
0x448: {  	v14 =	vor.u32 v11, v16;
	v16 =	vld [tilespmem:s24+$0xFFFFFFF0];
	vm6 =	vmand vm4, vm6  }
0x449: {  	vm8 =	vmand vm2, vm14;
	vm1 =	vgt.s32 v10, v9;
	vm9 =	vmand vm4, vm7  }
0x44a: {  	v12 =	vsel vm1, v10, v9;
	vm1 =	vlt.s32 v17, v8;
	v9 =	vld [tilespmem:s24+$0x0];
	vm11 =	vmand vm4, vm15  }
0x44b: {  	p1 =	sgt.s32 s20, $0x4;
	vm1 =	vmand vm3, vm1;
	vm15 =	vmand vm4, vm14;
	vm3 =	vcmask $0x3730;
	[tilespmem:v13+s19+$0x0] =	vst.idx.add.s32.msk vm5, v3  }
.Ltmp22:
0x44c: {  	v10 =	vsel vm1, v12, v10;
	vm1 =	vmand vm4, vm12;
	vm14 =	vmand vm4, vm3;
	[tilespmem:v13+s19+$0x0] =	vst.idx.add.s32.msk vm0, v3;
	(pc) =	sbr.rel @!p1 .LBB2_51-.Ltmp22, $4  }
0x44d: {  	vm5 =	vmmov vm12;
	v15 =	vand.u32 $0x7FF, v16;
	vm0 =	vgt.s32 v10, v16;
	[tilespmem:v13+s19+$0x0] =	vst.idx.add.s32.msk vm10, v3  }
0x44e: {  	v12 =	vsel vm0, v10, v16;
	vm0 =	vcmask $0x3F38;
	[tilespmem:v14+s19+$0x0] =	vst.idx.add.s32.msk vm6, v3;
	vm6 =	vcmask $0x2F28  }
0x44f: {  	vm10 =	vmand vm2, vm3;
	vm12 =	vmand vm4, vm0;
	vm13 =	vmand vm4, vm6;
	[tilespmem:v14+s19+$0x0] =	vst.idx.add.s32.msk vm9, v3  }
0x450: {  	s25 =	simm.s32 $0x4;
	s23 =	simm.s32 $0x30;
	p0 =	por $0x1, $0x1;
	vm9 =	vmand vm2, vm0;
	vm0 =	vmand vm2, vm5;
	[tilespmem:v14+s19+$0x0] =	vst.idx.add.s32.msk vm11, v3;
	vm11 =	vmand vm2, vm6  }
.LBB2_52:
0x451: {  	_ =	sdelay $0x1  }
0x452: {  	[tilespmem:v14+s19+$0x0] =	vst.idx.add.s32.msk vm1, v3  }
0x453: {  	v17 =	vor.u32 s23, v0;
	v18 =	vshrl.u32 v9, $0xB;
	s3 =	sadd.s32 $0xFFFFFFF0, s23;
	[tilespmem:v14+s19+$0x0] =	vst.idx.add.s32.msk vm15, v3  }
0x454: {  	vm1 =	vlt.s32 v17, v7;
	v17 =	vand.u32 $0x7FF, v18;
	v18 =	vor.u32 s3, v0;
	[tilespmem:v14+s19+$0x0] =	vst.idx.add.s32.msk vm13, v3  }
0x455: {  	vm13 =	vlt.s32 v18, v7;
	v18 =	vld [tilespmem:$0x1FFD0]  }
0x456: {  	v16 =	vshrl.u32 v16, $0xB  }
0x457: {  	s24 =	sadd.s32 $0x20, s24;
	v16 =	vand.u32 $0x7FF, v16;
	vm2 =	veq.s32 v17, v8  }
0x458: {  	vm4 =	veq.s32 v16, v8;
	vm6 =	vlt.s32 v16, v8;
	v16 =	vld [tilespmem:s24+$0xFFFFFFF0];
	vm3 =	vmand vm1, vm2  }
0x459: {  	[tilespmem:v14+s19+$0x0] =	vst.idx.add.s32.msk vm14, v3;
	vm14 =	vlt.s32 v17, v8;
	vm2 =	vmand vm13, vm4;
	vm4 =	vmand vm13, vm6  }
0x45a: {  	[tilespmem:v13+s19+$0x0] =	vst.idx.add.s32.msk vm0, v3;
	v17 =	vor.u32 v11, v15;
	vm13 =	vcmask $0x1710;
	vm7 =	vnez.u8 v18  }
0x45b: {  	[tilespmem:v13+s19+$0x0] =	vst.idx.add.s32.msk vm8, v3;
	vm5 =	vmand vm3, vm7;
	vm6 =	vmand vm2, vm7;
	vm7 =	vcmask $0xF08  }
0x45c: {  	v10 =	vsel vm4, v12, v10;
	[tilespmem:v13+s19+$0x0] =	vst.idx.add.s32.msk vm11, v3;
	vm0 =	vmand vm3, vm7;
	vm7 =	vmand vm2, vm7  }
0x45d: {  	vm4 =	vmand vm3, vm13;
	v12 =	vimm.s32 $0x0;
	[tilespmem:v13+s19+$0x0] =	vst.idx.add.s32.msk vm10, v3;
	vm10 =	vmand vm2, vm13  }
0x45e: {  	[tilespmem:v14+s19+$0x0] =	vst.idx.add.s32.msk vm12, v3;
	v12 =	vsel vm4, $0xFFFFFFFF, v12  }
0x45f: {  	[tilespmem:$0x1FFC0] =	vst v12  }
0x460: {  	[tilespmem:v13+s19+$0x0] =	vst.idx.add.s32.msk vm9, v3  }
0x461: {  	v19 =	vand.u32 $0x7FF, v9;
	[tilespmem:v17+s19+$0x0] =	vst.idx.add.s32.msk vm6, v3  }
0x462: {  	v14 =	vor.u32 v11, v19;
	[tilespmem:v17+s19+$0x0] =	vst.idx.add.s32.msk vm7, v3  }
0x463: {  	vm12 =	vgt.s32 v10, v9;
	[tilespmem:v17+s19+$0x0] =	vst.idx.add.s32.msk vm10, v3  }
0x464: {  	vm1 =	vmand vm1, vm14;
	vm4 =	vcmask $0x2720;
	v9 =	vsel vm12, v10, v9;
	v13 =	vmovc v17;
	v17 =	vld [tilespmem:$0x1FFC0]  }
0x465: {  	vm11 =	vcmask $0x1F18;
	vm8 =	vmand vm2, vm4;
	v10 =	vsel vm1, v9, v10  }
0x466: {  	vm15 =	vmand vm3, vm4;
	vm4 =	vcmask $0x2F28;
	v9 =	vld [tilespmem:s24+$0x0];
	vm6 =	vgt.s32 v10, v16  }
0x467: {  	vm1 =	vmand vm3, vm11;
	[tilespmem:v14+s19+$0x0] =	vst.idx.add.s32.msk vm5, v3;
	vm5 =	vcmask $0x3730;
	v12 =	vsel vm6, v10, v16  }
0x468: {  	vm6 =	vcmask $0x3F38;
	[tilespmem:v14+s19+$0x0] =	vst.idx.add.s32.msk vm0, v3;
	vm0 =	vmand vm2, vm11;
	vm11 =	vmand vm2, vm4  }
0x469: {  	s25 =	sadd.s32 $0x2, s25;
	vm10 =	vmand vm2, vm5;
	vm9 =	vmand vm2, vm6;
	vm2 =	vnez.u8 v17  }
0x46a: {  	p1 =	slt.s32 s25, s20  }
.Ltmp23:
0x46b: {  	_ = 	snop;
	(pc) =	sbr.rel @p1 .LBB2_52-.Ltmp23, $3  }
0x46c: {  	_ =	sdelay $0x1  }
0x46d: {  	vm13 =	vmand vm3, vm4  }
0x46e: {  	s23 =	sadd.s32 $0x20, s23;
	v15 =	vand.u32 $0x7FF, v16;
	vm14 =	vmand vm3, vm5;
	vm12 =	vmand vm3, vm6;
	[tilespmem:v14+s19+$0x0] =	vst.idx.add.s32.msk vm2, v3  }
0x46f: {  	v17 =	vld [tilespmem:$0x1FFD0];
	_ =	sdelay $0x4  }
0x470: {  	vm6 =	vnez.u8 v17  }
.LBB2_54:
0x471: {  	_ =	sdelay $0x4  }
0x472: {  	v17 =	vor.u32 s23, v0;
	[tilespmem:v14+s19+$0x0] =	vst.idx.add.s32.msk @p0 vm1, v3;
	s3 =	sadd.s32 $0xFFFFFFF0, s23;
	v16 =	vshrl.u32 v16, $0xB  }
0x473: {  	v18 =	vshrl.u32 v9, $0xB;
	[tilespmem:v13+s19+$0x0] =	vst.idx.add.s32.msk @p0 vm0, v3;
	v19 =	vor.u32 s3, v0;
	v16 =	vand.u32 $0x7FF, v16  }
0x474: {  	[tilespmem:v14+s19+$0x0] =	vst.idx.add.s32.msk @p0 vm15, v3;
	v18 =	vand.u32 $0x7FF, v18;
	vm3 =	veq.s32 v16, v8;
	vm2 =	vlt.s32 v19, v7  }
0x475: {  	vm1 =	vlt.s32 v17, v7;
	[tilespmem:v14+s19+$0x0] =	vst.idx.add.s32.msk @p0 vm13, v3;
	vm4 =	veq.s32 v18, v8;
	vm3 =	vmand vm2, vm3  }
0x476: {  	v63 =	vand.u32 $0x7FF, v9;
	[tilespmem:v14+s19+$0x0] =	vst.idx.add.s32.msk @p0 vm14, v3;
	vm4 =	vmand vm1, vm4;
	vm5 =	vmand vm3, vm6  }
0x477: {  	v15 =	vor.u32 v11, v15;
	vm7 =	vcmask $0xF08;
	[tilespmem:v14+s19+$0x0] =	vst.idx.add.s32.msk @p0 vm12, v3;
	vm12 =	vmand vm4, vm6  }
0x478: {  	v11 =	vor.u32 v11, v63;
	[tilespmem:v13+s19+$0x0] =	vst.idx.add.s32.msk @p0 vm8, v3;
	vm13 =	vmand vm3, vm7  }
0x479: {  	[tilespmem:v13+s19+$0x0] =	vst.idx.add.s32.msk @p0 vm11, v3;
	vm14 =	vcmask $0x1710;
	vm7 =	vmand vm4, vm7  }
0x47a: {  	[tilespmem:v13+s19+$0x0] =	vst.idx.add.s32.msk @p0 vm10, v3;
	vm8 =	vmand vm3, vm14  }
0x47b: {  	vm10 =	vcmask $0x1F18;
	[tilespmem:v13+s19+$0x0] =	vst.idx.add.s32.msk @p0 vm9, v3;
	vm9 =	vmand vm4, vm14  }
0x47c: {  	vm15 =	vmand vm3, vm10;
	[tilespmem:v15+s19+$0x0] =	vst.idx.add.s32.msk vm5, v3  }
0x47d: {  	vm11 =	vcmask $0x2720;
	vm5 =	vmand vm4, vm10;
	[tilespmem:v11+s19+$0x0] =	vst.idx.add.s32.msk vm12, v3  }
0x47e: {  	vm10 =	vmand vm3, vm11;
	[tilespmem:v15+s19+$0x0] =	vst.idx.add.s32.msk vm13, v3  }
0x47f: {  	vm0 =	vmand vm4, vm11;
	vm12 =	vcmask $0x2F28;
	[tilespmem:v11+s19+$0x0] =	vst.idx.add.s32.msk vm7, v3  }
0x480: {  	vm11 =	vmand vm3, vm12;
	[tilespmem:v15+s19+$0x0] =	vst.idx.add.s32.msk vm8, v3  }
0x481: {  	vm6 =	vmand vm4, vm12;
	vm13 =	vcmask $0x3730;
	[tilespmem:v11+s19+$0x0] =	vst.idx.add.s32.msk vm9, v3  }
0x482: {  	vm12 =	vmand vm3, vm13;
	[tilespmem:v15+s19+$0x0] =	vst.idx.add.s32.msk vm15, v3  }
0x483: {  	vm14 =	vcmask $0x3F38;
	vm7 =	vmand vm4, vm13;
	[tilespmem:v11+s19+$0x0] =	vst.idx.add.s32.msk vm5, v3  }
0x484: {  	vm3 =	vmand vm3, vm14;
	[tilespmem:v15+s19+$0x0] =	vst.idx.add.s32.msk vm10, v3  }
0x485: {  	vm4 =	vmand vm4, vm14;
	[tilespmem:v11+s19+$0x0] =	vst.idx.add.s32.msk vm0, v3  }
0x486: {  	vm13 =	vlt.s32 v16, v8;
	[tilespmem:v15+s19+$0x0] =	vst.idx.add.s32.msk vm11, v3  }
.Ltmp24:
0x487: {  	vm2 =	vmand vm2, vm13;
	[tilespmem:v11+s19+$0x0] =	vst.idx.add.s32.msk vm6, v3;
	(pc) =	sbr.rel .LBB2_38-.Ltmp24, $4  }
0x488: {  	v10 =	vsel vm2, v12, v10;
	[tilespmem:v15+s19+$0x0] =	vst.idx.add.s32.msk vm12, v3  }
0x489: {  	vm14 =	vlt.s32 v18, v8;
	vm15 =	vgt.s32 v10, v9;
	[tilespmem:v11+s19+$0x0] =	vst.idx.add.s32.msk vm7, v3  }
0x48a: {  	vm1 =	vmand vm1, vm14;
	v9 =	vsel vm15, v10, v9;
	[tilespmem:v15+s19+$0x0] =	vst.idx.add.s32.msk vm3, v3  }
0x48b: {  	v9 =	vsel vm1, v9, v10;
	[tilespmem:v11+s19+$0x0] =	vst.idx.add.s32.msk vm4, v3  }
.LBB2_37:
0x48c: {  	v9 =	vimm.s32 $0x80000000  }
.LBB2_38:
0x48d: {  	p0 =	slt.s32 s21, $0x1  }
0x48e: {  	s3 =	sshll.u32 @!p0 s20, $0x4  }
0x48f: {  	v10 =	vld @!p0 [tilespmem:s3+$0x8000];
	_ =	sdelay $0x4  }
0x490: {  	v11 =	vlaneseq.u32 @!p0;
	v12 =	vshrl.u32 @!p0 v10, $0xB  }
0x491: {  	v13 =	vor.u32 @!p0 s3, v11;
	v12 =	vand.u32 @!p0 $0x7FF, v12  }
0x492: {  	vm0 =	vlt.s32 @!p0 v13, v7;
	v7 =	vand.u32 @!p0 $0x1, v11;
	vm1 =	veq.s32 @!p0 v12, v8  }
0x493: {  	vm2 =	vmmov @!p0 $0x3;
	v7 =	vmul.u32 @!p0 $0x800, v7;
	vm1 =	vmand @!p0 vm0, vm1  }
0x494: {  	vm3 =	vcmask @!p0 $0xF08;
	v11 =	vand.u32 @!p0 $0x7FF, v10;
	vm2 =	vmand @!p0 vm1, vm2  }
0x495: {  	vm4 =	vcmask @!p0 $0x1710;
	v7 =	vor.u32 @!p0 v7, v11;
	vm3 =	vmand @!p0 vm1, vm3  }
0x496: {  	vm5 =	vcmask @!p0 $0x1F18;
	vm4 =	vmand @!p0 vm1, vm4  }
0x497: {  	vm6 =	vcmask @!p0 $0x2720;
	vm5 =	vmand @!p0 vm1, vm5  }
0x498: {  	vm7 =	vcmask @!p0 $0x2F28;
	vm6 =	vmand @!p0 vm1, vm6  }
0x499: {  	vm8 =	vcmask @!p0 $0x3730;
	s3 =	simm.s32 @!p0 $0x14000;
	v11 =	vimm.s32 @!p0 $0x1;
	vm7 =	vmand @!p0 vm1, vm7  }
0x49a: {  	[tilespmem:v7+s3+$0x0] =	vst.idx.add.s32.msk @!p0 vm2, v11;
	vm2 =	vmand @!p0 vm1, vm8;
	vm8 =	vcmask @!p0 $0x3F38  }
0x49b: {  	[tilespmem:v7+s3+$0x0] =	vst.idx.add.s32.msk @!p0 vm3, v11;
	vm1 =	vmand @!p0 vm1, vm8  }
0x49c: {  	[tilespmem:v7+s3+$0x0] =	vst.idx.add.s32.msk @!p0 vm4, v11  }
0x49d: {  	[tilespmem:v7+s3+$0x0] =	vst.idx.add.s32.msk @!p0 vm5, v11  }
0x49e: {  	[tilespmem:v7+s3+$0x0] =	vst.idx.add.s32.msk @!p0 vm6, v11  }
0x49f: {  	vm3 =	vlt.s32 @!p0 v12, v8;
	vm4 =	vgt.s32 @!p0 v9, v10;
	[tilespmem:v7+s3+$0x0] =	vst.idx.add.s32.msk @!p0 vm7, v11  }
0x4a0: {  	vm0 =	vmand @!p0 vm0, vm3;
	v8 =	vsel @!p0 vm4, v9, v10;
	[tilespmem:v7+s3+$0x0] =	vst.idx.add.s32.msk @!p0 vm2, v11  }
0x4a1: {  	s31 =	simm.s32 $0x14800;
	v8 =	vsel @!p0 vm0, v8, v9;
	[tilespmem:v7+s3+$0x0] =	vst.idx.add.s32.msk @!p0 vm1, v11  }
0x4a2: {  	v7 =	vpsel p0, v9, v8;
	v8 =	vld [tilespmem:s31+$0xFFFFF800]  }
0x4a3: {  	v9 =	vld [tilespmem:s31+$0xFFFFF870];
	[tilespmem:s31+$0xFFFFF800] =	vst v1  }
0x4a4: {  	v10 =	vld [tilespmem:s31+$0x70];
	[tilespmem:s31+$0xFFFFF870] =	vst v1  }
0x4a5: {  	v11 =	vld [tilespmem:s31+$0x60];
	[tilespmem:s31+$0x70] =	vst v1  }
0x4a6: {  	v59 =	vld [tilespmem:s31+$0xFFFFF860];
	[tilespmem:s31+$0x60] =	vst v1  }
0x4a7: {  	v60 =	vld [tilespmem:s31+$0xFFFFF840];
	[tilespmem:s31+$0xFFFFF860] =	vst v1  }
0x4a8: {  	v14 =	vld [tilespmem:s31+$0x0];
	[tilespmem:s31+$0xFFFFF840] =	vst v1  }
0x4a9: {  	v15 =	vld [tilespmem:s31+$0xFFFFF810];
	[tilespmem:s31+$0x0] =	vst v1  }
0x4aa: {  	v16 =	vld [tilespmem:s31+$0x10];
	[tilespmem:s31+$0xFFFFF810] =	vst v1  }
0x4ab: {  	v17 =	vld [tilespmem:s31+$0x50];
	[tilespmem:s31+$0x10] =	vst v1  }
0x4ac: {  	v18 =	vld [tilespmem:s31+$0x40];
	[tilespmem:s31+$0x50] =	vst v1  }
0x4ad: {  	v19 =	vld [tilespmem:s31+$0x20];
	[tilespmem:s31+$0x20] =	vst v1  }
0x4ae: {  	[tilespmem:s31+$0x40] =	vst v1  }
0x4af: {  	v61 =	vld [tilespmem:s31+$0x30];
	[tilespmem:s31+$0x30] =	vst v1  }
0x4b0: {  	v62 =	vld [tilespmem:s31+$0xFFFFF820];
	[tilespmem:s31+$0xFFFFF820] =	vst v1  }
0x4b1: {  	s21 =	simm.s32 $0x15040;
	v63 =	vld [tilespmem:s31+$0xFFFFF830];
	[tilespmem:s31+$0xFFFFF830] =	vst v1;
	v8 =	vadd.s32 v8, v14  }
0x4b2: {  	v13 =	vadd.s32 v60, v18;
	[tilespmem:s21+$0xFFFFFFC0] =	vst v8;
	v8 =	vld [tilespmem:s31+$0xFFFFF850]  }
0x4b3: {  	[tilespmem:s21+$0x0] =	vst v13  }
0x4b4: {  	v11 =	vadd.s32 v59, v11;
	[tilespmem:s31+$0xFFFFF850] =	vst v1  }
0x4b5: {  	v9 =	vadd.s32 v9, v10;
	[tilespmem:s21+$0x20] =	vst v11  }
0x4b6: {  	v11 =	vadd.s32 v62, v19;
	[tilespmem:s21+$0x30] =	vst v9  }
0x4b7: {  	[tilespmem:s21+$0xFFFFFFE0] =	vst v11;
	v8 =	vadd.s32 v8, v17  }
0x4b8: {  	s20 =	sxor.u32 $0x80000000, s22;
	[tilespmem:s21+$0x10] =	vst v8;
	v8 =	vadd.s32 v63, v61  }
0x4b9: {  	s23 =	simm.s32 $0x14880;
	s22 =	simm.s32 $0x0;
	s14 =	ssub.s32 s14, s20;
	[tilespmem:s21+$0xFFFFFFF0] =	vst v8;
	v8 =	vadd.s32 v15, v16  }
.LBB2_39:
0x4ba: {  	v9 =	vld [tilespmem:s23+$0xFFFFF800];
	s22 =	sadd.s32 $0x8, s22;
	[tilespmem:s21+$0xFFFFFFD0] =	vst v8;
	s21 =	sadd.s32 $0x80, s21  }
0x4bb: {  	[tilespmem:s23+$0xFFFFF800] =	vst v1;
	v8 =	vld [tilespmem:s23+$0xFFFFF870];
	p0 =	slt.u32 s22, $0x78  }
0x4bc: {  	[tilespmem:s23+$0xFFFFF870] =	vst v1;
	v10 =	vld [tilespmem:s23+$0x70]  }
0x4bd: {  	v11 =	vld [tilespmem:s23+$0x60];
	[tilespmem:s23+$0x70] =	vst v1  }
0x4be: {  	v12 =	vld [tilespmem:s23+$0xFFFFF860];
	[tilespmem:s23+$0x60] =	vst v1  }
0x4bf: {  	v13 =	vld [tilespmem:s23+$0xFFFFF840];
	[tilespmem:s23+$0xFFFFF860] =	vst v1  }
0x4c0: {  	v14 =	vld [tilespmem:s23+$0x0];
	[tilespmem:s23+$0xFFFFF840] =	vst v1  }
0x4c1: {  	[tilespmem:s23+$0x0] =	vst v1;
	v15 =	vld [tilespmem:s23+$0xFFFFF810];
	v10 =	vadd.s32 v8, v10  }
0x4c2: {  	[tilespmem:s23+$0xFFFFF810] =	vst v1;
	v8 =	vld [tilespmem:s23+$0x10]  }
0x4c3: {  	[tilespmem:s23+$0x10] =	vst v1;
	v16 =	vld [tilespmem:s23+$0x50];
	v11 =	vadd.s32 v12, v11  }
0x4c4: {  	v12 =	vld [tilespmem:s23+$0x20];
	[tilespmem:s23+$0x50] =	vst v1  }
0x4c5: {  	v9 =	vadd.s32 v9, v14;
	[tilespmem:s23+$0x20] =	vst v1;
	v14 =	vld [tilespmem:s23+$0x40]  }
0x4c6: {  	v17 =	vld [tilespmem:s23+$0x30];
	[tilespmem:s23+$0x40] =	vst v1  }
0x4c7: {  	[tilespmem:s21+$0xFFFFFFC0] =	vst v9;
	v8 =	vadd.s32 v15, v8;
	v9 =	vld [tilespmem:s23+$0xFFFFF850]  }
0x4c8: {  	v15 =	vld [tilespmem:s23+$0xFFFFF820];
	[tilespmem:s23+$0x30] =	vst v1  }
0x4c9: {  	[tilespmem:s23+$0xFFFFF820] =	vst v1;
	v18 =	vld [tilespmem:s23+$0xFFFFF830]  }
0x4ca: {  	v13 =	vadd.s32 v13, v14;
	[tilespmem:s23+$0xFFFFF850] =	vst v1  }
0x4cb: {  	[tilespmem:s21+$0x0] =	vst v13  }
0x4cc: {  	v9 =	vadd.s32 v9, v16;
	[tilespmem:s21+$0x20] =	vst v11  }
.Ltmp25:
0x4cd: {  	v11 =	vadd.s32 v15, v12;
	[tilespmem:s21+$0x10] =	vst v9;
	(pc) =	sbr.rel @p0 .LBB2_39-.Ltmp25, $4  }
0x4ce: {  	[tilespmem:s23+$0xFFFFF830] =	vst v1;
	v9 =	vadd.s32 v18, v17  }
0x4cf: {  	[tilespmem:s21+$0xFFFFFFF0] =	vst v9  }
0x4d0: {  	[tilespmem:s21+$0xFFFFFFE0] =	vst v11  }
0x4d1: {  	s23 =	sadd.s32 $0x80, s23;
	[tilespmem:s21+$0x30] =	vst v10  }
0x4d2: {  	[tilespmem:s21+$0xFFFFFFD0] =	vst v8;
	s3 =	simm.s32 $0x157F0  }
0x4d3: {  	v11 =	vld [tilespmem:s3+$0xFFFFFFF0]  }
0x4d4: {  	v14 =	vld [tilespmem:s3+$0xFFFFFFE0]  }
0x4d5: {  	v12 =	vld [tilespmem:s3+$0x0];
	_ =	sdelay $0x2  }
0x4d6: {  	v8 =	vperm.xlane v11, v6  }
0x4d7: {  	v9 =	vperm.xlane v14, v6  }
0x4d8: {  	v10 =	vperm.xlane v12, v6;
	(xrf0) =	vadd.scan.msk.s32 $0xffff, v8  }
0x4d9: {  	(xrf0) =	vadd.scan.msk.s32 $0xffff, v9  }
0x4da: {  	s23 =	simm.s32 $0x157B0;
	v18 =	vld [tilespmem:s3+$0xFFFFFFD0];
	(xrf0) =	vadd.scan.msk.s32 $0xffff, v10  }
0x4db: {  	v17 =	vld [tilespmem:s23+$0xFFFFFFF0];
	_ =	sdelay $0x1  }
0x4dc: {  	v19 =	vld [tilespmem:s23+$0xFFFFFFE0]  }
0x4dd: {  	v21 =	vld [tilespmem:s23+$0x0];
	v8, _, _ =	vpop (xrf0)  }
0x4de: {  	v9 =	vperm.xlane v18, v6;
	v10 =	vld [tilespmem:s23+$0xFFFFFFD0];
	v20 =	vperm.xlane v8, v6;
	v8, _, _ =	vpop (xrf0)  }
0x4df: {  	v13 =	vperm.xlane v17, v6;
	v23 =	vperm.xlane v8, v6;
	v8, _, _ =	vpop (xrf0)  }
0x4e0: {  	(xrf0) =	vadd.scan.msk.s32 $0xffff, v9;
	(v2sf) =	vpush v20, $0x0;
	v24 =	vperm.xlane v8, v6  }
0x4e1: {  	(xrf0) =	vadd.scan.msk.s32 $0xffff, v13;
	v8 =	vperm.xlane v19, v6;
	(v2sf) =	vpush v23, $0x0  }
0x4e2: {  	s24 =	simm.s32 $0x15770;
	v9 =	vperm.xlane v21, v6;
	(v2sf) =	vpush v24, $0x0  }
0x4e3: {  	v15 =	vld [tilespmem:s24+$0xFFFFFFF0];
	(xrf0) =	vadd.scan.msk.s32 $0xffff, v8;
	v8 =	vperm.xlane v10, v6  }
0x4e4: {  	(xrf0) =	vadd.scan.msk.s32 $0xffff, v9  }
0x4e5: {  	v16 =	vld [tilespmem:s24+$0xFFFFFFE0]  }
0x4e6: {  	v22 =	vld [tilespmem:s24+$0x0];
	v13, _, _ =	vpop (xrf0)  }
0x4e7: {  	v25 =	vperm.xlane v13, v6;
	v9 =	vld [tilespmem:s24+$0xFFFFFFD0];
	(xrf0) =	vadd.scan.msk.s32 $0xffff, v8;
	v8, _, _ =	vpop (xrf0)  }
0x4e8: {  	v13 =	vperm.xlane v15, v6;
	v26 =	vperm.xlane v8, v6  }
0x4e9: {  	(v2sf) =	vpush v25, $0x0;
	v27, _, _ =	vpop (xrf0)  }
0x4ea: {  	v28 =	vperm.xlane v16, v6;
	(v2sf) =	vpush v26, $0x0;
	v27 =	vperm.xlane v27, v6;
	v29, _, _ =	vpop (xrf0);
	(xrf0) =	vadd.scan.msk.s32 $0xffff, v13  }
0x4eb: {  	v31 =	vperm.xlane v22, v6;
	v29 =	vperm.xlane v29, v6  }
0x4ec: {  	(xrf0) =	vadd.scan.msk.s32 $0xffff, v28;
	v28 =	vsub.s32 v20, v11;
	v20 =	vperm.xlane v9, v6;
	(v2sf) =	vpush v27, $0x0  }
0x4ed: {  	v30 =	vimm.s32 $0x0;
	(xrf0) =	vadd.scan.msk.s32 $0xffff, v31  }
0x4ee: {  	s25 =	simm.s32 $0x15730;
	s5 =	simm.s32 $0x0;
	v61 =	vsub.s32 v23, v14;
	v24 =	vsub.s32 v24, v12;
	v13, _, _ =	vpop (xrf0);
	(v2sf) =	vpush v29, $0x0  }
0x4ef: {  	v12 =	vld [tilespmem:s25+$0xFFFFFFF0];
	v24 =	vadd.s32 s5, v24;
	v8 =	vmov s14;
	v13 =	vperm.xlane v13, v6;
	s6 =	spop (v2sf)  }
0x4f0: {  	v18 =	vsub.s32 v25, v18;
	vm0 =	vge.s32 v24, v8;
	(xrf0) =	vadd.scan.msk.s32 $0xffff, v20;
	v23 =	vsub.s32 v29, v21;
	v20, _, _ =	vpop (xrf0);
	s28 =	spop (v2sf)  }
0x4f1: {  	v11 =	vld [tilespmem:s25+$0xFFFFFFE0];
	v21 =	vsel vm0, $0x1, v1;
	(v2sf) =	vpush v13, $0x0;
	v20 =	vperm.xlane v20, v6;
	s29 =	spop (v2sf)  }
0x4f2: {  	v14 =	vld [tilespmem:s25+$0x0];
	v17 =	vsub.s32 v26, v17;
	v19 =	vsub.s32 v27, v19;
	v26 =	vadd.s32 v21, v30;
	v25, _, _ =	vpop (xrf0);
	s18 =	sadd.s32 $0x0, s29  }
0x4f3: {  	s14 =	simm.s32 $0x15FF0;
	v21 =	vperm.xlane v25, v6;
	v25, _, _ =	vpop (xrf0);
	(v2sf) =	vpush v20, $0x0;
	v27 =	vadd.s32 s18, v28;
	s6 =	sadd.s32 s18, s6  }
0x4f4: {  	v25 =	vperm.xlane v25, v6;
	vm0 =	vge.s32 v27, v8;
	[tilespmem:s14+$0xFFFFFFF0] =	vst v27;
	v27 =	vperm.xlane v12, v6;
	s5 =	sadd.s32 s6, s28  }
0x4f5: {  	(v2sf) =	vpush v21, $0x0;
	v63 =	vadd.s32 s5, v18;
	v18 =	vld [tilespmem:s25+$0xFFFFFFD0]  }
0x4f6: {  	[tilespmem:s14+$0x0] =	vst v24;
	v28 =	vperm.xlane v11, v6;
	v24 =	vadd.s32 s6, v61;
	(v2sf) =	vpush v25, $0x0  }
0x4f7: {  	v29 =	vperm.xlane v14, v6;
	[tilespmem:s14+$0xFFFFFFE0] =	vst v24;
	v62 =	vsel vm0, $0x1, v1;
	(xrf0) =	vadd.scan.msk.s32 $0xffff, v27  }
0x4f8: {  	s21 =	simm.s32 $0xC;
	s31 =	spop (v2sf);
	vm0 =	vge.s32 v24, v8;
	v26 =	vadd.s32 v62, v26;
	[tilespmem:s14+$0xFFFFFFD0] =	vst v63;
	(xrf0) =	vadd.scan.msk.s32 $0xffff, v28;
	v27, _, _ =	vpop (xrf0)  }
0x4f9: {  	s23 =	simm.s32 $0x156F0;
	s22 =	sadd.s32 s5, s31;
	(xrf0) =	vadd.scan.msk.s32 $0xffff, v29;
	s24 =	spop (v2sf);
	v24 =	vperm.xlane v27, v6;
	v27 =	vsel vm0, $0x1, v1;
	vm0 =	vge.s32 v63, v8  }
.LBB2_41:
0x4fa: {  	v29 =	vperm.xlane v18, v6;
	v23 =	vadd.s32 s22, v23;
	v30 =	vsel vm0, $0x1, v1;
	v31 =	vmovc v14;
	v32 =	vmovc v17  }
0x4fb: {  	v28 =	vld [tilespmem:s23+$0xFFFFFFF0];
	s21 =	sadd.s32 $0x4, s21;
	s3 =	spop (v2sf);
	s14 =	sadd.s32 $0xFFFFFFC0, s14;
	v33 =	vmovc v19;
	v34 =	vmovc v10;
	v10 =	vmov v9;
	v9 =	vmov v18;
	v18 =	vmov v13  }
0x4fc: {  	v19 =	vadd.s32 v27, v26;
	v13 =	vmovc v24;
	v35 =	vld [tilespmem:s23+$0xFFFFFFE0];
	p0 =	slt.u32 s21, $0x7C;
	(v2sf) =	vpush v24, $0x0;
	[tilespmem:s14+$0x0] =	vst v23;
	vm0 =	vge.s32 v23, v8  }
0x4fd: {  	v17 =	vsub.s32 v20, v15;
	v23 =	vsub.s32 v25, v22;
	v15 =	vadd.s32 v30, v19;
	v14 =	vld [tilespmem:s23+$0x0];
	(xrf0) =	vadd.scan.msk.s32 $0xffff, v29;
	s5 =	spop (v2sf)  }
0x4fe: {  	v19 =	vsub.s32 v21, v16;
	v22 =	vsub.s32 v18, v34;
	v24 =	vsel vm0, $0x1, v1;
	v20, _, _ =	vpop (xrf0);
	s5 =	sadd.s32 s22, s5  }
0x4ff: {  	v26 =	vadd.s32 v24, v15;
	v20 =	vperm.xlane v20, v6;
	v18, _, _ =	vpop (xrf0);
	v25 =	vadd.s32 s5, v32;
	s5 =	sadd.s32 s5, s24  }
0x500: {  	v21 =	vperm.xlane v18, v6;
	v16, _, _ =	vpop (xrf0);
	[tilespmem:s14+$0xFFFFFFF0] =	vst v25;
	vm0 =	vge.s32 v25, v8;
	v24 =	vadd.s32 s5, v33;
	s3 =	sadd.s32 s5, s3;
	s5 =	spop (v2sf)  }
.Ltmp26:
0x501: {  	v15 =	vmovc v12;
	v27 =	vperm.xlane v28, v6;
	v29 =	vperm.xlane v35, v6;
	v18 =	vld [tilespmem:s23+$0xFFFFFFD0];
	(v2sf) =	vpush v20, $0x0;
	[tilespmem:s14+$0xFFFFFFE0] =	vst v24;
	s22 =	sadd.s32 s3, s5;
	(pc) =	sbr.rel @p0 .LBB2_41-.Ltmp26, $4  }
0x502: {  	v12 =	vmovc v28;
	v25 =	vperm.xlane v16, v6;
	v16 =	vmovc v11;
	v30 =	vperm.xlane v14, v6;
	(v2sf) =	vpush v21, $0x0  }
0x503: {  	v28 =	vadd.s32 s3, v22;
	(xrf0) =	vadd.scan.msk.s32 $0xffff, v27;
	v11, _, _ =	vpop (xrf0);
	v27 =	vsel vm0, $0x1, v1;
	vm0 =	vge.s32 v24, v8  }
0x504: {  	(xrf0) =	vadd.scan.msk.s32 $0xffff, v29;
	v24 =	vperm.xlane v11, v6;
	(v2sf) =	vpush v25, $0x0;
	v26 =	vadd.s32 v27, v26;
	v11 =	vmovc v35  }
0x505: {  	s23 =	sadd.s32 $0xFFFFFFC0, s23;
	v22 =	vmovc v31;
	v27 =	vsel vm0, $0x1, v1;
	vm0 =	vge.s32 v28, v8;
	(xrf0) =	vadd.scan.msk.s32 $0xffff, v30;
	s24 =	spop (v2sf);
	[tilespmem:s14+$0xFFFFFFD0] =	vst v28  }
0x506: {  	_ =	sdelay $0x2  }
0x507: {  	v28, _, _ =	vpop (xrf0)  }
0x508: {  	v28 =	vperm.xlane v28, v6;
	v29, _, _ =	vpop (xrf0)  }
0x509: {  	(v2sf) =	vpush v24, $0x0;
	v29 =	vperm.xlane v29, v6;
	v30, _, _ =	vpop (xrf0)  }
0x50a: {  	(v2sf) =	vpush v28, $0x0;
	v30 =	vperm.xlane v30, v6  }
0x50b: {  	(v2sf) =	vpush v29, $0x0  }
0x50c: {  	(v2sf) =	vpush v30, $0x0  }
0x50d: {  	v31 =	vperm.xlane v18, v6;
	v26 =	vadd.s32 v27, v26;
	s3 =	spop (v2sf)  }
0x50e: {  	v22 =	vsub.s32 v25, v22;
	v23 =	vadd.s32 s22, v23;
	v49 =	vsel vm0, $0x1, v1;
	s5 =	spop (v2sf)  }
0x50f: {  	v15 =	vsub.s32 v20, v15;
	v16 =	vsub.s32 v21, v16;
	v10 =	vsub.s32 v13, v10;
	s5 =	sadd.s32 s22, s5  }
0x510: {  	v9 =	vsub.s32 v24, v9;
	vm0 =	vge.s32 v23, v8;
	(xrf0) =	vadd.scan.msk.s32 $0xffff, v31;
	v17 =	vadd.s32 s5, v17  }
0x511: {  	v50 =	vadd.s32 v49, v26;
	v51 =	vsel vm0, $0x1, v1;
	s5 =	sadd.s32 s5, s24;
	vm0 =	vge.s32 v17, v8  }
0x512: {  	v52 =	vadd.s32 v51, v50;
	v13 =	vadd.s32 s5, v19;
	s3 =	sadd.s32 s5, s3;
	s6 =	spop (v2sf);
	v54 =	vsel vm0, $0x1, v1  }
0x513: {  	vm0 =	vge.s32 v13, v8;
	v10 =	vadd.s32 s3, v10;
	v19 =	vadd.s32 v54, v52;
	s24 =	spop (v2sf)  }
0x514: {  	s5 =	sadd.s32 s3, s6;
	v55 =	vsel vm0, $0x1, v1;
	vm0 =	vge.s32 v10, v8;
	v12 =	vsub.s32 v28, v12;
	s25 =	spop (v2sf)  }
0x515: {  	v56 =	vadd.s32 s5, v22;
	v57 =	vsel vm0, $0x1, v1;
	v19 =	vadd.s32 v55, v19;
	s18 =	spop (v2sf)  }
0x516: {  	v11 =	vsub.s32 v29, v11;
	vm0 =	vge.s32 v56, v8;
	v19 =	vadd.s32 v57, v19;
	v53, _, _ =	vpop (xrf0);
	s5 =	sadd.s32 s5, s18  }
0x517: {  	v58 =	vsel vm0, $0x1, v1;
	v6 =	vperm.xlane v53, v6;
	v15 =	vadd.s32 s5, v15  }
0x518: {  	v14 =	vsub.s32 v30, v14;
	v19 =	vadd.s32 v58, v19;
	s3 =	sadd.s32 s5, s24;
	s28 =	spop (v2sf);
	vm0 =	vge.s32 v15, v8  }
0x519: {  	v63 =	vsub.s32 v6, v18;
	v16 =	vadd.s32 s3, v16;
	s3 =	sadd.s32 s3, s25;
	v59 =	vsel vm0, $0x1, v1;
	s29 =	spop (v2sf)  }
0x51a: {  	s14 =	sadd.s32 $0xFFFFFFC0, s14;
	vm0 =	vge.s32 v16, v8;
	v9 =	vadd.s32 s3, v9;
	s3 =	sadd.s32 s3, s28;
	v19 =	vadd.s32 v59, v19;
	s31 =	spop (v2sf)  }
0x51b: {  	[tilespmem:s14+$0x0] =	vst v23;
	v60 =	vsel vm0, $0x1, v1;
	vm0 =	vge.s32 v9, v8;
	v14 =	vadd.s32 s3, v14;
	s21 =	spop (v2sf)  }
0x51c: {  	[tilespmem:s14+$0xFFFFFFF0] =	vst v17;
	v61 =	vsel vm0, $0x1, v1;
	v19 =	vadd.s32 v60, v19;
	vm0 =	vge.s32 v14, v8;
	s3 =	sadd.s32 s3, s21  }
0x51d: {  	[tilespmem:s14+$0xFFFFFFE0] =	vst v13;
	v19 =	vadd.s32 v61, v19;
	v62 =	vsel vm0, $0x1, v1;
	v12 =	vadd.s32 s3, v12;
	s3 =	sadd.s32 s3, s29  }
0x51e: {  	s22 =	sadd.s32 $0xFFFFFFC0, s14;
	[tilespmem:s14+$0xFFFFFFD0] =	vst v10;
	v17 =	vadd.s32 v62, v19;
	vm0 =	vge.s32 v12, v8;
	v11 =	vadd.s32 s3, v11;
	s3 =	sadd.s32 s3, s31  }
0x51f: {  	[tilespmem:s22+$0x0] =	vst v56;
	v13 =	vsel vm0, $0x1, v1;
	vm0 =	vge.s32 v11, v8;
	v18 =	vadd.s32 s3, v63  }
0x520: {  	[tilespmem:s22+$0xFFFFFFF0] =	vst v15;
	v10 =	vadd.s32 v13, v17;
	v13 =	vsel vm0, $0x1, v1;
	vm0 =	vge.s32 v18, v8  }
0x521: {  	[tilespmem:s22+$0xFFFFFFE0] =	vst v16;
	v8 =	vsel vm0, $0x1, v1;
	v10 =	vadd.s32 v13, v10  }
0x522: {  	(v2sf) =	vpush v6, $0x0;
	[tilespmem:s22+$0xFFFFFFD0] =	vst v9;
	s3 =	sadd.s32 $0xFFFFFFC0, s22;
	v8 =	vadd.s32 v8, v10  }
0x523: {  	[tilespmem:s3+$0x0] =	vst v14;
	(xrf0) =	vadd.scan.msk.s32 $0xffff, v8  }
0x524: {  	[tilespmem:s3+$0xFFFFFFF0] =	vst v12  }
0x525: {  	[tilespmem:s3+$0xFFFFFFE0] =	vst v11  }
0x526: {  	s23 =	simm.s32 $0x15020;
	[tilespmem:s3+$0xFFFFFFD0] =	vst v18  }
0x527: {  	v10 =	vld [tilespmem:s23+$0xFFFFFFE0];
	_ =	sdelay $0x1  }
0x528: {  	v6, _, _ =	vpop (xrf0)  }
0x529: {  	s14 =	simm.s32 $0x0;
	v11 =	vld [tilespmem:s23+$0xFFFFFFF0];
	v8 =	vbroadcast v6, $0xF  }
0x52a: {  	v13 =	vor.u32 s14, v0  }
0x52b: {  	s25 =	simm.s32 $0x10;
	v16 =	vld [tilespmem:s23+$0x0];
	vm0 =	vgt.s32 v10, $0x0;
	vm1 =	vlt.s32 v13, v8  }
0x52c: {  	s24 =	simm.s32 $0x30;
	v15 =	vor.u32 s25, v0;
	vm0 =	vmand vm1, vm0  }
0x52d: {  	s28 =	simm.s32 $0x20;
	v9 =	vor.u32 s24, v0;
	v14 =	vimm.s32 $0xFFFFFFFF;
	v17 =	vnsel vm0, $0xFFFFFFFF, v13;
	v13 =	vld [tilespmem:s23+$0x10]  }
0x52e: {  	v12 =	vor.u32 s28, v0;
	vm1 =	vlt.s32 v15, v8;
	vm0 =	vgt.s32 v11, $0x0  }
0x52f: {  	s29 =	simm.s32 $0x15000;
	vm2 =	vgt.s32 v14, v17;
	vm1 =	vmand vm1, vm0;
	vm0 =	vlt.s32 v12, v8;
	v10 =	vld.idx.msk [tilespmem:v8+s26+$0x0], $0xffff  }
0x530: {  	s21 =	simm.s32 $0x0;
	s31 =	spop (v2sf);
	s22 =	simm.s32 $0x15060;
	v11 =	vld.idx.msk [tilespmem:v8+s29+$0x0], $0xffff;
	v14 =	vsel vm2, v14, v17;
	v15 =	vnsel vm1, $0xFFFFFFFF, v15;
	vm1 =	vgt.s32 v16, $0x0  }
.LBB2_43:
0x531: {  	v16 =	vld [tilespmem:s22+$0xFFFFFFE0];
	s21 =	sadd.s32 $0x4, s21;
	vm2 =	vgt.s32 v14, v15;
	vm0 =	vmand vm0, vm1;
	vm1 =	vlt.s32 v9, v8  }
0x532: {  	p0 =	slt.u32 s21, $0x7C;
	v14 =	vsel vm2, v14, v15;
	v12 =	vnsel vm0, $0xFFFFFFFF, v12;
	vm0 =	vgt.s32 v13, $0x0  }
0x533: {  	s14 =	sadd.s32 $0x40, s14;
	v15 =	vld [tilespmem:s22+$0xFFFFFFF0];
	vm2 =	vgt.s32 v14, v12;
	vm0 =	vmand vm1, vm0  }
0x534: {  	s3 =	sadd.s32 $0x30, s14;
	v12 =	vsel vm2, v14, v12;
	v13 =	vnsel vm0, $0xFFFFFFFF, v9  }
0x535: {  	v14 =	vor.u32 s14, v0;
	v9 =	vor.u32 s3, v0;
	v17 =	vld [tilespmem:s22+$0x0];
	vm0 =	vgt.s32 v12, v13  }
.Ltmp27:
0x536: {  	s5 =	sadd.s32 $0x20, s14;
	s3 =	sadd.s32 $0x10, s14;
	vm2 =	vlt.s32 v14, v8;
	vm1 =	vgt.s32 v16, $0x0;
	v16 =	vsel vm0, v12, v13;
	(pc) =	sbr.rel @p0 .LBB2_43-.Ltmp27, $4  }
0x537: {  	v18 =	vor.u32 s3, v0;
	v12 =	vor.u32 s5, v0;
	vm0 =	vmand vm2, vm1;
	v13 =	vld [tilespmem:s22+$0x10]  }
0x538: {  	vm1 =	vlt.s32 v18, v8;
	v14 =	vnsel vm0, $0xFFFFFFFF, v14;
	vm0 =	vgt.s32 v15, $0x0  }
0x539: {  	vm2 =	vgt.s32 v16, v14;
	vm1 =	vmand vm1, vm0;
	vm0 =	vlt.s32 v12, v8  }
0x53a: {  	s22 =	sadd.s32 $0x40, s22;
	v14 =	vsel vm2, v16, v14;
	v15 =	vnsel vm1, $0xFFFFFFFF, v18;
	vm1 =	vgt.s32 v17, $0x0  }
0x53b: {  	vm2 =	vgt.s32 v14, v15  }
0x53c: {  	vm0 =	vmand vm0, vm1;
	vm14 =	vlt.s32 v9, v8;
	v7 =	vxor.u32 $0x80000000, v7  }
0x53d: {  	v61 =	vsel vm2, v14, v15;
	v12 =	vnsel vm0, $0xFFFFFFFF, v12;
	vm15 =	vgt.s32 v13, $0x0;
	(xrf0) =	vmax.scan.msk.u32 $0xffff, v7  }
0x53e: {  	v7 =	vxor.u32 $0x80000000, v10;
	vm2 =	vgt.s32 v61, v12;
	vm0 =	vmand vm14, vm15  }
0x53f: {  	(xrf0) =	vmax.scan.msk.u32 $0xffff, v7;
	v7 =	vxor.u32 $0x80000000, v11;
	v8 =	vsel vm2, v61, v12;
	v62 =	vnsel vm0, $0xFFFFFFFF, v9  }
0x540: {  	(xrf0) =	vmax.scan.msk.u32 $0xffff, v7;
	vm0 =	vgt.s32 v8, v62  }
0x541: {  	v7 =	vsel vm0, v8, v62  }
0x542: {  	v7 =	vxor.u32 $0x80000000, v7  }
0x543: {  	v63, _, _ =	vpop (xrf0);
	(xrf0) =	vmax.scan.msk.u32 $0xffff, v7  }
0x544: {  	(v2sf) =	vpush v63, $0xF  }
0x545: {  	v7, _, _ =	vpop (xrf0);
	(v2sf) =	vpush v6, $0xF  }
0x546: {  	v6, _, _ =	vpop (xrf0);
	(v2sf) =	vpush v7, $0xF  }
0x547: {  	(v2sf) =	vpush v6, $0xF;
	_ =	sdelay $0x1  }
0x548: {  	v6, _, _ =	vpop (xrf0)  }
0x549: {  	(v2sf) =	vpush v6, $0xF;
	_ =	sdelay $0x8  }
0x54a: {  	s21 =	spop (v2sf)  }
0x54b: {  	s14 =	spop (v2sf)  }
0x54c: {  	s5 =	sadd.s32 s13, s20;
	s3 =	spop (v2sf)  }
0x54d: {  	s6 =	spop (v2sf);
	s3 =	sadd.s32 s3, s5  }
0x54e: {  	p0 =	sne.s32 s21, $0x0;
	s13 =	sadd.s32 s6, s3  }
0x54f: {  	p1 =	sgt.s32 @!p0 s13, $0x667  }
0x550: {  	s20 =	spop (v2sf);
	p1 =	por p0, p1  }
0x551: {  	p2 =	slt.s32 @!p1 s20, $0x0  }
0x552: {  	p2 =	por p1, p2  }
.Ltmp28:
0x553: {  	_ = 	snop;
	(pc) =	sbr.rel @p2 .LBB2_55-.Ltmp28, $1  }
0x554: {  	_ =	sdelay $0x3  }
0x555: {  	s22 =	simm.s32 $0x40  }
0x556: {  	v7 =	vld [tilespmem:s22+$0xFFFFFFC0];
	_ =	sdelay $0x2  }
0x557: {  	v8 =	vld [tilespmem:s22+$0xFFFFFFD0];
	_ =	sdelay $0x1  }
0x558: {  	v9 =	vshra.s32 v7, $0x1F  }
0x559: {  	v10 =	vld [tilespmem:s22+$0xFFFFFFE0];
	v9 =	vand.u32 $0x7FFFFFFF, v9  }
0x55a: {  	v6 =	vimm.s32 $0x80000000;
	v7 =	vxor.u32 v7, v9  }
0x55b: {  	v11 =	vshra.s32 v8, $0x1F;
	v9 =	vshra.s32 v7, $0x16;
	vm0 =	vgt.s32 v6, v7  }
0x55c: {  	vm1 =	vlt.s32 v9, v5;
	v7 =	vsel vm0, v6, v7;
	v9 =	vand.u32 $0x7FFFFFFF, v11;
	v11 =	vld [tilespmem:s22+$0xFFFFFFF0]  }
0x55d: {  	v6 =	vsel vm1, v7, v6;
	v7 =	vxor.u32 v8, v9  }
0x55e: {  	v9 =	vshra.s32 v10, $0x1F;
	v8 =	vshra.s32 v7, $0x16;
	vm0 =	vgt.s32 v6, v7  }
0x55f: {  	vm1 =	vlt.s32 v8, v5;
	v7 =	vsel vm0, v6, v7;
	v8 =	vand.u32 $0x7FFFFFFF, v9;
	v9 =	vld [tilespmem:s22+$0x0]  }
0x560: {  	v6 =	vsel vm1, v7, v6;
	v7 =	vxor.u32 v10, v8  }
0x561: {  	v8 =	vshra.s32 v7, $0x16;
	vm0 =	vgt.s32 v6, v7;
	v10 =	vshra.s32 v11, $0x1F  }
0x562: {  	vm1 =	vlt.s32 v8, v5;
	v7 =	vsel vm0, v6, v7;
	v8 =	vand.u32 $0x7FFFFFFF, v10  }
0x563: {  	v10 =	vld [tilespmem:s22+$0x10];
	v7 =	vsel vm1, v7, v6;
	v6 =	vxor.u32 v11, v8  }
0x564: {  	v8 =	vshra.s32 v6, $0x16;
	vm0 =	vgt.s32 v7, v6;
	v11 =	vshra.s32 v9, $0x1F  }
0x565: {  	vm1 =	vlt.s32 v8, v5;
	v8 =	vsel vm0, v7, v6;
	v11 =	vand.u32 $0x7FFFFFFF, v11  }
0x566: {  	v6 =	vld [tilespmem:s22+$0x20];
	v7 =	vsel vm1, v8, v7;
	v8 =	vxor.u32 v9, v11  }
0x567: {  	v9 =	vshra.s32 v8, $0x16;
	vm0 =	vgt.s32 v7, v8  }
0x568: {  	v11 =	vshra.s32 v10, $0x1F;
	vm1 =	vlt.s32 v9, v5;
	v8 =	vsel vm0, v7, v8  }
0x569: {  	v9 =	vand.u32 $0x7FFFFFFF, v11;
	v8 =	vsel vm1, v8, v7;
	v7 =	vld [tilespmem:s22+$0x30]  }
0x56a: {  	v9 =	vxor.u32 v10, v9  }
0x56b: {  	s21 =	simm.s32 $0x0;
	s22 =	simm.s32 $0xC0;
	v10 =	vshra.s32 v9, $0x16;
	vm0 =	vgt.s32 v8, v9;
	v11 =	vshra.s32 v6, $0x1F  }
.LBB2_46:
0x56c: {  	v12 =	vld [tilespmem:s22+$0xFFFFFFC0];
	s21 =	sadd.s32 $0x8, s21;
	vm1 =	vlt.s32 v10, v5;
	v9 =	vsel vm0, v8, v9;
	v10 =	vand.u32 $0x7FFFFFFF, v11  }
0x56d: {  	p0 =	slt.u32 s21, $0x7F8;
	v8 =	vsel vm1, v9, v8;
	v6 =	vxor.u32 v6, v10  }
0x56e: {  	v9 =	vshra.s32 v6, $0x16;
	vm0 =	vgt.s32 v8, v6;
	v10 =	vshra.s32 v7, $0x1F  }
0x56f: {  	v11 =	vld [tilespmem:s22+$0xFFFFFFD0];
	vm1 =	vlt.s32 v9, v5;
	v6 =	vsel vm0, v8, v6;
	v9 =	vand.u32 $0x7FFFFFFF, v10  }
0x570: {  	v6 =	vsel vm1, v6, v8;
	v7 =	vxor.u32 v7, v9  }
0x571: {  	v8 =	vshra.s32 v12, $0x1F;
	v9 =	vshra.s32 v7, $0x16;
	vm0 =	vgt.s32 v6, v7  }
0x572: {  	v8 =	vand.u32 $0x7FFFFFFF, v8;
	v10 =	vld [tilespmem:s22+$0xFFFFFFE0];
	vm1 =	vlt.s32 v9, v5;
	v7 =	vsel vm0, v6, v7  }
0x573: {  	v8 =	vxor.u32 v12, v8;
	v6 =	vsel vm1, v7, v6  }
0x574: {  	v7 =	vshra.s32 v8, $0x16;
	vm0 =	vgt.s32 v6, v8;
	v9 =	vshra.s32 v11, $0x1F  }
0x575: {  	vm1 =	vlt.s32 v7, v5;
	v7 =	vsel vm0, v6, v8;
	v8 =	vand.u32 $0x7FFFFFFF, v9;
	v9 =	vld [tilespmem:s22+$0xFFFFFFF0]  }
0x576: {  	v6 =	vsel vm1, v7, v6;
	v7 =	vxor.u32 v11, v8  }
0x577: {  	v8 =	vshra.s32 v7, $0x16;
	vm0 =	vgt.s32 v6, v7;
	v11 =	vshra.s32 v10, $0x1F  }
0x578: {  	vm1 =	vlt.s32 v8, v5;
	v7 =	vsel vm0, v6, v7;
	v8 =	vand.u32 $0x7FFFFFFF, v11;
	v11 =	vld [tilespmem:s22+$0x0]  }
0x579: {  	v6 =	vsel vm1, v7, v6;
	v7 =	vxor.u32 v10, v8  }
0x57a: {  	v8 =	vshra.s32 v7, $0x16;
	vm0 =	vgt.s32 v6, v7;
	v10 =	vshra.s32 v9, $0x1F  }
0x57b: {  	vm1 =	vlt.s32 v8, v5;
	v7 =	vsel vm0, v6, v7;
	v8 =	vand.u32 $0x7FFFFFFF, v10;
	v10 =	vld [tilespmem:s22+$0x10]  }
0x57c: {  	v7 =	vsel vm1, v7, v6;
	v6 =	vxor.u32 v9, v8  }
0x57d: {  	v8 =	vshra.s32 v6, $0x16;
	vm0 =	vgt.s32 v7, v6;
	v9 =	vshra.s32 v11, $0x1F  }
0x57e: {  	vm1 =	vlt.s32 v8, v5;
	v8 =	vsel vm0, v7, v6;
	v9 =	vand.u32 $0x7FFFFFFF, v9;
	v6 =	vld [tilespmem:s22+$0x20]  }
.Ltmp29:
0x57f: {  	v8 =	vsel vm1, v8, v7;
	v7 =	vxor.u32 v11, v9;
	(pc) =	sbr.rel @p0 .LBB2_46-.Ltmp29, $4  }
0x580: {  	v9 =	vshra.s32 v7, $0x16;
	vm0 =	vgt.s32 v8, v7;
	v11 =	vshra.s32 v10, $0x1F  }
0x581: {  	vm1 =	vlt.s32 v9, v5;
	v9 =	vsel vm0, v8, v7;
	v11 =	vand.u32 $0x7FFFFFFF, v11;
	v7 =	vld [tilespmem:s22+$0x30]  }
0x582: {  	v8 =	vsel vm1, v9, v8;
	v9 =	vxor.u32 v10, v11  }
0x583: {  	s22 =	sadd.s32 $0x80, s22;
	v10 =	vshra.s32 v9, $0x16;
	vm0 =	vgt.s32 v8, v9;
	v11 =	vshra.s32 v6, $0x1F  }
0x584: {  	vm1 =	vlt.s32 v10, v5;
	v9 =	vsel vm0, v8, v9;
	v59 =	vand.u32 $0x7FFFFFFF, v11  }
0x585: {  	v8 =	vsel vm1, v9, v8;
	v6 =	vxor.u32 v6, v59  }
0x586: {  	v60 =	vshra.s32 v6, $0x16;
	vm12 =	vgt.s32 v8, v6;
	v61 =	vshra.s32 v7, $0x1F  }
0x587: {  	vm13 =	vlt.s32 v60, v5;
	v6 =	vsel vm12, v8, v6;
	v62 =	vand.u32 $0x7FFFFFFF, v61  }
0x588: {  	v6 =	vsel vm13, v6, v8;
	v7 =	vxor.u32 v7, v62  }
0x589: {  	v63 =	vshra.s32 v7, $0x16;
	vm14 =	vgt.s32 v6, v7  }
0x58a: {  	vm15 =	vlt.s32 v63, v5;
	v5 =	vsel vm14, v6, v7  }
0x58b: {  	v5 =	vsel vm15, v5, v6  }
0x58c: {  	v5 =	vxor.u32 $0x80000000, v5  }
0x58d: {  	(xrf0) =	vmax.scan.msk.u32 $0xffff, v5;
	_ =	sdelay $0x5  }
0x58e: {  	v5, _, _ =	vpop (xrf0)  }
0x58f: {  	(v2sf) =	vpush v5, $0xF;
	_ =	sdelay $0xe  }
0x590: {  	s21 =	spop (v2sf)  }
.LBB2_56:
0x591: {  	s3 =	sshll.u32 s12, $0x16;
	s5 =	sshll.u32 s15, $0xB  }
0x592: {  	s6 =	sxor.u32 $0x80000000, s20;
	s3 =	sor.u32 s3, s5  }
0x593: {  	s5 =	sxor.u32 $0x80000000, s21;
	s6 =	sor.u32 s3, s6  }
0x594: {  	p0 =	sgt.s32 s5, s6  }
0x595: {  	p1 =	slt.s32 s20, $0x0;
	s6 =	smov.u32 @p0 s5  }
0x596: {  	s3 =	sor.u32 s3, s14;
	p0 =	sgt.s32 s13, $0x667;
	s5 =	smov.u32 @p1 s6  }
0x597: {  	s5 =	smov.u32 @p0 s3  }
0x598: {  	v5 =	vmov s3;
	v6 =	vmov s5  }
0x599: {  	v5 =	vshra.s32 v5, $0x1F;
	v6 =	vshra.s32 v6, $0x1F  }
0x59a: {  	s31 =	simm.s32 $0x40;
	v5 =	vand.u32 $0x7FFFFFFF, v5;
	v6 =	vand.u32 $0x7FFFFFFF, v6  }
0x59b: {  	v8 =	vld [tilespmem:s31+$0x30];
	v5 =	vxor.u32 s3, v5;
	v6 =	vxor.u32 s5, v6  }
0x59c: {  	v10 =	vld [tilespmem:s31+$0xFFFFFFD0];
	v5 =	vadd.f32 v6, v5  }
0x59d: {  	v12 =	vld [tilespmem:s31+$0xFFFFFFE0]  }
0x59e: {  	v9 =	vld [tilespmem:s31+$0xFFFFFFF0];
	v5 =	vmul.f32 $5.000000000e-01, v5  }
0x59f: {  	v7 =	vld [tilespmem:s31+$0x0]  }
0x5a0: {  	v6 =	vld [tilespmem:s31+$0x10];
	vm0 =	vgt.f32 v8, v5  }
0x5a1: {  	s12 =	simm.s32 $0x8040;
	vm1 =	vgt.f32 v10, v5;
	v8 =	vld [tilespmem:s31+$0x20];
	v13 =	vsel vm0, $0x3F800000, v4  }
0x5a2: {  	s14 =	simm.s32 $0xC0;
	s13 =	simm.s32 $0x0;
	v10 =	vld [tilespmem:s31+$0xFFFFFFC0];
	v11 =	vsel vm1, $0x3F800000, v4;
	vm0 =	vgt.f32 v12, v5;
	[tilespmem:s12+$0x30] =	vst v13  }
.LBB2_57:
0x5a3: {  	v12 =	vld [tilespmem:s14+$0x30];
	s13 =	sadd.s32 $0x8, s13;
	[tilespmem:s12+$0xFFFFFFD0] =	vst v11;
	v11 =	vsel vm0, $0x3F800000, v4;
	vm0 =	vgt.f32 v9, v5  }
0x5a4: {  	v13 =	vld [tilespmem:s14+$0xFFFFFFD0];
	p0 =	slt.u32 s13, $0xF8;
	[tilespmem:s12+$0xFFFFFFE0] =	vst v11;
	v9 =	vsel vm0, $0x3F800000, v4;
	vm0 =	vgt.f32 v7, v5  }
0x5a5: {  	v14 =	vld [tilespmem:s14+$0xFFFFFFE0];
	[tilespmem:s12+$0xFFFFFFF0] =	vst v9;
	v7 =	vsel vm0, $0x3F800000, v4;
	vm0 =	vgt.f32 v6, v5  }
.Ltmp30:
0x5a6: {  	v9 =	vld [tilespmem:s14+$0xFFFFFFF0];
	[tilespmem:s12+$0x0] =	vst v7;
	v6 =	vsel vm0, $0x3F800000, v4;
	vm0 =	vgt.f32 v8, v5;
	(pc) =	sbr.rel @p0 .LBB2_57-.Ltmp30, $4  }
0x5a7: {  	v7 =	vld [tilespmem:s14+$0x0];
	vm1 =	vgt.f32 v10, v5;
	[tilespmem:s12+$0x10] =	vst v6;
	v8 =	vsel vm0, $0x3F800000, v4  }
0x5a8: {  	v6 =	vld [tilespmem:s14+$0x10];
	vm0 =	vgt.f32 v12, v5;
	v10 =	vsel vm1, $0x3F800000, v4;
	[tilespmem:s12+$0x20] =	vst v8  }
0x5a9: {  	vm1 =	vgt.f32 v13, v5;
	v8 =	vld [tilespmem:s14+$0x20];
	v12 =	vsel vm0, $0x3F800000, v4;
	[tilespmem:s12+$0xFFFFFFC0] =	vst v10;
	s12 =	sadd.s32 $0x80, s12  }
0x5aa: {  	v10 =	vld [tilespmem:s14+$0xFFFFFFC0];
	v11 =	vsel vm1, $0x3F800000, v4;
	vm0 =	vgt.f32 v14, v5;
	[tilespmem:s12+$0x30] =	vst v12;
	s14 =	sadd.s32 $0x80, s14  }
0x5ab: {  	[tilespmem:s12+$0xFFFFFFD0] =	vst v11;
	v11 =	vsel vm0, $0x3F800000, v4;
	vm0 =	vgt.f32 v9, v5  }
0x5ac: {  	[tilespmem:s12+$0xFFFFFFE0] =	vst v11;
	v9 =	vsel vm0, $0x3F800000, v4;
	vm0 =	vgt.f32 v7, v5  }
0x5ad: {  	[tilespmem:s12+$0xFFFFFFF0] =	vst v9;
	v7 =	vsel vm0, $0x3F800000, v4;
	vm0 =	vgt.f32 v6, v5  }
0x5ae: {  	[tilespmem:s12+$0x0] =	vst v7;
	v6 =	vsel vm0, $0x3F800000, v4;
	vm0 =	vgt.f32 v8, v5  }
0x5af: {  	vm1 =	vgt.f32 v10, v5;
	[tilespmem:s12+$0x10] =	vst v6;
	v6 =	vsel vm0, $0x3F800000, v4  }
0x5b0: {  	v7 =	vsel vm1, $0x3F800000, v4;
	[tilespmem:s12+$0x20] =	vst v6  }
0x5b1: {  	s3 =	sadd.s32 s2, s11;
	s5 =	simm.s32 $0x8000;
	s31 =	simm.s32 $0x1070;
	[tilespmem:s12+$0xFFFFFFC0] =	vst v7  }
0x5b2: {  	[hbm4b:s3+s7] =	stream.strided.scatter [tilespmem:s5], [sflag:$0x2], $0x1000, s8, s7, $0x38;
	[tilespmem:$0x16000] =	vst v63  }
0x5b3: {  	v8 =	vld [tilespmem:s31+$0x0]  }
0x5b4: {  	v10 =	vld [tilespmem:s31+$0xFFFFFFA0]  }
0x5b5: {  	v12 =	vld [tilespmem:s31+$0xFFFFFFB0]  }
0x5b6: {  	v9 =	vld [tilespmem:s31+$0xFFFFFFC0]  }
0x5b7: {  	v7 =	vld [tilespmem:s31+$0xFFFFFFD0]  }
0x5b8: {  	v6 =	vld [tilespmem:s31+$0xFFFFFFE0];
	vm0 =	vgt.f32 v8, v5  }
0x5b9: {  	s11 =	simm.s32 $0x9070;
	vm1 =	vgt.f32 v10, v5;
	v8 =	vld [tilespmem:s31+$0xFFFFFFF0];
	v13 =	vsel vm0, $0x3F800000, v4  }
0x5ba: {  	s13 =	simm.s32 $0x10F0;
	s12 =	simm.s32 $0x100;
	v10 =	vld [tilespmem:s31+$0xFFFFFF90];
	v11 =	vsel vm1, $0x3F800000, v4;
	vm0 =	vgt.f32 v12, v5;
	[tilespmem:s11+$0x0] =	vst v13  }
.LBB2_59:
0x5bb: {  	v12 =	vld [tilespmem:s13+$0x0];
	s12 =	sadd.s32 $0x8, s12;
	[tilespmem:s11+$0xFFFFFFA0] =	vst v11;
	v11 =	vsel vm0, $0x3F800000, v4;
	vm0 =	vgt.f32 v9, v5  }
0x5bc: {  	v13 =	vld [tilespmem:s13+$0xFFFFFFA0];
	p0 =	slt.u32 s12, $0x1F8;
	[tilespmem:s11+$0xFFFFFFB0] =	vst v11;
	v9 =	vsel vm0, $0x3F800000, v4;
	vm0 =	vgt.f32 v7, v5  }
0x5bd: {  	v14 =	vld [tilespmem:s13+$0xFFFFFFB0];
	[tilespmem:s11+$0xFFFFFFC0] =	vst v9;
	v7 =	vsel vm0, $0x3F800000, v4;
	vm0 =	vgt.f32 v6, v5  }
.Ltmp31:
0x5be: {  	v9 =	vld [tilespmem:s13+$0xFFFFFFC0];
	[tilespmem:s11+$0xFFFFFFD0] =	vst v7;
	v6 =	vsel vm0, $0x3F800000, v4;
	vm0 =	vgt.f32 v8, v5;
	(pc) =	sbr.rel @p0 .LBB2_59-.Ltmp31, $4  }
0x5bf: {  	v7 =	vld [tilespmem:s13+$0xFFFFFFD0];
	vm1 =	vgt.f32 v10, v5;
	[tilespmem:s11+$0xFFFFFFE0] =	vst v6;
	v8 =	vsel vm0, $0x3F800000, v4  }
0x5c0: {  	v6 =	vld [tilespmem:s13+$0xFFFFFFE0];
	vm0 =	vgt.f32 v12, v5;
	v10 =	vsel vm1, $0x3F800000, v4;
	[tilespmem:s11+$0xFFFFFFF0] =	vst v8  }
0x5c1: {  	vm1 =	vgt.f32 v13, v5;
	v8 =	vld [tilespmem:s13+$0xFFFFFFF0];
	v12 =	vsel vm0, $0x3F800000, v4;
	[tilespmem:s11+$0xFFFFFF90] =	vst v10;
	s11 =	sadd.s32 $0x80, s11  }
0x5c2: {  	v10 =	vld [tilespmem:s13+$0xFFFFFF90];
	v11 =	vsel vm1, $0x3F800000, v4;
	vm0 =	vgt.f32 v14, v5;
	[tilespmem:s11+$0x0] =	vst v12;
	s13 =	sadd.s32 $0x80, s13  }
0x5c3: {  	[tilespmem:s11+$0xFFFFFFA0] =	vst v11;
	v11 =	vsel vm0, $0x3F800000, v4;
	vm0 =	vgt.f32 v9, v5  }
0x5c4: {  	[tilespmem:s11+$0xFFFFFFB0] =	vst v11;
	v9 =	vsel vm0, $0x3F800000, v4;
	vm0 =	vgt.f32 v7, v5  }
0x5c5: {  	[tilespmem:s11+$0xFFFFFFC0] =	vst v9;
	v7 =	vsel vm0, $0x3F800000, v4;
	vm0 =	vgt.f32 v6, v5  }
0x5c6: {  	[tilespmem:s11+$0xFFFFFFD0] =	vst v7;
	v6 =	vsel vm0, $0x3F800000, v4;
	vm0 =	vgt.f32 v8, v5  }
0x5c7: {  	vm1 =	vgt.f32 v10, v5;
	[tilespmem:s11+$0xFFFFFFE0] =	vst v6;
	v6 =	vsel vm0, $0x3F800000, v4  }
0x5c8: {  	v7 =	vsel vm1, $0x3F800000, v4;
	[tilespmem:s11+$0xFFFFFFF0] =	vst v6  }
0x5c9: {  	s3 =	sadd.s32 s2, s10;
	s5 =	simm.s32 $0x9000;
	s31 =	simm.s32 $0x2070;
	[tilespmem:s11+$0xFFFFFF90] =	vst v7  }
0x5ca: {  	[hbm4b:s3+s7] =	stream.strided.scatter [tilespmem:s5], [sflag:$0x2], $0x1000, s8, s7, $0x38;
	[tilespmem:$0x16000] =	vst v63  }
0x5cb: {  	v8 =	vld [tilespmem:s31+$0x0]  }
0x5cc: {  	v10 =	vld [tilespmem:s31+$0xFFFFFFA0]  }
0x5cd: {  	v12 =	vld [tilespmem:s31+$0xFFFFFFB0]  }
0x5ce: {  	v9 =	vld [tilespmem:s31+$0xFFFFFFC0]  }
0x5cf: {  	v7 =	vld [tilespmem:s31+$0xFFFFFFD0]  }
0x5d0: {  	v6 =	vld [tilespmem:s31+$0xFFFFFFE0];
	vm0 =	vgt.f32 v8, v5  }
0x5d1: {  	s10 =	simm.s32 $0xA070;
	vm1 =	vgt.f32 v10, v5;
	v8 =	vld [tilespmem:s31+$0xFFFFFFF0];
	v13 =	vsel vm0, $0x3F800000, v4  }
0x5d2: {  	s12 =	simm.s32 $0x20F0;
	s11 =	simm.s32 $0x200;
	v10 =	vld [tilespmem:s31+$0xFFFFFF90];
	v11 =	vsel vm1, $0x3F800000, v4;
	vm0 =	vgt.f32 v12, v5;
	[tilespmem:s10+$0x0] =	vst v13  }
.LBB2_61:
0x5d3: {  	v12 =	vld [tilespmem:s12+$0x0];
	s11 =	sadd.s32 $0x8, s11;
	[tilespmem:s10+$0xFFFFFFA0] =	vst v11;
	v11 =	vsel vm0, $0x3F800000, v4;
	vm0 =	vgt.f32 v9, v5  }
0x5d4: {  	v13 =	vld [tilespmem:s12+$0xFFFFFFA0];
	p0 =	slt.u32 s11, $0x2F8;
	[tilespmem:s10+$0xFFFFFFB0] =	vst v11;
	v9 =	vsel vm0, $0x3F800000, v4;
	vm0 =	vgt.f32 v7, v5  }
0x5d5: {  	v14 =	vld [tilespmem:s12+$0xFFFFFFB0];
	[tilespmem:s10+$0xFFFFFFC0] =	vst v9;
	v7 =	vsel vm0, $0x3F800000, v4;
	vm0 =	vgt.f32 v6, v5  }
.Ltmp32:
0x5d6: {  	v9 =	vld [tilespmem:s12+$0xFFFFFFC0];
	[tilespmem:s10+$0xFFFFFFD0] =	vst v7;
	v6 =	vsel vm0, $0x3F800000, v4;
	vm0 =	vgt.f32 v8, v5;
	(pc) =	sbr.rel @p0 .LBB2_61-.Ltmp32, $4  }
0x5d7: {  	v7 =	vld [tilespmem:s12+$0xFFFFFFD0];
	vm1 =	vgt.f32 v10, v5;
	[tilespmem:s10+$0xFFFFFFE0] =	vst v6;
	v8 =	vsel vm0, $0x3F800000, v4  }
0x5d8: {  	v6 =	vld [tilespmem:s12+$0xFFFFFFE0];
	vm0 =	vgt.f32 v12, v5;
	v10 =	vsel vm1, $0x3F800000, v4;
	[tilespmem:s10+$0xFFFFFFF0] =	vst v8  }
0x5d9: {  	vm1 =	vgt.f32 v13, v5;
	v8 =	vld [tilespmem:s12+$0xFFFFFFF0];
	v12 =	vsel vm0, $0x3F800000, v4;
	[tilespmem:s10+$0xFFFFFF90] =	vst v10;
	s10 =	sadd.s32 $0x80, s10  }
0x5da: {  	v10 =	vld [tilespmem:s12+$0xFFFFFF90];
	v11 =	vsel vm1, $0x3F800000, v4;
	vm0 =	vgt.f32 v14, v5;
	[tilespmem:s10+$0x0] =	vst v12;
	s12 =	sadd.s32 $0x80, s12  }
0x5db: {  	[tilespmem:s10+$0xFFFFFFA0] =	vst v11;
	v11 =	vsel vm0, $0x3F800000, v4;
	vm0 =	vgt.f32 v9, v5  }
0x5dc: {  	[tilespmem:s10+$0xFFFFFFB0] =	vst v11;
	v9 =	vsel vm0, $0x3F800000, v4;
	vm0 =	vgt.f32 v7, v5  }
0x5dd: {  	[tilespmem:s10+$0xFFFFFFC0] =	vst v9;
	v7 =	vsel vm0, $0x3F800000, v4;
	vm0 =	vgt.f32 v6, v5  }
0x5de: {  	[tilespmem:s10+$0xFFFFFFD0] =	vst v7;
	v6 =	vsel vm0, $0x3F800000, v4;
	vm0 =	vgt.f32 v8, v5  }
0x5df: {  	vm1 =	vgt.f32 v10, v5;
	[tilespmem:s10+$0xFFFFFFE0] =	vst v6;
	v6 =	vsel vm0, $0x3F800000, v4  }
0x5e0: {  	v7 =	vsel vm1, $0x3F800000, v4;
	[tilespmem:s10+$0xFFFFFFF0] =	vst v6  }
0x5e1: {  	s3 =	sadd.s32 s2, s9;
	s5 =	simm.s32 $0xA000;
	s31 =	simm.s32 $0x3070;
	[tilespmem:s10+$0xFFFFFF90] =	vst v7  }
0x5e2: {  	[hbm4b:s3+s7] =	stream.strided.scatter [tilespmem:s5], [sflag:$0x2], $0x1000, s8, s7, $0x38;
	[tilespmem:$0x16000] =	vst v63  }
0x5e3: {  	v8 =	vld [tilespmem:s31+$0x0]  }
0x5e4: {  	v10 =	vld [tilespmem:s31+$0xFFFFFFA0]  }
0x5e5: {  	v12 =	vld [tilespmem:s31+$0xFFFFFFB0]  }
0x5e6: {  	v9 =	vld [tilespmem:s31+$0xFFFFFFC0]  }
0x5e7: {  	v7 =	vld [tilespmem:s31+$0xFFFFFFD0]  }
0x5e8: {  	v6 =	vld [tilespmem:s31+$0xFFFFFFE0];
	vm0 =	vgt.f32 v8, v5  }
0x5e9: {  	s9 =	simm.s32 $0xB070;
	vm1 =	vgt.f32 v10, v5;
	v8 =	vld [tilespmem:s31+$0xFFFFFFF0];
	v13 =	vsel vm0, $0x3F800000, v4  }
0x5ea: {  	s11 =	simm.s32 $0x30F0;
	s10 =	simm.s32 $0x300;
	v10 =	vld [tilespmem:s31+$0xFFFFFF90];
	v11 =	vsel vm1, $0x3F800000, v4;
	vm0 =	vgt.f32 v12, v5;
	[tilespmem:s9+$0x0] =	vst v13  }
.LBB2_63:
0x5eb: {  	v12 =	vld [tilespmem:s11+$0x0];
	s10 =	sadd.s32 $0x8, s10;
	[tilespmem:s9+$0xFFFFFFA0] =	vst v11;
	v11 =	vsel vm0, $0x3F800000, v4;
	vm0 =	vgt.f32 v9, v5  }
0x5ec: {  	v13 =	vld [tilespmem:s11+$0xFFFFFFA0];
	p0 =	slt.u32 s10, $0x3F8;
	[tilespmem:s9+$0xFFFFFFB0] =	vst v11;
	v9 =	vsel vm0, $0x3F800000, v4;
	vm0 =	vgt.f32 v7, v5  }
0x5ed: {  	v14 =	vld [tilespmem:s11+$0xFFFFFFB0];
	[tilespmem:s9+$0xFFFFFFC0] =	vst v9;
	v7 =	vsel vm0, $0x3F800000, v4;
	vm0 =	vgt.f32 v6, v5  }
.Ltmp33:
0x5ee: {  	v9 =	vld [tilespmem:s11+$0xFFFFFFC0];
	[tilespmem:s9+$0xFFFFFFD0] =	vst v7;
	v6 =	vsel vm0, $0x3F800000, v4;
	vm0 =	vgt.f32 v8, v5;
	(pc) =	sbr.rel @p0 .LBB2_63-.Ltmp33, $4  }
0x5ef: {  	v7 =	vld [tilespmem:s11+$0xFFFFFFD0];
	vm1 =	vgt.f32 v10, v5;
	[tilespmem:s9+$0xFFFFFFE0] =	vst v6;
	v8 =	vsel vm0, $0x3F800000, v4  }
0x5f0: {  	v6 =	vld [tilespmem:s11+$0xFFFFFFE0];
	vm0 =	vgt.f32 v12, v5;
	v10 =	vsel vm1, $0x3F800000, v4;
	[tilespmem:s9+$0xFFFFFFF0] =	vst v8  }
0x5f1: {  	vm1 =	vgt.f32 v13, v5;
	v8 =	vld [tilespmem:s11+$0xFFFFFFF0];
	v12 =	vsel vm0, $0x3F800000, v4;
	[tilespmem:s9+$0xFFFFFF90] =	vst v10;
	s9 =	sadd.s32 $0x80, s9  }
0x5f2: {  	v10 =	vld [tilespmem:s11+$0xFFFFFF90];
	v11 =	vsel vm1, $0x3F800000, v4;
	vm0 =	vgt.f32 v14, v5;
	[tilespmem:s9+$0x0] =	vst v12;
	s11 =	sadd.s32 $0x80, s11  }
0x5f3: {  	[tilespmem:s9+$0xFFFFFFA0] =	vst v11;
	v11 =	vsel vm0, $0x3F800000, v4;
	vm0 =	vgt.f32 v9, v5  }
0x5f4: {  	[tilespmem:s9+$0xFFFFFFB0] =	vst v11;
	v9 =	vsel vm0, $0x3F800000, v4;
	vm0 =	vgt.f32 v7, v5  }
0x5f5: {  	[tilespmem:s9+$0xFFFFFFC0] =	vst v9;
	v7 =	vsel vm0, $0x3F800000, v4;
	vm0 =	vgt.f32 v6, v5  }
0x5f6: {  	[tilespmem:s9+$0xFFFFFFD0] =	vst v7;
	v6 =	vsel vm0, $0x3F800000, v4;
	vm0 =	vgt.f32 v8, v5  }
0x5f7: {  	vm1 =	vgt.f32 v10, v5;
	[tilespmem:s9+$0xFFFFFFE0] =	vst v6;
	v6 =	vsel vm0, $0x3F800000, v4  }
0x5f8: {  	v7 =	vsel vm1, $0x3F800000, v4;
	[tilespmem:s9+$0xFFFFFFF0] =	vst v6  }
0x5f9: {  	s3 =	sadd.s32 s2, s4;
	s31 =	simm.s32 $0xB000;
	s4 =	simm.s32 $0x0;
	[tilespmem:s9+$0xFFFFFF90] =	vst v7  }
0x5fa: {  	[hbm4b:s3+s7] =	stream.strided.scatter [tilespmem:s31], [sflag:$0x2], $0x1000, s8, s7, $0x38;
	[tilespmem:$0x16000] =	vst v63  }
0x5fb: {  	v8 =	vld [tilespmem:s4+$0x4070]  }
0x5fc: {  	v11 =	vld [tilespmem:s4+$0x4000]  }
0x5fd: {  	v10 =	vld [tilespmem:s4+$0x4010]  }
0x5fe: {  	v9 =	vld [tilespmem:s4+$0x4020]  }
0x5ff: {  	v7 =	vld [tilespmem:s4+$0x4030]  }
0x600: {  	v6 =	vld [tilespmem:s4+$0x4040];
	vm1 =	vgt.f32 v8, v5  }
0x601: {  	s10 =	simm.s32 $0x200;
	s9 =	simm.s32 $0x400;
	vm0 =	vgt.f32 v11, v5;
	v8 =	vld [tilespmem:s4+$0x4050];
	v11 =	vsel vm1, $0x3F800000, v4  }
.LBB2_65:
0x602: {  	s3 =	sshra.s32 s10, $0x2;
	s9 =	sadd.s32 $0x8, s9;
	v12 =	vsel vm0, $0x3F800000, v4;
	vm0 =	vgt.f32 v10, v5;
	v13 =	vld [tilespmem:s4+$0x4060];
	[tilespmem:s4+$0xC070] =	vst v11  }
0x603: {  	v11 =	vld [tilespmem:s3+$0x4070];
	p0 =	slt.u32 s9, $0x4F8;
	[tilespmem:s4+$0xC000] =	vst v12;
	v10 =	vsel vm0, $0x3F800000, v4;
	vm0 =	vgt.f32 v9, v5  }
0x604: {  	v12 =	vld [tilespmem:s3+$0x4000];
	[tilespmem:s4+$0xC010] =	vst v10;
	v9 =	vsel vm0, $0x3F800000, v4;
	vm0 =	vgt.f32 v7, v5  }
.Ltmp34:
0x605: {  	v10 =	vld [tilespmem:s3+$0x4010];
	[tilespmem:s4+$0xC020] =	vst v9;
	v7 =	vsel vm0, $0x3F800000, v4;
	vm0 =	vgt.f32 v6, v5;
	(pc) =	sbr.rel @p0 .LBB2_65-.Ltmp34, $4  }
0x606: {  	v9 =	vld [tilespmem:s3+$0x4020];
	[tilespmem:s4+$0xC030] =	vst v7;
	v6 =	vsel vm0, $0x3F800000, v4;
	vm0 =	vgt.f32 v8, v5  }
0x607: {  	v7 =	vld [tilespmem:s3+$0x4030];
	[tilespmem:s4+$0xC040] =	vst v6;
	v8 =	vsel vm0, $0x3F800000, v4;
	vm0 =	vgt.f32 v13, v5  }
0x608: {  	v6 =	vld [tilespmem:s3+$0x4040];
	vm1 =	vgt.f32 v11, v5;
	[tilespmem:s4+$0xC050] =	vst v8;
	v13 =	vsel vm0, $0x3F800000, v4  }
0x609: {  	s10 =	sadd.s32 $0x200, s10;
	vm0 =	vgt.f32 v12, v5;
	v8 =	vld [tilespmem:s3+$0x4050];
	v11 =	vsel vm1, $0x3F800000, v4;
	[tilespmem:s4+$0xC060] =	vst v13;
	s4 =	smov.u32 s3  }
0x60a: {  	v12 =	vsel vm0, $0x3F800000, v4;
	vm0 =	vgt.f32 v10, v5;
	v10 =	vld [tilespmem:s4+$0x4060];
	[tilespmem:s4+$0xC070] =	vst v11  }
0x60b: {  	[tilespmem:s4+$0xC000] =	vst v12;
	v11 =	vsel vm0, $0x3F800000, v4;
	vm0 =	vgt.f32 v9, v5  }
0x60c: {  	[tilespmem:s4+$0xC010] =	vst v11;
	v9 =	vsel vm0, $0x3F800000, v4;
	vm0 =	vgt.f32 v7, v5  }
0x60d: {  	[tilespmem:s4+$0xC020] =	vst v9;
	v7 =	vsel vm0, $0x3F800000, v4;
	vm0 =	vgt.f32 v6, v5  }
0x60e: {  	[tilespmem:s4+$0xC030] =	vst v7;
	v6 =	vsel vm0, $0x3F800000, v4;
	vm0 =	vgt.f32 v8, v5  }
0x60f: {  	[tilespmem:s4+$0xC040] =	vst v6;
	v6 =	vsel vm0, $0x3F800000, v4;
	vm0 =	vgt.f32 v10, v5  }
0x610: {  	[tilespmem:s4+$0xC050] =	vst v6;
	v6 =	vsel vm0, $0x3F800000, v4  }
0x611: {  	s3 =	sadd.s32 s2, s30;
	s31 =	simm.s32 $0xC000;
	[tilespmem:s4+$0xC060] =	vst v6;
	s4 =	simm.s32 $0x0  }
0x612: {  	[hbm4b:s3+s7] =	stream.strided.scatter [tilespmem:s31], [sflag:$0x2], $0x1000, s8, s7, $0x38;
	[tilespmem:$0x16000] =	vst v63  }
0x613: {  	v8 =	vld [tilespmem:s4+$0x5070]  }
0x614: {  	v11 =	vld [tilespmem:s4+$0x5000]  }
0x615: {  	v10 =	vld [tilespmem:s4+$0x5010]  }
0x616: {  	v9 =	vld [tilespmem:s4+$0x5020]  }
0x617: {  	v7 =	vld [tilespmem:s4+$0x5030]  }
0x618: {  	v6 =	vld [tilespmem:s4+$0x5040];
	vm1 =	vgt.f32 v8, v5  }
0x619: {  	s9 =	simm.s32 $0x500;
	s10 =	simm.s32 $0x200;
	vm0 =	vgt.f32 v11, v5;
	v8 =	vld [tilespmem:s4+$0x5050];
	v11 =	vsel vm1, $0x3F800000, v4  }
.LBB2_67:
0x61a: {  	s3 =	sshra.s32 s10, $0x2;
	s9 =	sadd.s32 $0x8, s9;
	v12 =	vsel vm0, $0x3F800000, v4;
	vm0 =	vgt.f32 v10, v5;
	v13 =	vld [tilespmem:s4+$0x5060];
	[tilespmem:s4+$0xD070] =	vst v11  }
0x61b: {  	v11 =	vld [tilespmem:s3+$0x5070];
	p0 =	slt.u32 s9, $0x5F8;
	[tilespmem:s4+$0xD000] =	vst v12;
	v10 =	vsel vm0, $0x3F800000, v4;
	vm0 =	vgt.f32 v9, v5  }
0x61c: {  	v12 =	vld [tilespmem:s3+$0x5000];
	[tilespmem:s4+$0xD010] =	vst v10;
	v9 =	vsel vm0, $0x3F800000, v4;
	vm0 =	vgt.f32 v7, v5  }
.Ltmp35:
0x61d: {  	v10 =	vld [tilespmem:s3+$0x5010];
	[tilespmem:s4+$0xD020] =	vst v9;
	v7 =	vsel vm0, $0x3F800000, v4;
	vm0 =	vgt.f32 v6, v5;
	(pc) =	sbr.rel @p0 .LBB2_67-.Ltmp35, $4  }
0x61e: {  	v9 =	vld [tilespmem:s3+$0x5020];
	[tilespmem:s4+$0xD030] =	vst v7;
	v6 =	vsel vm0, $0x3F800000, v4;
	vm0 =	vgt.f32 v8, v5  }
0x61f: {  	v7 =	vld [tilespmem:s3+$0x5030];
	[tilespmem:s4+$0xD040] =	vst v6;
	v8 =	vsel vm0, $0x3F800000, v4;
	vm0 =	vgt.f32 v13, v5  }
0x620: {  	v6 =	vld [tilespmem:s3+$0x5040];
	vm1 =	vgt.f32 v11, v5;
	[tilespmem:s4+$0xD050] =	vst v8;
	v13 =	vsel vm0, $0x3F800000, v4  }
0x621: {  	s10 =	sadd.s32 $0x200, s10;
	vm0 =	vgt.f32 v12, v5;
	v8 =	vld [tilespmem:s3+$0x5050];
	v11 =	vsel vm1, $0x3F800000, v4;
	[tilespmem:s4+$0xD060] =	vst v13;
	s4 =	smov.u32 s3  }
0x622: {  	v12 =	vsel vm0, $0x3F800000, v4;
	vm0 =	vgt.f32 v10, v5;
	v10 =	vld [tilespmem:s4+$0x5060];
	[tilespmem:s4+$0xD070] =	vst v11  }
0x623: {  	[tilespmem:s4+$0xD000] =	vst v12;
	v11 =	vsel vm0, $0x3F800000, v4;
	vm0 =	vgt.f32 v9, v5  }
0x624: {  	[tilespmem:s4+$0xD010] =	vst v11;
	v9 =	vsel vm0, $0x3F800000, v4;
	vm0 =	vgt.f32 v7, v5  }
0x625: {  	[tilespmem:s4+$0xD020] =	vst v9;
	v7 =	vsel vm0, $0x3F800000, v4;
	vm0 =	vgt.f32 v6, v5  }
0x626: {  	[tilespmem:s4+$0xD030] =	vst v7;
	v6 =	vsel vm0, $0x3F800000, v4;
	vm0 =	vgt.f32 v8, v5  }
0x627: {  	[tilespmem:s4+$0xD040] =	vst v6;
	v6 =	vsel vm0, $0x3F800000, v4;
	vm0 =	vgt.f32 v10, v5  }
0x628: {  	[tilespmem:s4+$0xD050] =	vst v6;
	v6 =	vsel vm0, $0x3F800000, v4  }
0x629: {  	[tilespmem:s4+$0xD060] =	vst v6  }
0x62a: {  	s3 =	rddreg [dreg:$0x8]  }
0x62b: {  	s31 =	simm.s32 $0xD000;
	s4 =	simm.s32 $0x0;
	s3 =	sadd.s32 s2, s3  }
0x62c: {  	[hbm4b:s3+s7] =	stream.strided.scatter [tilespmem:s31], [sflag:$0x2], $0x1000, s8, s7, $0x38;
	[tilespmem:$0x16000] =	vst v63  }
0x62d: {  	v8 =	vld [tilespmem:s4+$0x6070]  }
0x62e: {  	v11 =	vld [tilespmem:s4+$0x6000]  }
0x62f: {  	v10 =	vld [tilespmem:s4+$0x6010]  }
0x630: {  	v9 =	vld [tilespmem:s4+$0x6020]  }
0x631: {  	v7 =	vld [tilespmem:s4+$0x6030]  }
0x632: {  	v6 =	vld [tilespmem:s4+$0x6040];
	vm1 =	vgt.f32 v8, v5  }
0x633: {  	s9 =	simm.s32 $0x600;
	s10 =	simm.s32 $0x200;
	vm0 =	vgt.f32 v11, v5;
	v8 =	vld [tilespmem:s4+$0x6050];
	v11 =	vsel vm1, $0x3F800000, v4  }
.LBB2_69:
0x634: {  	s3 =	sshra.s32 s10, $0x2;
	s9 =	sadd.s32 $0x8, s9;
	v12 =	vsel vm0, $0x3F800000, v4;
	vm0 =	vgt.f32 v10, v5;
	v13 =	vld [tilespmem:s4+$0x6060];
	[tilespmem:s4+$0xE070] =	vst v11  }
0x635: {  	v11 =	vld [tilespmem:s3+$0x6070];
	p0 =	slt.u32 s9, $0x6F8;
	[tilespmem:s4+$0xE000] =	vst v12;
	v10 =	vsel vm0, $0x3F800000, v4;
	vm0 =	vgt.f32 v9, v5  }
0x636: {  	v12 =	vld [tilespmem:s3+$0x6000];
	[tilespmem:s4+$0xE010] =	vst v10;
	v9 =	vsel vm0, $0x3F800000, v4;
	vm0 =	vgt.f32 v7, v5  }
.Ltmp36:
0x637: {  	v10 =	vld [tilespmem:s3+$0x6010];
	[tilespmem:s4+$0xE020] =	vst v9;
	v7 =	vsel vm0, $0x3F800000, v4;
	vm0 =	vgt.f32 v6, v5;
	(pc) =	sbr.rel @p0 .LBB2_69-.Ltmp36, $4  }
0x638: {  	v9 =	vld [tilespmem:s3+$0x6020];
	[tilespmem:s4+$0xE030] =	vst v7;
	v6 =	vsel vm0, $0x3F800000, v4;
	vm0 =	vgt.f32 v8, v5  }
0x639: {  	v7 =	vld [tilespmem:s3+$0x6030];
	[tilespmem:s4+$0xE040] =	vst v6;
	v8 =	vsel vm0, $0x3F800000, v4;
	vm0 =	vgt.f32 v13, v5  }
0x63a: {  	v6 =	vld [tilespmem:s3+$0x6040];
	vm1 =	vgt.f32 v11, v5;
	[tilespmem:s4+$0xE050] =	vst v8;
	v13 =	vsel vm0, $0x3F800000, v4  }
0x63b: {  	s10 =	sadd.s32 $0x200, s10;
	vm0 =	vgt.f32 v12, v5;
	v8 =	vld [tilespmem:s3+$0x6050];
	v11 =	vsel vm1, $0x3F800000, v4;
	[tilespmem:s4+$0xE060] =	vst v13;
	s4 =	smov.u32 s3  }
0x63c: {  	v12 =	vsel vm0, $0x3F800000, v4;
	vm0 =	vgt.f32 v10, v5;
	v10 =	vld [tilespmem:s4+$0x6060];
	[tilespmem:s4+$0xE070] =	vst v11  }
0x63d: {  	[tilespmem:s4+$0xE000] =	vst v12;
	v11 =	vsel vm0, $0x3F800000, v4;
	vm0 =	vgt.f32 v9, v5  }
0x63e: {  	[tilespmem:s4+$0xE010] =	vst v11;
	v9 =	vsel vm0, $0x3F800000, v4;
	vm0 =	vgt.f32 v7, v5  }
0x63f: {  	[tilespmem:s4+$0xE020] =	vst v9;
	v7 =	vsel vm0, $0x3F800000, v4;
	vm0 =	vgt.f32 v6, v5  }
0x640: {  	[tilespmem:s4+$0xE030] =	vst v7;
	v6 =	vsel vm0, $0x3F800000, v4;
	vm0 =	vgt.f32 v8, v5  }
0x641: {  	[tilespmem:s4+$0xE040] =	vst v6;
	v6 =	vsel vm0, $0x3F800000, v4;
	vm0 =	vgt.f32 v10, v5  }
0x642: {  	[tilespmem:s4+$0xE050] =	vst v6;
	v6 =	vsel vm0, $0x3F800000, v4  }
0x643: {  	[tilespmem:s4+$0xE060] =	vst v6  }
0x644: {  	s3 =	rddreg [dreg:$0x7]  }
0x645: {  	s31 =	simm.s32 $0xE000;
	s4 =	simm.s32 $0x0;
	s3 =	sadd.s32 s2, s3  }
0x646: {  	[hbm4b:s3+s7] =	stream.strided.scatter [tilespmem:s31], [sflag:$0x2], $0x1000, s8, s7, $0x38;
	[tilespmem:$0x16000] =	vst v63  }
0x647: {  	v8 =	vld [tilespmem:s4+$0x7070]  }
0x648: {  	v11 =	vld [tilespmem:s4+$0x7000]  }
0x649: {  	v10 =	vld [tilespmem:s4+$0x7010]  }
0x64a: {  	v9 =	vld [tilespmem:s4+$0x7020]  }
0x64b: {  	v7 =	vld [tilespmem:s4+$0x7030]  }
0x64c: {  	v6 =	vld [tilespmem:s4+$0x7040];
	vm1 =	vgt.f32 v8, v5  }
0x64d: {  	s6 =	simm.s32 $0x700;
	s9 =	simm.s32 $0x200;
	vm0 =	vgt.f32 v11, v5;
	v8 =	vld [tilespmem:s4+$0x7050];
	v11 =	vsel vm1, $0x3F800000, v4  }
.LBB2_71:
0x64e: {  	s3 =	sshra.s32 s9, $0x2;
	s6 =	sadd.s32 $0x8, s6;
	v12 =	vsel vm0, $0x3F800000, v4;
	vm0 =	vgt.f32 v10, v5;
	v13 =	vld [tilespmem:s4+$0x7060];
	[tilespmem:s4+$0xF070] =	vst v11  }
0x64f: {  	v11 =	vld [tilespmem:s3+$0x7070];
	p0 =	slt.u32 s6, $0x7F8;
	[tilespmem:s4+$0xF000] =	vst v12;
	v10 =	vsel vm0, $0x3F800000, v4;
	vm0 =	vgt.f32 v9, v5  }
0x650: {  	v12 =	vld [tilespmem:s3+$0x7000];
	[tilespmem:s4+$0xF010] =	vst v10;
	v9 =	vsel vm0, $0x3F800000, v4;
	vm0 =	vgt.f32 v7, v5  }
.Ltmp37:
0x651: {  	v10 =	vld [tilespmem:s3+$0x7010];
	[tilespmem:s4+$0xF020] =	vst v9;
	v7 =	vsel vm0, $0x3F800000, v4;
	vm0 =	vgt.f32 v6, v5;
	(pc) =	sbr.rel @p0 .LBB2_71-.Ltmp37, $4  }
0x652: {  	v9 =	vld [tilespmem:s3+$0x7020];
	[tilespmem:s4+$0xF030] =	vst v7;
	v6 =	vsel vm0, $0x3F800000, v4;
	vm0 =	vgt.f32 v8, v5  }
0x653: {  	v7 =	vld [tilespmem:s3+$0x7030];
	[tilespmem:s4+$0xF040] =	vst v6;
	v8 =	vsel vm0, $0x3F800000, v4;
	vm0 =	vgt.f32 v13, v5  }
0x654: {  	v6 =	vld [tilespmem:s3+$0x7040];
	vm1 =	vgt.f32 v11, v5;
	[tilespmem:s4+$0xF050] =	vst v8;
	v13 =	vsel vm0, $0x3F800000, v4  }
0x655: {  	s9 =	sadd.s32 $0x200, s9;
	vm0 =	vgt.f32 v12, v5;
	v8 =	vld [tilespmem:s3+$0x7050];
	v11 =	vsel vm1, $0x3F800000, v4;
	[tilespmem:s4+$0xF060] =	vst v13;
	s4 =	smov.u32 s3  }
0x656: {  	v12 =	vsel vm0, $0x3F800000, v4;
	vm10 =	vgt.f32 v10, v5;
	v62 =	vld [tilespmem:s4+$0x7060];
	[tilespmem:s4+$0xF070] =	vst v11  }
0x657: {  	[tilespmem:s4+$0xF000] =	vst v12;
	v63 =	vsel vm10, $0x3F800000, v4;
	vm11 =	vgt.f32 v9, v5  }
0x658: {  	[tilespmem:s4+$0xF010] =	vst v63;
	v9 =	vsel vm11, $0x3F800000, v4;
	vm12 =	vgt.f32 v7, v5  }
0x659: {  	[tilespmem:s4+$0xF020] =	vst v9;
	v7 =	vsel vm12, $0x3F800000, v4;
	vm13 =	vgt.f32 v6, v5  }
0x65a: {  	s0 =	sadd.s32 $0x1, s0;
	[tilespmem:s4+$0xF030] =	vst v7;
	v6 =	vsel vm13, $0x3F800000, v4;
	vm14 =	vgt.f32 v8, v5  }
0x65b: {  	p0 =	sne.s32 s0, $0x4;
	[tilespmem:s4+$0xF040] =	vst v6;
	v6 =	vsel vm14, $0x3F800000, v4;
	vm15 =	vgt.f32 v62, v5  }
.Ltmp38:
0x65c: {  	[tilespmem:s4+$0xF050] =	vst v6;
	v5 =	vsel vm15, $0x3F800000, v4;
	(pc) =	sbr.rel @p0 .LBB2_6-.Ltmp38, $4  }
.Ltmp39:
0x65d: {  	[tilespmem:s4+$0xF060] =	vst v5;
	(pc) =	sbr.rel @!p0 .LBB2_73-.Ltmp39, $4  }
0x65e: {  	s3 =	rddreg [dreg:$0x6]  }
0x65f: {  	s31 =	simm.s32 $0xF000;
	s3 =	sadd.s32 s2, s3  }
0x660: {  	[hbm4b:s3+s7] =	stream.strided.scatter [tilespmem:s31], [sflag:$0x2], $0x1000, s8, s7, $0x38;
	[tilespmem:$0x16000] =	vst v63  }
0x661: {  	_ = 	snop  }
.LBB2_55:
.Ltmp40:
0x662: {  	(pc) =	sbr.rel .LBB2_56-.Ltmp40, $4  }
0x663: {  	_ = 	snop  }
0x664: {  	s3 =	smov.u32 s21  }
0x665: {  	s3 =	smov.u32 @p0 s21  }
0x666: {  	s21 =	smov.u32 @p1 s3  }
.LBB2_49:
.Ltmp41:
0x667: {  	(pc) =	sbr.rel .LBB2_54-.Ltmp41, $2  }
0x668: {  	_ =	sdelay $0x2  }
0x669: {  	_ = 	snop  }
.LBB2_51:
0x66a: {  	v17 =	vld [tilespmem:$0x1FFD0]  }
.Ltmp42:
0x66b: {  	_ = 	snop;
	(pc) =	sbr.rel .LBB2_54-.Ltmp42, $2  }
0x66c: {  	_ =	sdelay $0x2  }
0x66d: {  	vm6 =	vnez.u8 v17  }
.LBB2_74:
0x66e: {  	_ =	sfence.sel $0x180000  }
0x66f: {  	[bflag:$0x0] =	sbarrier.arrive $0xFFFF  }
0x670: {  	_ =	strace $0x90000047  }
0x671: {  	s0 =	stileid.u32;
	[bflag:$0x2] =	sbarrier.arrive $0xFFFF  }
0x672: {  	p0 =	sne.s32 s0, $0x0;
	s0 =	rddreg [dreg:$0x2]  }
0x673: {  	s0 =	sadd.s32 @!p0 $0x100000, s0  }
0x674: {  	[sflag:s0] =	ssyncadd.tile.s32 @!p0 $0x1;
	_ =	shalt  }
.Lfunc_end2:
_tile_overlayer_lowered:
.L_overlay_start_2:
0x675: {  	(tag) =	ssettag $0x2  }
0x676: {  	s0 =	rddreg [dreg:$0x0];
	s2 =	stileid.u32  }
0x677: {  	s1 =	rddreg [dreg:$0x1];
	p0 =	sne.s32 s2, $0x0  }
0x678: {  	s3 =	rddreg [dreg:$0x2];
	[bflag:$0x3] =	sbarrier.arrive $0xFFFF;
	s2 =	simm.s32 @!p0 $0x1C03  }
0x679: {  	[timem:s3], [sflag:s2] =	dma.local @!p0 [hbm:s0], s1  }
0x67a: {  	s0 =	simm.s32 @!p0 $0x3  }
0x67b: {  	_ =	swait.ge @!p0 [sflag:s0], s1  }
0x67c: {  	s1 =	ssub.s32 @!p0 $0x0, s1;
	[sflag:s0] =	ssyncset.done @!p0 $0x0  }
0x67d: {  	[sflag:s0] =	ssyncadd.s32 @!p0 s1  }
0x67e: {  	[bflag:$0x3] =	sbarrier.arrive $0xFFFF  }
0x67f: {  	_ =	shalt  }

</sc_bundles>
